<compile_context>
chip_gen: v7x
topology: tpu7x:2x2x1
jax: 0.10.2.dev20260603
libtpu: 0.0.44.dev20260713+nightly
codegen_flags: <defaults>
</compile_context>

<pallas_src>
import functools

import jax
import jax.numpy as jnp
from jax import lax
from jax.experimental import pallas as pl
from jax.experimental.pallas import tpu as pltpu
from jax.experimental.pallas import tpu_sc as plsc

B, S, V, D, T = 128, 512, 30522, 768, 2
EPS = 1e-3
NW = 32
SW = S // NW
FV = D // 16


def _scale_body(g_ref, v_ref, o_ref):
    o_ref[...] = g_ref[...] * lax.rsqrt(v_ref[...] + EPS)


def _compute_scale(gamma, var):
    out = pl.pallas_call(
        _scale_body,
        out_shape=jax.ShapeDtypeStruct((6, 128), jnp.float32),
    )(gamma.reshape(6, 128), var.reshape(6, 128))
    return out.reshape(D)


_GDN = lax.GatherDimensionNumbers(
    offset_dims=(), collapsed_slice_dims=(0,), start_index_map=(0,))


def _bcast_lane(vec, i):
    idx = jnp.full((16,), i, dtype=jnp.int32)
    return lax.gather(vec, idx[:, None], _GDN, (1,),
                      mode=lax.GatherScatterMode.PROMISE_IN_BOUNDS)


FB = 12


def _sc_kernel(ids_r, tt_r, word_hbm, ttt_hbm, pos_hbm, scale_hbm, beta_hbm,
               mean_hbm, out_hbm,
               ids_v, tt_v, combo_v, ttm_v, scale_v, beta_v, mean_v,
               gbuf0, gbuf1, obuf0, obuf1, gs0, gs1, ss0, ss1):
    wid = lax.axis_index("s") * 2 + lax.axis_index("c")

    pltpu.sync_copy(ids_r.at[wid], ids_v)
    pltpu.sync_copy(tt_r.at[wid], tt_v)
    pltpu.sync_copy(pos_hbm.at[pl.ds(wid * SW, SW)], combo_v)
    pltpu.sync_copy(ttt_hbm, ttm_v)
    pltpu.sync_copy(scale_hbm, scale_v)
    pltpu.sync_copy(beta_hbm, beta_v)
    pltpu.sync_copy(mean_hbm, mean_v)

    for f in range(FV):
        fs = pl.ds(f * 16, 16)
        ttm_v[1, fs] = (ttm_v[1, fs] - ttm_v[0, fs]) * scale_v[fs]

    def build_combo(j):
        for f in range(FV):
            fs = pl.ds(f * 16, 16)
            combo_v[j, fs] = ((combo_v[j, fs] + ttm_v[0, fs] - mean_v[fs])
                              * scale_v[fs] + beta_v[fs])

    plsc.parallel_loop(0, SW)(build_combo)

    def gather(b, gb, gs):
        pltpu.async_copy(word_hbm.at[ids_v.at[b]], gb, gs)

    def gwait(gb, gs):
        pltpu.make_async_copy(word_hbm.at[ids_v.at[0]], gb, gs).wait()

    def compute(b, gb, ob):
        ttf = tt_v[b].astype(jnp.float32)
        for c in range(FV // FB):
            scs = [scale_v[pl.ds((c * FB + f) * 16, 16)] for f in range(FB)]
            dls = [ttm_v[1, pl.ds((c * FB + f) * 16, 16)] for f in range(FB)]

            def tok(t):
                ttb = _bcast_lane(ttf, t)
                for f in range(FB):
                    fs = pl.ds((c * FB + f) * 16, 16)
                    ob[t, fs] = (gb[t, fs] * scs[f] + combo_v[t, fs]
                                 + ttb * dls[f])

            plsc.parallel_loop(0, SW, unroll=2)(tok)

    def store(b, ob, ss):
        pltpu.async_copy(ob, out_hbm.at[pl.ds(b * S + wid * SW, SW)], ss)

    def swait(ob, ss):
        pltpu.make_async_copy(ob, out_hbm.at[pl.ds(wid * SW, SW)], ss).wait()

    gather(0, gbuf0, gs0)
    gather(1, gbuf1, gs1)

    def pair(i, _):
        b0 = 2 * i
        b1 = b0 + 1
        for (b, gb, ob, gs, ss) in ((b0, gbuf0, obuf0, gs0, ss0),
                                    (b1, gbuf1, obuf1, gs1, ss1)):
            gwait(gb, gs)

            @pl.when(i > 0)
            def _():
                swait(ob, ss)

            store(b, ob, ss)

            @pl.when(b + 2 < B)
            def _():
                gather(b + 2, gb, gs)
        return 0

    lax.fori_loop(0, B // 2, pair, 0, unroll=False)
    swait(obuf0, ss0)
    swait(obuf1, ss1)


def kernel(ids, token_type_ids, word_table, token_type_table, pos_table,
           gamma, beta, moving_mean, moving_var):
    scale = _compute_scale(gamma, moving_var)

    ids_r = ids.reshape(B, NW, SW).transpose(1, 0, 2).astype(jnp.int32)
    tt_r = token_type_ids.reshape(B, NW, SW).transpose(1, 0, 2).astype(jnp.int32)

    mesh = plsc.VectorSubcoreMesh(core_axis_name="c", subcore_axis_name="s")
    run = functools.partial(
        pl.kernel,
        mesh=mesh,
        out_type=jax.ShapeDtypeStruct((B * S, D), jnp.float32),
        scratch_types=[
            pltpu.VMEM((B, SW), jnp.int32),
            pltpu.VMEM((B, SW), jnp.int32),
            pltpu.VMEM((SW, D), jnp.float32),
            pltpu.VMEM((T, D), jnp.float32),
            pltpu.VMEM((D,), jnp.float32),
            pltpu.VMEM((D,), jnp.float32),
            pltpu.VMEM((D,), jnp.float32),
            pltpu.VMEM((SW, D), jnp.float32),
            pltpu.VMEM((SW, D), jnp.float32),
            pltpu.VMEM((SW, D), jnp.float32),
            pltpu.VMEM((SW, D), jnp.float32),
            pltpu.SemaphoreType.DMA,
            pltpu.SemaphoreType.DMA,
            pltpu.SemaphoreType.DMA,
            pltpu.SemaphoreType.DMA,
        ],
    )(_sc_kernel)
    out = run(ids_r, tt_r, word_table, token_type_table, pos_table,
              scale, beta, moving_mean)
    return out.reshape(B, S, D)

# --- scband reference (transcript-rebuilt; emitter-appended) ---
"""Pipeline reference for scband-bert-embedding-9912784519770 (READ-ONLY COPY).

The authoritative reference and input builder live on the scoring server;
editing this copy changes nothing except your own understanding.
"""

import jax, jax.numpy as jnp
import numpy as np


def setup_inputs(seed: int = 0) -> dict:
    key = jax.random.key(seed)
    ks = jax.random.split(key, 6)
    B, S, V, D, T, P = 128, 512, 30522, 768, 2, 512
    ids = jax.random.randint(ks[0], (B, S), 0, V, dtype=jnp.int64 if jax.config.jax_enable_x64 else jnp.int32)
    token_type_ids = jax.random.randint(ks[1], (B, S), 0, T, dtype=jnp.int64 if jax.config.jax_enable_x64 else jnp.int32)
    word_table = jax.random.normal(ks[2], (V, D), dtype=jnp.float32) * 0.02
    token_type_table = jax.random.normal(ks[3], (T, D), dtype=jnp.float32) * 0.02
    pos_table = jax.random.normal(ks[4], (P, D), dtype=jnp.float32) * 0.02
    gamma = jnp.ones((D,), dtype=jnp.float32)
    beta = jnp.zeros((D,), dtype=jnp.float32)
    moving_mean = jnp.zeros((D,), dtype=jnp.float32)
    moving_var = jnp.ones((D,), dtype=jnp.float32)
    return {
        'ids': ids,
        'token_type_ids': token_type_ids,
        'word_table': word_table,
        'token_type_table': token_type_table,
        'pos_table': pos_table,
        'gamma': gamma,
        'beta': beta,
        'moving_mean': moving_mean,
        'moving_var': moving_var,
    }


def reference(ids, token_type_ids, word_table, token_type_table, pos_table, gamma, beta, moving_mean, moving_var):
    # EmbeddingLayer: word embedding lookup
    out = jnp.take(word_table, ids, axis=0)  # [B, S, D]
    B, S, D = out.shape
    # TokenTypePostProcessor: one-hot matmul against tiny token-type table
    flat_type_ids = token_type_ids.reshape(-1)
    one_hot_ids = jax.nn.one_hot(flat_type_ids, token_type_table.shape[0], dtype=out.dtype)
    token_type_embeddings = jnp.matmul(one_hot_ids, token_type_table)
    token_type_embeddings = token_type_embeddings.reshape(-1, S, D)
    out = out + token_type_embeddings
    # PositionEmbeddingPostprocessor: slice first S rows, broadcast-add
    position_embeddings = jax.lax.dynamic_slice(pos_table, (0, 0), (S, pos_table.shape[1]))
    position_embeddings = position_embeddings.reshape(1, S, D)
    out = out + position_embeddings
    # BatchNormalization (inference mode, axis=-1, Keras default eps=1e-3)
    eps = 1e-3
    out = (out - moving_mean) * jax.lax.rsqrt(moving_var + eps) * gamma + beta
    # Dropout is identity at inference
    return out

if __name__ == "__main__":
    import jax
    _d = setup_inputs()
    print(jax.jit(kernel)(*tuple(_d.values())))

</pallas_src>

<mosaic_0001>
#map = affine_map<(d0, d1) -> (0, 0, 0)>
#map1 = affine_map<(d0, d1) -> (0, 0)>
#map2 = affine_map<(d0, d1) -> (0)>
module attributes {stable_mosaic.version = 14 : i64} {
  func.func @_sc_kernel(%arg0: i32, %arg1: i32, %arg2: memref<32x128x16xi32, #tpu.memory_space<hbm>>, %arg3: memref<32x128x16xi32, #tpu.memory_space<hbm>>, %arg4: memref<30522x768xf32, #tpu.memory_space<hbm>>, %arg5: memref<2x768xf32, #tpu.memory_space<hbm>>, %arg6: memref<512x768xf32, #tpu.memory_space<hbm>>, %arg7: memref<768xf32, #tpu.memory_space<hbm>>, %arg8: memref<768xf32, #tpu.memory_space<hbm>>, %arg9: memref<768xf32, #tpu.memory_space<hbm>>, %arg10: memref<65536x768xf32, #tpu.memory_space<hbm>>, %arg11: memref<128x16xi32, #tpu.memory_space<vmem>>, %arg12: memref<128x16xi32, #tpu.memory_space<vmem>>, %arg13: memref<16x768xf32, #tpu.memory_space<vmem>>, %arg14: memref<2x768xf32, #tpu.memory_space<vmem>>, %arg15: memref<768xf32, #tpu.memory_space<vmem>>, %arg16: memref<768xf32, #tpu.memory_space<vmem>>, %arg17: memref<768xf32, #tpu.memory_space<vmem>>, %arg18: memref<16x768xf32, #tpu.memory_space<vmem>>, %arg19: memref<16x768xf32, #tpu.memory_space<vmem>>, %arg20: memref<16x768xf32, #tpu.memory_space<vmem>>, %arg21: memref<16x768xf32, #tpu.memory_space<vmem>>, %arg22: memref<!tpu.dma_semaphore, #tpu.memory_space<semaphore_mem>>, %arg23: memref<!tpu.dma_semaphore, #tpu.memory_space<semaphore_mem>>, %arg24: memref<!tpu.dma_semaphore, #tpu.memory_space<semaphore_mem>>, %arg25: memref<!tpu.dma_semaphore, #tpu.memory_space<semaphore_mem>>) attributes {dimension_semantics = [#tpu.dimension_semantics<core_parallel>, #tpu.dimension_semantics<subcore_parallel>], iteration_bounds = array<i64: 2, 16>, scalar_prefetch = 0 : i64, scratch_operands = 15 : i64, tpu.core_type = #tpu.core_type<sc_vector_subcore>, window_params = [{transform_indices = #map}, {transform_indices = #map}, {transform_indices = #map1}, {transform_indices = #map1}, {transform_indices = #map1}, {transform_indices = #map2}, {transform_indices = #map2}, {transform_indices = #map2}, {transform_indices = #map1}]} {
    %mul3A = arith.constant 2 : i32
    %mul3A_0 = arith.muli %arg1, %mul3A : i32
    %add3A = arith.addi %mul3A_0, %arg0 : i32
    "tpu.region"() ({
      %run_scoped3A = tpu.sem_alloc : memref<!tpu.dma_semaphore, #tpu.memory_space<semaphore_mem>>
      %dma_start3A_1040 = arith.constant 0 : i32
      %dma_start3A_1041 = arith.constant 0 : i32
      %dma_start3A_1042 = tpu.memref_slice %arg2[%add3A, %dma_start3A_1040, %dma_start3A_1041] : memref<32x128x16xi32, #tpu.memory_space<hbm>> -> memref<1x128x16xi32, #tpu.memory_space<hbm>>
      %dma_start3A_1043 = tpu.memref_squeeze %dma_start3A_1042 : memref<1x128x16xi32, #tpu.memory_space<hbm>> -> memref<128x16xi32, #tpu.memory_space<hbm>>
      %dma_start3A_1044 = arith.constant 0 : i32
      %dma_start3A_1045 = arith.constant 0 : i32
      %dma_start3A_1046 = tpu.memref_slice %arg2[%add3A, %dma_start3A_1044, %dma_start3A_1045] : memref<32x128x16xi32, #tpu.memory_space<hbm>> -> memref<1x128x16xi32, #tpu.memory_space<hbm>>
      %dma_start3A_1047 = tpu.memref_squeeze %dma_start3A_1046 : memref<1x128x16xi32, #tpu.memory_space<hbm>> -> memref<128x16xi32, #tpu.memory_space<hbm>>
      tpu.enqueue_dma source(%dma_start3A_1047 : memref<128x16xi32, #tpu.memory_space<hbm>>) target(%arg11 : memref<128x16xi32, #tpu.memory_space<vmem>>) target_semaphore(%run_scoped3A : memref<!tpu.dma_semaphore, #tpu.memory_space<semaphore_mem>>)
      %dma_wait3A_1048 = arith.constant 0 : i32
      %dma_wait3A_1049 = arith.constant 0 : i32
      %dma_wait3A_1050 = tpu.memref_slice %arg2[%add3A, %dma_wait3A_1048, %dma_wait3A_1049] : memref<32x128x16xi32, #tpu.memory_space<hbm>> -> memref<1x128x16xi32, #tpu.memory_space<hbm>>
      %dma_wait3A_1051 = tpu.memref_squeeze %dma_wait3A_1050 : memref<1x128x16xi32, #tpu.memory_space<hbm>> -> memref<128x16xi32, #tpu.memory_space<hbm>>
      %dma_wait3A_1052 = arith.constant 0 : i32
      %dma_wait3A_1053 = arith.constant 0 : i32
      %dma_wait3A_1054 = tpu.memref_slice %arg2[%add3A, %dma_wait3A_1052, %dma_wait3A_1053] : memref<32x128x16xi32, #tpu.memory_space<hbm>> -> memref<1x128x16xi32, #tpu.memory_space<hbm>>
      %dma_wait3A_1055 = tpu.memref_squeeze %dma_wait3A_1054 : memref<1x128x16xi32, #tpu.memory_space<hbm>> -> memref<128x16xi32, #tpu.memory_space<hbm>>
      tpu.wait_dma2 semaphore(%run_scoped3A : memref<!tpu.dma_semaphore, #tpu.memory_space<semaphore_mem>>) src(%dma_wait3A_1055 : memref<128x16xi32, #tpu.memory_space<hbm>>) dst(%arg11 : memref<128x16xi32, #tpu.memory_space<vmem>>)
      tpu.yield
    }) : () -> ()
    "tpu.region"() ({
      %run_scoped3A = tpu.sem_alloc : memref<!tpu.dma_semaphore, #tpu.memory_space<semaphore_mem>>
      %dma_start3A_1040 = arith.constant 0 : i32
      %dma_start3A_1041 = arith.constant 0 : i32
      %dma_start3A_1042 = tpu.memref_slice %arg3[%add3A, %dma_start3A_1040, %dma_start3A_1041] : memref<32x128x16xi32, #tpu.memory_space<hbm>> -> memref<1x128x16xi32, #tpu.memory_space<hbm>>
      %dma_start3A_1043 = tpu.memref_squeeze %dma_start3A_1042 : memref<1x128x16xi32, #tpu.memory_space<hbm>> -> memref<128x16xi32, #tpu.memory_space<hbm>>
      %dma_start3A_1044 = arith.constant 0 : i32
      %dma_start3A_1045 = arith.constant 0 : i32
      %dma_start3A_1046 = tpu.memref_slice %arg3[%add3A, %dma_start3A_1044, %dma_start3A_1045] : memref<32x128x16xi32, #tpu.memory_space<hbm>> -> memref<1x128x16xi32, #tpu.memory_space<hbm>>
      %dma_start3A_1047 = tpu.memref_squeeze %dma_start3A_1046 : memref<1x128x16xi32, #tpu.memory_space<hbm>> -> memref<128x16xi32, #tpu.memory_space<hbm>>
      tpu.enqueue_dma source(%dma_start3A_1047 : memref<128x16xi32, #tpu.memory_space<hbm>>) target(%arg12 : memref<128x16xi32, #tpu.memory_space<vmem>>) target_semaphore(%run_scoped3A : memref<!tpu.dma_semaphore, #tpu.memory_space<semaphore_mem>>)
      %dma_wait3A_1048 = arith.constant 0 : i32
      %dma_wait3A_1049 = arith.constant 0 : i32
      %dma_wait3A_1050 = tpu.memref_slice %arg3[%add3A, %dma_wait3A_1048, %dma_wait3A_1049] : memref<32x128x16xi32, #tpu.memory_space<hbm>> -> memref<1x128x16xi32, #tpu.memory_space<hbm>>
      %dma_wait3A_1051 = tpu.memref_squeeze %dma_wait3A_1050 : memref<1x128x16xi32, #tpu.memory_space<hbm>> -> memref<128x16xi32, #tpu.memory_space<hbm>>
      %dma_wait3A_1052 = arith.constant 0 : i32
      %dma_wait3A_1053 = arith.constant 0 : i32
      %dma_wait3A_1054 = tpu.memref_slice %arg3[%add3A, %dma_wait3A_1052, %dma_wait3A_1053] : memref<32x128x16xi32, #tpu.memory_space<hbm>> -> memref<1x128x16xi32, #tpu.memory_space<hbm>>
      %dma_wait3A_1055 = tpu.memref_squeeze %dma_wait3A_1054 : memref<1x128x16xi32, #tpu.memory_space<hbm>> -> memref<128x16xi32, #tpu.memory_space<hbm>>
      tpu.wait_dma2 semaphore(%run_scoped3A : memref<!tpu.dma_semaphore, #tpu.memory_space<semaphore_mem>>) src(%dma_wait3A_1055 : memref<128x16xi32, #tpu.memory_space<hbm>>) dst(%arg12 : memref<128x16xi32, #tpu.memory_space<vmem>>)
      tpu.yield
    }) : () -> ()
    %mul3A_1 = arith.constant 16 : i32
    %mul3A_2 = arith.muli %add3A, %mul3A_1 : i32
    "tpu.region"() ({
      %run_scoped3A = tpu.sem_alloc : memref<!tpu.dma_semaphore, #tpu.memory_space<semaphore_mem>>
      %dma_start3A_1040 = arith.constant 0 : i32
      %dma_start3A_1041 = tpu.memref_slice %arg6[%mul3A_2, %dma_start3A_1040] : memref<512x768xf32, #tpu.memory_space<hbm>> -> memref<16x768xf32, #tpu.memory_space<hbm>>
      %dma_start3A_1042 = arith.constant 0 : i32
      %dma_start3A_1043 = tpu.memref_slice %arg6[%mul3A_2, %dma_start3A_1042] : memref<512x768xf32, #tpu.memory_space<hbm>> -> memref<16x768xf32, #tpu.memory_space<hbm>>
      tpu.enqueue_dma source(%dma_start3A_1043 : memref<16x768xf32, #tpu.memory_space<hbm>>) target(%arg13 : memref<16x768xf32, #tpu.memory_space<vmem>>) target_semaphore(%run_scoped3A : memref<!tpu.dma_semaphore, #tpu.memory_space<semaphore_mem>>)
      %dma_wait3A_1044 = arith.constant 0 : i32
      %dma_wait3A_1045 = tpu.memref_slice %arg6[%mul3A_2, %dma_wait3A_1044] : memref<512x768xf32, #tpu.memory_space<hbm>> -> memref<16x768xf32, #tpu.memory_space<hbm>>
      %dma_wait3A_1046 = arith.constant 0 : i32
      %dma_wait3A_1047 = tpu.memref_slice %arg6[%mul3A_2, %dma_wait3A_1046] : memref<512x768xf32, #tpu.memory_space<hbm>> -> memref<16x768xf32, #tpu.memory_space<hbm>>
      tpu.wait_dma2 semaphore(%run_scoped3A : memref<!tpu.dma_semaphore, #tpu.memory_space<semaphore_mem>>) src(%dma_wait3A_1047 : memref<16x768xf32, #tpu.memory_space<hbm>>) dst(%arg13 : memref<16x768xf32, #tpu.memory_space<vmem>>)
      tpu.yield
    }) : () -> ()
    "tpu.region"() ({
      %run_scoped3A = tpu.sem_alloc : memref<!tpu.dma_semaphore, #tpu.memory_space<semaphore_mem>>
      tpu.enqueue_dma source(%arg5 : memref<2x768xf32, #tpu.memory_space<hbm>>) target(%arg14 : memref<2x768xf32, #tpu.memory_space<vmem>>) target_semaphore(%run_scoped3A : memref<!tpu.dma_semaphore, #tpu.memory_space<semaphore_mem>>)
      tpu.wait_dma2 semaphore(%run_scoped3A : memref<!tpu.dma_semaphore, #tpu.memory_space<semaphore_mem>>) src(%arg5 : memref<2x768xf32, #tpu.memory_space<hbm>>) dst(%arg14 : memref<2x768xf32, #tpu.memory_space<vmem>>)
      tpu.yield
    }) : () -> ()
    "tpu.region"() ({
      %run_scoped3A = tpu.sem_alloc : memref<!tpu.dma_semaphore, #tpu.memory_space<semaphore_mem>>
      tpu.enqueue_dma source(%arg7 : memref<768xf32, #tpu.memory_space<hbm>>) target(%arg15 : memref<768xf32, #tpu.memory_space<vmem>>) target_semaphore(%run_scoped3A : memref<!tpu.dma_semaphore, #tpu.memory_space<semaphore_mem>>)
      tpu.wait_dma2 semaphore(%run_scoped3A : memref<!tpu.dma_semaphore, #tpu.memory_space<semaphore_mem>>) src(%arg7 : memref<768xf32, #tpu.memory_space<hbm>>) dst(%arg15 : memref<768xf32, #tpu.memory_space<vmem>>)
      tpu.yield
    }) : () -> ()
    "tpu.region"() ({
      %run_scoped3A = tpu.sem_alloc : memref<!tpu.dma_semaphore, #tpu.memory_space<semaphore_mem>>
      tpu.enqueue_dma source(%arg8 : memref<768xf32, #tpu.memory_space<hbm>>) target(%arg16 : memref<768xf32, #tpu.memory_space<vmem>>) target_semaphore(%run_scoped3A : memref<!tpu.dma_semaphore, #tpu.memory_space<semaphore_mem>>)
      tpu.wait_dma2 semaphore(%run_scoped3A : memref<!tpu.dma_semaphore, #tpu.memory_space<semaphore_mem>>) src(%arg8 : memref<768xf32, #tpu.memory_space<hbm>>) dst(%arg16 : memref<768xf32, #tpu.memory_space<vmem>>)
      tpu.yield
    }) : () -> ()
    "tpu.region"() ({
      %run_scoped3A = tpu.sem_alloc : memref<!tpu.dma_semaphore, #tpu.memory_space<semaphore_mem>>
      tpu.enqueue_dma source(%arg9 : memref<768xf32, #tpu.memory_space<hbm>>) target(%arg17 : memref<768xf32, #tpu.memory_space<vmem>>) target_semaphore(%run_scoped3A : memref<!tpu.dma_semaphore, #tpu.memory_space<semaphore_mem>>)
      tpu.wait_dma2 semaphore(%run_scoped3A : memref<!tpu.dma_semaphore, #tpu.memory_space<semaphore_mem>>) src(%arg9 : memref<768xf32, #tpu.memory_space<hbm>>) dst(%arg17 : memref<768xf32, #tpu.memory_space<vmem>>)
      tpu.yield
    }) : () -> ()
    %get3A = arith.constant 1 : i32
    %get3A_3 = arith.index_cast %get3A : i32 to index
    %get3A_4 = arith.constant 0 : index
    %get3A_5 = tpu.vector_load %arg14[%get3A_3, %get3A_4] {strides = array<i32>} : memref<2x768xf32, #tpu.memory_space<vmem>>, vector<1x16xf32>,
    %get3A_6 = vector.shape_cast %get3A_5 : vector<1x16xf32> to vector<16xf32>
    %get3A_7 = arith.constant 0 : i32
    %get3A_8 = arith.index_cast %get3A_7 : i32 to index
    %get3A_9 = arith.constant 0 : index
    %get3A_10 = tpu.vector_load %arg14[%get3A_8, %get3A_9] {strides = array<i32>} : memref<2x768xf32, #tpu.memory_space<vmem>>, vector<1x16xf32>,
    %get3A_11 = vector.shape_cast %get3A_10 : vector<1x16xf32> to vector<16xf32>
    %sub3A = arith.subf %get3A_6, %get3A_11 : vector<16xf32>
    %get3A_12 = arith.constant 0 : index
    %get3A_13 = tpu.vector_load %arg15[%get3A_12] {strides = array<i32>} : memref<768xf32, #tpu.memory_space<vmem>>, vector<16xf32>,
    %get3A_14 = vector.shape_cast %get3A_13 : vector<16xf32> to vector<16xf32>
    %mul3A_15 = arith.mulf %sub3A, %get3A_14 : vector<16xf32>
    %swap3A = arith.constant 1 : i32
    %swap3A_16 = arith.index_cast %swap3A : i32 to index
    %swap3A_17 = arith.constant 0 : index
    %swap3A_18 = tpu.vector_load %arg14[%swap3A_16, %swap3A_17] {strides = array<i32>} : memref<2x768xf32, #tpu.memory_space<vmem>>, vector<1x16xf32>,
    %swap3A_19 = vector.shape_cast %swap3A_18 : vector<1x16xf32> to vector<16xf32>
    %swap3A_20 = vector.shape_cast %mul3A_15 : vector<16xf32> to vector<1x16xf32>
    tpu.vector_store %arg14[%swap3A_16, %swap3A_17], %swap3A_20 {strides = array<i32>} : memref<2x768xf32, #tpu.memory_space<vmem>>, vector<1x16xf32>,
    %get3A_21 = arith.constant 1 : i32
    %get3A_22 = arith.index_cast %get3A_21 : i32 to index
    %get3A_23 = arith.constant 16 : index
    %get3A_24 = tpu.vector_load %arg14[%get3A_22, %get3A_23] {strides = array<i32>} : memref<2x768xf32, #tpu.memory_space<vmem>>, vector<1x16xf32>,
    %get3A_25 = vector.shape_cast %get3A_24 : vector<1x16xf32> to vector<16xf32>
    %get3A_26 = arith.constant 0 : i32
    %get3A_27 = arith.index_cast %get3A_26 : i32 to index
    %get3A_28 = arith.constant 16 : index
    %get3A_29 = tpu.vector_load %arg14[%get3A_27, %get3A_28] {strides = array<i32>} : memref<2x768xf32, #tpu.memory_space<vmem>>, vector<1x16xf32>,
    %get3A_30 = vector.shape_cast %get3A_29 : vector<1x16xf32> to vector<16xf32>
    %sub3A_31 = arith.subf %get3A_25, %get3A_30 : vector<16xf32>
    %get3A_32 = arith.constant 16 : index
    %get3A_33 = tpu.vector_load %arg15[%get3A_32] {strides = array<i32>} : memref<768xf32, #tpu.memory_space<vmem>>, vector<16xf32>,
    %get3A_34 = vector.shape_cast %get3A_33 : vector<16xf32> to vector<16xf32>
    %mul3A_35 = arith.mulf %sub3A_31, %get3A_34 : vector<16xf32>
    %swap3A_36 = arith.constant 1 : i32
    %swap3A_37 = arith.index_cast %swap3A_36 : i32 to index
    %swap3A_38 = arith.constant 16 : index
    %swap3A_39 = tpu.vector_load %arg14[%swap3A_37, %swap3A_38] {strides = array<i32>} : memref<2x768xf32, #tpu.memory_space<vmem>>, vector<1x16xf32>,
    %swap3A_40 = vector.shape_cast %swap3A_39 : vector<1x16xf32> to vector<16xf32>
    %swap3A_41 = vector.shape_cast %mul3A_35 : vector<16xf32> to vector<1x16xf32>
    tpu.vector_store %arg14[%swap3A_37, %swap3A_38], %swap3A_41 {strides = array<i32>} : memref<2x768xf32, #tpu.memory_space<vmem>>, vector<1x16xf32>,
    %get3A_42 = arith.constant 1 : i32
    %get3A_43 = arith.index_cast %get3A_42 : i32 to index
    %get3A_44 = arith.constant 32 : index
    %get3A_45 = tpu.vector_load %arg14[%get3A_43, %get3A_44] {strides = array<i32>} : memref<2x768xf32, #tpu.memory_space<vmem>>, vector<1x16xf32>,
    %get3A_46 = vector.shape_cast %get3A_45 : vector<1x16xf32> to vector<16xf32>
    %get3A_47 = arith.constant 0 : i32
    %get3A_48 = arith.index_cast %get3A_47 : i32 to index
    %get3A_49 = arith.constant 32 : index
    %get3A_50 = tpu.vector_load %arg14[%get3A_48, %get3A_49] {strides = array<i32>} : memref<2x768xf32, #tpu.memory_space<vmem>>, vector<1x16xf32>,
    %get3A_51 = vector.shape_cast %get3A_50 : vector<1x16xf32> to vector<16xf32>
    %sub3A_52 = arith.subf %get3A_46, %get3A_51 : vector<16xf32>
    %get3A_53 = arith.constant 32 : index
    %get3A_54 = tpu.vector_load %arg15[%get3A_53] {strides = array<i32>} : memref<768xf32, #tpu.memory_space<vmem>>, vector<16xf32>,
    %get3A_55 = vector.shape_cast %get3A_54 : vector<16xf32> to vector<16xf32>
    %mul3A_56 = arith.mulf %sub3A_52, %get3A_55 : vector<16xf32>
    %swap3A_57 = arith.constant 1 : i32
    %swap3A_58 = arith.index_cast %swap3A_57 : i32 to index
    %swap3A_59 = arith.constant 32 : index
    %swap3A_60 = tpu.vector_load %arg14[%swap3A_58, %swap3A_59] {strides = array<i32>} : memref<2x768xf32, #tpu.memory_space<vmem>>, vector<1x16xf32>,
    %swap3A_61 = vector.shape_cast %swap3A_60 : vector<1x16xf32> to vector<16xf32>
    %swap3A_62 = vector.shape_cast %mul3A_56 : vector<16xf32> to vector<1x16xf32>
    tpu.vector_store %arg14[%swap3A_58, %swap3A_59], %swap3A_62 {strides = array<i32>} : memref<2x768xf32, #tpu.memory_space<vmem>>, vector<1x16xf32>,
    %get3A_63 = arith.constant 1 : i32
    %get3A_64 = arith.index_cast %get3A_63 : i32 to index
    %get3A_65 = arith.constant 48 : index
    %get3A_66 = tpu.vector_load %arg14[%get3A_64, %get3A_65] {strides = array<i32>} : memref<2x768xf32, #tpu.memory_space<vmem>>, vector<1x16xf32>,
    %get3A_67 = vector.shape_cast %get3A_66 : vector<1x16xf32> to vector<16xf32>
    %get3A_68 = arith.constant 0 : i32
    %get3A_69 = arith.index_cast %get3A_68 : i32 to index
    %get3A_70 = arith.constant 48 : index
    %get3A_71 = tpu.vector_load %arg14[%get3A_69, %get3A_70] {strides = array<i32>} : memref<2x768xf32, #tpu.memory_space<vmem>>, vector<1x16xf32>,
    %get3A_72 = vector.shape_cast %get3A_71 : vector<1x16xf32> to vector<16xf32>
    %sub3A_73 = arith.subf %get3A_67, %get3A_72 : vector<16xf32>
    %get3A_74 = arith.constant 48 : index
    %get3A_75 = tpu.vector_load %arg15[%get3A_74] {strides = array<i32>} : memref<768xf32, #tpu.memory_space<vmem>>, vector<16xf32>,
    %get3A_76 = vector.shape_cast %get3A_75 : vector<16xf32> to vector<16xf32>
    %mul3A_77 = arith.mulf %sub3A_73, %get3A_76 : vector<16xf32>
    %swap3A_78 = arith.constant 1 : i32
    %swap3A_79 = arith.index_cast %swap3A_78 : i32 to index
    %swap3A_80 = arith.constant 48 : index
    %swap3A_81 = tpu.vector_load %arg14[%swap3A_79, %swap3A_80] {strides = array<i32>} : memref<2x768xf32, #tpu.memory_space<vmem>>, vector<1x16xf32>,
    %swap3A_82 = vector.shape_cast %swap3A_81 : vector<1x16xf32> to vector<16xf32>
    %swap3A_83 = vector.shape_cast %mul3A_77 : vector<16xf32> to vector<1x16xf32>
    tpu.vector_store %arg14[%swap3A_79, %swap3A_80], %swap3A_83 {strides = array<i32>} : memref<2x768xf32, #tpu.memory_space<vmem>>, vector<1x16xf32>,
    %get3A_84 = arith.constant 1 : i32
    %get3A_85 = arith.index_cast %get3A_84 : i32 to index
    %get3A_86 = arith.constant 64 : index
    %get3A_87 = tpu.vector_load %arg14[%get3A_85, %get3A_86] {strides = array<i32>} : memref<2x768xf32, #tpu.memory_space<vmem>>, vector<1x16xf32>,
    %get3A_88 = vector.shape_cast %get3A_87 : vector<1x16xf32> to vector<16xf32>
    %get3A_89 = arith.constant 0 : i32
    %get3A_90 = arith.index_cast %get3A_89 : i32 to index
    %get3A_91 = arith.constant 64 : index
    %get3A_92 = tpu.vector_load %arg14[%get3A_90, %get3A_91] {strides = array<i32>} : memref<2x768xf32, #tpu.memory_space<vmem>>, vector<1x16xf32>,
    %get3A_93 = vector.shape_cast %get3A_92 : vector<1x16xf32> to vector<16xf32>
    %sub3A_94 = arith.subf %get3A_88, %get3A_93 : vector<16xf32>
    %get3A_95 = arith.constant 64 : index
    %get3A_96 = tpu.vector_load %arg15[%get3A_95] {strides = array<i32>} : memref<768xf32, #tpu.memory_space<vmem>>, vector<16xf32>,
    %get3A_97 = vector.shape_cast %get3A_96 : vector<16xf32> to vector<16xf32>
    %mul3A_98 = arith.mulf %sub3A_94, %get3A_97 : vector<16xf32>
    %swap3A_99 = arith.constant 1 : i32
    %swap3A_100 = arith.index_cast %swap3A_99 : i32 to index
    %swap3A_101 = arith.constant 64 : index
    %swap3A_102 = tpu.vector_load %arg14[%swap3A_100, %swap3A_101] {strides = array<i32>} : memref<2x768xf32, #tpu.memory_space<vmem>>, vector<1x16xf32>,
    %swap3A_103 = vector.shape_cast %swap3A_102 : vector<1x16xf32> to vector<16xf32>
    %swap3A_104 = vector.shape_cast %mul3A_98 : vector<16xf32> to vector<1x16xf32>
    tpu.vector_store %arg14[%swap3A_100, %swap3A_101], %swap3A_104 {strides = array<i32>} : memref<2x768xf32, #tpu.memory_space<vmem>>, vector<1x16xf32>,
    %get3A_105 = arith.constant 1 : i32
    %get3A_106 = arith.index_cast %get3A_105 : i32 to index
    %get3A_107 = arith.constant 80 : index
    %get3A_108 = tpu.vector_load %arg14[%get3A_106, %get3A_107] {strides = array<i32>} : memref<2x768xf32, #tpu.memory_space<vmem>>, vector<1x16xf32>,
    %get3A_109 = vector.shape_cast %get3A_108 : vector<1x16xf32> to vector<16xf32>
    %get3A_110 = arith.constant 0 : i32
    %get3A_111 = arith.index_cast %get3A_110 : i32 to index
    %get3A_112 = arith.constant 80 : index
    %get3A_113 = tpu.vector_load %arg14[%get3A_111, %get3A_112] {strides = array<i32>} : memref<2x768xf32, #tpu.memory_space<vmem>>, vector<1x16xf32>,
    %get3A_114 = vector.shape_cast %get3A_113 : vector<1x16xf32> to vector<16xf32>
    %sub3A_115 = arith.subf %get3A_109, %get3A_114 : vector<16xf32>
    %get3A_116 = arith.constant 80 : index
    %get3A_117 = tpu.vector_load %arg15[%get3A_116] {strides = array<i32>} : memref<768xf32, #tpu.memory_space<vmem>>, vector<16xf32>,
    %get3A_118 = vector.shape_cast %get3A_117 : vector<16xf32> to vector<16xf32>
    %mul3A_119 = arith.mulf %sub3A_115, %get3A_118 : vector<16xf32>
    %swap3A_120 = arith.constant 1 : i32
    %swap3A_121 = arith.index_cast %swap3A_120 : i32 to index
    %swap3A_122 = arith.constant 80 : index
    %swap3A_123 = tpu.vector_load %arg14[%swap3A_121, %swap3A_122] {strides = array<i32>} : memref<2x768xf32, #tpu.memory_space<vmem>>, vector<1x16xf32>,
    %swap3A_124 = vector.shape_cast %swap3A_123 : vector<1x16xf32> to vector<16xf32>
    %swap3A_125 = vector.shape_cast %mul3A_119 : vector<16xf32> to vector<1x16xf32>
    tpu.vector_store %arg14[%swap3A_121, %swap3A_122], %swap3A_125 {strides = array<i32>} : memref<2x768xf32, #tpu.memory_space<vmem>>, vector<1x16xf32>,
    %get3A_126 = arith.constant 1 : i32
    %get3A_127 = arith.index_cast %get3A_126 : i32 to index
    %get3A_128 = arith.constant 96 : index
    %get3A_129 = tpu.vector_load %arg14[%get3A_127, %get3A_128] {strides = array<i32>} : memref<2x768xf32, #tpu.memory_space<vmem>>, vector<1x16xf32>,
    %get3A_130 = vector.shape_cast %get3A_129 : vector<1x16xf32> to vector<16xf32>
    %get3A_131 = arith.constant 0 : i32
    %get3A_132 = arith.index_cast %get3A_131 : i32 to index
    %get3A_133 = arith.constant 96 : index
    %get3A_134 = tpu.vector_load %arg14[%get3A_132, %get3A_133] {strides = array<i32>} : memref<2x768xf32, #tpu.memory_space<vmem>>, vector<1x16xf32>,
    %get3A_135 = vector.shape_cast %get3A_134 : vector<1x16xf32> to vector<16xf32>
    %sub3A_136 = arith.subf %get3A_130, %get3A_135 : vector<16xf32>
    %get3A_137 = arith.constant 96 : index
    %get3A_138 = tpu.vector_load %arg15[%get3A_137] {strides = array<i32>} : memref<768xf32, #tpu.memory_space<vmem>>, vector<16xf32>,
    %get3A_139 = vector.shape_cast %get3A_138 : vector<16xf32> to vector<16xf32>
    %mul3A_140 = arith.mulf %sub3A_136, %get3A_139 : vector<16xf32>
    %swap3A_141 = arith.constant 1 : i32
    %swap3A_142 = arith.index_cast %swap3A_141 : i32 to index
    %swap3A_143 = arith.constant 96 : index
    %swap3A_144 = tpu.vector_load %arg14[%swap3A_142, %swap3A_143] {strides = array<i32>} : memref<2x768xf32, #tpu.memory_space<vmem>>, vector<1x16xf32>,
    %swap3A_145 = vector.shape_cast %swap3A_144 : vector<1x16xf32> to vector<16xf32>
    %swap3A_146 = vector.shape_cast %mul3A_140 : vector<16xf32> to vector<1x16xf32>
    tpu.vector_store %arg14[%swap3A_142, %swap3A_143], %swap3A_146 {strides = array<i32>} : memref<2x768xf32, #tpu.memory_space<vmem>>, vector<1x16xf32>,
    %get3A_147 = arith.constant 1 : i32
    %get3A_148 = arith.index_cast %get3A_147 : i32 to index
    %get3A_149 = arith.constant 112 : index
    %get3A_150 = tpu.vector_load %arg14[%get3A_148, %get3A_149] {strides = array<i32>} : memref<2x768xf32, #tpu.memory_space<vmem>>, vector<1x16xf32>,
    %get3A_151 = vector.shape_cast %get3A_150 : vector<1x16xf32> to vector<16xf32>
    %get3A_152 = arith.constant 0 : i32
    %get3A_153 = arith.index_cast %get3A_152 : i32 to index
    %get3A_154 = arith.constant 112 : index
    %get3A_155 = tpu.vector_load %arg14[%get3A_153, %get3A_154] {strides = array<i32>} : memref<2x768xf32, #tpu.memory_space<vmem>>, vector<1x16xf32>,
    %get3A_156 = vector.shape_cast %get3A_155 : vector<1x16xf32> to vector<16xf32>
    %sub3A_157 = arith.subf %get3A_151, %get3A_156 : vector<16xf32>
    %get3A_158 = arith.constant 112 : index
    %get3A_159 = tpu.vector_load %arg15[%get3A_158] {strides = array<i32>} : memref<768xf32, #tpu.memory_space<vmem>>, vector<16xf32>,
    %get3A_160 = vector.shape_cast %get3A_159 : vector<16xf32> to vector<16xf32>
    %mul3A_161 = arith.mulf %sub3A_157, %get3A_160 : vector<16xf32>
    %swap3A_162 = arith.constant 1 : i32
    %swap3A_163 = arith.index_cast %swap3A_162 : i32 to index
    %swap3A_164 = arith.constant 112 : index
    %swap3A_165 = tpu.vector_load %arg14[%swap3A_163, %swap3A_164] {strides = array<i32>} : memref<2x768xf32, #tpu.memory_space<vmem>>, vector<1x16xf32>,
    %swap3A_166 = vector.shape_cast %swap3A_165 : vector<1x16xf32> to vector<16xf32>
    %swap3A_167 = vector.shape_cast %mul3A_161 : vector<16xf32> to vector<1x16xf32>
    tpu.vector_store %arg14[%swap3A_163, %swap3A_164], %swap3A_167 {strides = array<i32>} : memref<2x768xf32, #tpu.memory_space<vmem>>, vector<1x16xf32>,
    %get3A_168 = arith.constant 1 : i32
    %get3A_169 = arith.index_cast %get3A_168 : i32 to index
    %get3A_170 = arith.constant 128 : index
    %get3A_171 = tpu.vector_load %arg14[%get3A_169, %get3A_170] {strides = array<i32>} : memref<2x768xf32, #tpu.memory_space<vmem>>, vector<1x16xf32>,
    %get3A_172 = vector.shape_cast %get3A_171 : vector<1x16xf32> to vector<16xf32>
    %get3A_173 = arith.constant 0 : i32
    %get3A_174 = arith.index_cast %get3A_173 : i32 to index
    %get3A_175 = arith.constant 128 : index
    %get3A_176 = tpu.vector_load %arg14[%get3A_174, %get3A_175] {strides = array<i32>} : memref<2x768xf32, #tpu.memory_space<vmem>>, vector<1x16xf32>,
    %get3A_177 = vector.shape_cast %get3A_176 : vector<1x16xf32> to vector<16xf32>
    %sub3A_178 = arith.subf %get3A_172, %get3A_177 : vector<16xf32>
    %get3A_179 = arith.constant 128 : index
    %get3A_180 = tpu.vector_load %arg15[%get3A_179] {strides = array<i32>} : memref<768xf32, #tpu.memory_space<vmem>>, vector<16xf32>,
    %get3A_181 = vector.shape_cast %get3A_180 : vector<16xf32> to vector<16xf32>
    %mul3A_182 = arith.mulf %sub3A_178, %get3A_181 : vector<16xf32>
    %swap3A_183 = arith.constant 1 : i32
    %swap3A_184 = arith.index_cast %swap3A_183 : i32 to index
    %swap3A_185 = arith.constant 128 : index
    %swap3A_186 = tpu.vector_load %arg14[%swap3A_184, %swap3A_185] {strides = array<i32>} : memref<2x768xf32, #tpu.memory_space<vmem>>, vector<1x16xf32>,
    %swap3A_187 = vector.shape_cast %swap3A_186 : vector<1x16xf32> to vector<16xf32>
    %swap3A_188 = vector.shape_cast %mul3A_182 : vector<16xf32> to vector<1x16xf32>
    tpu.vector_store %arg14[%swap3A_184, %swap3A_185], %swap3A_188 {strides = array<i32>} : memref<2x768xf32, #tpu.memory_space<vmem>>, vector<1x16xf32>,
    %get3A_189 = arith.constant 1 : i32
    %get3A_190 = arith.index_cast %get3A_189 : i32 to index
    %get3A_191 = arith.constant 144 : index
    %get3A_192 = tpu.vector_load %arg14[%get3A_190, %get3A_191] {strides = array<i32>} : memref<2x768xf32, #tpu.memory_space<vmem>>, vector<1x16xf32>,
    %get3A_193 = vector.shape_cast %get3A_192 : vector<1x16xf32> to vector<16xf32>
    %get3A_194 = arith.constant 0 : i32
    %get3A_195 = arith.index_cast %get3A_194 : i32 to index
    %get3A_196 = arith.constant 144 : index
    %get3A_197 = tpu.vector_load %arg14[%get3A_195, %get3A_196] {strides = array<i32>} : memref<2x768xf32, #tpu.memory_space<vmem>>, vector<1x16xf32>,
    %get3A_198 = vector.shape_cast %get3A_197 : vector<1x16xf32> to vector<16xf32>
    %sub3A_199 = arith.subf %get3A_193, %get3A_198 : vector<16xf32>
    %get3A_200 = arith.constant 144 : index
    %get3A_201 = tpu.vector_load %arg15[%get3A_200] {strides = array<i32>} : memref<768xf32, #tpu.memory_space<vmem>>, vector<16xf32>,
    %get3A_202 = vector.shape_cast %get3A_201 : vector<16xf32> to vector<16xf32>
    %mul3A_203 = arith.mulf %sub3A_199, %get3A_202 : vector<16xf32>
    %swap3A_204 = arith.constant 1 : i32
    %swap3A_205 = arith.index_cast %swap3A_204 : i32 to index
    %swap3A_206 = arith.constant 144 : index
    %swap3A_207 = tpu.vector_load %arg14[%swap3A_205, %swap3A_206] {strides = array<i32>} : memref<2x768xf32, #tpu.memory_space<vmem>>, vector<1x16xf32>,
    %swap3A_208 = vector.shape_cast %swap3A_207 : vector<1x16xf32> to vector<16xf32>
    %swap3A_209 = vector.shape_cast %mul3A_203 : vector<16xf32> to vector<1x16xf32>
    tpu.vector_store %arg14[%swap3A_205, %swap3A_206], %swap3A_209 {strides = array<i32>} : memref<2x768xf32, #tpu.memory_space<vmem>>, vector<1x16xf32>,
    %get3A_210 = arith.constant 1 : i32
    %get3A_211 = arith.index_cast %get3A_210 : i32 to index
    %get3A_212 = arith.constant 160 : index
    %get3A_213 = tpu.vector_load %arg14[%get3A_211, %get3A_212] {strides = array<i32>} : memref<2x768xf32, #tpu.memory_space<vmem>>, vector<1x16xf32>,
    %get3A_214 = vector.shape_cast %get3A_213 : vector<1x16xf32> to vector<16xf32>
    %get3A_215 = arith.constant 0 : i32
    %get3A_216 = arith.index_cast %get3A_215 : i32 to index
    %get3A_217 = arith.constant 160 : index
    %get3A_218 = tpu.vector_load %arg14[%get3A_216, %get3A_217] {strides = array<i32>} : memref<2x768xf32, #tpu.memory_space<vmem>>, vector<1x16xf32>,
    %get3A_219 = vector.shape_cast %get3A_218 : vector<1x16xf32> to vector<16xf32>
    %sub3A_220 = arith.subf %get3A_214, %get3A_219 : vector<16xf32>
    %get3A_221 = arith.constant 160 : index
    %get3A_222 = tpu.vector_load %arg15[%get3A_221] {strides = array<i32>} : memref<768xf32, #tpu.memory_space<vmem>>, vector<16xf32>,
    %get3A_223 = vector.shape_cast %get3A_222 : vector<16xf32> to vector<16xf32>
    %mul3A_224 = arith.mulf %sub3A_220, %get3A_223 : vector<16xf32>
    %swap3A_225 = arith.constant 1 : i32
    %swap3A_226 = arith.index_cast %swap3A_225 : i32 to index
    %swap3A_227 = arith.constant 160 : index
    %swap3A_228 = tpu.vector_load %arg14[%swap3A_226, %swap3A_227] {strides = array<i32>} : memref<2x768xf32, #tpu.memory_space<vmem>>, vector<1x16xf32>,
    %swap3A_229 = vector.shape_cast %swap3A_228 : vector<1x16xf32> to vector<16xf32>
    %swap3A_230 = vector.shape_cast %mul3A_224 : vector<16xf32> to vector<1x16xf32>
    tpu.vector_store %arg14[%swap3A_226, %swap3A_227], %swap3A_230 {strides = array<i32>} : memref<2x768xf32, #tpu.memory_space<vmem>>, vector<1x16xf32>,
    %get3A_231 = arith.constant 1 : i32
    %get3A_232 = arith.index_cast %get3A_231 : i32 to index
    %get3A_233 = arith.constant 176 : index
    %get3A_234 = tpu.vector_load %arg14[%get3A_232, %get3A_233] {strides = array<i32>} : memref<2x768xf32, #tpu.memory_space<vmem>>, vector<1x16xf32>,
    %get3A_235 = vector.shape_cast %get3A_234 : vector<1x16xf32> to vector<16xf32>
    %get3A_236 = arith.constant 0 : i32
    %get3A_237 = arith.index_cast %get3A_236 : i32 to index
    %get3A_238 = arith.constant 176 : index
    %get3A_239 = tpu.vector_load %arg14[%get3A_237, %get3A_238] {strides = array<i32>} : memref<2x768xf32, #tpu.memory_space<vmem>>, vector<1x16xf32>,
    %get3A_240 = vector.shape_cast %get3A_239 : vector<1x16xf32> to vector<16xf32>
    %sub3A_241 = arith.subf %get3A_235, %get3A_240 : vector<16xf32>
    %get3A_242 = arith.constant 176 : index
    %get3A_243 = tpu.vector_load %arg15[%get3A_242] {strides = array<i32>} : memref<768xf32, #tpu.memory_space<vmem>>, vector<16xf32>,
    %get3A_244 = vector.shape_cast %get3A_243 : vector<16xf32> to vector<16xf32>
    %mul3A_245 = arith.mulf %sub3A_241, %get3A_244 : vector<16xf32>
    %swap3A_246 = arith.constant 1 : i32
    %swap3A_247 = arith.index_cast %swap3A_246 : i32 to index
    %swap3A_248 = arith.constant 176 : index
    %swap3A_249 = tpu.vector_load %arg14[%swap3A_247, %swap3A_248] {strides = array<i32>} : memref<2x768xf32, #tpu.memory_space<vmem>>, vector<1x16xf32>,
    %swap3A_250 = vector.shape_cast %swap3A_249 : vector<1x16xf32> to vector<16xf32>
    %swap3A_251 = vector.shape_cast %mul3A_245 : vector<16xf32> to vector<1x16xf32>
    tpu.vector_store %arg14[%swap3A_247, %swap3A_248], %swap3A_251 {strides = array<i32>} : memref<2x768xf32, #tpu.memory_space<vmem>>, vector<1x16xf32>,
    %get3A_252 = arith.constant 1 : i32
    %get3A_253 = arith.index_cast %get3A_252 : i32 to index
    %get3A_254 = arith.constant 192 : index
    %get3A_255 = tpu.vector_load %arg14[%get3A_253, %get3A_254] {strides = array<i32>} : memref<2x768xf32, #tpu.memory_space<vmem>>, vector<1x16xf32>,
    %get3A_256 = vector.shape_cast %get3A_255 : vector<1x16xf32> to vector<16xf32>
    %get3A_257 = arith.constant 0 : i32
    %get3A_258 = arith.index_cast %get3A_257 : i32 to index
    %get3A_259 = arith.constant 192 : index
    %get3A_260 = tpu.vector_load %arg14[%get3A_258, %get3A_259] {strides = array<i32>} : memref<2x768xf32, #tpu.memory_space<vmem>>, vector<1x16xf32>,
    %get3A_261 = vector.shape_cast %get3A_260 : vector<1x16xf32> to vector<16xf32>
    %sub3A_262 = arith.subf %get3A_256, %get3A_261 : vector<16xf32>
    %get3A_263 = arith.constant 192 : index
    %get3A_264 = tpu.vector_load %arg15[%get3A_263] {strides = array<i32>} : memref<768xf32, #tpu.memory_space<vmem>>, vector<16xf32>,
    %get3A_265 = vector.shape_cast %get3A_264 : vector<16xf32> to vector<16xf32>
    %mul3A_266 = arith.mulf %sub3A_262, %get3A_265 : vector<16xf32>
    %swap3A_267 = arith.constant 1 : i32
    %swap3A_268 = arith.index_cast %swap3A_267 : i32 to index
    %swap3A_269 = arith.constant 192 : index
    %swap3A_270 = tpu.vector_load %arg14[%swap3A_268, %swap3A_269] {strides = array<i32>} : memref<2x768xf32, #tpu.memory_space<vmem>>, vector<1x16xf32>,
    %swap3A_271 = vector.shape_cast %swap3A_270 : vector<1x16xf32> to vector<16xf32>
    %swap3A_272 = vector.shape_cast %mul3A_266 : vector<16xf32> to vector<1x16xf32>
    tpu.vector_store %arg14[%swap3A_268, %swap3A_269], %swap3A_272 {strides = array<i32>} : memref<2x768xf32, #tpu.memory_space<vmem>>, vector<1x16xf32>,
    %get3A_273 = arith.constant 1 : i32
    %get3A_274 = arith.index_cast %get3A_273 : i32 to index
    %get3A_275 = arith.constant 208 : index
    %get3A_276 = tpu.vector_load %arg14[%get3A_274, %get3A_275] {strides = array<i32>} : memref<2x768xf32, #tpu.memory_space<vmem>>, vector<1x16xf32>,
    %get3A_277 = vector.shape_cast %get3A_276 : vector<1x16xf32> to vector<16xf32>
    %get3A_278 = arith.constant 0 : i32
    %get3A_279 = arith.index_cast %get3A_278 : i32 to index
    %get3A_280 = arith.constant 208 : index
    %get3A_281 = tpu.vector_load %arg14[%get3A_279, %get3A_280] {strides = array<i32>} : memref<2x768xf32, #tpu.memory_space<vmem>>, vector<1x16xf32>,
    %get3A_282 = vector.shape_cast %get3A_281 : vector<1x16xf32> to vector<16xf32>
    %sub3A_283 = arith.subf %get3A_277, %get3A_282 : vector<16xf32>
    %get3A_284 = arith.constant 208 : index
    %get3A_285 = tpu.vector_load %arg15[%get3A_284] {strides = array<i32>} : memref<768xf32, #tpu.memory_space<vmem>>, vector<16xf32>,
    %get3A_286 = vector.shape_cast %get3A_285 : vector<16xf32> to vector<16xf32>
    %mul3A_287 = arith.mulf %sub3A_283, %get3A_286 : vector<16xf32>
    %swap3A_288 = arith.constant 1 : i32
    %swap3A_289 = arith.index_cast %swap3A_288 : i32 to index
    %swap3A_290 = arith.constant 208 : index
    %swap3A_291 = tpu.vector_load %arg14[%swap3A_289, %swap3A_290] {strides = array<i32>} : memref<2x768xf32, #tpu.memory_space<vmem>>, vector<1x16xf32>,
    %swap3A_292 = vector.shape_cast %swap3A_291 : vector<1x16xf32> to vector<16xf32>
    %swap3A_293 = vector.shape_cast %mul3A_287 : vector<16xf32> to vector<1x16xf32>
    tpu.vector_store %arg14[%swap3A_289, %swap3A_290], %swap3A_293 {strides = array<i32>} : memref<2x768xf32, #tpu.memory_space<vmem>>, vector<1x16xf32>,
    %get3A_294 = arith.constant 1 : i32
    %get3A_295 = arith.index_cast %get3A_294 : i32 to index
    %get3A_296 = arith.constant 224 : index
    %get3A_297 = tpu.vector_load %arg14[%get3A_295, %get3A_296] {strides = array<i32>} : memref<2x768xf32, #tpu.memory_space<vmem>>, vector<1x16xf32>,
    %get3A_298 = vector.shape_cast %get3A_297 : vector<1x16xf32> to vector<16xf32>
    %get3A_299 = arith.constant 0 : i32
    %get3A_300 = arith.index_cast %get3A_299 : i32 to index
    %get3A_301 = arith.constant 224 : index
    %get3A_302 = tpu.vector_load %arg14[%get3A_300, %get3A_301] {strides = array<i32>} : memref<2x768xf32, #tpu.memory_space<vmem>>, vector<1x16xf32>,
    %get3A_303 = vector.shape_cast %get3A_302 : vector<1x16xf32> to vector<16xf32>
    %sub3A_304 = arith.subf %get3A_298, %get3A_303 : vector<16xf32>
    %get3A_305 = arith.constant 224 : index
    %get3A_306 = tpu.vector_load %arg15[%get3A_305] {strides = array<i32>} : memref<768xf32, #tpu.memory_space<vmem>>, vector<16xf32>,
    %get3A_307 = vector.shape_cast %get3A_306 : vector<16xf32> to vector<16xf32>
    %mul3A_308 = arith.mulf %sub3A_304, %get3A_307 : vector<16xf32>
    %swap3A_309 = arith.constant 1 : i32
    %swap3A_310 = arith.index_cast %swap3A_309 : i32 to index
    %swap3A_311 = arith.constant 224 : index
    %swap3A_312 = tpu.vector_load %arg14[%swap3A_310, %swap3A_311] {strides = array<i32>} : memref<2x768xf32, #tpu.memory_space<vmem>>, vector<1x16xf32>,
    %swap3A_313 = vector.shape_cast %swap3A_312 : vector<1x16xf32> to vector<16xf32>
    %swap3A_314 = vector.shape_cast %mul3A_308 : vector<16xf32> to vector<1x16xf32>
    tpu.vector_store %arg14[%swap3A_310, %swap3A_311], %swap3A_314 {strides = array<i32>} : memref<2x768xf32, #tpu.memory_space<vmem>>, vector<1x16xf32>,
    %get3A_315 = arith.constant 1 : i32
    %get3A_316 = arith.index_cast %get3A_315 : i32 to index
    %get3A_317 = arith.constant 240 : index
    %get3A_318 = tpu.vector_load %arg14[%get3A_316, %get3A_317] {strides = array<i32>} : memref<2x768xf32, #tpu.memory_space<vmem>>, vector<1x16xf32>,
    %get3A_319 = vector.shape_cast %get3A_318 : vector<1x16xf32> to vector<16xf32>
    %get3A_320 = arith.constant 0 : i32
    %get3A_321 = arith.index_cast %get3A_320 : i32 to index
    %get3A_322 = arith.constant 240 : index
    %get3A_323 = tpu.vector_load %arg14[%get3A_321, %get3A_322] {strides = array<i32>} : memref<2x768xf32, #tpu.memory_space<vmem>>, vector<1x16xf32>,
    %get3A_324 = vector.shape_cast %get3A_323 : vector<1x16xf32> to vector<16xf32>
    %sub3A_325 = arith.subf %get3A_319, %get3A_324 : vector<16xf32>
    %get3A_326 = arith.constant 240 : index
    %get3A_327 = tpu.vector_load %arg15[%get3A_326] {strides = array<i32>} : memref<768xf32, #tpu.memory_space<vmem>>, vector<16xf32>,
    %get3A_328 = vector.shape_cast %get3A_327 : vector<16xf32> to vector<16xf32>
    %mul3A_329 = arith.mulf %sub3A_325, %get3A_328 : vector<16xf32>
    %swap3A_330 = arith.constant 1 : i32
    %swap3A_331 = arith.index_cast %swap3A_330 : i32 to index
    %swap3A_332 = arith.constant 240 : index
    %swap3A_333 = tpu.vector_load %arg14[%swap3A_331, %swap3A_332] {strides = array<i32>} : memref<2x768xf32, #tpu.memory_space<vmem>>, vector<1x16xf32>,
    %swap3A_334 = vector.shape_cast %swap3A_333 : vector<1x16xf32> to vector<16xf32>
    %swap3A_335 = vector.shape_cast %mul3A_329 : vector<16xf32> to vector<1x16xf32>
    tpu.vector_store %arg14[%swap3A_331, %swap3A_332], %swap3A_335 {strides = array<i32>} : memref<2x768xf32, #tpu.memory_space<vmem>>, vector<1x16xf32>,
    %get3A_336 = arith.constant 1 : i32
    %get3A_337 = arith.index_cast %get3A_336 : i32 to index
    %get3A_338 = arith.constant 256 : index
    %get3A_339 = tpu.vector_load %arg14[%get3A_337, %get3A_338] {strides = array<i32>} : memref<2x768xf32, #tpu.memory_space<vmem>>, vector<1x16xf32>,
    %get3A_340 = vector.shape_cast %get3A_339 : vector<1x16xf32> to vector<16xf32>
    %get3A_341 = arith.constant 0 : i32
    %get3A_342 = arith.index_cast %get3A_341 : i32 to index
    %get3A_343 = arith.constant 256 : index
    %get3A_344 = tpu.vector_load %arg14[%get3A_342, %get3A_343] {strides = array<i32>} : memref<2x768xf32, #tpu.memory_space<vmem>>, vector<1x16xf32>,
    %get3A_345 = vector.shape_cast %get3A_344 : vector<1x16xf32> to vector<16xf32>
    %sub3A_346 = arith.subf %get3A_340, %get3A_345 : vector<16xf32>
    %get3A_347 = arith.constant 256 : index
    %get3A_348 = tpu.vector_load %arg15[%get3A_347] {strides = array<i32>} : memref<768xf32, #tpu.memory_space<vmem>>, vector<16xf32>,
    %get3A_349 = vector.shape_cast %get3A_348 : vector<16xf32> to vector<16xf32>
    %mul3A_350 = arith.mulf %sub3A_346, %get3A_349 : vector<16xf32>
    %swap3A_351 = arith.constant 1 : i32
    %swap3A_352 = arith.index_cast %swap3A_351 : i32 to index
    %swap3A_353 = arith.constant 256 : index
    %swap3A_354 = tpu.vector_load %arg14[%swap3A_352, %swap3A_353] {strides = array<i32>} : memref<2x768xf32, #tpu.memory_space<vmem>>, vector<1x16xf32>,
    %swap3A_355 = vector.shape_cast %swap3A_354 : vector<1x16xf32> to vector<16xf32>
    %swap3A_356 = vector.shape_cast %mul3A_350 : vector<16xf32> to vector<1x16xf32>
    tpu.vector_store %arg14[%swap3A_352, %swap3A_353], %swap3A_356 {strides = array<i32>} : memref<2x768xf32, #tpu.memory_space<vmem>>, vector<1x16xf32>,
    %get3A_357 = arith.constant 1 : i32
    %get3A_358 = arith.index_cast %get3A_357 : i32 to index
    %get3A_359 = arith.constant 272 : index
    %get3A_360 = tpu.vector_load %arg14[%get3A_358, %get3A_359] {strides = array<i32>} : memref<2x768xf32, #tpu.memory_space<vmem>>, vector<1x16xf32>,
    %get3A_361 = vector.shape_cast %get3A_360 : vector<1x16xf32> to vector<16xf32>
    %get3A_362 = arith.constant 0 : i32
    %get3A_363 = arith.index_cast %get3A_362 : i32 to index
    %get3A_364 = arith.constant 272 : index
    %get3A_365 = tpu.vector_load %arg14[%get3A_363, %get3A_364] {strides = array<i32>} : memref<2x768xf32, #tpu.memory_space<vmem>>, vector<1x16xf32>,
    %get3A_366 = vector.shape_cast %get3A_365 : vector<1x16xf32> to vector<16xf32>
    %sub3A_367 = arith.subf %get3A_361, %get3A_366 : vector<16xf32>
    %get3A_368 = arith.constant 272 : index
    %get3A_369 = tpu.vector_load %arg15[%get3A_368] {strides = array<i32>} : memref<768xf32, #tpu.memory_space<vmem>>, vector<16xf32>,
    %get3A_370 = vector.shape_cast %get3A_369 : vector<16xf32> to vector<16xf32>
    %mul3A_371 = arith.mulf %sub3A_367, %get3A_370 : vector<16xf32>
    %swap3A_372 = arith.constant 1 : i32
    %swap3A_373 = arith.index_cast %swap3A_372 : i32 to index
    %swap3A_374 = arith.constant 272 : index
    %swap3A_375 = tpu.vector_load %arg14[%swap3A_373, %swap3A_374] {strides = array<i32>} : memref<2x768xf32, #tpu.memory_space<vmem>>, vector<1x16xf32>,
    %swap3A_376 = vector.shape_cast %swap3A_375 : vector<1x16xf32> to vector<16xf32>
    %swap3A_377 = vector.shape_cast %mul3A_371 : vector<16xf32> to vector<1x16xf32>
    tpu.vector_store %arg14[%swap3A_373, %swap3A_374], %swap3A_377 {strides = array<i32>} : memref<2x768xf32, #tpu.memory_space<vmem>>, vector<1x16xf32>,
    %get3A_378 = arith.constant 1 : i32
    %get3A_379 = arith.index_cast %get3A_378 : i32 to index
    %get3A_380 = arith.constant 288 : index
    %get3A_381 = tpu.vector_load %arg14[%get3A_379, %get3A_380] {strides = array<i32>} : memref<2x768xf32, #tpu.memory_space<vmem>>, vector<1x16xf32>,
    %get3A_382 = vector.shape_cast %get3A_381 : vector<1x16xf32> to vector<16xf32>
    %get3A_383 = arith.constant 0 : i32
    %get3A_384 = arith.index_cast %get3A_383 : i32 to index
    %get3A_385 = arith.constant 288 : index
    %get3A_386 = tpu.vector_load %arg14[%get3A_384, %get3A_385] {strides = array<i32>} : memref<2x768xf32, #tpu.memory_space<vmem>>, vector<1x16xf32>,
    %get3A_387 = vector.shape_cast %get3A_386 : vector<1x16xf32> to vector<16xf32>
    %sub3A_388 = arith.subf %get3A_382, %get3A_387 : vector<16xf32>
    %get3A_389 = arith.constant 288 : index
    %get3A_390 = tpu.vector_load %arg15[%get3A_389] {strides = array<i32>} : memref<768xf32, #tpu.memory_space<vmem>>, vector<16xf32>,
    %get3A_391 = vector.shape_cast %get3A_390 : vector<16xf32> to vector<16xf32>
    %mul3A_392 = arith.mulf %sub3A_388, %get3A_391 : vector<16xf32>
    %swap3A_393 = arith.constant 1 : i32
    %swap3A_394 = arith.index_cast %swap3A_393 : i32 to index
    %swap3A_395 = arith.constant 288 : index
    %swap3A_396 = tpu.vector_load %arg14[%swap3A_394, %swap3A_395] {strides = array<i32>} : memref<2x768xf32, #tpu.memory_space<vmem>>, vector<1x16xf32>,
    %swap3A_397 = vector.shape_cast %swap3A_396 : vector<1x16xf32> to vector<16xf32>
    %swap3A_398 = vector.shape_cast %mul3A_392 : vector<16xf32> to vector<1x16xf32>
    tpu.vector_store %arg14[%swap3A_394, %swap3A_395], %swap3A_398 {strides = array<i32>} : memref<2x768xf32, #tpu.memory_space<vmem>>, vector<1x16xf32>,
    %get3A_399 = arith.constant 1 : i32
    %get3A_400 = arith.index_cast %get3A_399 : i32 to index
    %get3A_401 = arith.constant 304 : index
    %get3A_402 = tpu.vector_load %arg14[%get3A_400, %get3A_401] {strides = array<i32>} : memref<2x768xf32, #tpu.memory_space<vmem>>, vector<1x16xf32>,
    %get3A_403 = vector.shape_cast %get3A_402 : vector<1x16xf32> to vector<16xf32>
    %get3A_404 = arith.constant 0 : i32
    %get3A_405 = arith.index_cast %get3A_404 : i32 to index
    %get3A_406 = arith.constant 304 : index
    %get3A_407 = tpu.vector_load %arg14[%get3A_405, %get3A_406] {strides = array<i32>} : memref<2x768xf32, #tpu.memory_space<vmem>>, vector<1x16xf32>,
    %get3A_408 = vector.shape_cast %get3A_407 : vector<1x16xf32> to vector<16xf32>
    %sub3A_409 = arith.subf %get3A_403, %get3A_408 : vector<16xf32>
    %get3A_410 = arith.constant 304 : index
    %get3A_411 = tpu.vector_load %arg15[%get3A_410] {strides = array<i32>} : memref<768xf32, #tpu.memory_space<vmem>>, vector<16xf32>,
    %get3A_412 = vector.shape_cast %get3A_411 : vector<16xf32> to vector<16xf32>
    %mul3A_413 = arith.mulf %sub3A_409, %get3A_412 : vector<16xf32>
    %swap3A_414 = arith.constant 1 : i32
    %swap3A_415 = arith.index_cast %swap3A_414 : i32 to index
    %swap3A_416 = arith.constant 304 : index
    %swap3A_417 = tpu.vector_load %arg14[%swap3A_415, %swap3A_416] {strides = array<i32>} : memref<2x768xf32, #tpu.memory_space<vmem>>, vector<1x16xf32>,
    %swap3A_418 = vector.shape_cast %swap3A_417 : vector<1x16xf32> to vector<16xf32>
    %swap3A_419 = vector.shape_cast %mul3A_413 : vector<16xf32> to vector<1x16xf32>
    tpu.vector_store %arg14[%swap3A_415, %swap3A_416], %swap3A_419 {strides = array<i32>} : memref<2x768xf32, #tpu.memory_space<vmem>>, vector<1x16xf32>,
    %get3A_420 = arith.constant 1 : i32
    %get3A_421 = arith.index_cast %get3A_420 : i32 to index
    %get3A_422 = arith.constant 320 : index
    %get3A_423 = tpu.vector_load %arg14[%get3A_421, %get3A_422] {strides = array<i32>} : memref<2x768xf32, #tpu.memory_space<vmem>>, vector<1x16xf32>,
    %get3A_424 = vector.shape_cast %get3A_423 : vector<1x16xf32> to vector<16xf32>
    %get3A_425 = arith.constant 0 : i32
    %get3A_426 = arith.index_cast %get3A_425 : i32 to index
    %get3A_427 = arith.constant 320 : index
    %get3A_428 = tpu.vector_load %arg14[%get3A_426, %get3A_427] {strides = array<i32>} : memref<2x768xf32, #tpu.memory_space<vmem>>, vector<1x16xf32>,
    %get3A_429 = vector.shape_cast %get3A_428 : vector<1x16xf32> to vector<16xf32>
    %sub3A_430 = arith.subf %get3A_424, %get3A_429 : vector<16xf32>
    %get3A_431 = arith.constant 320 : index
    %get3A_432 = tpu.vector_load %arg15[%get3A_431] {strides = array<i32>} : memref<768xf32, #tpu.memory_space<vmem>>, vector<16xf32>,
    %get3A_433 = vector.shape_cast %get3A_432 : vector<16xf32> to vector<16xf32>
    %mul3A_434 = arith.mulf %sub3A_430, %get3A_433 : vector<16xf32>
    %swap3A_435 = arith.constant 1 : i32
    %swap3A_436 = arith.index_cast %swap3A_435 : i32 to index
    %swap3A_437 = arith.constant 320 : index
    %swap3A_438 = tpu.vector_load %arg14[%swap3A_436, %swap3A_437] {strides = array<i32>} : memref<2x768xf32, #tpu.memory_space<vmem>>, vector<1x16xf32>,
    %swap3A_439 = vector.shape_cast %swap3A_438 : vector<1x16xf32> to vector<16xf32>
    %swap3A_440 = vector.shape_cast %mul3A_434 : vector<16xf32> to vector<1x16xf32>
    tpu.vector_store %arg14[%swap3A_436, %swap3A_437], %swap3A_440 {strides = array<i32>} : memref<2x768xf32, #tpu.memory_space<vmem>>, vector<1x16xf32>,
    %get3A_441 = arith.constant 1 : i32
    %get3A_442 = arith.index_cast %get3A_441 : i32 to index
    %get3A_443 = arith.constant 336 : index
    %get3A_444 = tpu.vector_load %arg14[%get3A_442, %get3A_443] {strides = array<i32>} : memref<2x768xf32, #tpu.memory_space<vmem>>, vector<1x16xf32>,
    %get3A_445 = vector.shape_cast %get3A_444 : vector<1x16xf32> to vector<16xf32>
    %get3A_446 = arith.constant 0 : i32
    %get3A_447 = arith.index_cast %get3A_446 : i32 to index
    %get3A_448 = arith.constant 336 : index
    %get3A_449 = tpu.vector_load %arg14[%get3A_447, %get3A_448] {strides = array<i32>} : memref<2x768xf32, #tpu.memory_space<vmem>>, vector<1x16xf32>,
    %get3A_450 = vector.shape_cast %get3A_449 : vector<1x16xf32> to vector<16xf32>
    %sub3A_451 = arith.subf %get3A_445, %get3A_450 : vector<16xf32>
    %get3A_452 = arith.constant 336 : index
    %get3A_453 = tpu.vector_load %arg15[%get3A_452] {strides = array<i32>} : memref<768xf32, #tpu.memory_space<vmem>>, vector<16xf32>,
    %get3A_454 = vector.shape_cast %get3A_453 : vector<16xf32> to vector<16xf32>
    %mul3A_455 = arith.mulf %sub3A_451, %get3A_454 : vector<16xf32>
    %swap3A_456 = arith.constant 1 : i32
    %swap3A_457 = arith.index_cast %swap3A_456 : i32 to index
    %swap3A_458 = arith.constant 336 : index
    %swap3A_459 = tpu.vector_load %arg14[%swap3A_457, %swap3A_458] {strides = array<i32>} : memref<2x768xf32, #tpu.memory_space<vmem>>, vector<1x16xf32>,
    %swap3A_460 = vector.shape_cast %swap3A_459 : vector<1x16xf32> to vector<16xf32>
    %swap3A_461 = vector.shape_cast %mul3A_455 : vector<16xf32> to vector<1x16xf32>
    tpu.vector_store %arg14[%swap3A_457, %swap3A_458], %swap3A_461 {strides = array<i32>} : memref<2x768xf32, #tpu.memory_space<vmem>>, vector<1x16xf32>,
    %get3A_462 = arith.constant 1 : i32
    %get3A_463 = arith.index_cast %get3A_462 : i32 to index
    %get3A_464 = arith.constant 352 : index
    %get3A_465 = tpu.vector_load %arg14[%get3A_463, %get3A_464] {strides = array<i32>} : memref<2x768xf32, #tpu.memory_space<vmem>>, vector<1x16xf32>,
    %get3A_466 = vector.shape_cast %get3A_465 : vector<1x16xf32> to vector<16xf32>
    %get3A_467 = arith.constant 0 : i32
    %get3A_468 = arith.index_cast %get3A_467 : i32 to index
    %get3A_469 = arith.constant 352 : index
    %get3A_470 = tpu.vector_load %arg14[%get3A_468, %get3A_469] {strides = array<i32>} : memref<2x768xf32, #tpu.memory_space<vmem>>, vector<1x16xf32>,
    %get3A_471 = vector.shape_cast %get3A_470 : vector<1x16xf32> to vector<16xf32>
    %sub3A_472 = arith.subf %get3A_466, %get3A_471 : vector<16xf32>
    %get3A_473 = arith.constant 352 : index
    %get3A_474 = tpu.vector_load %arg15[%get3A_473] {strides = array<i32>} : memref<768xf32, #tpu.memory_space<vmem>>, vector<16xf32>,
    %get3A_475 = vector.shape_cast %get3A_474 : vector<16xf32> to vector<16xf32>
    %mul3A_476 = arith.mulf %sub3A_472, %get3A_475 : vector<16xf32>
    %swap3A_477 = arith.constant 1 : i32
    %swap3A_478 = arith.index_cast %swap3A_477 : i32 to index
    %swap3A_479 = arith.constant 352 : index
    %swap3A_480 = tpu.vector_load %arg14[%swap3A_478, %swap3A_479] {strides = array<i32>} : memref<2x768xf32, #tpu.memory_space<vmem>>, vector<1x16xf32>,
    %swap3A_481 = vector.shape_cast %swap3A_480 : vector<1x16xf32> to vector<16xf32>
    %swap3A_482 = vector.shape_cast %mul3A_476 : vector<16xf32> to vector<1x16xf32>
    tpu.vector_store %arg14[%swap3A_478, %swap3A_479], %swap3A_482 {strides = array<i32>} : memref<2x768xf32, #tpu.memory_space<vmem>>, vector<1x16xf32>,
    %get3A_483 = arith.constant 1 : i32
    %get3A_484 = arith.index_cast %get3A_483 : i32 to index
    %get3A_485 = arith.constant 368 : index
    %get3A_486 = tpu.vector_load %arg14[%get3A_484, %get3A_485] {strides = array<i32>} : memref<2x768xf32, #tpu.memory_space<vmem>>, vector<1x16xf32>,
    %get3A_487 = vector.shape_cast %get3A_486 : vector<1x16xf32> to vector<16xf32>
    %get3A_488 = arith.constant 0 : i32
    %get3A_489 = arith.index_cast %get3A_488 : i32 to index
    %get3A_490 = arith.constant 368 : index
    %get3A_491 = tpu.vector_load %arg14[%get3A_489, %get3A_490] {strides = array<i32>} : memref<2x768xf32, #tpu.memory_space<vmem>>, vector<1x16xf32>,
    %get3A_492 = vector.shape_cast %get3A_491 : vector<1x16xf32> to vector<16xf32>
    %sub3A_493 = arith.subf %get3A_487, %get3A_492 : vector<16xf32>
    %get3A_494 = arith.constant 368 : index
    %get3A_495 = tpu.vector_load %arg15[%get3A_494] {strides = array<i32>} : memref<768xf32, #tpu.memory_space<vmem>>, vector<16xf32>,
    %get3A_496 = vector.shape_cast %get3A_495 : vector<16xf32> to vector<16xf32>
    %mul3A_497 = arith.mulf %sub3A_493, %get3A_496 : vector<16xf32>
    %swap3A_498 = arith.constant 1 : i32
    %swap3A_499 = arith.index_cast %swap3A_498 : i32 to index
    %swap3A_500 = arith.constant 368 : index
    %swap3A_501 = tpu.vector_load %arg14[%swap3A_499, %swap3A_500] {strides = array<i32>} : memref<2x768xf32, #tpu.memory_space<vmem>>, vector<1x16xf32>,
    %swap3A_502 = vector.shape_cast %swap3A_501 : vector<1x16xf32> to vector<16xf32>
    %swap3A_503 = vector.shape_cast %mul3A_497 : vector<16xf32> to vector<1x16xf32>
    tpu.vector_store %arg14[%swap3A_499, %swap3A_500], %swap3A_503 {strides = array<i32>} : memref<2x768xf32, #tpu.memory_space<vmem>>, vector<1x16xf32>,
    %get3A_504 = arith.constant 1 : i32
    %get3A_505 = arith.index_cast %get3A_504 : i32 to index
    %get3A_506 = arith.constant 384 : index
    %get3A_507 = tpu.vector_load %arg14[%get3A_505, %get3A_506] {strides = array<i32>} : memref<2x768xf32, #tpu.memory_space<vmem>>, vector<1x16xf32>,
    %get3A_508 = vector.shape_cast %get3A_507 : vector<1x16xf32> to vector<16xf32>
    %get3A_509 = arith.constant 0 : i32
    %get3A_510 = arith.index_cast %get3A_509 : i32 to index
    %get3A_511 = arith.constant 384 : index
    %get3A_512 = tpu.vector_load %arg14[%get3A_510, %get3A_511] {strides = array<i32>} : memref<2x768xf32, #tpu.memory_space<vmem>>, vector<1x16xf32>,
    %get3A_513 = vector.shape_cast %get3A_512 : vector<1x16xf32> to vector<16xf32>
    %sub3A_514 = arith.subf %get3A_508, %get3A_513 : vector<16xf32>
    %get3A_515 = arith.constant 384 : index
    %get3A_516 = tpu.vector_load %arg15[%get3A_515] {strides = array<i32>} : memref<768xf32, #tpu.memory_space<vmem>>, vector<16xf32>,
    %get3A_517 = vector.shape_cast %get3A_516 : vector<16xf32> to vector<16xf32>
    %mul3A_518 = arith.mulf %sub3A_514, %get3A_517 : vector<16xf32>
    %swap3A_519 = arith.constant 1 : i32
    %swap3A_520 = arith.index_cast %swap3A_519 : i32 to index
    %swap3A_521 = arith.constant 384 : index
    %swap3A_522 = tpu.vector_load %arg14[%swap3A_520, %swap3A_521] {strides = array<i32>} : memref<2x768xf32, #tpu.memory_space<vmem>>, vector<1x16xf32>,
    %swap3A_523 = vector.shape_cast %swap3A_522 : vector<1x16xf32> to vector<16xf32>
    %swap3A_524 = vector.shape_cast %mul3A_518 : vector<16xf32> to vector<1x16xf32>
    tpu.vector_store %arg14[%swap3A_520, %swap3A_521], %swap3A_524 {strides = array<i32>} : memref<2x768xf32, #tpu.memory_space<vmem>>, vector<1x16xf32>,
    %get3A_525 = arith.constant 1 : i32
    %get3A_526 = arith.index_cast %get3A_525 : i32 to index
    %get3A_527 = arith.constant 400 : index
    %get3A_528 = tpu.vector_load %arg14[%get3A_526, %get3A_527] {strides = array<i32>} : memref<2x768xf32, #tpu.memory_space<vmem>>, vector<1x16xf32>,
    %get3A_529 = vector.shape_cast %get3A_528 : vector<1x16xf32> to vector<16xf32>
    %get3A_530 = arith.constant 0 : i32
    %get3A_531 = arith.index_cast %get3A_530 : i32 to index
    %get3A_532 = arith.constant 400 : index
    %get3A_533 = tpu.vector_load %arg14[%get3A_531, %get3A_532] {strides = array<i32>} : memref<2x768xf32, #tpu.memory_space<vmem>>, vector<1x16xf32>,
    %get3A_534 = vector.shape_cast %get3A_533 : vector<1x16xf32> to vector<16xf32>
    %sub3A_535 = arith.subf %get3A_529, %get3A_534 : vector<16xf32>
    %get3A_536 = arith.constant 400 : index
    %get3A_537 = tpu.vector_load %arg15[%get3A_536] {strides = array<i32>} : memref<768xf32, #tpu.memory_space<vmem>>, vector<16xf32>,
    %get3A_538 = vector.shape_cast %get3A_537 : vector<16xf32> to vector<16xf32>
    %mul3A_539 = arith.mulf %sub3A_535, %get3A_538 : vector<16xf32>
    %swap3A_540 = arith.constant 1 : i32
    %swap3A_541 = arith.index_cast %swap3A_540 : i32 to index
    %swap3A_542 = arith.constant 400 : index
    %swap3A_543 = tpu.vector_load %arg14[%swap3A_541, %swap3A_542] {strides = array<i32>} : memref<2x768xf32, #tpu.memory_space<vmem>>, vector<1x16xf32>,
    %swap3A_544 = vector.shape_cast %swap3A_543 : vector<1x16xf32> to vector<16xf32>
    %swap3A_545 = vector.shape_cast %mul3A_539 : vector<16xf32> to vector<1x16xf32>
    tpu.vector_store %arg14[%swap3A_541, %swap3A_542], %swap3A_545 {strides = array<i32>} : memref<2x768xf32, #tpu.memory_space<vmem>>, vector<1x16xf32>,
    %get3A_546 = arith.constant 1 : i32
    %get3A_547 = arith.index_cast %get3A_546 : i32 to index
    %get3A_548 = arith.constant 416 : index
    %get3A_549 = tpu.vector_load %arg14[%get3A_547, %get3A_548] {strides = array<i32>} : memref<2x768xf32, #tpu.memory_space<vmem>>, vector<1x16xf32>,
    %get3A_550 = vector.shape_cast %get3A_549 : vector<1x16xf32> to vector<16xf32>
    %get3A_551 = arith.constant 0 : i32
    %get3A_552 = arith.index_cast %get3A_551 : i32 to index
    %get3A_553 = arith.constant 416 : index
    %get3A_554 = tpu.vector_load %arg14[%get3A_552, %get3A_553] {strides = array<i32>} : memref<2x768xf32, #tpu.memory_space<vmem>>, vector<1x16xf32>,
    %get3A_555 = vector.shape_cast %get3A_554 : vector<1x16xf32> to vector<16xf32>
    %sub3A_556 = arith.subf %get3A_550, %get3A_555 : vector<16xf32>
    %get3A_557 = arith.constant 416 : index
    %get3A_558 = tpu.vector_load %arg15[%get3A_557] {strides = array<i32>} : memref<768xf32, #tpu.memory_space<vmem>>, vector<16xf32>,
    %get3A_559 = vector.shape_cast %get3A_558 : vector<16xf32> to vector<16xf32>
    %mul3A_560 = arith.mulf %sub3A_556, %get3A_559 : vector<16xf32>
    %swap3A_561 = arith.constant 1 : i32
    %swap3A_562 = arith.index_cast %swap3A_561 : i32 to index
    %swap3A_563 = arith.constant 416 : index
    %swap3A_564 = tpu.vector_load %arg14[%swap3A_562, %swap3A_563] {strides = array<i32>} : memref<2x768xf32, #tpu.memory_space<vmem>>, vector<1x16xf32>,
    %swap3A_565 = vector.shape_cast %swap3A_564 : vector<1x16xf32> to vector<16xf32>
    %swap3A_566 = vector.shape_cast %mul3A_560 : vector<16xf32> to vector<1x16xf32>
    tpu.vector_store %arg14[%swap3A_562, %swap3A_563], %swap3A_566 {strides = array<i32>} : memref<2x768xf32, #tpu.memory_space<vmem>>, vector<1x16xf32>,
    %get3A_567 = arith.constant 1 : i32
    %get3A_568 = arith.index_cast %get3A_567 : i32 to index
    %get3A_569 = arith.constant 432 : index
    %get3A_570 = tpu.vector_load %arg14[%get3A_568, %get3A_569] {strides = array<i32>} : memref<2x768xf32, #tpu.memory_space<vmem>>, vector<1x16xf32>,
    %get3A_571 = vector.shape_cast %get3A_570 : vector<1x16xf32> to vector<16xf32>
    %get3A_572 = arith.constant 0 : i32
    %get3A_573 = arith.index_cast %get3A_572 : i32 to index
    %get3A_574 = arith.constant 432 : index
    %get3A_575 = tpu.vector_load %arg14[%get3A_573, %get3A_574] {strides = array<i32>} : memref<2x768xf32, #tpu.memory_space<vmem>>, vector<1x16xf32>,
    %get3A_576 = vector.shape_cast %get3A_575 : vector<1x16xf32> to vector<16xf32>
    %sub3A_577 = arith.subf %get3A_571, %get3A_576 : vector<16xf32>
    %get3A_578 = arith.constant 432 : index
    %get3A_579 = tpu.vector_load %arg15[%get3A_578] {strides = array<i32>} : memref<768xf32, #tpu.memory_space<vmem>>, vector<16xf32>,
    %get3A_580 = vector.shape_cast %get3A_579 : vector<16xf32> to vector<16xf32>
    %mul3A_581 = arith.mulf %sub3A_577, %get3A_580 : vector<16xf32>
    %swap3A_582 = arith.constant 1 : i32
    %swap3A_583 = arith.index_cast %swap3A_582 : i32 to index
    %swap3A_584 = arith.constant 432 : index
    %swap3A_585 = tpu.vector_load %arg14[%swap3A_583, %swap3A_584] {strides = array<i32>} : memref<2x768xf32, #tpu.memory_space<vmem>>, vector<1x16xf32>,
    %swap3A_586 = vector.shape_cast %swap3A_585 : vector<1x16xf32> to vector<16xf32>
    %swap3A_587 = vector.shape_cast %mul3A_581 : vector<16xf32> to vector<1x16xf32>
    tpu.vector_store %arg14[%swap3A_583, %swap3A_584], %swap3A_587 {strides = array<i32>} : memref<2x768xf32, #tpu.memory_space<vmem>>, vector<1x16xf32>,
    %get3A_588 = arith.constant 1 : i32
    %get3A_589 = arith.index_cast %get3A_588 : i32 to index
    %get3A_590 = arith.constant 448 : index
    %get3A_591 = tpu.vector_load %arg14[%get3A_589, %get3A_590] {strides = array<i32>} : memref<2x768xf32, #tpu.memory_space<vmem>>, vector<1x16xf32>,
    %get3A_592 = vector.shape_cast %get3A_591 : vector<1x16xf32> to vector<16xf32>
    %get3A_593 = arith.constant 0 : i32
    %get3A_594 = arith.index_cast %get3A_593 : i32 to index
    %get3A_595 = arith.constant 448 : index
    %get3A_596 = tpu.vector_load %arg14[%get3A_594, %get3A_595] {strides = array<i32>} : memref<2x768xf32, #tpu.memory_space<vmem>>, vector<1x16xf32>,
    %get3A_597 = vector.shape_cast %get3A_596 : vector<1x16xf32> to vector<16xf32>
    %sub3A_598 = arith.subf %get3A_592, %get3A_597 : vector<16xf32>
    %get3A_599 = arith.constant 448 : index
    %get3A_600 = tpu.vector_load %arg15[%get3A_599] {strides = array<i32>} : memref<768xf32, #tpu.memory_space<vmem>>, vector<16xf32>,
    %get3A_601 = vector.shape_cast %get3A_600 : vector<16xf32> to vector<16xf32>
    %mul3A_602 = arith.mulf %sub3A_598, %get3A_601 : vector<16xf32>
    %swap3A_603 = arith.constant 1 : i32
    %swap3A_604 = arith.index_cast %swap3A_603 : i32 to index
    %swap3A_605 = arith.constant 448 : index
    %swap3A_606 = tpu.vector_load %arg14[%swap3A_604, %swap3A_605] {strides = array<i32>} : memref<2x768xf32, #tpu.memory_space<vmem>>, vector<1x16xf32>,
    %swap3A_607 = vector.shape_cast %swap3A_606 : vector<1x16xf32> to vector<16xf32>
    %swap3A_608 = vector.shape_cast %mul3A_602 : vector<16xf32> to vector<1x16xf32>
    tpu.vector_store %arg14[%swap3A_604, %swap3A_605], %swap3A_608 {strides = array<i32>} : memref<2x768xf32, #tpu.memory_space<vmem>>, vector<1x16xf32>,
    %get3A_609 = arith.constant 1 : i32
    %get3A_610 = arith.index_cast %get3A_609 : i32 to index
    %get3A_611 = arith.constant 464 : index
    %get3A_612 = tpu.vector_load %arg14[%get3A_610, %get3A_611] {strides = array<i32>} : memref<2x768xf32, #tpu.memory_space<vmem>>, vector<1x16xf32>,
    %get3A_613 = vector.shape_cast %get3A_612 : vector<1x16xf32> to vector<16xf32>
    %get3A_614 = arith.constant 0 : i32
    %get3A_615 = arith.index_cast %get3A_614 : i32 to index
    %get3A_616 = arith.constant 464 : index
    %get3A_617 = tpu.vector_load %arg14[%get3A_615, %get3A_616] {strides = array<i32>} : memref<2x768xf32, #tpu.memory_space<vmem>>, vector<1x16xf32>,
    %get3A_618 = vector.shape_cast %get3A_617 : vector<1x16xf32> to vector<16xf32>
    %sub3A_619 = arith.subf %get3A_613, %get3A_618 : vector<16xf32>
    %get3A_620 = arith.constant 464 : index
    %get3A_621 = tpu.vector_load %arg15[%get3A_620] {strides = array<i32>} : memref<768xf32, #tpu.memory_space<vmem>>, vector<16xf32>,
    %get3A_622 = vector.shape_cast %get3A_621 : vector<16xf32> to vector<16xf32>
    %mul3A_623 = arith.mulf %sub3A_619, %get3A_622 : vector<16xf32>
    %swap3A_624 = arith.constant 1 : i32
    %swap3A_625 = arith.index_cast %swap3A_624 : i32 to index
    %swap3A_626 = arith.constant 464 : index
    %swap3A_627 = tpu.vector_load %arg14[%swap3A_625, %swap3A_626] {strides = array<i32>} : memref<2x768xf32, #tpu.memory_space<vmem>>, vector<1x16xf32>,
    %swap3A_628 = vector.shape_cast %swap3A_627 : vector<1x16xf32> to vector<16xf32>
    %swap3A_629 = vector.shape_cast %mul3A_623 : vector<16xf32> to vector<1x16xf32>
    tpu.vector_store %arg14[%swap3A_625, %swap3A_626], %swap3A_629 {strides = array<i32>} : memref<2x768xf32, #tpu.memory_space<vmem>>, vector<1x16xf32>,
    %get3A_630 = arith.constant 1 : i32
    %get3A_631 = arith.index_cast %get3A_630 : i32 to index
    %get3A_632 = arith.constant 480 : index
    %get3A_633 = tpu.vector_load %arg14[%get3A_631, %get3A_632] {strides = array<i32>} : memref<2x768xf32, #tpu.memory_space<vmem>>, vector<1x16xf32>,
    %get3A_634 = vector.shape_cast %get3A_633 : vector<1x16xf32> to vector<16xf32>
    %get3A_635 = arith.constant 0 : i32
    %get3A_636 = arith.index_cast %get3A_635 : i32 to index
    %get3A_637 = arith.constant 480 : index
    %get3A_638 = tpu.vector_load %arg14[%get3A_636, %get3A_637] {strides = array<i32>} : memref<2x768xf32, #tpu.memory_space<vmem>>, vector<1x16xf32>,
    %get3A_639 = vector.shape_cast %get3A_638 : vector<1x16xf32> to vector<16xf32>
    %sub3A_640 = arith.subf %get3A_634, %get3A_639 : vector<16xf32>
    %get3A_641 = arith.constant 480 : index
    %get3A_642 = tpu.vector_load %arg15[%get3A_641] {strides = array<i32>} : memref<768xf32, #tpu.memory_space<vmem>>, vector<16xf32>,
    %get3A_643 = vector.shape_cast %get3A_642 : vector<16xf32> to vector<16xf32>
    %mul3A_644 = arith.mulf %sub3A_640, %get3A_643 : vector<16xf32>
    %swap3A_645 = arith.constant 1 : i32
    %swap3A_646 = arith.index_cast %swap3A_645 : i32 to index
    %swap3A_647 = arith.constant 480 : index
    %swap3A_648 = tpu.vector_load %arg14[%swap3A_646, %swap3A_647] {strides = array<i32>} : memref<2x768xf32, #tpu.memory_space<vmem>>, vector<1x16xf32>,
    %swap3A_649 = vector.shape_cast %swap3A_648 : vector<1x16xf32> to vector<16xf32>
    %swap3A_650 = vector.shape_cast %mul3A_644 : vector<16xf32> to vector<1x16xf32>
    tpu.vector_store %arg14[%swap3A_646, %swap3A_647], %swap3A_650 {strides = array<i32>} : memref<2x768xf32, #tpu.memory_space<vmem>>, vector<1x16xf32>,
    %get3A_651 = arith.constant 1 : i32
    %get3A_652 = arith.index_cast %get3A_651 : i32 to index
    %get3A_653 = arith.constant 496 : index
    %get3A_654 = tpu.vector_load %arg14[%get3A_652, %get3A_653] {strides = array<i32>} : memref<2x768xf32, #tpu.memory_space<vmem>>, vector<1x16xf32>,
    %get3A_655 = vector.shape_cast %get3A_654 : vector<1x16xf32> to vector<16xf32>
    %get3A_656 = arith.constant 0 : i32
    %get3A_657 = arith.index_cast %get3A_656 : i32 to index
    %get3A_658 = arith.constant 496 : index
    %get3A_659 = tpu.vector_load %arg14[%get3A_657, %get3A_658] {strides = array<i32>} : memref<2x768xf32, #tpu.memory_space<vmem>>, vector<1x16xf32>,
    %get3A_660 = vector.shape_cast %get3A_659 : vector<1x16xf32> to vector<16xf32>
    %sub3A_661 = arith.subf %get3A_655, %get3A_660 : vector<16xf32>
    %get3A_662 = arith.constant 496 : index
    %get3A_663 = tpu.vector_load %arg15[%get3A_662] {strides = array<i32>} : memref<768xf32, #tpu.memory_space<vmem>>, vector<16xf32>,
    %get3A_664 = vector.shape_cast %get3A_663 : vector<16xf32> to vector<16xf32>
    %mul3A_665 = arith.mulf %sub3A_661, %get3A_664 : vector<16xf32>
    %swap3A_666 = arith.constant 1 : i32
    %swap3A_667 = arith.index_cast %swap3A_666 : i32 to index
    %swap3A_668 = arith.constant 496 : index
    %swap3A_669 = tpu.vector_load %arg14[%swap3A_667, %swap3A_668] {strides = array<i32>} : memref<2x768xf32, #tpu.memory_space<vmem>>, vector<1x16xf32>,
    %swap3A_670 = vector.shape_cast %swap3A_669 : vector<1x16xf32> to vector<16xf32>
    %swap3A_671 = vector.shape_cast %mul3A_665 : vector<16xf32> to vector<1x16xf32>
    tpu.vector_store %arg14[%swap3A_667, %swap3A_668], %swap3A_671 {strides = array<i32>} : memref<2x768xf32, #tpu.memory_space<vmem>>, vector<1x16xf32>,
    %get3A_672 = arith.constant 1 : i32
    %get3A_673 = arith.index_cast %get3A_672 : i32 to index
    %get3A_674 = arith.constant 512 : index
    %get3A_675 = tpu.vector_load %arg14[%get3A_673, %get3A_674] {strides = array<i32>} : memref<2x768xf32, #tpu.memory_space<vmem>>, vector<1x16xf32>,
    %get3A_676 = vector.shape_cast %get3A_675 : vector<1x16xf32> to vector<16xf32>
    %get3A_677 = arith.constant 0 : i32
    %get3A_678 = arith.index_cast %get3A_677 : i32 to index
    %get3A_679 = arith.constant 512 : index
    %get3A_680 = tpu.vector_load %arg14[%get3A_678, %get3A_679] {strides = array<i32>} : memref<2x768xf32, #tpu.memory_space<vmem>>, vector<1x16xf32>,
    %get3A_681 = vector.shape_cast %get3A_680 : vector<1x16xf32> to vector<16xf32>
    %sub3A_682 = arith.subf %get3A_676, %get3A_681 : vector<16xf32>
    %get3A_683 = arith.constant 512 : index
    %get3A_684 = tpu.vector_load %arg15[%get3A_683] {strides = array<i32>} : memref<768xf32, #tpu.memory_space<vmem>>, vector<16xf32>,
    %get3A_685 = vector.shape_cast %get3A_684 : vector<16xf32> to vector<16xf32>
    %mul3A_686 = arith.mulf %sub3A_682, %get3A_685 : vector<16xf32>
    %swap3A_687 = arith.constant 1 : i32
    %swap3A_688 = arith.index_cast %swap3A_687 : i32 to index
    %swap3A_689 = arith.constant 512 : index
    %swap3A_690 = tpu.vector_load %arg14[%swap3A_688, %swap3A_689] {strides = array<i32>} : memref<2x768xf32, #tpu.memory_space<vmem>>, vector<1x16xf32>,
    %swap3A_691 = vector.shape_cast %swap3A_690 : vector<1x16xf32> to vector<16xf32>
    %swap3A_692 = vector.shape_cast %mul3A_686 : vector<16xf32> to vector<1x16xf32>
    tpu.vector_store %arg14[%swap3A_688, %swap3A_689], %swap3A_692 {strides = array<i32>} : memref<2x768xf32, #tpu.memory_space<vmem>>, vector<1x16xf32>,
    %get3A_693 = arith.constant 1 : i32
    %get3A_694 = arith.index_cast %get3A_693 : i32 to index
    %get3A_695 = arith.constant 528 : index
    %get3A_696 = tpu.vector_load %arg14[%get3A_694, %get3A_695] {strides = array<i32>} : memref<2x768xf32, #tpu.memory_space<vmem>>, vector<1x16xf32>,
    %get3A_697 = vector.shape_cast %get3A_696 : vector<1x16xf32> to vector<16xf32>
    %get3A_698 = arith.constant 0 : i32
    %get3A_699 = arith.index_cast %get3A_698 : i32 to index
    %get3A_700 = arith.constant 528 : index
    %get3A_701 = tpu.vector_load %arg14[%get3A_699, %get3A_700] {strides = array<i32>} : memref<2x768xf32, #tpu.memory_space<vmem>>, vector<1x16xf32>,
    %get3A_702 = vector.shape_cast %get3A_701 : vector<1x16xf32> to vector<16xf32>
    %sub3A_703 = arith.subf %get3A_697, %get3A_702 : vector<16xf32>
    %get3A_704 = arith.constant 528 : index
    %get3A_705 = tpu.vector_load %arg15[%get3A_704] {strides = array<i32>} : memref<768xf32, #tpu.memory_space<vmem>>, vector<16xf32>,
    %get3A_706 = vector.shape_cast %get3A_705 : vector<16xf32> to vector<16xf32>
    %mul3A_707 = arith.mulf %sub3A_703, %get3A_706 : vector<16xf32>
    %swap3A_708 = arith.constant 1 : i32
    %swap3A_709 = arith.index_cast %swap3A_708 : i32 to index
    %swap3A_710 = arith.constant 528 : index
    %swap3A_711 = tpu.vector_load %arg14[%swap3A_709, %swap3A_710] {strides = array<i32>} : memref<2x768xf32, #tpu.memory_space<vmem>>, vector<1x16xf32>,
    %swap3A_712 = vector.shape_cast %swap3A_711 : vector<1x16xf32> to vector<16xf32>
    %swap3A_713 = vector.shape_cast %mul3A_707 : vector<16xf32> to vector<1x16xf32>
    tpu.vector_store %arg14[%swap3A_709, %swap3A_710], %swap3A_713 {strides = array<i32>} : memref<2x768xf32, #tpu.memory_space<vmem>>, vector<1x16xf32>,
    %get3A_714 = arith.constant 1 : i32
    %get3A_715 = arith.index_cast %get3A_714 : i32 to index
    %get3A_716 = arith.constant 544 : index
    %get3A_717 = tpu.vector_load %arg14[%get3A_715, %get3A_716] {strides = array<i32>} : memref<2x768xf32, #tpu.memory_space<vmem>>, vector<1x16xf32>,
    %get3A_718 = vector.shape_cast %get3A_717 : vector<1x16xf32> to vector<16xf32>
    %get3A_719 = arith.constant 0 : i32
    %get3A_720 = arith.index_cast %get3A_719 : i32 to index
    %get3A_721 = arith.constant 544 : index
    %get3A_722 = tpu.vector_load %arg14[%get3A_720, %get3A_721] {strides = array<i32>} : memref<2x768xf32, #tpu.memory_space<vmem>>, vector<1x16xf32>,
    %get3A_723 = vector.shape_cast %get3A_722 : vector<1x16xf32> to vector<16xf32>
    %sub3A_724 = arith.subf %get3A_718, %get3A_723 : vector<16xf32>
    %get3A_725 = arith.constant 544 : index
    %get3A_726 = tpu.vector_load %arg15[%get3A_725] {strides = array<i32>} : memref<768xf32, #tpu.memory_space<vmem>>, vector<16xf32>,
    %get3A_727 = vector.shape_cast %get3A_726 : vector<16xf32> to vector<16xf32>
    %mul3A_728 = arith.mulf %sub3A_724, %get3A_727 : vector<16xf32>
    %swap3A_729 = arith.constant 1 : i32
    %swap3A_730 = arith.index_cast %swap3A_729 : i32 to index
    %swap3A_731 = arith.constant 544 : index
    %swap3A_732 = tpu.vector_load %arg14[%swap3A_730, %swap3A_731] {strides = array<i32>} : memref<2x768xf32, #tpu.memory_space<vmem>>, vector<1x16xf32>,
    %swap3A_733 = vector.shape_cast %swap3A_732 : vector<1x16xf32> to vector<16xf32>
    %swap3A_734 = vector.shape_cast %mul3A_728 : vector<16xf32> to vector<1x16xf32>
    tpu.vector_store %arg14[%swap3A_730, %swap3A_731], %swap3A_734 {strides = array<i32>} : memref<2x768xf32, #tpu.memory_space<vmem>>, vector<1x16xf32>,
    %get3A_735 = arith.constant 1 : i32
    %get3A_736 = arith.index_cast %get3A_735 : i32 to index
    %get3A_737 = arith.constant 560 : index
    %get3A_738 = tpu.vector_load %arg14[%get3A_736, %get3A_737] {strides = array<i32>} : memref<2x768xf32, #tpu.memory_space<vmem>>, vector<1x16xf32>,
    %get3A_739 = vector.shape_cast %get3A_738 : vector<1x16xf32> to vector<16xf32>
    %get3A_740 = arith.constant 0 : i32
    %get3A_741 = arith.index_cast %get3A_740 : i32 to index
    %get3A_742 = arith.constant 560 : index
    %get3A_743 = tpu.vector_load %arg14[%get3A_741, %get3A_742] {strides = array<i32>} : memref<2x768xf32, #tpu.memory_space<vmem>>, vector<1x16xf32>,
    %get3A_744 = vector.shape_cast %get3A_743 : vector<1x16xf32> to vector<16xf32>
    %sub3A_745 = arith.subf %get3A_739, %get3A_744 : vector<16xf32>
    %get3A_746 = arith.constant 560 : index
    %get3A_747 = tpu.vector_load %arg15[%get3A_746] {strides = array<i32>} : memref<768xf32, #tpu.memory_space<vmem>>, vector<16xf32>,
    %get3A_748 = vector.shape_cast %get3A_747 : vector<16xf32> to vector<16xf32>
    %mul3A_749 = arith.mulf %sub3A_745, %get3A_748 : vector<16xf32>
    %swap3A_750 = arith.constant 1 : i32
    %swap3A_751 = arith.index_cast %swap3A_750 : i32 to index
    %swap3A_752 = arith.constant 560 : index
    %swap3A_753 = tpu.vector_load %arg14[%swap3A_751, %swap3A_752] {strides = array<i32>} : memref<2x768xf32, #tpu.memory_space<vmem>>, vector<1x16xf32>,
    %swap3A_754 = vector.shape_cast %swap3A_753 : vector<1x16xf32> to vector<16xf32>
    %swap3A_755 = vector.shape_cast %mul3A_749 : vector<16xf32> to vector<1x16xf32>
    tpu.vector_store %arg14[%swap3A_751, %swap3A_752], %swap3A_755 {strides = array<i32>} : memref<2x768xf32, #tpu.memory_space<vmem>>, vector<1x16xf32>,
    %get3A_756 = arith.constant 1 : i32
    %get3A_757 = arith.index_cast %get3A_756 : i32 to index
    %get3A_758 = arith.constant 576 : index
    %get3A_759 = tpu.vector_load %arg14[%get3A_757, %get3A_758] {strides = array<i32>} : memref<2x768xf32, #tpu.memory_space<vmem>>, vector<1x16xf32>,
    %get3A_760 = vector.shape_cast %get3A_759 : vector<1x16xf32> to vector<16xf32>
    %get3A_761 = arith.constant 0 : i32
    %get3A_762 = arith.index_cast %get3A_761 : i32 to index
    %get3A_763 = arith.constant 576 : index
    %get3A_764 = tpu.vector_load %arg14[%get3A_762, %get3A_763] {strides = array<i32>} : memref<2x768xf32, #tpu.memory_space<vmem>>, vector<1x16xf32>,
    %get3A_765 = vector.shape_cast %get3A_764 : vector<1x16xf32> to vector<16xf32>
    %sub3A_766 = arith.subf %get3A_760, %get3A_765 : vector<16xf32>
    %get3A_767 = arith.constant 576 : index
    %get3A_768 = tpu.vector_load %arg15[%get3A_767] {strides = array<i32>} : memref<768xf32, #tpu.memory_space<vmem>>, vector<16xf32>,
    %get3A_769 = vector.shape_cast %get3A_768 : vector<16xf32> to vector<16xf32>
    %mul3A_770 = arith.mulf %sub3A_766, %get3A_769 : vector<16xf32>
    %swap3A_771 = arith.constant 1 : i32
    %swap3A_772 = arith.index_cast %swap3A_771 : i32 to index
    %swap3A_773 = arith.constant 576 : index
    %swap3A_774 = tpu.vector_load %arg14[%swap3A_772, %swap3A_773] {strides = array<i32>} : memref<2x768xf32, #tpu.memory_space<vmem>>, vector<1x16xf32>,
    %swap3A_775 = vector.shape_cast %swap3A_774 : vector<1x16xf32> to vector<16xf32>
    %swap3A_776 = vector.shape_cast %mul3A_770 : vector<16xf32> to vector<1x16xf32>
    tpu.vector_store %arg14[%swap3A_772, %swap3A_773], %swap3A_776 {strides = array<i32>} : memref<2x768xf32, #tpu.memory_space<vmem>>, vector<1x16xf32>,
    %get3A_777 = arith.constant 1 : i32
    %get3A_778 = arith.index_cast %get3A_777 : i32 to index
    %get3A_779 = arith.constant 592 : index
    %get3A_780 = tpu.vector_load %arg14[%get3A_778, %get3A_779] {strides = array<i32>} : memref<2x768xf32, #tpu.memory_space<vmem>>, vector<1x16xf32>,
    %get3A_781 = vector.shape_cast %get3A_780 : vector<1x16xf32> to vector<16xf32>
    %get3A_782 = arith.constant 0 : i32
    %get3A_783 = arith.index_cast %get3A_782 : i32 to index
    %get3A_784 = arith.constant 592 : index
    %get3A_785 = tpu.vector_load %arg14[%get3A_783, %get3A_784] {strides = array<i32>} : memref<2x768xf32, #tpu.memory_space<vmem>>, vector<1x16xf32>,
    %get3A_786 = vector.shape_cast %get3A_785 : vector<1x16xf32> to vector<16xf32>
    %sub3A_787 = arith.subf %get3A_781, %get3A_786 : vector<16xf32>
    %get3A_788 = arith.constant 592 : index
    %get3A_789 = tpu.vector_load %arg15[%get3A_788] {strides = array<i32>} : memref<768xf32, #tpu.memory_space<vmem>>, vector<16xf32>,
    %get3A_790 = vector.shape_cast %get3A_789 : vector<16xf32> to vector<16xf32>
    %mul3A_791 = arith.mulf %sub3A_787, %get3A_790 : vector<16xf32>
    %swap3A_792 = arith.constant 1 : i32
    %swap3A_793 = arith.index_cast %swap3A_792 : i32 to index
    %swap3A_794 = arith.constant 592 : index
    %swap3A_795 = tpu.vector_load %arg14[%swap3A_793, %swap3A_794] {strides = array<i32>} : memref<2x768xf32, #tpu.memory_space<vmem>>, vector<1x16xf32>,
    %swap3A_796 = vector.shape_cast %swap3A_795 : vector<1x16xf32> to vector<16xf32>
    %swap3A_797 = vector.shape_cast %mul3A_791 : vector<16xf32> to vector<1x16xf32>
    tpu.vector_store %arg14[%swap3A_793, %swap3A_794], %swap3A_797 {strides = array<i32>} : memref<2x768xf32, #tpu.memory_space<vmem>>, vector<1x16xf32>,
    %get3A_798 = arith.constant 1 : i32
    %get3A_799 = arith.index_cast %get3A_798 : i32 to index
    %get3A_800 = arith.constant 608 : index
    %get3A_801 = tpu.vector_load %arg14[%get3A_799, %get3A_800] {strides = array<i32>} : memref<2x768xf32, #tpu.memory_space<vmem>>, vector<1x16xf32>,
    %get3A_802 = vector.shape_cast %get3A_801 : vector<1x16xf32> to vector<16xf32>
    %get3A_803 = arith.constant 0 : i32
    %get3A_804 = arith.index_cast %get3A_803 : i32 to index
    %get3A_805 = arith.constant 608 : index
    %get3A_806 = tpu.vector_load %arg14[%get3A_804, %get3A_805] {strides = array<i32>} : memref<2x768xf32, #tpu.memory_space<vmem>>, vector<1x16xf32>,
    %get3A_807 = vector.shape_cast %get3A_806 : vector<1x16xf32> to vector<16xf32>
    %sub3A_808 = arith.subf %get3A_802, %get3A_807 : vector<16xf32>
    %get3A_809 = arith.constant 608 : index
    %get3A_810 = tpu.vector_load %arg15[%get3A_809] {strides = array<i32>} : memref<768xf32, #tpu.memory_space<vmem>>, vector<16xf32>,
    %get3A_811 = vector.shape_cast %get3A_810 : vector<16xf32> to vector<16xf32>
    %mul3A_812 = arith.mulf %sub3A_808, %get3A_811 : vector<16xf32>
    %swap3A_813 = arith.constant 1 : i32
    %swap3A_814 = arith.index_cast %swap3A_813 : i32 to index
    %swap3A_815 = arith.constant 608 : index
    %swap3A_816 = tpu.vector_load %arg14[%swap3A_814, %swap3A_815] {strides = array<i32>} : memref<2x768xf32, #tpu.memory_space<vmem>>, vector<1x16xf32>,
    %swap3A_817 = vector.shape_cast %swap3A_816 : vector<1x16xf32> to vector<16xf32>
    %swap3A_818 = vector.shape_cast %mul3A_812 : vector<16xf32> to vector<1x16xf32>
    tpu.vector_store %arg14[%swap3A_814, %swap3A_815], %swap3A_818 {strides = array<i32>} : memref<2x768xf32, #tpu.memory_space<vmem>>, vector<1x16xf32>,
    %get3A_819 = arith.constant 1 : i32
    %get3A_820 = arith.index_cast %get3A_819 : i32 to index
    %get3A_821 = arith.constant 624 : index
    %get3A_822 = tpu.vector_load %arg14[%get3A_820, %get3A_821] {strides = array<i32>} : memref<2x768xf32, #tpu.memory_space<vmem>>, vector<1x16xf32>,
    %get3A_823 = vector.shape_cast %get3A_822 : vector<1x16xf32> to vector<16xf32>
    %get3A_824 = arith.constant 0 : i32
    %get3A_825 = arith.index_cast %get3A_824 : i32 to index
    %get3A_826 = arith.constant 624 : index
    %get3A_827 = tpu.vector_load %arg14[%get3A_825, %get3A_826] {strides = array<i32>} : memref<2x768xf32, #tpu.memory_space<vmem>>, vector<1x16xf32>,
    %get3A_828 = vector.shape_cast %get3A_827 : vector<1x16xf32> to vector<16xf32>
    %sub3A_829 = arith.subf %get3A_823, %get3A_828 : vector<16xf32>
    %get3A_830 = arith.constant 624 : index
    %get3A_831 = tpu.vector_load %arg15[%get3A_830] {strides = array<i32>} : memref<768xf32, #tpu.memory_space<vmem>>, vector<16xf32>,
    %get3A_832 = vector.shape_cast %get3A_831 : vector<16xf32> to vector<16xf32>
    %mul3A_833 = arith.mulf %sub3A_829, %get3A_832 : vector<16xf32>
    %swap3A_834 = arith.constant 1 : i32
    %swap3A_835 = arith.index_cast %swap3A_834 : i32 to index
    %swap3A_836 = arith.constant 624 : index
    %swap3A_837 = tpu.vector_load %arg14[%swap3A_835, %swap3A_836] {strides = array<i32>} : memref<2x768xf32, #tpu.memory_space<vmem>>, vector<1x16xf32>,
    %swap3A_838 = vector.shape_cast %swap3A_837 : vector<1x16xf32> to vector<16xf32>
    %swap3A_839 = vector.shape_cast %mul3A_833 : vector<16xf32> to vector<1x16xf32>
    tpu.vector_store %arg14[%swap3A_835, %swap3A_836], %swap3A_839 {strides = array<i32>} : memref<2x768xf32, #tpu.memory_space<vmem>>, vector<1x16xf32>,
    %get3A_840 = arith.constant 1 : i32
    %get3A_841 = arith.index_cast %get3A_840 : i32 to index
    %get3A_842 = arith.constant 640 : index
    %get3A_843 = tpu.vector_load %arg14[%get3A_841, %get3A_842] {strides = array<i32>} : memref<2x768xf32, #tpu.memory_space<vmem>>, vector<1x16xf32>,
    %get3A_844 = vector.shape_cast %get3A_843 : vector<1x16xf32> to vector<16xf32>
    %get3A_845 = arith.constant 0 : i32
    %get3A_846 = arith.index_cast %get3A_845 : i32 to index
    %get3A_847 = arith.constant 640 : index
    %get3A_848 = tpu.vector_load %arg14[%get3A_846, %get3A_847] {strides = array<i32>} : memref<2x768xf32, #tpu.memory_space<vmem>>, vector<1x16xf32>,
    %get3A_849 = vector.shape_cast %get3A_848 : vector<1x16xf32> to vector<16xf32>
    %sub3A_850 = arith.subf %get3A_844, %get3A_849 : vector<16xf32>
    %get3A_851 = arith.constant 640 : index
    %get3A_852 = tpu.vector_load %arg15[%get3A_851] {strides = array<i32>} : memref<768xf32, #tpu.memory_space<vmem>>, vector<16xf32>,
    %get3A_853 = vector.shape_cast %get3A_852 : vector<16xf32> to vector<16xf32>
    %mul3A_854 = arith.mulf %sub3A_850, %get3A_853 : vector<16xf32>
    %swap3A_855 = arith.constant 1 : i32
    %swap3A_856 = arith.index_cast %swap3A_855 : i32 to index
    %swap3A_857 = arith.constant 640 : index
    %swap3A_858 = tpu.vector_load %arg14[%swap3A_856, %swap3A_857] {strides = array<i32>} : memref<2x768xf32, #tpu.memory_space<vmem>>, vector<1x16xf32>,
    %swap3A_859 = vector.shape_cast %swap3A_858 : vector<1x16xf32> to vector<16xf32>
    %swap3A_860 = vector.shape_cast %mul3A_854 : vector<16xf32> to vector<1x16xf32>
    tpu.vector_store %arg14[%swap3A_856, %swap3A_857], %swap3A_860 {strides = array<i32>} : memref<2x768xf32, #tpu.memory_space<vmem>>, vector<1x16xf32>,
    %get3A_861 = arith.constant 1 : i32
    %get3A_862 = arith.index_cast %get3A_861 : i32 to index
    %get3A_863 = arith.constant 656 : index
    %get3A_864 = tpu.vector_load %arg14[%get3A_862, %get3A_863] {strides = array<i32>} : memref<2x768xf32, #tpu.memory_space<vmem>>, vector<1x16xf32>,
    %get3A_865 = vector.shape_cast %get3A_864 : vector<1x16xf32> to vector<16xf32>
    %get3A_866 = arith.constant 0 : i32
    %get3A_867 = arith.index_cast %get3A_866 : i32 to index
    %get3A_868 = arith.constant 656 : index
    %get3A_869 = tpu.vector_load %arg14[%get3A_867, %get3A_868] {strides = array<i32>} : memref<2x768xf32, #tpu.memory_space<vmem>>, vector<1x16xf32>,
    %get3A_870 = vector.shape_cast %get3A_869 : vector<1x16xf32> to vector<16xf32>
    %sub3A_871 = arith.subf %get3A_865, %get3A_870 : vector<16xf32>
    %get3A_872 = arith.constant 656 : index
    %get3A_873 = tpu.vector_load %arg15[%get3A_872] {strides = array<i32>} : memref<768xf32, #tpu.memory_space<vmem>>, vector<16xf32>,
    %get3A_874 = vector.shape_cast %get3A_873 : vector<16xf32> to vector<16xf32>
    %mul3A_875 = arith.mulf %sub3A_871, %get3A_874 : vector<16xf32>
    %swap3A_876 = arith.constant 1 : i32
    %swap3A_877 = arith.index_cast %swap3A_876 : i32 to index
    %swap3A_878 = arith.constant 656 : index
    %swap3A_879 = tpu.vector_load %arg14[%swap3A_877, %swap3A_878] {strides = array<i32>} : memref<2x768xf32, #tpu.memory_space<vmem>>, vector<1x16xf32>,
    %swap3A_880 = vector.shape_cast %swap3A_879 : vector<1x16xf32> to vector<16xf32>
    %swap3A_881 = vector.shape_cast %mul3A_875 : vector<16xf32> to vector<1x16xf32>
    tpu.vector_store %arg14[%swap3A_877, %swap3A_878], %swap3A_881 {strides = array<i32>} : memref<2x768xf32, #tpu.memory_space<vmem>>, vector<1x16xf32>,
    %get3A_882 = arith.constant 1 : i32
    %get3A_883 = arith.index_cast %get3A_882 : i32 to index
    %get3A_884 = arith.constant 672 : index
    %get3A_885 = tpu.vector_load %arg14[%get3A_883, %get3A_884] {strides = array<i32>} : memref<2x768xf32, #tpu.memory_space<vmem>>, vector<1x16xf32>,
    %get3A_886 = vector.shape_cast %get3A_885 : vector<1x16xf32> to vector<16xf32>
    %get3A_887 = arith.constant 0 : i32
    %get3A_888 = arith.index_cast %get3A_887 : i32 to index
    %get3A_889 = arith.constant 672 : index
    %get3A_890 = tpu.vector_load %arg14[%get3A_888, %get3A_889] {strides = array<i32>} : memref<2x768xf32, #tpu.memory_space<vmem>>, vector<1x16xf32>,
    %get3A_891 = vector.shape_cast %get3A_890 : vector<1x16xf32> to vector<16xf32>
    %sub3A_892 = arith.subf %get3A_886, %get3A_891 : vector<16xf32>
    %get3A_893 = arith.constant 672 : index
    %get3A_894 = tpu.vector_load %arg15[%get3A_893] {strides = array<i32>} : memref<768xf32, #tpu.memory_space<vmem>>, vector<16xf32>,
    %get3A_895 = vector.shape_cast %get3A_894 : vector<16xf32> to vector<16xf32>
    %mul3A_896 = arith.mulf %sub3A_892, %get3A_895 : vector<16xf32>
    %swap3A_897 = arith.constant 1 : i32
    %swap3A_898 = arith.index_cast %swap3A_897 : i32 to index
    %swap3A_899 = arith.constant 672 : index
    %swap3A_900 = tpu.vector_load %arg14[%swap3A_898, %swap3A_899] {strides = array<i32>} : memref<2x768xf32, #tpu.memory_space<vmem>>, vector<1x16xf32>,
    %swap3A_901 = vector.shape_cast %swap3A_900 : vector<1x16xf32> to vector<16xf32>
    %swap3A_902 = vector.shape_cast %mul3A_896 : vector<16xf32> to vector<1x16xf32>
    tpu.vector_store %arg14[%swap3A_898, %swap3A_899], %swap3A_902 {strides = array<i32>} : memref<2x768xf32, #tpu.memory_space<vmem>>, vector<1x16xf32>,
    %get3A_903 = arith.constant 1 : i32
    %get3A_904 = arith.index_cast %get3A_903 : i32 to index
    %get3A_905 = arith.constant 688 : index
    %get3A_906 = tpu.vector_load %arg14[%get3A_904, %get3A_905] {strides = array<i32>} : memref<2x768xf32, #tpu.memory_space<vmem>>, vector<1x16xf32>,
    %get3A_907 = vector.shape_cast %get3A_906 : vector<1x16xf32> to vector<16xf32>
    %get3A_908 = arith.constant 0 : i32
    %get3A_909 = arith.index_cast %get3A_908 : i32 to index
    %get3A_910 = arith.constant 688 : index
    %get3A_911 = tpu.vector_load %arg14[%get3A_909, %get3A_910] {strides = array<i32>} : memref<2x768xf32, #tpu.memory_space<vmem>>, vector<1x16xf32>,
    %get3A_912 = vector.shape_cast %get3A_911 : vector<1x16xf32> to vector<16xf32>
    %sub3A_913 = arith.subf %get3A_907, %get3A_912 : vector<16xf32>
    %get3A_914 = arith.constant 688 : index
    %get3A_915 = tpu.vector_load %arg15[%get3A_914] {strides = array<i32>} : memref<768xf32, #tpu.memory_space<vmem>>, vector<16xf32>,
    %get3A_916 = vector.shape_cast %get3A_915 : vector<16xf32> to vector<16xf32>
    %mul3A_917 = arith.mulf %sub3A_913, %get3A_916 : vector<16xf32>
    %swap3A_918 = arith.constant 1 : i32
    %swap3A_919 = arith.index_cast %swap3A_918 : i32 to index
    %swap3A_920 = arith.constant 688 : index
    %swap3A_921 = tpu.vector_load %arg14[%swap3A_919, %swap3A_920] {strides = array<i32>} : memref<2x768xf32, #tpu.memory_space<vmem>>, vector<1x16xf32>,
    %swap3A_922 = vector.shape_cast %swap3A_921 : vector<1x16xf32> to vector<16xf32>
    %swap3A_923 = vector.shape_cast %mul3A_917 : vector<16xf32> to vector<1x16xf32>
    tpu.vector_store %arg14[%swap3A_919, %swap3A_920], %swap3A_923 {strides = array<i32>} : memref<2x768xf32, #tpu.memory_space<vmem>>, vector<1x16xf32>,
    %get3A_924 = arith.constant 1 : i32
    %get3A_925 = arith.index_cast %get3A_924 : i32 to index
    %get3A_926 = arith.constant 704 : index
    %get3A_927 = tpu.vector_load %arg14[%get3A_925, %get3A_926] {strides = array<i32>} : memref<2x768xf32, #tpu.memory_space<vmem>>, vector<1x16xf32>,
    %get3A_928 = vector.shape_cast %get3A_927 : vector<1x16xf32> to vector<16xf32>
    %get3A_929 = arith.constant 0 : i32
    %get3A_930 = arith.index_cast %get3A_929 : i32 to index
    %get3A_931 = arith.constant 704 : index
    %get3A_932 = tpu.vector_load %arg14[%get3A_930, %get3A_931] {strides = array<i32>} : memref<2x768xf32, #tpu.memory_space<vmem>>, vector<1x16xf32>,
    %get3A_933 = vector.shape_cast %get3A_932 : vector<1x16xf32> to vector<16xf32>
    %sub3A_934 = arith.subf %get3A_928, %get3A_933 : vector<16xf32>
    %get3A_935 = arith.constant 704 : index
    %get3A_936 = tpu.vector_load %arg15[%get3A_935] {strides = array<i32>} : memref<768xf32, #tpu.memory_space<vmem>>, vector<16xf32>,
    %get3A_937 = vector.shape_cast %get3A_936 : vector<16xf32> to vector<16xf32>
    %mul3A_938 = arith.mulf %sub3A_934, %get3A_937 : vector<16xf32>
    %swap3A_939 = arith.constant 1 : i32
    %swap3A_940 = arith.index_cast %swap3A_939 : i32 to index
    %swap3A_941 = arith.constant 704 : index
    %swap3A_942 = tpu.vector_load %arg14[%swap3A_940, %swap3A_941] {strides = array<i32>} : memref<2x768xf32, #tpu.memory_space<vmem>>, vector<1x16xf32>,
    %swap3A_943 = vector.shape_cast %swap3A_942 : vector<1x16xf32> to vector<16xf32>
    %swap3A_944 = vector.shape_cast %mul3A_938 : vector<16xf32> to vector<1x16xf32>
    tpu.vector_store %arg14[%swap3A_940, %swap3A_941], %swap3A_944 {strides = array<i32>} : memref<2x768xf32, #tpu.memory_space<vmem>>, vector<1x16xf32>,
    %get3A_945 = arith.constant 1 : i32
    %get3A_946 = arith.index_cast %get3A_945 : i32 to index
    %get3A_947 = arith.constant 720 : index
    %get3A_948 = tpu.vector_load %arg14[%get3A_946, %get3A_947] {strides = array<i32>} : memref<2x768xf32, #tpu.memory_space<vmem>>, vector<1x16xf32>,
    %get3A_949 = vector.shape_cast %get3A_948 : vector<1x16xf32> to vector<16xf32>
    %get3A_950 = arith.constant 0 : i32
    %get3A_951 = arith.index_cast %get3A_950 : i32 to index
    %get3A_952 = arith.constant 720 : index
    %get3A_953 = tpu.vector_load %arg14[%get3A_951, %get3A_952] {strides = array<i32>} : memref<2x768xf32, #tpu.memory_space<vmem>>, vector<1x16xf32>,
    %get3A_954 = vector.shape_cast %get3A_953 : vector<1x16xf32> to vector<16xf32>
    %sub3A_955 = arith.subf %get3A_949, %get3A_954 : vector<16xf32>
    %get3A_956 = arith.constant 720 : index
    %get3A_957 = tpu.vector_load %arg15[%get3A_956] {strides = array<i32>} : memref<768xf32, #tpu.memory_space<vmem>>, vector<16xf32>,
    %get3A_958 = vector.shape_cast %get3A_957 : vector<16xf32> to vector<16xf32>
    %mul3A_959 = arith.mulf %sub3A_955, %get3A_958 : vector<16xf32>
    %swap3A_960 = arith.constant 1 : i32
    %swap3A_961 = arith.index_cast %swap3A_960 : i32 to index
    %swap3A_962 = arith.constant 720 : index
    %swap3A_963 = tpu.vector_load %arg14[%swap3A_961, %swap3A_962] {strides = array<i32>} : memref<2x768xf32, #tpu.memory_space<vmem>>, vector<1x16xf32>,
    %swap3A_964 = vector.shape_cast %swap3A_963 : vector<1x16xf32> to vector<16xf32>
    %swap3A_965 = vector.shape_cast %mul3A_959 : vector<16xf32> to vector<1x16xf32>
    tpu.vector_store %arg14[%swap3A_961, %swap3A_962], %swap3A_965 {strides = array<i32>} : memref<2x768xf32, #tpu.memory_space<vmem>>, vector<1x16xf32>,
    %get3A_966 = arith.constant 1 : i32
    %get3A_967 = arith.index_cast %get3A_966 : i32 to index
    %get3A_968 = arith.constant 736 : index
    %get3A_969 = tpu.vector_load %arg14[%get3A_967, %get3A_968] {strides = array<i32>} : memref<2x768xf32, #tpu.memory_space<vmem>>, vector<1x16xf32>,
    %get3A_970 = vector.shape_cast %get3A_969 : vector<1x16xf32> to vector<16xf32>
    %get3A_971 = arith.constant 0 : i32
    %get3A_972 = arith.index_cast %get3A_971 : i32 to index
    %get3A_973 = arith.constant 736 : index
    %get3A_974 = tpu.vector_load %arg14[%get3A_972, %get3A_973] {strides = array<i32>} : memref<2x768xf32, #tpu.memory_space<vmem>>, vector<1x16xf32>,
    %get3A_975 = vector.shape_cast %get3A_974 : vector<1x16xf32> to vector<16xf32>
    %sub3A_976 = arith.subf %get3A_970, %get3A_975 : vector<16xf32>
    %get3A_977 = arith.constant 736 : index
    %get3A_978 = tpu.vector_load %arg15[%get3A_977] {strides = array<i32>} : memref<768xf32, #tpu.memory_space<vmem>>, vector<16xf32>,
    %get3A_979 = vector.shape_cast %get3A_978 : vector<16xf32> to vector<16xf32>
    %mul3A_980 = arith.mulf %sub3A_976, %get3A_979 : vector<16xf32>
    %swap3A_981 = arith.constant 1 : i32
    %swap3A_982 = arith.index_cast %swap3A_981 : i32 to index
    %swap3A_983 = arith.constant 736 : index
    %swap3A_984 = tpu.vector_load %arg14[%swap3A_982, %swap3A_983] {strides = array<i32>} : memref<2x768xf32, #tpu.memory_space<vmem>>, vector<1x16xf32>,
    %swap3A_985 = vector.shape_cast %swap3A_984 : vector<1x16xf32> to vector<16xf32>
    %swap3A_986 = vector.shape_cast %mul3A_980 : vector<16xf32> to vector<1x16xf32>
    tpu.vector_store %arg14[%swap3A_982, %swap3A_983], %swap3A_986 {strides = array<i32>} : memref<2x768xf32, #tpu.memory_space<vmem>>, vector<1x16xf32>,
    %get3A_987 = arith.constant 1 : i32
    %get3A_988 = arith.index_cast %get3A_987 : i32 to index
    %get3A_989 = arith.constant 752 : index
    %get3A_990 = tpu.vector_load %arg14[%get3A_988, %get3A_989] {strides = array<i32>} : memref<2x768xf32, #tpu.memory_space<vmem>>, vector<1x16xf32>,
    %get3A_991 = vector.shape_cast %get3A_990 : vector<1x16xf32> to vector<16xf32>
    %get3A_992 = arith.constant 0 : i32
    %get3A_993 = arith.index_cast %get3A_992 : i32 to index
    %get3A_994 = arith.constant 752 : index
    %get3A_995 = tpu.vector_load %arg14[%get3A_993, %get3A_994] {strides = array<i32>} : memref<2x768xf32, #tpu.memory_space<vmem>>, vector<1x16xf32>,
    %get3A_996 = vector.shape_cast %get3A_995 : vector<1x16xf32> to vector<16xf32>
    %sub3A_997 = arith.subf %get3A_991, %get3A_996 : vector<16xf32>
    %get3A_998 = arith.constant 752 : index
    %get3A_999 = tpu.vector_load %arg15[%get3A_998] {strides = array<i32>} : memref<768xf32, #tpu.memory_space<vmem>>, vector<16xf32>,
    %get3A_1000 = vector.shape_cast %get3A_999 : vector<16xf32> to vector<16xf32>
    %mul3A_1001 = arith.mulf %sub3A_997, %get3A_1000 : vector<16xf32>
    %swap3A_1002 = arith.constant 1 : i32
    %swap3A_1003 = arith.index_cast %swap3A_1002 : i32 to index
    %swap3A_1004 = arith.constant 752 : index
    %swap3A_1005 = tpu.vector_load %arg14[%swap3A_1003, %swap3A_1004] {strides = array<i32>} : memref<2x768xf32, #tpu.memory_space<vmem>>, vector<1x16xf32>,
    %swap3A_1006 = vector.shape_cast %swap3A_1005 : vector<1x16xf32> to vector<16xf32>
    %swap3A_1007 = vector.shape_cast %mul3A_1001 : vector<16xf32> to vector<1x16xf32>
    tpu.vector_store %arg14[%swap3A_1003, %swap3A_1004], %swap3A_1007 {strides = array<i32>} : memref<2x768xf32, #tpu.memory_space<vmem>>, vector<1x16xf32>,
    %parallel_loop3A = arith.constant 0 : i32
    %parallel_loop3A_1008 = arith.constant 16 : i32
    %parallel_loop3A_1009 = arith.constant 1 : i32
    scf.for %parallel_loop3A_1040 = %parallel_loop3A to %parallel_loop3A_1008 step %parallel_loop3A_1009  : i32 {
      %parallel_loop3A_1041 = arith.index_cast %parallel_loop3A_1040 : i32 to index
      %parallel_loop3A_1042 = arith.constant 0 : index
      %parallel_loop3A_1043 = tpu.vector_load %arg13[%parallel_loop3A_1041, %parallel_loop3A_1042] {strides = array<i32>} : memref<16x768xf32, #tpu.memory_space<vmem>>, vector<1x16xf32>,
      %parallel_loop3A_1044 = vector.shape_cast %parallel_loop3A_1043 : vector<1x16xf32> to vector<16xf32>
      %parallel_loop3A_1045 = arith.constant 0 : i32
      %parallel_loop3A_1046 = arith.index_cast %parallel_loop3A_1045 : i32 to index
      %parallel_loop3A_1047 = arith.constant 0 : index
      %parallel_loop3A_1048 = tpu.vector_load %arg14[%parallel_loop3A_1046, %parallel_loop3A_1047] {strides = array<i32>} : memref<2x768xf32, #tpu.memory_space<vmem>>, vector<1x16xf32>,
      %parallel_loop3A_1049 = vector.shape_cast %parallel_loop3A_1048 : vector<1x16xf32> to vector<16xf32>
      %parallel_loop3A_1050 = arith.addf %parallel_loop3A_1044, %parallel_loop3A_1049 : vector<16xf32>
      %parallel_loop3A_1051 = arith.constant 0 : index
      %parallel_loop3A_1052 = tpu.vector_load %arg17[%parallel_loop3A_1051] {strides = array<i32>} : memref<768xf32, #tpu.memory_space<vmem>>, vector<16xf32>,
      %parallel_loop3A_1053 = vector.shape_cast %parallel_loop3A_1052 : vector<16xf32> to vector<16xf32>
      %parallel_loop3A_1054 = arith.subf %parallel_loop3A_1050, %parallel_loop3A_1053 : vector<16xf32>
      %parallel_loop3A_1055 = arith.constant 0 : index
      %parallel_loop3A_1056 = tpu.vector_load %arg15[%parallel_loop3A_1055] {strides = array<i32>} : memref<768xf32, #tpu.memory_space<vmem>>, vector<16xf32>,
      %parallel_loop3A_1057 = vector.shape_cast %parallel_loop3A_1056 : vector<16xf32> to vector<16xf32>
      %parallel_loop3A_1058 = arith.mulf %parallel_loop3A_1054, %parallel_loop3A_1057 : vector<16xf32>
      %parallel_loop3A_1059 = arith.constant 0 : index
      %parallel_loop3A_1060 = tpu.vector_load %arg16[%parallel_loop3A_1059] {strides = array<i32>} : memref<768xf32, #tpu.memory_space<vmem>>, vector<16xf32>,
      %parallel_loop3A_1061 = vector.shape_cast %parallel_loop3A_1060 : vector<16xf32> to vector<16xf32>
      %parallel_loop3A_1062 = arith.addf %parallel_loop3A_1058, %parallel_loop3A_1061 : vector<16xf32>
      %parallel_loop3A_1063 = arith.index_cast %parallel_loop3A_1040 : i32 to index
      %parallel_loop3A_1064 = arith.constant 0 : index
      %parallel_loop3A_1065 = tpu.vector_load %arg13[%parallel_loop3A_1063, %parallel_loop3A_1064] {strides = array<i32>} : memref<16x768xf32, #tpu.memory_space<vmem>>, vector<1x16xf32>,
      %parallel_loop3A_1066 = vector.shape_cast %parallel_loop3A_1065 : vector<1x16xf32> to vector<16xf32>
      %parallel_loop3A_1067 = vector.shape_cast %parallel_loop3A_1062 : vector<16xf32> to vector<1x16xf32>
      tpu.vector_store %arg13[%parallel_loop3A_1063, %parallel_loop3A_1064], %parallel_loop3A_1067 {strides = array<i32>} : memref<16x768xf32, #tpu.memory_space<vmem>>, vector<1x16xf32>,
      %parallel_loop3A_1068 = arith.index_cast %parallel_loop3A_1040 : i32 to index
      %parallel_loop3A_1069 = arith.constant 16 : index
      %parallel_loop3A_1070 = tpu.vector_load %arg13[%parallel_loop3A_1068, %parallel_loop3A_1069] {strides = array<i32>} : memref<16x768xf32, #tpu.memory_space<vmem>>, vector<1x16xf32>,
      %parallel_loop3A_1071 = vector.shape_cast %parallel_loop3A_1070 : vector<1x16xf32> to vector<16xf32>
      %parallel_loop3A_1072 = arith.constant 0 : i32
      %parallel_loop3A_1073 = arith.index_cast %parallel_loop3A_1072 : i32 to index
      %parallel_loop3A_1074 = arith.constant 16 : index
      %parallel_loop3A_1075 = tpu.vector_load %arg14[%parallel_loop3A_1073, %parallel_loop3A_1074] {strides = array<i32>} : memref<2x768xf32, #tpu.memory_space<vmem>>, vector<1x16xf32>,
      %parallel_loop3A_1076 = vector.shape_cast %parallel_loop3A_1075 : vector<1x16xf32> to vector<16xf32>
      %parallel_loop3A_1077 = arith.addf %parallel_loop3A_1071, %parallel_loop3A_1076 : vector<16xf32>
      %parallel_loop3A_1078 = arith.constant 16 : index
      %parallel_loop3A_1079 = tpu.vector_load %arg17[%parallel_loop3A_1078] {strides = array<i32>} : memref<768xf32, #tpu.memory_space<vmem>>, vector<16xf32>,
      %parallel_loop3A_1080 = vector.shape_cast %parallel_loop3A_1079 : vector<16xf32> to vector<16xf32>
      %parallel_loop3A_1081 = arith.subf %parallel_loop3A_1077, %parallel_loop3A_1080 : vector<16xf32>
      %parallel_loop3A_1082 = arith.constant 16 : index
      %parallel_loop3A_1083 = tpu.vector_load %arg15[%parallel_loop3A_1082] {strides = array<i32>} : memref<768xf32, #tpu.memory_space<vmem>>, vector<16xf32>,
      %parallel_loop3A_1084 = vector.shape_cast %parallel_loop3A_1083 : vector<16xf32> to vector<16xf32>
      %parallel_loop3A_1085 = arith.mulf %parallel_loop3A_1081, %parallel_loop3A_1084 : vector<16xf32>
      %parallel_loop3A_1086 = arith.constant 16 : index
      %parallel_loop3A_1087 = tpu.vector_load %arg16[%parallel_loop3A_1086] {strides = array<i32>} : memref<768xf32, #tpu.memory_space<vmem>>, vector<16xf32>,
      %parallel_loop3A_1088 = vector.shape_cast %parallel_loop3A_1087 : vector<16xf32> to vector<16xf32>
      %parallel_loop3A_1089 = arith.addf %parallel_loop3A_1085, %parallel_loop3A_1088 : vector<16xf32>
      %parallel_loop3A_1090 = arith.index_cast %parallel_loop3A_1040 : i32 to index
      %parallel_loop3A_1091 = arith.constant 16 : index
      %parallel_loop3A_1092 = tpu.vector_load %arg13[%parallel_loop3A_1090, %parallel_loop3A_1091] {strides = array<i32>} : memref<16x768xf32, #tpu.memory_space<vmem>>, vector<1x16xf32>,
      %parallel_loop3A_1093 = vector.shape_cast %parallel_loop3A_1092 : vector<1x16xf32> to vector<16xf32>
      %parallel_loop3A_1094 = vector.shape_cast %parallel_loop3A_1089 : vector<16xf32> to vector<1x16xf32>
      tpu.vector_store %arg13[%parallel_loop3A_1090, %parallel_loop3A_1091], %parallel_loop3A_1094 {strides = array<i32>} : memref<16x768xf32, #tpu.memory_space<vmem>>, vector<1x16xf32>,
      %parallel_loop3A_1095 = arith.index_cast %parallel_loop3A_1040 : i32 to index
      %parallel_loop3A_1096 = arith.constant 32 : index
      %parallel_loop3A_1097 = tpu.vector_load %arg13[%parallel_loop3A_1095, %parallel_loop3A_1096] {strides = array<i32>} : memref<16x768xf32, #tpu.memory_space<vmem>>, vector<1x16xf32>,
      %parallel_loop3A_1098 = vector.shape_cast %parallel_loop3A_1097 : vector<1x16xf32> to vector<16xf32>
      %parallel_loop3A_1099 = arith.constant 0 : i32
      %parallel_loop3A_1100 = arith.index_cast %parallel_loop3A_1099 : i32 to index
      %parallel_loop3A_1101 = arith.constant 32 : index
      %parallel_loop3A_1102 = tpu.vector_load %arg14[%parallel_loop3A_1100, %parallel_loop3A_1101] {strides = array<i32>} : memref<2x768xf32, #tpu.memory_space<vmem>>, vector<1x16xf32>,
      %parallel_loop3A_1103 = vector.shape_cast %parallel_loop3A_1102 : vector<1x16xf32> to vector<16xf32>
      %parallel_loop3A_1104 = arith.addf %parallel_loop3A_1098, %parallel_loop3A_1103 : vector<16xf32>
      %parallel_loop3A_1105 = arith.constant 32 : index
      %parallel_loop3A_1106 = tpu.vector_load %arg17[%parallel_loop3A_1105] {strides = array<i32>} : memref<768xf32, #tpu.memory_space<vmem>>, vector<16xf32>,
      %parallel_loop3A_1107 = vector.shape_cast %parallel_loop3A_1106 : vector<16xf32> to vector<16xf32>
      %parallel_loop3A_1108 = arith.subf %parallel_loop3A_1104, %parallel_loop3A_1107 : vector<16xf32>
      %parallel_loop3A_1109 = arith.constant 32 : index
      %parallel_loop3A_1110 = tpu.vector_load %arg15[%parallel_loop3A_1109] {strides = array<i32>} : memref<768xf32, #tpu.memory_space<vmem>>, vector<16xf32>,
      %parallel_loop3A_1111 = vector.shape_cast %parallel_loop3A_1110 : vector<16xf32> to vector<16xf32>
      %parallel_loop3A_1112 = arith.mulf %parallel_loop3A_1108, %parallel_loop3A_1111 : vector<16xf32>
      %parallel_loop3A_1113 = arith.constant 32 : index
      %parallel_loop3A_1114 = tpu.vector_load %arg16[%parallel_loop3A_1113] {strides = array<i32>} : memref<768xf32, #tpu.memory_space<vmem>>, vector<16xf32>,
      %parallel_loop3A_1115 = vector.shape_cast %parallel_loop3A_1114 : vector<16xf32> to vector<16xf32>
      %parallel_loop3A_1116 = arith.addf %parallel_loop3A_1112, %parallel_loop3A_1115 : vector<16xf32>
      %parallel_loop3A_1117 = arith.index_cast %parallel_loop3A_1040 : i32 to index
      %parallel_loop3A_1118 = arith.constant 32 : index
      %parallel_loop3A_1119 = tpu.vector_load %arg13[%parallel_loop3A_1117, %parallel_loop3A_1118] {strides = array<i32>} : memref<16x768xf32, #tpu.memory_space<vmem>>, vector<1x16xf32>,
      %parallel_loop3A_1120 = vector.shape_cast %parallel_loop3A_1119 : vector<1x16xf32> to vector<16xf32>
      %parallel_loop3A_1121 = vector.shape_cast %parallel_loop3A_1116 : vector<16xf32> to vector<1x16xf32>
      tpu.vector_store %arg13[%parallel_loop3A_1117, %parallel_loop3A_1118], %parallel_loop3A_1121 {strides = array<i32>} : memref<16x768xf32, #tpu.memory_space<vmem>>, vector<1x16xf32>,
      %parallel_loop3A_1122 = arith.index_cast %parallel_loop3A_1040 : i32 to index
      %parallel_loop3A_1123 = arith.constant 48 : index
      %parallel_loop3A_1124 = tpu.vector_load %arg13[%parallel_loop3A_1122, %parallel_loop3A_1123] {strides = array<i32>} : memref<16x768xf32, #tpu.memory_space<vmem>>, vector<1x16xf32>,
      %parallel_loop3A_1125 = vector.shape_cast %parallel_loop3A_1124 : vector<1x16xf32> to vector<16xf32>
      %parallel_loop3A_1126 = arith.constant 0 : i32
      %parallel_loop3A_1127 = arith.index_cast %parallel_loop3A_1126 : i32 to index
      %parallel_loop3A_1128 = arith.constant 48 : index
      %parallel_loop3A_1129 = tpu.vector_load %arg14[%parallel_loop3A_1127, %parallel_loop3A_1128] {strides = array<i32>} : memref<2x768xf32, #tpu.memory_space<vmem>>, vector<1x16xf32>,
      %parallel_loop3A_1130 = vector.shape_cast %parallel_loop3A_1129 : vector<1x16xf32> to vector<16xf32>
      %parallel_loop3A_1131 = arith.addf %parallel_loop3A_1125, %parallel_loop3A_1130 : vector<16xf32>
      %parallel_loop3A_1132 = arith.constant 48 : index
      %parallel_loop3A_1133 = tpu.vector_load %arg17[%parallel_loop3A_1132] {strides = array<i32>} : memref<768xf32, #tpu.memory_space<vmem>>, vector<16xf32>,
      %parallel_loop3A_1134 = vector.shape_cast %parallel_loop3A_1133 : vector<16xf32> to vector<16xf32>
      %parallel_loop3A_1135 = arith.subf %parallel_loop3A_1131, %parallel_loop3A_1134 : vector<16xf32>
      %parallel_loop3A_1136 = arith.constant 48 : index
      %parallel_loop3A_1137 = tpu.vector_load %arg15[%parallel_loop3A_1136] {strides = array<i32>} : memref<768xf32, #tpu.memory_space<vmem>>, vector<16xf32>,
      %parallel_loop3A_1138 = vector.shape_cast %parallel_loop3A_1137 : vector<16xf32> to vector<16xf32>
      %parallel_loop3A_1139 = arith.mulf %parallel_loop3A_1135, %parallel_loop3A_1138 : vector<16xf32>
      %parallel_loop3A_1140 = arith.constant 48 : index
      %parallel_loop3A_1141 = tpu.vector_load %arg16[%parallel_loop3A_1140] {strides = array<i32>} : memref<768xf32, #tpu.memory_space<vmem>>, vector<16xf32>,
      %parallel_loop3A_1142 = vector.shape_cast %parallel_loop3A_1141 : vector<16xf32> to vector<16xf32>
      %parallel_loop3A_1143 = arith.addf %parallel_loop3A_1139, %parallel_loop3A_1142 : vector<16xf32>
      %parallel_loop3A_1144 = arith.index_cast %parallel_loop3A_1040 : i32 to index
      %parallel_loop3A_1145 = arith.constant 48 : index
      %parallel_loop3A_1146 = tpu.vector_load %arg13[%parallel_loop3A_1144, %parallel_loop3A_1145] {strides = array<i32>} : memref<16x768xf32, #tpu.memory_space<vmem>>, vector<1x16xf32>,
      %parallel_loop3A_1147 = vector.shape_cast %parallel_loop3A_1146 : vector<1x16xf32> to vector<16xf32>
      %parallel_loop3A_1148 = vector.shape_cast %parallel_loop3A_1143 : vector<16xf32> to vector<1x16xf32>
      tpu.vector_store %arg13[%parallel_loop3A_1144, %parallel_loop3A_1145], %parallel_loop3A_1148 {strides = array<i32>} : memref<16x768xf32, #tpu.memory_space<vmem>>, vector<1x16xf32>,
      %parallel_loop3A_1149 = arith.index_cast %parallel_loop3A_1040 : i32 to index
      %parallel_loop3A_1150 = arith.constant 64 : index
      %parallel_loop3A_1151 = tpu.vector_load %arg13[%parallel_loop3A_1149, %parallel_loop3A_1150] {strides = array<i32>} : memref<16x768xf32, #tpu.memory_space<vmem>>, vector<1x16xf32>,
      %parallel_loop3A_1152 = vector.shape_cast %parallel_loop3A_1151 : vector<1x16xf32> to vector<16xf32>
      %parallel_loop3A_1153 = arith.constant 0 : i32
      %parallel_loop3A_1154 = arith.index_cast %parallel_loop3A_1153 : i32 to index
      %parallel_loop3A_1155 = arith.constant 64 : index
      %parallel_loop3A_1156 = tpu.vector_load %arg14[%parallel_loop3A_1154, %parallel_loop3A_1155] {strides = array<i32>} : memref<2x768xf32, #tpu.memory_space<vmem>>, vector<1x16xf32>,
      %parallel_loop3A_1157 = vector.shape_cast %parallel_loop3A_1156 : vector<1x16xf32> to vector<16xf32>
      %parallel_loop3A_1158 = arith.addf %parallel_loop3A_1152, %parallel_loop3A_1157 : vector<16xf32>
      %parallel_loop3A_1159 = arith.constant 64 : index
      %parallel_loop3A_1160 = tpu.vector_load %arg17[%parallel_loop3A_1159] {strides = array<i32>} : memref<768xf32, #tpu.memory_space<vmem>>, vector<16xf32>,
      %parallel_loop3A_1161 = vector.shape_cast %parallel_loop3A_1160 : vector<16xf32> to vector<16xf32>
      %parallel_loop3A_1162 = arith.subf %parallel_loop3A_1158, %parallel_loop3A_1161 : vector<16xf32>
      %parallel_loop3A_1163 = arith.constant 64 : index
      %parallel_loop3A_1164 = tpu.vector_load %arg15[%parallel_loop3A_1163] {strides = array<i32>} : memref<768xf32, #tpu.memory_space<vmem>>, vector<16xf32>,
      %parallel_loop3A_1165 = vector.shape_cast %parallel_loop3A_1164 : vector<16xf32> to vector<16xf32>
      %parallel_loop3A_1166 = arith.mulf %parallel_loop3A_1162, %parallel_loop3A_1165 : vector<16xf32>
      %parallel_loop3A_1167 = arith.constant 64 : index
      %parallel_loop3A_1168 = tpu.vector_load %arg16[%parallel_loop3A_1167] {strides = array<i32>} : memref<768xf32, #tpu.memory_space<vmem>>, vector<16xf32>,
      %parallel_loop3A_1169 = vector.shape_cast %parallel_loop3A_1168 : vector<16xf32> to vector<16xf32>
      %parallel_loop3A_1170 = arith.addf %parallel_loop3A_1166, %parallel_loop3A_1169 : vector<16xf32>
      %parallel_loop3A_1171 = arith.index_cast %parallel_loop3A_1040 : i32 to index
      %parallel_loop3A_1172 = arith.constant 64 : index
      %parallel_loop3A_1173 = tpu.vector_load %arg13[%parallel_loop3A_1171, %parallel_loop3A_1172] {strides = array<i32>} : memref<16x768xf32, #tpu.memory_space<vmem>>, vector<1x16xf32>,
      %parallel_loop3A_1174 = vector.shape_cast %parallel_loop3A_1173 : vector<1x16xf32> to vector<16xf32>
      %parallel_loop3A_1175 = vector.shape_cast %parallel_loop3A_1170 : vector<16xf32> to vector<1x16xf32>
      tpu.vector_store %arg13[%parallel_loop3A_1171, %parallel_loop3A_1172], %parallel_loop3A_1175 {strides = array<i32>} : memref<16x768xf32, #tpu.memory_space<vmem>>, vector<1x16xf32>,
      %parallel_loop3A_1176 = arith.index_cast %parallel_loop3A_1040 : i32 to index
      %parallel_loop3A_1177 = arith.constant 80 : index
      %parallel_loop3A_1178 = tpu.vector_load %arg13[%parallel_loop3A_1176, %parallel_loop3A_1177] {strides = array<i32>} : memref<16x768xf32, #tpu.memory_space<vmem>>, vector<1x16xf32>,
      %parallel_loop3A_1179 = vector.shape_cast %parallel_loop3A_1178 : vector<1x16xf32> to vector<16xf32>
      %parallel_loop3A_1180 = arith.constant 0 : i32
      %parallel_loop3A_1181 = arith.index_cast %parallel_loop3A_1180 : i32 to index
      %parallel_loop3A_1182 = arith.constant 80 : index
      %parallel_loop3A_1183 = tpu.vector_load %arg14[%parallel_loop3A_1181, %parallel_loop3A_1182] {strides = array<i32>} : memref<2x768xf32, #tpu.memory_space<vmem>>, vector<1x16xf32>,
      %parallel_loop3A_1184 = vector.shape_cast %parallel_loop3A_1183 : vector<1x16xf32> to vector<16xf32>
      %parallel_loop3A_1185 = arith.addf %parallel_loop3A_1179, %parallel_loop3A_1184 : vector<16xf32>
      %parallel_loop3A_1186 = arith.constant 80 : index
      %parallel_loop3A_1187 = tpu.vector_load %arg17[%parallel_loop3A_1186] {strides = array<i32>} : memref<768xf32, #tpu.memory_space<vmem>>, vector<16xf32>,
      %parallel_loop3A_1188 = vector.shape_cast %parallel_loop3A_1187 : vector<16xf32> to vector<16xf32>
      %parallel_loop3A_1189 = arith.subf %parallel_loop3A_1185, %parallel_loop3A_1188 : vector<16xf32>
      %parallel_loop3A_1190 = arith.constant 80 : index
      %parallel_loop3A_1191 = tpu.vector_load %arg15[%parallel_loop3A_1190] {strides = array<i32>} : memref<768xf32, #tpu.memory_space<vmem>>, vector<16xf32>,
      %parallel_loop3A_1192 = vector.shape_cast %parallel_loop3A_1191 : vector<16xf32> to vector<16xf32>
      %parallel_loop3A_1193 = arith.mulf %parallel_loop3A_1189, %parallel_loop3A_1192 : vector<16xf32>
      %parallel_loop3A_1194 = arith.constant 80 : index
      %parallel_loop3A_1195 = tpu.vector_load %arg16[%parallel_loop3A_1194] {strides = array<i32>} : memref<768xf32, #tpu.memory_space<vmem>>, vector<16xf32>,
      %parallel_loop3A_1196 = vector.shape_cast %parallel_loop3A_1195 : vector<16xf32> to vector<16xf32>
      %parallel_loop3A_1197 = arith.addf %parallel_loop3A_1193, %parallel_loop3A_1196 : vector<16xf32>
      %parallel_loop3A_1198 = arith.index_cast %parallel_loop3A_1040 : i32 to index
      %parallel_loop3A_1199 = arith.constant 80 : index
      %parallel_loop3A_1200 = tpu.vector_load %arg13[%parallel_loop3A_1198, %parallel_loop3A_1199] {strides = array<i32>} : memref<16x768xf32, #tpu.memory_space<vmem>>, vector<1x16xf32>,
      %parallel_loop3A_1201 = vector.shape_cast %parallel_loop3A_1200 : vector<1x16xf32> to vector<16xf32>
      %parallel_loop3A_1202 = vector.shape_cast %parallel_loop3A_1197 : vector<16xf32> to vector<1x16xf32>
      tpu.vector_store %arg13[%parallel_loop3A_1198, %parallel_loop3A_1199], %parallel_loop3A_1202 {strides = array<i32>} : memref<16x768xf32, #tpu.memory_space<vmem>>, vector<1x16xf32>,
      %parallel_loop3A_1203 = arith.index_cast %parallel_loop3A_1040 : i32 to index
      %parallel_loop3A_1204 = arith.constant 96 : index
      %parallel_loop3A_1205 = tpu.vector_load %arg13[%parallel_loop3A_1203, %parallel_loop3A_1204] {strides = array<i32>} : memref<16x768xf32, #tpu.memory_space<vmem>>, vector<1x16xf32>,
      %parallel_loop3A_1206 = vector.shape_cast %parallel_loop3A_1205 : vector<1x16xf32> to vector<16xf32>
      %parallel_loop3A_1207 = arith.constant 0 : i32
      %parallel_loop3A_1208 = arith.index_cast %parallel_loop3A_1207 : i32 to index
      %parallel_loop3A_1209 = arith.constant 96 : index
      %parallel_loop3A_1210 = tpu.vector_load %arg14[%parallel_loop3A_1208, %parallel_loop3A_1209] {strides = array<i32>} : memref<2x768xf32, #tpu.memory_space<vmem>>, vector<1x16xf32>,
      %parallel_loop3A_1211 = vector.shape_cast %parallel_loop3A_1210 : vector<1x16xf32> to vector<16xf32>
      %parallel_loop3A_1212 = arith.addf %parallel_loop3A_1206, %parallel_loop3A_1211 : vector<16xf32>
      %parallel_loop3A_1213 = arith.constant 96 : index
      %parallel_loop3A_1214 = tpu.vector_load %arg17[%parallel_loop3A_1213] {strides = array<i32>} : memref<768xf32, #tpu.memory_space<vmem>>, vector<16xf32>,
      %parallel_loop3A_1215 = vector.shape_cast %parallel_loop3A_1214 : vector<16xf32> to vector<16xf32>
      %parallel_loop3A_1216 = arith.subf %parallel_loop3A_1212, %parallel_loop3A_1215 : vector<16xf32>
      %parallel_loop3A_1217 = arith.constant 96 : index
      %parallel_loop3A_1218 = tpu.vector_load %arg15[%parallel_loop3A_1217] {strides = array<i32>} : memref<768xf32, #tpu.memory_space<vmem>>, vector<16xf32>,
      %parallel_loop3A_1219 = vector.shape_cast %parallel_loop3A_1218 : vector<16xf32> to vector<16xf32>
      %parallel_loop3A_1220 = arith.mulf %parallel_loop3A_1216, %parallel_loop3A_1219 : vector<16xf32>
      %parallel_loop3A_1221 = arith.constant 96 : index
      %parallel_loop3A_1222 = tpu.vector_load %arg16[%parallel_loop3A_1221] {strides = array<i32>} : memref<768xf32, #tpu.memory_space<vmem>>, vector<16xf32>,
      %parallel_loop3A_1223 = vector.shape_cast %parallel_loop3A_1222 : vector<16xf32> to vector<16xf32>
      %parallel_loop3A_1224 = arith.addf %parallel_loop3A_1220, %parallel_loop3A_1223 : vector<16xf32>
      %parallel_loop3A_1225 = arith.index_cast %parallel_loop3A_1040 : i32 to index
      %parallel_loop3A_1226 = arith.constant 96 : index
      %parallel_loop3A_1227 = tpu.vector_load %arg13[%parallel_loop3A_1225, %parallel_loop3A_1226] {strides = array<i32>} : memref<16x768xf32, #tpu.memory_space<vmem>>, vector<1x16xf32>,
      %parallel_loop3A_1228 = vector.shape_cast %parallel_loop3A_1227 : vector<1x16xf32> to vector<16xf32>
      %parallel_loop3A_1229 = vector.shape_cast %parallel_loop3A_1224 : vector<16xf32> to vector<1x16xf32>
      tpu.vector_store %arg13[%parallel_loop3A_1225, %parallel_loop3A_1226], %parallel_loop3A_1229 {strides = array<i32>} : memref<16x768xf32, #tpu.memory_space<vmem>>, vector<1x16xf32>,
      %parallel_loop3A_1230 = arith.index_cast %parallel_loop3A_1040 : i32 to index
      %parallel_loop3A_1231 = arith.constant 112 : index
      %parallel_loop3A_1232 = tpu.vector_load %arg13[%parallel_loop3A_1230, %parallel_loop3A_1231] {strides = array<i32>} : memref<16x768xf32, #tpu.memory_space<vmem>>, vector<1x16xf32>,
      %parallel_loop3A_1233 = vector.shape_cast %parallel_loop3A_1232 : vector<1x16xf32> to vector<16xf32>
      %parallel_loop3A_1234 = arith.constant 0 : i32
      %parallel_loop3A_1235 = arith.index_cast %parallel_loop3A_1234 : i32 to index
      %parallel_loop3A_1236 = arith.constant 112 : index
      %parallel_loop3A_1237 = tpu.vector_load %arg14[%parallel_loop3A_1235, %parallel_loop3A_1236] {strides = array<i32>} : memref<2x768xf32, #tpu.memory_space<vmem>>, vector<1x16xf32>,
      %parallel_loop3A_1238 = vector.shape_cast %parallel_loop3A_1237 : vector<1x16xf32> to vector<16xf32>
      %parallel_loop3A_1239 = arith.addf %parallel_loop3A_1233, %parallel_loop3A_1238 : vector<16xf32>
      %parallel_loop3A_1240 = arith.constant 112 : index
      %parallel_loop3A_1241 = tpu.vector_load %arg17[%parallel_loop3A_1240] {strides = array<i32>} : memref<768xf32, #tpu.memory_space<vmem>>, vector<16xf32>,
      %parallel_loop3A_1242 = vector.shape_cast %parallel_loop3A_1241 : vector<16xf32> to vector<16xf32>
      %parallel_loop3A_1243 = arith.subf %parallel_loop3A_1239, %parallel_loop3A_1242 : vector<16xf32>
      %parallel_loop3A_1244 = arith.constant 112 : index
      %parallel_loop3A_1245 = tpu.vector_load %arg15[%parallel_loop3A_1244] {strides = array<i32>} : memref<768xf32, #tpu.memory_space<vmem>>, vector<16xf32>,
      %parallel_loop3A_1246 = vector.shape_cast %parallel_loop3A_1245 : vector<16xf32> to vector<16xf32>
      %parallel_loop3A_1247 = arith.mulf %parallel_loop3A_1243, %parallel_loop3A_1246 : vector<16xf32>
      %parallel_loop3A_1248 = arith.constant 112 : index
      %parallel_loop3A_1249 = tpu.vector_load %arg16[%parallel_loop3A_1248] {strides = array<i32>} : memref<768xf32, #tpu.memory_space<vmem>>, vector<16xf32>,
      %parallel_loop3A_1250 = vector.shape_cast %parallel_loop3A_1249 : vector<16xf32> to vector<16xf32>
      %parallel_loop3A_1251 = arith.addf %parallel_loop3A_1247, %parallel_loop3A_1250 : vector<16xf32>
      %parallel_loop3A_1252 = arith.index_cast %parallel_loop3A_1040 : i32 to index
      %parallel_loop3A_1253 = arith.constant 112 : index
      %parallel_loop3A_1254 = tpu.vector_load %arg13[%parallel_loop3A_1252, %parallel_loop3A_1253] {strides = array<i32>} : memref<16x768xf32, #tpu.memory_space<vmem>>, vector<1x16xf32>,
      %parallel_loop3A_1255 = vector.shape_cast %parallel_loop3A_1254 : vector<1x16xf32> to vector<16xf32>
      %parallel_loop3A_1256 = vector.shape_cast %parallel_loop3A_1251 : vector<16xf32> to vector<1x16xf32>
      tpu.vector_store %arg13[%parallel_loop3A_1252, %parallel_loop3A_1253], %parallel_loop3A_1256 {strides = array<i32>} : memref<16x768xf32, #tpu.memory_space<vmem>>, vector<1x16xf32>,
      %parallel_loop3A_1257 = arith.index_cast %parallel_loop3A_1040 : i32 to index
      %parallel_loop3A_1258 = arith.constant 128 : index
      %parallel_loop3A_1259 = tpu.vector_load %arg13[%parallel_loop3A_1257, %parallel_loop3A_1258] {strides = array<i32>} : memref<16x768xf32, #tpu.memory_space<vmem>>, vector<1x16xf32>,
      %parallel_loop3A_1260 = vector.shape_cast %parallel_loop3A_1259 : vector<1x16xf32> to vector<16xf32>
      %parallel_loop3A_1261 = arith.constant 0 : i32
      %parallel_loop3A_1262 = arith.index_cast %parallel_loop3A_1261 : i32 to index
      %parallel_loop3A_1263 = arith.constant 128 : index
      %parallel_loop3A_1264 = tpu.vector_load %arg14[%parallel_loop3A_1262, %parallel_loop3A_1263] {strides = array<i32>} : memref<2x768xf32, #tpu.memory_space<vmem>>, vector<1x16xf32>,
      %parallel_loop3A_1265 = vector.shape_cast %parallel_loop3A_1264 : vector<1x16xf32> to vector<16xf32>
      %parallel_loop3A_1266 = arith.addf %parallel_loop3A_1260, %parallel_loop3A_1265 : vector<16xf32>
      %parallel_loop3A_1267 = arith.constant 128 : index
      %parallel_loop3A_1268 = tpu.vector_load %arg17[%parallel_loop3A_1267] {strides = array<i32>} : memref<768xf32, #tpu.memory_space<vmem>>, vector<16xf32>,
      %parallel_loop3A_1269 = vector.shape_cast %parallel_loop3A_1268 : vector<16xf32> to vector<16xf32>
      %parallel_loop3A_1270 = arith.subf %parallel_loop3A_1266, %parallel_loop3A_1269 : vector<16xf32>
      %parallel_loop3A_1271 = arith.constant 128 : index
      %parallel_loop3A_1272 = tpu.vector_load %arg15[%parallel_loop3A_1271] {strides = array<i32>} : memref<768xf32, #tpu.memory_space<vmem>>, vector<16xf32>,
      %parallel_loop3A_1273 = vector.shape_cast %parallel_loop3A_1272 : vector<16xf32> to vector<16xf32>
      %parallel_loop3A_1274 = arith.mulf %parallel_loop3A_1270, %parallel_loop3A_1273 : vector<16xf32>
      %parallel_loop3A_1275 = arith.constant 128 : index
      %parallel_loop3A_1276 = tpu.vector_load %arg16[%parallel_loop3A_1275] {strides = array<i32>} : memref<768xf32, #tpu.memory_space<vmem>>, vector<16xf32>,
      %parallel_loop3A_1277 = vector.shape_cast %parallel_loop3A_1276 : vector<16xf32> to vector<16xf32>
      %parallel_loop3A_1278 = arith.addf %parallel_loop3A_1274, %parallel_loop3A_1277 : vector<16xf32>
      %parallel_loop3A_1279 = arith.index_cast %parallel_loop3A_1040 : i32 to index
      %parallel_loop3A_1280 = arith.constant 128 : index
      %parallel_loop3A_1281 = tpu.vector_load %arg13[%parallel_loop3A_1279, %parallel_loop3A_1280] {strides = array<i32>} : memref<16x768xf32, #tpu.memory_space<vmem>>, vector<1x16xf32>,
      %parallel_loop3A_1282 = vector.shape_cast %parallel_loop3A_1281 : vector<1x16xf32> to vector<16xf32>
      %parallel_loop3A_1283 = vector.shape_cast %parallel_loop3A_1278 : vector<16xf32> to vector<1x16xf32>
      tpu.vector_store %arg13[%parallel_loop3A_1279, %parallel_loop3A_1280], %parallel_loop3A_1283 {strides = array<i32>} : memref<16x768xf32, #tpu.memory_space<vmem>>, vector<1x16xf32>,
      %parallel_loop3A_1284 = arith.index_cast %parallel_loop3A_1040 : i32 to index
      %parallel_loop3A_1285 = arith.constant 144 : index
      %parallel_loop3A_1286 = tpu.vector_load %arg13[%parallel_loop3A_1284, %parallel_loop3A_1285] {strides = array<i32>} : memref<16x768xf32, #tpu.memory_space<vmem>>, vector<1x16xf32>,
      %parallel_loop3A_1287 = vector.shape_cast %parallel_loop3A_1286 : vector<1x16xf32> to vector<16xf32>
      %parallel_loop3A_1288 = arith.constant 0 : i32
      %parallel_loop3A_1289 = arith.index_cast %parallel_loop3A_1288 : i32 to index
      %parallel_loop3A_1290 = arith.constant 144 : index
      %parallel_loop3A_1291 = tpu.vector_load %arg14[%parallel_loop3A_1289, %parallel_loop3A_1290] {strides = array<i32>} : memref<2x768xf32, #tpu.memory_space<vmem>>, vector<1x16xf32>,
      %parallel_loop3A_1292 = vector.shape_cast %parallel_loop3A_1291 : vector<1x16xf32> to vector<16xf32>
      %parallel_loop3A_1293 = arith.addf %parallel_loop3A_1287, %parallel_loop3A_1292 : vector<16xf32>
      %parallel_loop3A_1294 = arith.constant 144 : index
      %parallel_loop3A_1295 = tpu.vector_load %arg17[%parallel_loop3A_1294] {strides = array<i32>} : memref<768xf32, #tpu.memory_space<vmem>>, vector<16xf32>,
      %parallel_loop3A_1296 = vector.shape_cast %parallel_loop3A_1295 : vector<16xf32> to vector<16xf32>
      %parallel_loop3A_1297 = arith.subf %parallel_loop3A_1293, %parallel_loop3A_1296 : vector<16xf32>
      %parallel_loop3A_1298 = arith.constant 144 : index
      %parallel_loop3A_1299 = tpu.vector_load %arg15[%parallel_loop3A_1298] {strides = array<i32>} : memref<768xf32, #tpu.memory_space<vmem>>, vector<16xf32>,
      %parallel_loop3A_1300 = vector.shape_cast %parallel_loop3A_1299 : vector<16xf32> to vector<16xf32>
      %parallel_loop3A_1301 = arith.mulf %parallel_loop3A_1297, %parallel_loop3A_1300 : vector<16xf32>
      %parallel_loop3A_1302 = arith.constant 144 : index
      %parallel_loop3A_1303 = tpu.vector_load %arg16[%parallel_loop3A_1302] {strides = array<i32>} : memref<768xf32, #tpu.memory_space<vmem>>, vector<16xf32>,
      %parallel_loop3A_1304 = vector.shape_cast %parallel_loop3A_1303 : vector<16xf32> to vector<16xf32>
      %parallel_loop3A_1305 = arith.addf %parallel_loop3A_1301, %parallel_loop3A_1304 : vector<16xf32>
      %parallel_loop3A_1306 = arith.index_cast %parallel_loop3A_1040 : i32 to index
      %parallel_loop3A_1307 = arith.constant 144 : index
      %parallel_loop3A_1308 = tpu.vector_load %arg13[%parallel_loop3A_1306, %parallel_loop3A_1307] {strides = array<i32>} : memref<16x768xf32, #tpu.memory_space<vmem>>, vector<1x16xf32>,
      %parallel_loop3A_1309 = vector.shape_cast %parallel_loop3A_1308 : vector<1x16xf32> to vector<16xf32>
      %parallel_loop3A_1310 = vector.shape_cast %parallel_loop3A_1305 : vector<16xf32> to vector<1x16xf32>
      tpu.vector_store %arg13[%parallel_loop3A_1306, %parallel_loop3A_1307], %parallel_loop3A_1310 {strides = array<i32>} : memref<16x768xf32, #tpu.memory_space<vmem>>, vector<1x16xf32>,
      %parallel_loop3A_1311 = arith.index_cast %parallel_loop3A_1040 : i32 to index
      %parallel_loop3A_1312 = arith.constant 160 : index
      %parallel_loop3A_1313 = tpu.vector_load %arg13[%parallel_loop3A_1311, %parallel_loop3A_1312] {strides = array<i32>} : memref<16x768xf32, #tpu.memory_space<vmem>>, vector<1x16xf32>,
      %parallel_loop3A_1314 = vector.shape_cast %parallel_loop3A_1313 : vector<1x16xf32> to vector<16xf32>
      %parallel_loop3A_1315 = arith.constant 0 : i32
      %parallel_loop3A_1316 = arith.index_cast %parallel_loop3A_1315 : i32 to index
      %parallel_loop3A_1317 = arith.constant 160 : index
      %parallel_loop3A_1318 = tpu.vector_load %arg14[%parallel_loop3A_1316, %parallel_loop3A_1317] {strides = array<i32>} : memref<2x768xf32, #tpu.memory_space<vmem>>, vector<1x16xf32>,
      %parallel_loop3A_1319 = vector.shape_cast %parallel_loop3A_1318 : vector<1x16xf32> to vector<16xf32>
      %parallel_loop3A_1320 = arith.addf %parallel_loop3A_1314, %parallel_loop3A_1319 : vector<16xf32>
      %parallel_loop3A_1321 = arith.constant 160 : index
      %parallel_loop3A_1322 = tpu.vector_load %arg17[%parallel_loop3A_1321] {strides = array<i32>} : memref<768xf32, #tpu.memory_space<vmem>>, vector<16xf32>,
      %parallel_loop3A_1323 = vector.shape_cast %parallel_loop3A_1322 : vector<16xf32> to vector<16xf32>
      %parallel_loop3A_1324 = arith.subf %parallel_loop3A_1320, %parallel_loop3A_1323 : vector<16xf32>
      %parallel_loop3A_1325 = arith.constant 160 : index
      %parallel_loop3A_1326 = tpu.vector_load %arg15[%parallel_loop3A_1325] {strides = array<i32>} : memref<768xf32, #tpu.memory_space<vmem>>, vector<16xf32>,
      %parallel_loop3A_1327 = vector.shape_cast %parallel_loop3A_1326 : vector<16xf32> to vector<16xf32>
      %parallel_loop3A_1328 = arith.mulf %parallel_loop3A_1324, %parallel_loop3A_1327 : vector<16xf32>
      %parallel_loop3A_1329 = arith.constant 160 : index
      %parallel_loop3A_1330 = tpu.vector_load %arg16[%parallel_loop3A_1329] {strides = array<i32>} : memref<768xf32, #tpu.memory_space<vmem>>, vector<16xf32>,
      %parallel_loop3A_1331 = vector.shape_cast %parallel_loop3A_1330 : vector<16xf32> to vector<16xf32>
      %parallel_loop3A_1332 = arith.addf %parallel_loop3A_1328, %parallel_loop3A_1331 : vector<16xf32>
      %parallel_loop3A_1333 = arith.index_cast %parallel_loop3A_1040 : i32 to index
      %parallel_loop3A_1334 = arith.constant 160 : index
      %parallel_loop3A_1335 = tpu.vector_load %arg13[%parallel_loop3A_1333, %parallel_loop3A_1334] {strides = array<i32>} : memref<16x768xf32, #tpu.memory_space<vmem>>, vector<1x16xf32>,
      %parallel_loop3A_1336 = vector.shape_cast %parallel_loop3A_1335 : vector<1x16xf32> to vector<16xf32>
      %parallel_loop3A_1337 = vector.shape_cast %parallel_loop3A_1332 : vector<16xf32> to vector<1x16xf32>
      tpu.vector_store %arg13[%parallel_loop3A_1333, %parallel_loop3A_1334], %parallel_loop3A_1337 {strides = array<i32>} : memref<16x768xf32, #tpu.memory_space<vmem>>, vector<1x16xf32>,
      %parallel_loop3A_1338 = arith.index_cast %parallel_loop3A_1040 : i32 to index
      %parallel_loop3A_1339 = arith.constant 176 : index
      %parallel_loop3A_1340 = tpu.vector_load %arg13[%parallel_loop3A_1338, %parallel_loop3A_1339] {strides = array<i32>} : memref<16x768xf32, #tpu.memory_space<vmem>>, vector<1x16xf32>,
      %parallel_loop3A_1341 = vector.shape_cast %parallel_loop3A_1340 : vector<1x16xf32> to vector<16xf32>
      %parallel_loop3A_1342 = arith.constant 0 : i32
      %parallel_loop3A_1343 = arith.index_cast %parallel_loop3A_1342 : i32 to index
      %parallel_loop3A_1344 = arith.constant 176 : index
      %parallel_loop3A_1345 = tpu.vector_load %arg14[%parallel_loop3A_1343, %parallel_loop3A_1344] {strides = array<i32>} : memref<2x768xf32, #tpu.memory_space<vmem>>, vector<1x16xf32>,
      %parallel_loop3A_1346 = vector.shape_cast %parallel_loop3A_1345 : vector<1x16xf32> to vector<16xf32>
      %parallel_loop3A_1347 = arith.addf %parallel_loop3A_1341, %parallel_loop3A_1346 : vector<16xf32>
      %parallel_loop3A_1348 = arith.constant 176 : index
      %parallel_loop3A_1349 = tpu.vector_load %arg17[%parallel_loop3A_1348] {strides = array<i32>} : memref<768xf32, #tpu.memory_space<vmem>>, vector<16xf32>,
      %parallel_loop3A_1350 = vector.shape_cast %parallel_loop3A_1349 : vector<16xf32> to vector<16xf32>
      %parallel_loop3A_1351 = arith.subf %parallel_loop3A_1347, %parallel_loop3A_1350 : vector<16xf32>
      %parallel_loop3A_1352 = arith.constant 176 : index
      %parallel_loop3A_1353 = tpu.vector_load %arg15[%parallel_loop3A_1352] {strides = array<i32>} : memref<768xf32, #tpu.memory_space<vmem>>, vector<16xf32>,
      %parallel_loop3A_1354 = vector.shape_cast %parallel_loop3A_1353 : vector<16xf32> to vector<16xf32>
      %parallel_loop3A_1355 = arith.mulf %parallel_loop3A_1351, %parallel_loop3A_1354 : vector<16xf32>
      %parallel_loop3A_1356 = arith.constant 176 : index
      %parallel_loop3A_1357 = tpu.vector_load %arg16[%parallel_loop3A_1356] {strides = array<i32>} : memref<768xf32, #tpu.memory_space<vmem>>, vector<16xf32>,
      %parallel_loop3A_1358 = vector.shape_cast %parallel_loop3A_1357 : vector<16xf32> to vector<16xf32>
      %parallel_loop3A_1359 = arith.addf %parallel_loop3A_1355, %parallel_loop3A_1358 : vector<16xf32>
      %parallel_loop3A_1360 = arith.index_cast %parallel_loop3A_1040 : i32 to index
      %parallel_loop3A_1361 = arith.constant 176 : index
      %parallel_loop3A_1362 = tpu.vector_load %arg13[%parallel_loop3A_1360, %parallel_loop3A_1361] {strides = array<i32>} : memref<16x768xf32, #tpu.memory_space<vmem>>, vector<1x16xf32>,
      %parallel_loop3A_1363 = vector.shape_cast %parallel_loop3A_1362 : vector<1x16xf32> to vector<16xf32>
      %parallel_loop3A_1364 = vector.shape_cast %parallel_loop3A_1359 : vector<16xf32> to vector<1x16xf32>
      tpu.vector_store %arg13[%parallel_loop3A_1360, %parallel_loop3A_1361], %parallel_loop3A_1364 {strides = array<i32>} : memref<16x768xf32, #tpu.memory_space<vmem>>, vector<1x16xf32>,
      %parallel_loop3A_1365 = arith.index_cast %parallel_loop3A_1040 : i32 to index
      %parallel_loop3A_1366 = arith.constant 192 : index
      %parallel_loop3A_1367 = tpu.vector_load %arg13[%parallel_loop3A_1365, %parallel_loop3A_1366] {strides = array<i32>} : memref<16x768xf32, #tpu.memory_space<vmem>>, vector<1x16xf32>,
      %parallel_loop3A_1368 = vector.shape_cast %parallel_loop3A_1367 : vector<1x16xf32> to vector<16xf32>
      %parallel_loop3A_1369 = arith.constant 0 : i32
      %parallel_loop3A_1370 = arith.index_cast %parallel_loop3A_1369 : i32 to index
      %parallel_loop3A_1371 = arith.constant 192 : index
      %parallel_loop3A_1372 = tpu.vector_load %arg14[%parallel_loop3A_1370, %parallel_loop3A_1371] {strides = array<i32>} : memref<2x768xf32, #tpu.memory_space<vmem>>, vector<1x16xf32>,
      %parallel_loop3A_1373 = vector.shape_cast %parallel_loop3A_1372 : vector<1x16xf32> to vector<16xf32>
      %parallel_loop3A_1374 = arith.addf %parallel_loop3A_1368, %parallel_loop3A_1373 : vector<16xf32>
      %parallel_loop3A_1375 = arith.constant 192 : index
      %parallel_loop3A_1376 = tpu.vector_load %arg17[%parallel_loop3A_1375] {strides = array<i32>} : memref<768xf32, #tpu.memory_space<vmem>>, vector<16xf32>,
      %parallel_loop3A_1377 = vector.shape_cast %parallel_loop3A_1376 : vector<16xf32> to vector<16xf32>
      %parallel_loop3A_1378 = arith.subf %parallel_loop3A_1374, %parallel_loop3A_1377 : vector<16xf32>
      %parallel_loop3A_1379 = arith.constant 192 : index
      %parallel_loop3A_1380 = tpu.vector_load %arg15[%parallel_loop3A_1379] {strides = array<i32>} : memref<768xf32, #tpu.memory_space<vmem>>, vector<16xf32>,
      %parallel_loop3A_1381 = vector.shape_cast %parallel_loop3A_1380 : vector<16xf32> to vector<16xf32>
      %parallel_loop3A_1382 = arith.mulf %parallel_loop3A_1378, %parallel_loop3A_1381 : vector<16xf32>
      %parallel_loop3A_1383 = arith.constant 192 : index
      %parallel_loop3A_1384 = tpu.vector_load %arg16[%parallel_loop3A_1383] {strides = array<i32>} : memref<768xf32, #tpu.memory_space<vmem>>, vector<16xf32>,
      %parallel_loop3A_1385 = vector.shape_cast %parallel_loop3A_1384 : vector<16xf32> to vector<16xf32>
      %parallel_loop3A_1386 = arith.addf %parallel_loop3A_1382, %parallel_loop3A_1385 : vector<16xf32>
      %parallel_loop3A_1387 = arith.index_cast %parallel_loop3A_1040 : i32 to index
      %parallel_loop3A_1388 = arith.constant 192 : index
      %parallel_loop3A_1389 = tpu.vector_load %arg13[%parallel_loop3A_1387, %parallel_loop3A_1388] {strides = array<i32>} : memref<16x768xf32, #tpu.memory_space<vmem>>, vector<1x16xf32>,
      %parallel_loop3A_1390 = vector.shape_cast %parallel_loop3A_1389 : vector<1x16xf32> to vector<16xf32>
      %parallel_loop3A_1391 = vector.shape_cast %parallel_loop3A_1386 : vector<16xf32> to vector<1x16xf32>
      tpu.vector_store %arg13[%parallel_loop3A_1387, %parallel_loop3A_1388], %parallel_loop3A_1391 {strides = array<i32>} : memref<16x768xf32, #tpu.memory_space<vmem>>, vector<1x16xf32>,
      %parallel_loop3A_1392 = arith.index_cast %parallel_loop3A_1040 : i32 to index
      %parallel_loop3A_1393 = arith.constant 208 : index
      %parallel_loop3A_1394 = tpu.vector_load %arg13[%parallel_loop3A_1392, %parallel_loop3A_1393] {strides = array<i32>} : memref<16x768xf32, #tpu.memory_space<vmem>>, vector<1x16xf32>,
      %parallel_loop3A_1395 = vector.shape_cast %parallel_loop3A_1394 : vector<1x16xf32> to vector<16xf32>
      %parallel_loop3A_1396 = arith.constant 0 : i32
      %parallel_loop3A_1397 = arith.index_cast %parallel_loop3A_1396 : i32 to index
      %parallel_loop3A_1398 = arith.constant 208 : index
      %parallel_loop3A_1399 = tpu.vector_load %arg14[%parallel_loop3A_1397, %parallel_loop3A_1398] {strides = array<i32>} : memref<2x768xf32, #tpu.memory_space<vmem>>, vector<1x16xf32>,
      %parallel_loop3A_1400 = vector.shape_cast %parallel_loop3A_1399 : vector<1x16xf32> to vector<16xf32>
      %parallel_loop3A_1401 = arith.addf %parallel_loop3A_1395, %parallel_loop3A_1400 : vector<16xf32>
      %parallel_loop3A_1402 = arith.constant 208 : index
      %parallel_loop3A_1403 = tpu.vector_load %arg17[%parallel_loop3A_1402] {strides = array<i32>} : memref<768xf32, #tpu.memory_space<vmem>>, vector<16xf32>,
      %parallel_loop3A_1404 = vector.shape_cast %parallel_loop3A_1403 : vector<16xf32> to vector<16xf32>
      %parallel_loop3A_1405 = arith.subf %parallel_loop3A_1401, %parallel_loop3A_1404 : vector<16xf32>
      %parallel_loop3A_1406 = arith.constant 208 : index
      %parallel_loop3A_1407 = tpu.vector_load %arg15[%parallel_loop3A_1406] {strides = array<i32>} : memref<768xf32, #tpu.memory_space<vmem>>, vector<16xf32>,
      %parallel_loop3A_1408 = vector.shape_cast %parallel_loop3A_1407 : vector<16xf32> to vector<16xf32>
      %parallel_loop3A_1409 = arith.mulf %parallel_loop3A_1405, %parallel_loop3A_1408 : vector<16xf32>
      %parallel_loop3A_1410 = arith.constant 208 : index
      %parallel_loop3A_1411 = tpu.vector_load %arg16[%parallel_loop3A_1410] {strides = array<i32>} : memref<768xf32, #tpu.memory_space<vmem>>, vector<16xf32>,
      %parallel_loop3A_1412 = vector.shape_cast %parallel_loop3A_1411 : vector<16xf32> to vector<16xf32>
      %parallel_loop3A_1413 = arith.addf %parallel_loop3A_1409, %parallel_loop3A_1412 : vector<16xf32>
      %parallel_loop3A_1414 = arith.index_cast %parallel_loop3A_1040 : i32 to index
      %parallel_loop3A_1415 = arith.constant 208 : index
      %parallel_loop3A_1416 = tpu.vector_load %arg13[%parallel_loop3A_1414, %parallel_loop3A_1415] {strides = array<i32>} : memref<16x768xf32, #tpu.memory_space<vmem>>, vector<1x16xf32>,
      %parallel_loop3A_1417 = vector.shape_cast %parallel_loop3A_1416 : vector<1x16xf32> to vector<16xf32>
      %parallel_loop3A_1418 = vector.shape_cast %parallel_loop3A_1413 : vector<16xf32> to vector<1x16xf32>
      tpu.vector_store %arg13[%parallel_loop3A_1414, %parallel_loop3A_1415], %parallel_loop3A_1418 {strides = array<i32>} : memref<16x768xf32, #tpu.memory_space<vmem>>, vector<1x16xf32>,
      %parallel_loop3A_1419 = arith.index_cast %parallel_loop3A_1040 : i32 to index
      %parallel_loop3A_1420 = arith.constant 224 : index
      %parallel_loop3A_1421 = tpu.vector_load %arg13[%parallel_loop3A_1419, %parallel_loop3A_1420] {strides = array<i32>} : memref<16x768xf32, #tpu.memory_space<vmem>>, vector<1x16xf32>,
      %parallel_loop3A_1422 = vector.shape_cast %parallel_loop3A_1421 : vector<1x16xf32> to vector<16xf32>
      %parallel_loop3A_1423 = arith.constant 0 : i32
      %parallel_loop3A_1424 = arith.index_cast %parallel_loop3A_1423 : i32 to index
      %parallel_loop3A_1425 = arith.constant 224 : index
      %parallel_loop3A_1426 = tpu.vector_load %arg14[%parallel_loop3A_1424, %parallel_loop3A_1425] {strides = array<i32>} : memref<2x768xf32, #tpu.memory_space<vmem>>, vector<1x16xf32>,
      %parallel_loop3A_1427 = vector.shape_cast %parallel_loop3A_1426 : vector<1x16xf32> to vector<16xf32>
      %parallel_loop3A_1428 = arith.addf %parallel_loop3A_1422, %parallel_loop3A_1427 : vector<16xf32>
      %parallel_loop3A_1429 = arith.constant 224 : index
      %parallel_loop3A_1430 = tpu.vector_load %arg17[%parallel_loop3A_1429] {strides = array<i32>} : memref<768xf32, #tpu.memory_space<vmem>>, vector<16xf32>,
      %parallel_loop3A_1431 = vector.shape_cast %parallel_loop3A_1430 : vector<16xf32> to vector<16xf32>
      %parallel_loop3A_1432 = arith.subf %parallel_loop3A_1428, %parallel_loop3A_1431 : vector<16xf32>
      %parallel_loop3A_1433 = arith.constant 224 : index
      %parallel_loop3A_1434 = tpu.vector_load %arg15[%parallel_loop3A_1433] {strides = array<i32>} : memref<768xf32, #tpu.memory_space<vmem>>, vector<16xf32>,
      %parallel_loop3A_1435 = vector.shape_cast %parallel_loop3A_1434 : vector<16xf32> to vector<16xf32>
      %parallel_loop3A_1436 = arith.mulf %parallel_loop3A_1432, %parallel_loop3A_1435 : vector<16xf32>
      %parallel_loop3A_1437 = arith.constant 224 : index
      %parallel_loop3A_1438 = tpu.vector_load %arg16[%parallel_loop3A_1437] {strides = array<i32>} : memref<768xf32, #tpu.memory_space<vmem>>, vector<16xf32>,
      %parallel_loop3A_1439 = vector.shape_cast %parallel_loop3A_1438 : vector<16xf32> to vector<16xf32>
      %parallel_loop3A_1440 = arith.addf %parallel_loop3A_1436, %parallel_loop3A_1439 : vector<16xf32>
      %parallel_loop3A_1441 = arith.index_cast %parallel_loop3A_1040 : i32 to index
      %parallel_loop3A_1442 = arith.constant 224 : index
      %parallel_loop3A_1443 = tpu.vector_load %arg13[%parallel_loop3A_1441, %parallel_loop3A_1442] {strides = array<i32>} : memref<16x768xf32, #tpu.memory_space<vmem>>, vector<1x16xf32>,
      %parallel_loop3A_1444 = vector.shape_cast %parallel_loop3A_1443 : vector<1x16xf32> to vector<16xf32>
      %parallel_loop3A_1445 = vector.shape_cast %parallel_loop3A_1440 : vector<16xf32> to vector<1x16xf32>
      tpu.vector_store %arg13[%parallel_loop3A_1441, %parallel_loop3A_1442], %parallel_loop3A_1445 {strides = array<i32>} : memref<16x768xf32, #tpu.memory_space<vmem>>, vector<1x16xf32>,
      %parallel_loop3A_1446 = arith.index_cast %parallel_loop3A_1040 : i32 to index
      %parallel_loop3A_1447 = arith.constant 240 : index
      %parallel_loop3A_1448 = tpu.vector_load %arg13[%parallel_loop3A_1446, %parallel_loop3A_1447] {strides = array<i32>} : memref<16x768xf32, #tpu.memory_space<vmem>>, vector<1x16xf32>,
      %parallel_loop3A_1449 = vector.shape_cast %parallel_loop3A_1448 : vector<1x16xf32> to vector<16xf32>
      %parallel_loop3A_1450 = arith.constant 0 : i32
      %parallel_loop3A_1451 = arith.index_cast %parallel_loop3A_1450 : i32 to index
      %parallel_loop3A_1452 = arith.constant 240 : index
      %parallel_loop3A_1453 = tpu.vector_load %arg14[%parallel_loop3A_1451, %parallel_loop3A_1452] {strides = array<i32>} : memref<2x768xf32, #tpu.memory_space<vmem>>, vector<1x16xf32>,
      %parallel_loop3A_1454 = vector.shape_cast %parallel_loop3A_1453 : vector<1x16xf32> to vector<16xf32>
      %parallel_loop3A_1455 = arith.addf %parallel_loop3A_1449, %parallel_loop3A_1454 : vector<16xf32>
      %parallel_loop3A_1456 = arith.constant 240 : index
      %parallel_loop3A_1457 = tpu.vector_load %arg17[%parallel_loop3A_1456] {strides = array<i32>} : memref<768xf32, #tpu.memory_space<vmem>>, vector<16xf32>,
      %parallel_loop3A_1458 = vector.shape_cast %parallel_loop3A_1457 : vector<16xf32> to vector<16xf32>
      %parallel_loop3A_1459 = arith.subf %parallel_loop3A_1455, %parallel_loop3A_1458 : vector<16xf32>
      %parallel_loop3A_1460 = arith.constant 240 : index
      %parallel_loop3A_1461 = tpu.vector_load %arg15[%parallel_loop3A_1460] {strides = array<i32>} : memref<768xf32, #tpu.memory_space<vmem>>, vector<16xf32>,
      %parallel_loop3A_1462 = vector.shape_cast %parallel_loop3A_1461 : vector<16xf32> to vector<16xf32>
      %parallel_loop3A_1463 = arith.mulf %parallel_loop3A_1459, %parallel_loop3A_1462 : vector<16xf32>
      %parallel_loop3A_1464 = arith.constant 240 : index
      %parallel_loop3A_1465 = tpu.vector_load %arg16[%parallel_loop3A_1464] {strides = array<i32>} : memref<768xf32, #tpu.memory_space<vmem>>, vector<16xf32>,
      %parallel_loop3A_1466 = vector.shape_cast %parallel_loop3A_1465 : vector<16xf32> to vector<16xf32>
      %parallel_loop3A_1467 = arith.addf %parallel_loop3A_1463, %parallel_loop3A_1466 : vector<16xf32>
      %parallel_loop3A_1468 = arith.index_cast %parallel_loop3A_1040 : i32 to index
      %parallel_loop3A_1469 = arith.constant 240 : index
      %parallel_loop3A_1470 = tpu.vector_load %arg13[%parallel_loop3A_1468, %parallel_loop3A_1469] {strides = array<i32>} : memref<16x768xf32, #tpu.memory_space<vmem>>, vector<1x16xf32>,
      %parallel_loop3A_1471 = vector.shape_cast %parallel_loop3A_1470 : vector<1x16xf32> to vector<16xf32>
      %parallel_loop3A_1472 = vector.shape_cast %parallel_loop3A_1467 : vector<16xf32> to vector<1x16xf32>
      tpu.vector_store %arg13[%parallel_loop3A_1468, %parallel_loop3A_1469], %parallel_loop3A_1472 {strides = array<i32>} : memref<16x768xf32, #tpu.memory_space<vmem>>, vector<1x16xf32>,
      %parallel_loop3A_1473 = arith.index_cast %parallel_loop3A_1040 : i32 to index
      %parallel_loop3A_1474 = arith.constant 256 : index
      %parallel_loop3A_1475 = tpu.vector_load %arg13[%parallel_loop3A_1473, %parallel_loop3A_1474] {strides = array<i32>} : memref<16x768xf32, #tpu.memory_space<vmem>>, vector<1x16xf32>,
      %parallel_loop3A_1476 = vector.shape_cast %parallel_loop3A_1475 : vector<1x16xf32> to vector<16xf32>
      %parallel_loop3A_1477 = arith.constant 0 : i32
      %parallel_loop3A_1478 = arith.index_cast %parallel_loop3A_1477 : i32 to index
      %parallel_loop3A_1479 = arith.constant 256 : index
      %parallel_loop3A_1480 = tpu.vector_load %arg14[%parallel_loop3A_1478, %parallel_loop3A_1479] {strides = array<i32>} : memref<2x768xf32, #tpu.memory_space<vmem>>, vector<1x16xf32>,
      %parallel_loop3A_1481 = vector.shape_cast %parallel_loop3A_1480 : vector<1x16xf32> to vector<16xf32>
      %parallel_loop3A_1482 = arith.addf %parallel_loop3A_1476, %parallel_loop3A_1481 : vector<16xf32>
      %parallel_loop3A_1483 = arith.constant 256 : index
      %parallel_loop3A_1484 = tpu.vector_load %arg17[%parallel_loop3A_1483] {strides = array<i32>} : memref<768xf32, #tpu.memory_space<vmem>>, vector<16xf32>,
      %parallel_loop3A_1485 = vector.shape_cast %parallel_loop3A_1484 : vector<16xf32> to vector<16xf32>
      %parallel_loop3A_1486 = arith.subf %parallel_loop3A_1482, %parallel_loop3A_1485 : vector<16xf32>
      %parallel_loop3A_1487 = arith.constant 256 : index
      %parallel_loop3A_1488 = tpu.vector_load %arg15[%parallel_loop3A_1487] {strides = array<i32>} : memref<768xf32, #tpu.memory_space<vmem>>, vector<16xf32>,
      %parallel_loop3A_1489 = vector.shape_cast %parallel_loop3A_1488 : vector<16xf32> to vector<16xf32>
      %parallel_loop3A_1490 = arith.mulf %parallel_loop3A_1486, %parallel_loop3A_1489 : vector<16xf32>
      %parallel_loop3A_1491 = arith.constant 256 : index
      %parallel_loop3A_1492 = tpu.vector_load %arg16[%parallel_loop3A_1491] {strides = array<i32>} : memref<768xf32, #tpu.memory_space<vmem>>, vector<16xf32>,
      %parallel_loop3A_1493 = vector.shape_cast %parallel_loop3A_1492 : vector<16xf32> to vector<16xf32>
      %parallel_loop3A_1494 = arith.addf %parallel_loop3A_1490, %parallel_loop3A_1493 : vector<16xf32>
      %parallel_loop3A_1495 = arith.index_cast %parallel_loop3A_1040 : i32 to index
      %parallel_loop3A_1496 = arith.constant 256 : index
      %parallel_loop3A_1497 = tpu.vector_load %arg13[%parallel_loop3A_1495, %parallel_loop3A_1496] {strides = array<i32>} : memref<16x768xf32, #tpu.memory_space<vmem>>, vector<1x16xf32>,
      %parallel_loop3A_1498 = vector.shape_cast %parallel_loop3A_1497 : vector<1x16xf32> to vector<16xf32>
      %parallel_loop3A_1499 = vector.shape_cast %parallel_loop3A_1494 : vector<16xf32> to vector<1x16xf32>
      tpu.vector_store %arg13[%parallel_loop3A_1495, %parallel_loop3A_1496], %parallel_loop3A_1499 {strides = array<i32>} : memref<16x768xf32, #tpu.memory_space<vmem>>, vector<1x16xf32>,
      %parallel_loop3A_1500 = arith.index_cast %parallel_loop3A_1040 : i32 to index
      %parallel_loop3A_1501 = arith.constant 272 : index
      %parallel_loop3A_1502 = tpu.vector_load %arg13[%parallel_loop3A_1500, %parallel_loop3A_1501] {strides = array<i32>} : memref<16x768xf32, #tpu.memory_space<vmem>>, vector<1x16xf32>,
      %parallel_loop3A_1503 = vector.shape_cast %parallel_loop3A_1502 : vector<1x16xf32> to vector<16xf32>
      %parallel_loop3A_1504 = arith.constant 0 : i32
      %parallel_loop3A_1505 = arith.index_cast %parallel_loop3A_1504 : i32 to index
      %parallel_loop3A_1506 = arith.constant 272 : index
      %parallel_loop3A_1507 = tpu.vector_load %arg14[%parallel_loop3A_1505, %parallel_loop3A_1506] {strides = array<i32>} : memref<2x768xf32, #tpu.memory_space<vmem>>, vector<1x16xf32>,
      %parallel_loop3A_1508 = vector.shape_cast %parallel_loop3A_1507 : vector<1x16xf32> to vector<16xf32>
      %parallel_loop3A_1509 = arith.addf %parallel_loop3A_1503, %parallel_loop3A_1508 : vector<16xf32>
      %parallel_loop3A_1510 = arith.constant 272 : index
      %parallel_loop3A_1511 = tpu.vector_load %arg17[%parallel_loop3A_1510] {strides = array<i32>} : memref<768xf32, #tpu.memory_space<vmem>>, vector<16xf32>,
      %parallel_loop3A_1512 = vector.shape_cast %parallel_loop3A_1511 : vector<16xf32> to vector<16xf32>
      %parallel_loop3A_1513 = arith.subf %parallel_loop3A_1509, %parallel_loop3A_1512 : vector<16xf32>
      %parallel_loop3A_1514 = arith.constant 272 : index
      %parallel_loop3A_1515 = tpu.vector_load %arg15[%parallel_loop3A_1514] {strides = array<i32>} : memref<768xf32, #tpu.memory_space<vmem>>, vector<16xf32>,
      %parallel_loop3A_1516 = vector.shape_cast %parallel_loop3A_1515 : vector<16xf32> to vector<16xf32>
      %parallel_loop3A_1517 = arith.mulf %parallel_loop3A_1513, %parallel_loop3A_1516 : vector<16xf32>
      %parallel_loop3A_1518 = arith.constant 272 : index
      %parallel_loop3A_1519 = tpu.vector_load %arg16[%parallel_loop3A_1518] {strides = array<i32>} : memref<768xf32, #tpu.memory_space<vmem>>, vector<16xf32>,
      %parallel_loop3A_1520 = vector.shape_cast %parallel_loop3A_1519 : vector<16xf32> to vector<16xf32>
      %parallel_loop3A_1521 = arith.addf %parallel_loop3A_1517, %parallel_loop3A_1520 : vector<16xf32>
      %parallel_loop3A_1522 = arith.index_cast %parallel_loop3A_1040 : i32 to index
      %parallel_loop3A_1523 = arith.constant 272 : index
      %parallel_loop3A_1524 = tpu.vector_load %arg13[%parallel_loop3A_1522, %parallel_loop3A_1523] {strides = array<i32>} : memref<16x768xf32, #tpu.memory_space<vmem>>, vector<1x16xf32>,
      %parallel_loop3A_1525 = vector.shape_cast %parallel_loop3A_1524 : vector<1x16xf32> to vector<16xf32>
      %parallel_loop3A_1526 = vector.shape_cast %parallel_loop3A_1521 : vector<16xf32> to vector<1x16xf32>
      tpu.vector_store %arg13[%parallel_loop3A_1522, %parallel_loop3A_1523], %parallel_loop3A_1526 {strides = array<i32>} : memref<16x768xf32, #tpu.memory_space<vmem>>, vector<1x16xf32>,
      %parallel_loop3A_1527 = arith.index_cast %parallel_loop3A_1040 : i32 to index
      %parallel_loop3A_1528 = arith.constant 288 : index
      %parallel_loop3A_1529 = tpu.vector_load %arg13[%parallel_loop3A_1527, %parallel_loop3A_1528] {strides = array<i32>} : memref<16x768xf32, #tpu.memory_space<vmem>>, vector<1x16xf32>,
      %parallel_loop3A_1530 = vector.shape_cast %parallel_loop3A_1529 : vector<1x16xf32> to vector<16xf32>
      %parallel_loop3A_1531 = arith.constant 0 : i32
      %parallel_loop3A_1532 = arith.index_cast %parallel_loop3A_1531 : i32 to index
      %parallel_loop3A_1533 = arith.constant 288 : index
      %parallel_loop3A_1534 = tpu.vector_load %arg14[%parallel_loop3A_1532, %parallel_loop3A_1533] {strides = array<i32>} : memref<2x768xf32, #tpu.memory_space<vmem>>, vector<1x16xf32>,
      %parallel_loop3A_1535 = vector.shape_cast %parallel_loop3A_1534 : vector<1x16xf32> to vector<16xf32>
      %parallel_loop3A_1536 = arith.addf %parallel_loop3A_1530, %parallel_loop3A_1535 : vector<16xf32>
      %parallel_loop3A_1537 = arith.constant 288 : index
      %parallel_loop3A_1538 = tpu.vector_load %arg17[%parallel_loop3A_1537] {strides = array<i32>} : memref<768xf32, #tpu.memory_space<vmem>>, vector<16xf32>,
      %parallel_loop3A_1539 = vector.shape_cast %parallel_loop3A_1538 : vector<16xf32> to vector<16xf32>
      %parallel_loop3A_1540 = arith.subf %parallel_loop3A_1536, %parallel_loop3A_1539 : vector<16xf32>
      %parallel_loop3A_1541 = arith.constant 288 : index
      %parallel_loop3A_1542 = tpu.vector_load %arg15[%parallel_loop3A_1541] {strides = array<i32>} : memref<768xf32, #tpu.memory_space<vmem>>, vector<16xf32>,
      %parallel_loop3A_1543 = vector.shape_cast %parallel_loop3A_1542 : vector<16xf32> to vector<16xf32>
      %parallel_loop3A_1544 = arith.mulf %parallel_loop3A_1540, %parallel_loop3A_1543 : vector<16xf32>
      %parallel_loop3A_1545 = arith.constant 288 : index
      %parallel_loop3A_1546 = tpu.vector_load %arg16[%parallel_loop3A_1545] {strides = array<i32>} : memref<768xf32, #tpu.memory_space<vmem>>, vector<16xf32>,
      %parallel_loop3A_1547 = vector.shape_cast %parallel_loop3A_1546 : vector<16xf32> to vector<16xf32>
      %parallel_loop3A_1548 = arith.addf %parallel_loop3A_1544, %parallel_loop3A_1547 : vector<16xf32>
      %parallel_loop3A_1549 = arith.index_cast %parallel_loop3A_1040 : i32 to index
      %parallel_loop3A_1550 = arith.constant 288 : index
      %parallel_loop3A_1551 = tpu.vector_load %arg13[%parallel_loop3A_1549, %parallel_loop3A_1550] {strides = array<i32>} : memref<16x768xf32, #tpu.memory_space<vmem>>, vector<1x16xf32>,
      %parallel_loop3A_1552 = vector.shape_cast %parallel_loop3A_1551 : vector<1x16xf32> to vector<16xf32>
      %parallel_loop3A_1553 = vector.shape_cast %parallel_loop3A_1548 : vector<16xf32> to vector<1x16xf32>
      tpu.vector_store %arg13[%parallel_loop3A_1549, %parallel_loop3A_1550], %parallel_loop3A_1553 {strides = array<i32>} : memref<16x768xf32, #tpu.memory_space<vmem>>, vector<1x16xf32>,
      %parallel_loop3A_1554 = arith.index_cast %parallel_loop3A_1040 : i32 to index
      %parallel_loop3A_1555 = arith.constant 304 : index
      %parallel_loop3A_1556 = tpu.vector_load %arg13[%parallel_loop3A_1554, %parallel_loop3A_1555] {strides = array<i32>} : memref<16x768xf32, #tpu.memory_space<vmem>>, vector<1x16xf32>,
      %parallel_loop3A_1557 = vector.shape_cast %parallel_loop3A_1556 : vector<1x16xf32> to vector<16xf32>
      %parallel_loop3A_1558 = arith.constant 0 : i32
      %parallel_loop3A_1559 = arith.index_cast %parallel_loop3A_1558 : i32 to index
      %parallel_loop3A_1560 = arith.constant 304 : index
      %parallel_loop3A_1561 = tpu.vector_load %arg14[%parallel_loop3A_1559, %parallel_loop3A_1560] {strides = array<i32>} : memref<2x768xf32, #tpu.memory_space<vmem>>, vector<1x16xf32>,
      %parallel_loop3A_1562 = vector.shape_cast %parallel_loop3A_1561 : vector<1x16xf32> to vector<16xf32>
      %parallel_loop3A_1563 = arith.addf %parallel_loop3A_1557, %parallel_loop3A_1562 : vector<16xf32>
      %parallel_loop3A_1564 = arith.constant 304 : index
      %parallel_loop3A_1565 = tpu.vector_load %arg17[%parallel_loop3A_1564] {strides = array<i32>} : memref<768xf32, #tpu.memory_space<vmem>>, vector<16xf32>,
      %parallel_loop3A_1566 = vector.shape_cast %parallel_loop3A_1565 : vector<16xf32> to vector<16xf32>
      %parallel_loop3A_1567 = arith.subf %parallel_loop3A_1563, %parallel_loop3A_1566 : vector<16xf32>
      %parallel_loop3A_1568 = arith.constant 304 : index
      %parallel_loop3A_1569 = tpu.vector_load %arg15[%parallel_loop3A_1568] {strides = array<i32>} : memref<768xf32, #tpu.memory_space<vmem>>, vector<16xf32>,
      %parallel_loop3A_1570 = vector.shape_cast %parallel_loop3A_1569 : vector<16xf32> to vector<16xf32>
      %parallel_loop3A_1571 = arith.mulf %parallel_loop3A_1567, %parallel_loop3A_1570 : vector<16xf32>
      %parallel_loop3A_1572 = arith.constant 304 : index
      %parallel_loop3A_1573 = tpu.vector_load %arg16[%parallel_loop3A_1572] {strides = array<i32>} : memref<768xf32, #tpu.memory_space<vmem>>, vector<16xf32>,
      %parallel_loop3A_1574 = vector.shape_cast %parallel_loop3A_1573 : vector<16xf32> to vector<16xf32>
      %parallel_loop3A_1575 = arith.addf %parallel_loop3A_1571, %parallel_loop3A_1574 : vector<16xf32>
      %parallel_loop3A_1576 = arith.index_cast %parallel_loop3A_1040 : i32 to index
      %parallel_loop3A_1577 = arith.constant 304 : index
      %parallel_loop3A_1578 = tpu.vector_load %arg13[%parallel_loop3A_1576, %parallel_loop3A_1577] {strides = array<i32>} : memref<16x768xf32, #tpu.memory_space<vmem>>, vector<1x16xf32>,
      %parallel_loop3A_1579 = vector.shape_cast %parallel_loop3A_1578 : vector<1x16xf32> to vector<16xf32>
      %parallel_loop3A_1580 = vector.shape_cast %parallel_loop3A_1575 : vector<16xf32> to vector<1x16xf32>
      tpu.vector_store %arg13[%parallel_loop3A_1576, %parallel_loop3A_1577], %parallel_loop3A_1580 {strides = array<i32>} : memref<16x768xf32, #tpu.memory_space<vmem>>, vector<1x16xf32>,
      %parallel_loop3A_1581 = arith.index_cast %parallel_loop3A_1040 : i32 to index
      %parallel_loop3A_1582 = arith.constant 320 : index
      %parallel_loop3A_1583 = tpu.vector_load %arg13[%parallel_loop3A_1581, %parallel_loop3A_1582] {strides = array<i32>} : memref<16x768xf32, #tpu.memory_space<vmem>>, vector<1x16xf32>,
      %parallel_loop3A_1584 = vector.shape_cast %parallel_loop3A_1583 : vector<1x16xf32> to vector<16xf32>
      %parallel_loop3A_1585 = arith.constant 0 : i32
      %parallel_loop3A_1586 = arith.index_cast %parallel_loop3A_1585 : i32 to index
      %parallel_loop3A_1587 = arith.constant 320 : index
      %parallel_loop3A_1588 = tpu.vector_load %arg14[%parallel_loop3A_1586, %parallel_loop3A_1587] {strides = array<i32>} : memref<2x768xf32, #tpu.memory_space<vmem>>, vector<1x16xf32>,
      %parallel_loop3A_1589 = vector.shape_cast %parallel_loop3A_1588 : vector<1x16xf32> to vector<16xf32>
      %parallel_loop3A_1590 = arith.addf %parallel_loop3A_1584, %parallel_loop3A_1589 : vector<16xf32>
      %parallel_loop3A_1591 = arith.constant 320 : index
      %parallel_loop3A_1592 = tpu.vector_load %arg17[%parallel_loop3A_1591] {strides = array<i32>} : memref<768xf32, #tpu.memory_space<vmem>>, vector<16xf32>,
      %parallel_loop3A_1593 = vector.shape_cast %parallel_loop3A_1592 : vector<16xf32> to vector<16xf32>
      %parallel_loop3A_1594 = arith.subf %parallel_loop3A_1590, %parallel_loop3A_1593 : vector<16xf32>
      %parallel_loop3A_1595 = arith.constant 320 : index
      %parallel_loop3A_1596 = tpu.vector_load %arg15[%parallel_loop3A_1595] {strides = array<i32>} : memref<768xf32, #tpu.memory_space<vmem>>, vector<16xf32>,
      %parallel_loop3A_1597 = vector.shape_cast %parallel_loop3A_1596 : vector<16xf32> to vector<16xf32>
      %parallel_loop3A_1598 = arith.mulf %parallel_loop3A_1594, %parallel_loop3A_1597 : vector<16xf32>
      %parallel_loop3A_1599 = arith.constant 320 : index
      %parallel_loop3A_1600 = tpu.vector_load %arg16[%parallel_loop3A_1599] {strides = array<i32>} : memref<768xf32, #tpu.memory_space<vmem>>, vector<16xf32>,
      %parallel_loop3A_1601 = vector.shape_cast %parallel_loop3A_1600 : vector<16xf32> to vector<16xf32>
      %parallel_loop3A_1602 = arith.addf %parallel_loop3A_1598, %parallel_loop3A_1601 : vector<16xf32>
      %parallel_loop3A_1603 = arith.index_cast %parallel_loop3A_1040 : i32 to index
      %parallel_loop3A_1604 = arith.constant 320 : index
      %parallel_loop3A_1605 = tpu.vector_load %arg13[%parallel_loop3A_1603, %parallel_loop3A_1604] {strides = array<i32>} : memref<16x768xf32, #tpu.memory_space<vmem>>, vector<1x16xf32>,
      %parallel_loop3A_1606 = vector.shape_cast %parallel_loop3A_1605 : vector<1x16xf32> to vector<16xf32>
      %parallel_loop3A_1607 = vector.shape_cast %parallel_loop3A_1602 : vector<16xf32> to vector<1x16xf32>
      tpu.vector_store %arg13[%parallel_loop3A_1603, %parallel_loop3A_1604], %parallel_loop3A_1607 {strides = array<i32>} : memref<16x768xf32, #tpu.memory_space<vmem>>, vector<1x16xf32>,
      %parallel_loop3A_1608 = arith.index_cast %parallel_loop3A_1040 : i32 to index
      %parallel_loop3A_1609 = arith.constant 336 : index
      %parallel_loop3A_1610 = tpu.vector_load %arg13[%parallel_loop3A_1608, %parallel_loop3A_1609] {strides = array<i32>} : memref<16x768xf32, #tpu.memory_space<vmem>>, vector<1x16xf32>,
      %parallel_loop3A_1611 = vector.shape_cast %parallel_loop3A_1610 : vector<1x16xf32> to vector<16xf32>
      %parallel_loop3A_1612 = arith.constant 0 : i32
      %parallel_loop3A_1613 = arith.index_cast %parallel_loop3A_1612 : i32 to index
      %parallel_loop3A_1614 = arith.constant 336 : index
      %parallel_loop3A_1615 = tpu.vector_load %arg14[%parallel_loop3A_1613, %parallel_loop3A_1614] {strides = array<i32>} : memref<2x768xf32, #tpu.memory_space<vmem>>, vector<1x16xf32>,
      %parallel_loop3A_1616 = vector.shape_cast %parallel_loop3A_1615 : vector<1x16xf32> to vector<16xf32>
      %parallel_loop3A_1617 = arith.addf %parallel_loop3A_1611, %parallel_loop3A_1616 : vector<16xf32>
      %parallel_loop3A_1618 = arith.constant 336 : index
      %parallel_loop3A_1619 = tpu.vector_load %arg17[%parallel_loop3A_1618] {strides = array<i32>} : memref<768xf32, #tpu.memory_space<vmem>>, vector<16xf32>,
      %parallel_loop3A_1620 = vector.shape_cast %parallel_loop3A_1619 : vector<16xf32> to vector<16xf32>
      %parallel_loop3A_1621 = arith.subf %parallel_loop3A_1617, %parallel_loop3A_1620 : vector<16xf32>
      %parallel_loop3A_1622 = arith.constant 336 : index
      %parallel_loop3A_1623 = tpu.vector_load %arg15[%parallel_loop3A_1622] {strides = array<i32>} : memref<768xf32, #tpu.memory_space<vmem>>, vector<16xf32>,
      %parallel_loop3A_1624 = vector.shape_cast %parallel_loop3A_1623 : vector<16xf32> to vector<16xf32>
      %parallel_loop3A_1625 = arith.mulf %parallel_loop3A_1621, %parallel_loop3A_1624 : vector<16xf32>
      %parallel_loop3A_1626 = arith.constant 336 : index
      %parallel_loop3A_1627 = tpu.vector_load %arg16[%parallel_loop3A_1626] {strides = array<i32>} : memref<768xf32, #tpu.memory_space<vmem>>, vector<16xf32>,
      %parallel_loop3A_1628 = vector.shape_cast %parallel_loop3A_1627 : vector<16xf32> to vector<16xf32>
      %parallel_loop3A_1629 = arith.addf %parallel_loop3A_1625, %parallel_loop3A_1628 : vector<16xf32>
      %parallel_loop3A_1630 = arith.index_cast %parallel_loop3A_1040 : i32 to index
      %parallel_loop3A_1631 = arith.constant 336 : index
      %parallel_loop3A_1632 = tpu.vector_load %arg13[%parallel_loop3A_1630, %parallel_loop3A_1631] {strides = array<i32>} : memref<16x768xf32, #tpu.memory_space<vmem>>, vector<1x16xf32>,
      %parallel_loop3A_1633 = vector.shape_cast %parallel_loop3A_1632 : vector<1x16xf32> to vector<16xf32>
      %parallel_loop3A_1634 = vector.shape_cast %parallel_loop3A_1629 : vector<16xf32> to vector<1x16xf32>
      tpu.vector_store %arg13[%parallel_loop3A_1630, %parallel_loop3A_1631], %parallel_loop3A_1634 {strides = array<i32>} : memref<16x768xf32, #tpu.memory_space<vmem>>, vector<1x16xf32>,
      %parallel_loop3A_1635 = arith.index_cast %parallel_loop3A_1040 : i32 to index
      %parallel_loop3A_1636 = arith.constant 352 : index
      %parallel_loop3A_1637 = tpu.vector_load %arg13[%parallel_loop3A_1635, %parallel_loop3A_1636] {strides = array<i32>} : memref<16x768xf32, #tpu.memory_space<vmem>>, vector<1x16xf32>,
      %parallel_loop3A_1638 = vector.shape_cast %parallel_loop3A_1637 : vector<1x16xf32> to vector<16xf32>
      %parallel_loop3A_1639 = arith.constant 0 : i32
      %parallel_loop3A_1640 = arith.index_cast %parallel_loop3A_1639 : i32 to index
      %parallel_loop3A_1641 = arith.constant 352 : index
      %parallel_loop3A_1642 = tpu.vector_load %arg14[%parallel_loop3A_1640, %parallel_loop3A_1641] {strides = array<i32>} : memref<2x768xf32, #tpu.memory_space<vmem>>, vector<1x16xf32>,
      %parallel_loop3A_1643 = vector.shape_cast %parallel_loop3A_1642 : vector<1x16xf32> to vector<16xf32>
      %parallel_loop3A_1644 = arith.addf %parallel_loop3A_1638, %parallel_loop3A_1643 : vector<16xf32>
      %parallel_loop3A_1645 = arith.constant 352 : index
      %parallel_loop3A_1646 = tpu.vector_load %arg17[%parallel_loop3A_1645] {strides = array<i32>} : memref<768xf32, #tpu.memory_space<vmem>>, vector<16xf32>,
      %parallel_loop3A_1647 = vector.shape_cast %parallel_loop3A_1646 : vector<16xf32> to vector<16xf32>
      %parallel_loop3A_1648 = arith.subf %parallel_loop3A_1644, %parallel_loop3A_1647 : vector<16xf32>
      %parallel_loop3A_1649 = arith.constant 352 : index
      %parallel_loop3A_1650 = tpu.vector_load %arg15[%parallel_loop3A_1649] {strides = array<i32>} : memref<768xf32, #tpu.memory_space<vmem>>, vector<16xf32>,
      %parallel_loop3A_1651 = vector.shape_cast %parallel_loop3A_1650 : vector<16xf32> to vector<16xf32>
      %parallel_loop3A_1652 = arith.mulf %parallel_loop3A_1648, %parallel_loop3A_1651 : vector<16xf32>
      %parallel_loop3A_1653 = arith.constant 352 : index
      %parallel_loop3A_1654 = tpu.vector_load %arg16[%parallel_loop3A_1653] {strides = array<i32>} : memref<768xf32, #tpu.memory_space<vmem>>, vector<16xf32>,
      %parallel_loop3A_1655 = vector.shape_cast %parallel_loop3A_1654 : vector<16xf32> to vector<16xf32>
      %parallel_loop3A_1656 = arith.addf %parallel_loop3A_1652, %parallel_loop3A_1655 : vector<16xf32>
      %parallel_loop3A_1657 = arith.index_cast %parallel_loop3A_1040 : i32 to index
      %parallel_loop3A_1658 = arith.constant 352 : index
      %parallel_loop3A_1659 = tpu.vector_load %arg13[%parallel_loop3A_1657, %parallel_loop3A_1658] {strides = array<i32>} : memref<16x768xf32, #tpu.memory_space<vmem>>, vector<1x16xf32>,
      %parallel_loop3A_1660 = vector.shape_cast %parallel_loop3A_1659 : vector<1x16xf32> to vector<16xf32>
      %parallel_loop3A_1661 = vector.shape_cast %parallel_loop3A_1656 : vector<16xf32> to vector<1x16xf32>
      tpu.vector_store %arg13[%parallel_loop3A_1657, %parallel_loop3A_1658], %parallel_loop3A_1661 {strides = array<i32>} : memref<16x768xf32, #tpu.memory_space<vmem>>, vector<1x16xf32>,
      %parallel_loop3A_1662 = arith.index_cast %parallel_loop3A_1040 : i32 to index
      %parallel_loop3A_1663 = arith.constant 368 : index
      %parallel_loop3A_1664 = tpu.vector_load %arg13[%parallel_loop3A_1662, %parallel_loop3A_1663] {strides = array<i32>} : memref<16x768xf32, #tpu.memory_space<vmem>>, vector<1x16xf32>,
      %parallel_loop3A_1665 = vector.shape_cast %parallel_loop3A_1664 : vector<1x16xf32> to vector<16xf32>
      %parallel_loop3A_1666 = arith.constant 0 : i32
      %parallel_loop3A_1667 = arith.index_cast %parallel_loop3A_1666 : i32 to index
      %parallel_loop3A_1668 = arith.constant 368 : index
      %parallel_loop3A_1669 = tpu.vector_load %arg14[%parallel_loop3A_1667, %parallel_loop3A_1668] {strides = array<i32>} : memref<2x768xf32, #tpu.memory_space<vmem>>, vector<1x16xf32>,
      %parallel_loop3A_1670 = vector.shape_cast %parallel_loop3A_1669 : vector<1x16xf32> to vector<16xf32>
      %parallel_loop3A_1671 = arith.addf %parallel_loop3A_1665, %parallel_loop3A_1670 : vector<16xf32>
      %parallel_loop3A_1672 = arith.constant 368 : index
      %parallel_loop3A_1673 = tpu.vector_load %arg17[%parallel_loop3A_1672] {strides = array<i32>} : memref<768xf32, #tpu.memory_space<vmem>>, vector<16xf32>,
      %parallel_loop3A_1674 = vector.shape_cast %parallel_loop3A_1673 : vector<16xf32> to vector<16xf32>
      %parallel_loop3A_1675 = arith.subf %parallel_loop3A_1671, %parallel_loop3A_1674 : vector<16xf32>
      %parallel_loop3A_1676 = arith.constant 368 : index
      %parallel_loop3A_1677 = tpu.vector_load %arg15[%parallel_loop3A_1676] {strides = array<i32>} : memref<768xf32, #tpu.memory_space<vmem>>, vector<16xf32>,
      %parallel_loop3A_1678 = vector.shape_cast %parallel_loop3A_1677 : vector<16xf32> to vector<16xf32>
      %parallel_loop3A_1679 = arith.mulf %parallel_loop3A_1675, %parallel_loop3A_1678 : vector<16xf32>
      %parallel_loop3A_1680 = arith.constant 368 : index
      %parallel_loop3A_1681 = tpu.vector_load %arg16[%parallel_loop3A_1680] {strides = array<i32>} : memref<768xf32, #tpu.memory_space<vmem>>, vector<16xf32>,
      %parallel_loop3A_1682 = vector.shape_cast %parallel_loop3A_1681 : vector<16xf32> to vector<16xf32>
      %parallel_loop3A_1683 = arith.addf %parallel_loop3A_1679, %parallel_loop3A_1682 : vector<16xf32>
      %parallel_loop3A_1684 = arith.index_cast %parallel_loop3A_1040 : i32 to index
      %parallel_loop3A_1685 = arith.constant 368 : index
      %parallel_loop3A_1686 = tpu.vector_load %arg13[%parallel_loop3A_1684, %parallel_loop3A_1685] {strides = array<i32>} : memref<16x768xf32, #tpu.memory_space<vmem>>, vector<1x16xf32>,
      %parallel_loop3A_1687 = vector.shape_cast %parallel_loop3A_1686 : vector<1x16xf32> to vector<16xf32>
      %parallel_loop3A_1688 = vector.shape_cast %parallel_loop3A_1683 : vector<16xf32> to vector<1x16xf32>
      tpu.vector_store %arg13[%parallel_loop3A_1684, %parallel_loop3A_1685], %parallel_loop3A_1688 {strides = array<i32>} : memref<16x768xf32, #tpu.memory_space<vmem>>, vector<1x16xf32>,
      %parallel_loop3A_1689 = arith.index_cast %parallel_loop3A_1040 : i32 to index
      %parallel_loop3A_1690 = arith.constant 384 : index
      %parallel_loop3A_1691 = tpu.vector_load %arg13[%parallel_loop3A_1689, %parallel_loop3A_1690] {strides = array<i32>} : memref<16x768xf32, #tpu.memory_space<vmem>>, vector<1x16xf32>,
      %parallel_loop3A_1692 = vector.shape_cast %parallel_loop3A_1691 : vector<1x16xf32> to vector<16xf32>
      %parallel_loop3A_1693 = arith.constant 0 : i32
      %parallel_loop3A_1694 = arith.index_cast %parallel_loop3A_1693 : i32 to index
      %parallel_loop3A_1695 = arith.constant 384 : index
      %parallel_loop3A_1696 = tpu.vector_load %arg14[%parallel_loop3A_1694, %parallel_loop3A_1695] {strides = array<i32>} : memref<2x768xf32, #tpu.memory_space<vmem>>, vector<1x16xf32>,
      %parallel_loop3A_1697 = vector.shape_cast %parallel_loop3A_1696 : vector<1x16xf32> to vector<16xf32>
      %parallel_loop3A_1698 = arith.addf %parallel_loop3A_1692, %parallel_loop3A_1697 : vector<16xf32>
      %parallel_loop3A_1699 = arith.constant 384 : index
      %parallel_loop3A_1700 = tpu.vector_load %arg17[%parallel_loop3A_1699] {strides = array<i32>} : memref<768xf32, #tpu.memory_space<vmem>>, vector<16xf32>,
      %parallel_loop3A_1701 = vector.shape_cast %parallel_loop3A_1700 : vector<16xf32> to vector<16xf32>
      %parallel_loop3A_1702 = arith.subf %parallel_loop3A_1698, %parallel_loop3A_1701 : vector<16xf32>
      %parallel_loop3A_1703 = arith.constant 384 : index
      %parallel_loop3A_1704 = tpu.vector_load %arg15[%parallel_loop3A_1703] {strides = array<i32>} : memref<768xf32, #tpu.memory_space<vmem>>, vector<16xf32>,
      %parallel_loop3A_1705 = vector.shape_cast %parallel_loop3A_1704 : vector<16xf32> to vector<16xf32>
      %parallel_loop3A_1706 = arith.mulf %parallel_loop3A_1702, %parallel_loop3A_1705 : vector<16xf32>
      %parallel_loop3A_1707 = arith.constant 384 : index
      %parallel_loop3A_1708 = tpu.vector_load %arg16[%parallel_loop3A_1707] {strides = array<i32>} : memref<768xf32, #tpu.memory_space<vmem>>, vector<16xf32>,
      %parallel_loop3A_1709 = vector.shape_cast %parallel_loop3A_1708 : vector<16xf32> to vector<16xf32>
      %parallel_loop3A_1710 = arith.addf %parallel_loop3A_1706, %parallel_loop3A_1709 : vector<16xf32>
      %parallel_loop3A_1711 = arith.index_cast %parallel_loop3A_1040 : i32 to index
      %parallel_loop3A_1712 = arith.constant 384 : index
      %parallel_loop3A_1713 = tpu.vector_load %arg13[%parallel_loop3A_1711, %parallel_loop3A_1712] {strides = array<i32>} : memref<16x768xf32, #tpu.memory_space<vmem>>, vector<1x16xf32>,
      %parallel_loop3A_1714 = vector.shape_cast %parallel_loop3A_1713 : vector<1x16xf32> to vector<16xf32>
      %parallel_loop3A_1715 = vector.shape_cast %parallel_loop3A_1710 : vector<16xf32> to vector<1x16xf32>
      tpu.vector_store %arg13[%parallel_loop3A_1711, %parallel_loop3A_1712], %parallel_loop3A_1715 {strides = array<i32>} : memref<16x768xf32, #tpu.memory_space<vmem>>, vector<1x16xf32>,
      %parallel_loop3A_1716 = arith.index_cast %parallel_loop3A_1040 : i32 to index
      %parallel_loop3A_1717 = arith.constant 400 : index
      %parallel_loop3A_1718 = tpu.vector_load %arg13[%parallel_loop3A_1716, %parallel_loop3A_1717] {strides = array<i32>} : memref<16x768xf32, #tpu.memory_space<vmem>>, vector<1x16xf32>,
      %parallel_loop3A_1719 = vector.shape_cast %parallel_loop3A_1718 : vector<1x16xf32> to vector<16xf32>
      %parallel_loop3A_1720 = arith.constant 0 : i32
      %parallel_loop3A_1721 = arith.index_cast %parallel_loop3A_1720 : i32 to index
      %parallel_loop3A_1722 = arith.constant 400 : index
      %parallel_loop3A_1723 = tpu.vector_load %arg14[%parallel_loop3A_1721, %parallel_loop3A_1722] {strides = array<i32>} : memref<2x768xf32, #tpu.memory_space<vmem>>, vector<1x16xf32>,
      %parallel_loop3A_1724 = vector.shape_cast %parallel_loop3A_1723 : vector<1x16xf32> to vector<16xf32>
      %parallel_loop3A_1725 = arith.addf %parallel_loop3A_1719, %parallel_loop3A_1724 : vector<16xf32>
      %parallel_loop3A_1726 = arith.constant 400 : index
      %parallel_loop3A_1727 = tpu.vector_load %arg17[%parallel_loop3A_1726] {strides = array<i32>} : memref<768xf32, #tpu.memory_space<vmem>>, vector<16xf32>,
      %parallel_loop3A_1728 = vector.shape_cast %parallel_loop3A_1727 : vector<16xf32> to vector<16xf32>
      %parallel_loop3A_1729 = arith.subf %parallel_loop3A_1725, %parallel_loop3A_1728 : vector<16xf32>
      %parallel_loop3A_1730 = arith.constant 400 : index
      %parallel_loop3A_1731 = tpu.vector_load %arg15[%parallel_loop3A_1730] {strides = array<i32>} : memref<768xf32, #tpu.memory_space<vmem>>, vector<16xf32>,
      %parallel_loop3A_1732 = vector.shape_cast %parallel_loop3A_1731 : vector<16xf32> to vector<16xf32>
      %parallel_loop3A_1733 = arith.mulf %parallel_loop3A_1729, %parallel_loop3A_1732 : vector<16xf32>
      %parallel_loop3A_1734 = arith.constant 400 : index
      %parallel_loop3A_1735 = tpu.vector_load %arg16[%parallel_loop3A_1734] {strides = array<i32>} : memref<768xf32, #tpu.memory_space<vmem>>, vector<16xf32>,
      %parallel_loop3A_1736 = vector.shape_cast %parallel_loop3A_1735 : vector<16xf32> to vector<16xf32>
      %parallel_loop3A_1737 = arith.addf %parallel_loop3A_1733, %parallel_loop3A_1736 : vector<16xf32>
      %parallel_loop3A_1738 = arith.index_cast %parallel_loop3A_1040 : i32 to index
      %parallel_loop3A_1739 = arith.constant 400 : index
      %parallel_loop3A_1740 = tpu.vector_load %arg13[%parallel_loop3A_1738, %parallel_loop3A_1739] {strides = array<i32>} : memref<16x768xf32, #tpu.memory_space<vmem>>, vector<1x16xf32>,
      %parallel_loop3A_1741 = vector.shape_cast %parallel_loop3A_1740 : vector<1x16xf32> to vector<16xf32>
      %parallel_loop3A_1742 = vector.shape_cast %parallel_loop3A_1737 : vector<16xf32> to vector<1x16xf32>
      tpu.vector_store %arg13[%parallel_loop3A_1738, %parallel_loop3A_1739], %parallel_loop3A_1742 {strides = array<i32>} : memref<16x768xf32, #tpu.memory_space<vmem>>, vector<1x16xf32>,
      %parallel_loop3A_1743 = arith.index_cast %parallel_loop3A_1040 : i32 to index
      %parallel_loop3A_1744 = arith.constant 416 : index
      %parallel_loop3A_1745 = tpu.vector_load %arg13[%parallel_loop3A_1743, %parallel_loop3A_1744] {strides = array<i32>} : memref<16x768xf32, #tpu.memory_space<vmem>>, vector<1x16xf32>,
      %parallel_loop3A_1746 = vector.shape_cast %parallel_loop3A_1745 : vector<1x16xf32> to vector<16xf32>
      %parallel_loop3A_1747 = arith.constant 0 : i32
      %parallel_loop3A_1748 = arith.index_cast %parallel_loop3A_1747 : i32 to index
      %parallel_loop3A_1749 = arith.constant 416 : index
      %parallel_loop3A_1750 = tpu.vector_load %arg14[%parallel_loop3A_1748, %parallel_loop3A_1749] {strides = array<i32>} : memref<2x768xf32, #tpu.memory_space<vmem>>, vector<1x16xf32>,
      %parallel_loop3A_1751 = vector.shape_cast %parallel_loop3A_1750 : vector<1x16xf32> to vector<16xf32>
      %parallel_loop3A_1752 = arith.addf %parallel_loop3A_1746, %parallel_loop3A_1751 : vector<16xf32>
      %parallel_loop3A_1753 = arith.constant 416 : index
      %parallel_loop3A_1754 = tpu.vector_load %arg17[%parallel_loop3A_1753] {strides = array<i32>} : memref<768xf32, #tpu.memory_space<vmem>>, vector<16xf32>,
      %parallel_loop3A_1755 = vector.shape_cast %parallel_loop3A_1754 : vector<16xf32> to vector<16xf32>
      %parallel_loop3A_1756 = arith.subf %parallel_loop3A_1752, %parallel_loop3A_1755 : vector<16xf32>
      %parallel_loop3A_1757 = arith.constant 416 : index
      %parallel_loop3A_1758 = tpu.vector_load %arg15[%parallel_loop3A_1757] {strides = array<i32>} : memref<768xf32, #tpu.memory_space<vmem>>, vector<16xf32>,
      %parallel_loop3A_1759 = vector.shape_cast %parallel_loop3A_1758 : vector<16xf32> to vector<16xf32>
      %parallel_loop3A_1760 = arith.mulf %parallel_loop3A_1756, %parallel_loop3A_1759 : vector<16xf32>
      %parallel_loop3A_1761 = arith.constant 416 : index
      %parallel_loop3A_1762 = tpu.vector_load %arg16[%parallel_loop3A_1761] {strides = array<i32>} : memref<768xf32, #tpu.memory_space<vmem>>, vector<16xf32>,
      %parallel_loop3A_1763 = vector.shape_cast %parallel_loop3A_1762 : vector<16xf32> to vector<16xf32>
      %parallel_loop3A_1764 = arith.addf %parallel_loop3A_1760, %parallel_loop3A_1763 : vector<16xf32>
      %parallel_loop3A_1765 = arith.index_cast %parallel_loop3A_1040 : i32 to index
      %parallel_loop3A_1766 = arith.constant 416 : index
      %parallel_loop3A_1767 = tpu.vector_load %arg13[%parallel_loop3A_1765, %parallel_loop3A_1766] {strides = array<i32>} : memref<16x768xf32, #tpu.memory_space<vmem>>, vector<1x16xf32>,
      %parallel_loop3A_1768 = vector.shape_cast %parallel_loop3A_1767 : vector<1x16xf32> to vector<16xf32>
      %parallel_loop3A_1769 = vector.shape_cast %parallel_loop3A_1764 : vector<16xf32> to vector<1x16xf32>
      tpu.vector_store %arg13[%parallel_loop3A_1765, %parallel_loop3A_1766], %parallel_loop3A_1769 {strides = array<i32>} : memref<16x768xf32, #tpu.memory_space<vmem>>, vector<1x16xf32>,
      %parallel_loop3A_1770 = arith.index_cast %parallel_loop3A_1040 : i32 to index
      %parallel_loop3A_1771 = arith.constant 432 : index
      %parallel_loop3A_1772 = tpu.vector_load %arg13[%parallel_loop3A_1770, %parallel_loop3A_1771] {strides = array<i32>} : memref<16x768xf32, #tpu.memory_space<vmem>>, vector<1x16xf32>,
      %parallel_loop3A_1773 = vector.shape_cast %parallel_loop3A_1772 : vector<1x16xf32> to vector<16xf32>
      %parallel_loop3A_1774 = arith.constant 0 : i32
      %parallel_loop3A_1775 = arith.index_cast %parallel_loop3A_1774 : i32 to index
      %parallel_loop3A_1776 = arith.constant 432 : index
      %parallel_loop3A_1777 = tpu.vector_load %arg14[%parallel_loop3A_1775, %parallel_loop3A_1776] {strides = array<i32>} : memref<2x768xf32, #tpu.memory_space<vmem>>, vector<1x16xf32>,
      %parallel_loop3A_1778 = vector.shape_cast %parallel_loop3A_1777 : vector<1x16xf32> to vector<16xf32>
      %parallel_loop3A_1779 = arith.addf %parallel_loop3A_1773, %parallel_loop3A_1778 : vector<16xf32>
      %parallel_loop3A_1780 = arith.constant 432 : index
      %parallel_loop3A_1781 = tpu.vector_load %arg17[%parallel_loop3A_1780] {strides = array<i32>} : memref<768xf32, #tpu.memory_space<vmem>>, vector<16xf32>,
      %parallel_loop3A_1782 = vector.shape_cast %parallel_loop3A_1781 : vector<16xf32> to vector<16xf32>
      %parallel_loop3A_1783 = arith.subf %parallel_loop3A_1779, %parallel_loop3A_1782 : vector<16xf32>
      %parallel_loop3A_1784 = arith.constant 432 : index
      %parallel_loop3A_1785 = tpu.vector_load %arg15[%parallel_loop3A_1784] {strides = array<i32>} : memref<768xf32, #tpu.memory_space<vmem>>, vector<16xf32>,
      %parallel_loop3A_1786 = vector.shape_cast %parallel_loop3A_1785 : vector<16xf32> to vector<16xf32>
      %parallel_loop3A_1787 = arith.mulf %parallel_loop3A_1783, %parallel_loop3A_1786 : vector<16xf32>
      %parallel_loop3A_1788 = arith.constant 432 : index
      %parallel_loop3A_1789 = tpu.vector_load %arg16[%parallel_loop3A_1788] {strides = array<i32>} : memref<768xf32, #tpu.memory_space<vmem>>, vector<16xf32>,
      %parallel_loop3A_1790 = vector.shape_cast %parallel_loop3A_1789 : vector<16xf32> to vector<16xf32>
      %parallel_loop3A_1791 = arith.addf %parallel_loop3A_1787, %parallel_loop3A_1790 : vector<16xf32>
      %parallel_loop3A_1792 = arith.index_cast %parallel_loop3A_1040 : i32 to index
      %parallel_loop3A_1793 = arith.constant 432 : index
      %parallel_loop3A_1794 = tpu.vector_load %arg13[%parallel_loop3A_1792, %parallel_loop3A_1793] {strides = array<i32>} : memref<16x768xf32, #tpu.memory_space<vmem>>, vector<1x16xf32>,
      %parallel_loop3A_1795 = vector.shape_cast %parallel_loop3A_1794 : vector<1x16xf32> to vector<16xf32>
      %parallel_loop3A_1796 = vector.shape_cast %parallel_loop3A_1791 : vector<16xf32> to vector<1x16xf32>
      tpu.vector_store %arg13[%parallel_loop3A_1792, %parallel_loop3A_1793], %parallel_loop3A_1796 {strides = array<i32>} : memref<16x768xf32, #tpu.memory_space<vmem>>, vector<1x16xf32>,
      %parallel_loop3A_1797 = arith.index_cast %parallel_loop3A_1040 : i32 to index
      %parallel_loop3A_1798 = arith.constant 448 : index
      %parallel_loop3A_1799 = tpu.vector_load %arg13[%parallel_loop3A_1797, %parallel_loop3A_1798] {strides = array<i32>} : memref<16x768xf32, #tpu.memory_space<vmem>>, vector<1x16xf32>,
      %parallel_loop3A_1800 = vector.shape_cast %parallel_loop3A_1799 : vector<1x16xf32> to vector<16xf32>
      %parallel_loop3A_1801 = arith.constant 0 : i32
      %parallel_loop3A_1802 = arith.index_cast %parallel_loop3A_1801 : i32 to index
      %parallel_loop3A_1803 = arith.constant 448 : index
      %parallel_loop3A_1804 = tpu.vector_load %arg14[%parallel_loop3A_1802, %parallel_loop3A_1803] {strides = array<i32>} : memref<2x768xf32, #tpu.memory_space<vmem>>, vector<1x16xf32>,
      %parallel_loop3A_1805 = vector.shape_cast %parallel_loop3A_1804 : vector<1x16xf32> to vector<16xf32>
      %parallel_loop3A_1806 = arith.addf %parallel_loop3A_1800, %parallel_loop3A_1805 : vector<16xf32>
      %parallel_loop3A_1807 = arith.constant 448 : index
      %parallel_loop3A_1808 = tpu.vector_load %arg17[%parallel_loop3A_1807] {strides = array<i32>} : memref<768xf32, #tpu.memory_space<vmem>>, vector<16xf32>,
      %parallel_loop3A_1809 = vector.shape_cast %parallel_loop3A_1808 : vector<16xf32> to vector<16xf32>
      %parallel_loop3A_1810 = arith.subf %parallel_loop3A_1806, %parallel_loop3A_1809 : vector<16xf32>
      %parallel_loop3A_1811 = arith.constant 448 : index
      %parallel_loop3A_1812 = tpu.vector_load %arg15[%parallel_loop3A_1811] {strides = array<i32>} : memref<768xf32, #tpu.memory_space<vmem>>, vector<16xf32>,
      %parallel_loop3A_1813 = vector.shape_cast %parallel_loop3A_1812 : vector<16xf32> to vector<16xf32>
      %parallel_loop3A_1814 = arith.mulf %parallel_loop3A_1810, %parallel_loop3A_1813 : vector<16xf32>
      %parallel_loop3A_1815 = arith.constant 448 : index
      %parallel_loop3A_1816 = tpu.vector_load %arg16[%parallel_loop3A_1815] {strides = array<i32>} : memref<768xf32, #tpu.memory_space<vmem>>, vector<16xf32>,
      %parallel_loop3A_1817 = vector.shape_cast %parallel_loop3A_1816 : vector<16xf32> to vector<16xf32>
      %parallel_loop3A_1818 = arith.addf %parallel_loop3A_1814, %parallel_loop3A_1817 : vector<16xf32>
      %parallel_loop3A_1819 = arith.index_cast %parallel_loop3A_1040 : i32 to index
      %parallel_loop3A_1820 = arith.constant 448 : index
      %parallel_loop3A_1821 = tpu.vector_load %arg13[%parallel_loop3A_1819, %parallel_loop3A_1820] {strides = array<i32>} : memref<16x768xf32, #tpu.memory_space<vmem>>, vector<1x16xf32>,
      %parallel_loop3A_1822 = vector.shape_cast %parallel_loop3A_1821 : vector<1x16xf32> to vector<16xf32>
      %parallel_loop3A_1823 = vector.shape_cast %parallel_loop3A_1818 : vector<16xf32> to vector<1x16xf32>
      tpu.vector_store %arg13[%parallel_loop3A_1819, %parallel_loop3A_1820], %parallel_loop3A_1823 {strides = array<i32>} : memref<16x768xf32, #tpu.memory_space<vmem>>, vector<1x16xf32>,
      %parallel_loop3A_1824 = arith.index_cast %parallel_loop3A_1040 : i32 to index
      %parallel_loop3A_1825 = arith.constant 464 : index
      %parallel_loop3A_1826 = tpu.vector_load %arg13[%parallel_loop3A_1824, %parallel_loop3A_1825] {strides = array<i32>} : memref<16x768xf32, #tpu.memory_space<vmem>>, vector<1x16xf32>,
      %parallel_loop3A_1827 = vector.shape_cast %parallel_loop3A_1826 : vector<1x16xf32> to vector<16xf32>
      %parallel_loop3A_1828 = arith.constant 0 : i32
      %parallel_loop3A_1829 = arith.index_cast %parallel_loop3A_1828 : i32 to index
      %parallel_loop3A_1830 = arith.constant 464 : index
      %parallel_loop3A_1831 = tpu.vector_load %arg14[%parallel_loop3A_1829, %parallel_loop3A_1830] {strides = array<i32>} : memref<2x768xf32, #tpu.memory_space<vmem>>, vector<1x16xf32>,
      %parallel_loop3A_1832 = vector.shape_cast %parallel_loop3A_1831 : vector<1x16xf32> to vector<16xf32>
      %parallel_loop3A_1833 = arith.addf %parallel_loop3A_1827, %parallel_loop3A_1832 : vector<16xf32>
      %parallel_loop3A_1834 = arith.constant 464 : index
      %parallel_loop3A_1835 = tpu.vector_load %arg17[%parallel_loop3A_1834] {strides = array<i32>} : memref<768xf32, #tpu.memory_space<vmem>>, vector<16xf32>,
      %parallel_loop3A_1836 = vector.shape_cast %parallel_loop3A_1835 : vector<16xf32> to vector<16xf32>
      %parallel_loop3A_1837 = arith.subf %parallel_loop3A_1833, %parallel_loop3A_1836 : vector<16xf32>
      %parallel_loop3A_1838 = arith.constant 464 : index
      %parallel_loop3A_1839 = tpu.vector_load %arg15[%parallel_loop3A_1838] {strides = array<i32>} : memref<768xf32, #tpu.memory_space<vmem>>, vector<16xf32>,
      %parallel_loop3A_1840 = vector.shape_cast %parallel_loop3A_1839 : vector<16xf32> to vector<16xf32>
      %parallel_loop3A_1841 = arith.mulf %parallel_loop3A_1837, %parallel_loop3A_1840 : vector<16xf32>
      %parallel_loop3A_1842 = arith.constant 464 : index
      %parallel_loop3A_1843 = tpu.vector_load %arg16[%parallel_loop3A_1842] {strides = array<i32>} : memref<768xf32, #tpu.memory_space<vmem>>, vector<16xf32>,
      %parallel_loop3A_1844 = vector.shape_cast %parallel_loop3A_1843 : vector<16xf32> to vector<16xf32>
      %parallel_loop3A_1845 = arith.addf %parallel_loop3A_1841, %parallel_loop3A_1844 : vector<16xf32>
      %parallel_loop3A_1846 = arith.index_cast %parallel_loop3A_1040 : i32 to index
      %parallel_loop3A_1847 = arith.constant 464 : index
      %parallel_loop3A_1848 = tpu.vector_load %arg13[%parallel_loop3A_1846, %parallel_loop3A_1847] {strides = array<i32>} : memref<16x768xf32, #tpu.memory_space<vmem>>, vector<1x16xf32>,
      %parallel_loop3A_1849 = vector.shape_cast %parallel_loop3A_1848 : vector<1x16xf32> to vector<16xf32>
      %parallel_loop3A_1850 = vector.shape_cast %parallel_loop3A_1845 : vector<16xf32> to vector<1x16xf32>
      tpu.vector_store %arg13[%parallel_loop3A_1846, %parallel_loop3A_1847], %parallel_loop3A_1850 {strides = array<i32>} : memref<16x768xf32, #tpu.memory_space<vmem>>, vector<1x16xf32>,
      %parallel_loop3A_1851 = arith.index_cast %parallel_loop3A_1040 : i32 to index
      %parallel_loop3A_1852 = arith.constant 480 : index
      %parallel_loop3A_1853 = tpu.vector_load %arg13[%parallel_loop3A_1851, %parallel_loop3A_1852] {strides = array<i32>} : memref<16x768xf32, #tpu.memory_space<vmem>>, vector<1x16xf32>,
      %parallel_loop3A_1854 = vector.shape_cast %parallel_loop3A_1853 : vector<1x16xf32> to vector<16xf32>
      %parallel_loop3A_1855 = arith.constant 0 : i32
      %parallel_loop3A_1856 = arith.index_cast %parallel_loop3A_1855 : i32 to index
      %parallel_loop3A_1857 = arith.constant 480 : index
      %parallel_loop3A_1858 = tpu.vector_load %arg14[%parallel_loop3A_1856, %parallel_loop3A_1857] {strides = array<i32>} : memref<2x768xf32, #tpu.memory_space<vmem>>, vector<1x16xf32>,
      %parallel_loop3A_1859 = vector.shape_cast %parallel_loop3A_1858 : vector<1x16xf32> to vector<16xf32>
      %parallel_loop3A_1860 = arith.addf %parallel_loop3A_1854, %parallel_loop3A_1859 : vector<16xf32>
      %parallel_loop3A_1861 = arith.constant 480 : index
      %parallel_loop3A_1862 = tpu.vector_load %arg17[%parallel_loop3A_1861] {strides = array<i32>} : memref<768xf32, #tpu.memory_space<vmem>>, vector<16xf32>,
      %parallel_loop3A_1863 = vector.shape_cast %parallel_loop3A_1862 : vector<16xf32> to vector<16xf32>
      %parallel_loop3A_1864 = arith.subf %parallel_loop3A_1860, %parallel_loop3A_1863 : vector<16xf32>
      %parallel_loop3A_1865 = arith.constant 480 : index
      %parallel_loop3A_1866 = tpu.vector_load %arg15[%parallel_loop3A_1865] {strides = array<i32>} : memref<768xf32, #tpu.memory_space<vmem>>, vector<16xf32>,
      %parallel_loop3A_1867 = vector.shape_cast %parallel_loop3A_1866 : vector<16xf32> to vector<16xf32>
      %parallel_loop3A_1868 = arith.mulf %parallel_loop3A_1864, %parallel_loop3A_1867 : vector<16xf32>
      %parallel_loop3A_1869 = arith.constant 480 : index
      %parallel_loop3A_1870 = tpu.vector_load %arg16[%parallel_loop3A_1869] {strides = array<i32>} : memref<768xf32, #tpu.memory_space<vmem>>, vector<16xf32>,
      %parallel_loop3A_1871 = vector.shape_cast %parallel_loop3A_1870 : vector<16xf32> to vector<16xf32>
      %parallel_loop3A_1872 = arith.addf %parallel_loop3A_1868, %parallel_loop3A_1871 : vector<16xf32>
      %parallel_loop3A_1873 = arith.index_cast %parallel_loop3A_1040 : i32 to index
      %parallel_loop3A_1874 = arith.constant 480 : index
      %parallel_loop3A_1875 = tpu.vector_load %arg13[%parallel_loop3A_1873, %parallel_loop3A_1874] {strides = array<i32>} : memref<16x768xf32, #tpu.memory_space<vmem>>, vector<1x16xf32>,
      %parallel_loop3A_1876 = vector.shape_cast %parallel_loop3A_1875 : vector<1x16xf32> to vector<16xf32>
      %parallel_loop3A_1877 = vector.shape_cast %parallel_loop3A_1872 : vector<16xf32> to vector<1x16xf32>
      tpu.vector_store %arg13[%parallel_loop3A_1873, %parallel_loop3A_1874], %parallel_loop3A_1877 {strides = array<i32>} : memref<16x768xf32, #tpu.memory_space<vmem>>, vector<1x16xf32>,
      %parallel_loop3A_1878 = arith.index_cast %parallel_loop3A_1040 : i32 to index
      %parallel_loop3A_1879 = arith.constant 496 : index
      %parallel_loop3A_1880 = tpu.vector_load %arg13[%parallel_loop3A_1878, %parallel_loop3A_1879] {strides = array<i32>} : memref<16x768xf32, #tpu.memory_space<vmem>>, vector<1x16xf32>,
      %parallel_loop3A_1881 = vector.shape_cast %parallel_loop3A_1880 : vector<1x16xf32> to vector<16xf32>
      %parallel_loop3A_1882 = arith.constant 0 : i32
      %parallel_loop3A_1883 = arith.index_cast %parallel_loop3A_1882 : i32 to index
      %parallel_loop3A_1884 = arith.constant 496 : index
      %parallel_loop3A_1885 = tpu.vector_load %arg14[%parallel_loop3A_1883, %parallel_loop3A_1884] {strides = array<i32>} : memref<2x768xf32, #tpu.memory_space<vmem>>, vector<1x16xf32>,
      %parallel_loop3A_1886 = vector.shape_cast %parallel_loop3A_1885 : vector<1x16xf32> to vector<16xf32>
      %parallel_loop3A_1887 = arith.addf %parallel_loop3A_1881, %parallel_loop3A_1886 : vector<16xf32>
      %parallel_loop3A_1888 = arith.constant 496 : index
      %parallel_loop3A_1889 = tpu.vector_load %arg17[%parallel_loop3A_1888] {strides = array<i32>} : memref<768xf32, #tpu.memory_space<vmem>>, vector<16xf32>,
      %parallel_loop3A_1890 = vector.shape_cast %parallel_loop3A_1889 : vector<16xf32> to vector<16xf32>
      %parallel_loop3A_1891 = arith.subf %parallel_loop3A_1887, %parallel_loop3A_1890 : vector<16xf32>
      %parallel_loop3A_1892 = arith.constant 496 : index
      %parallel_loop3A_1893 = tpu.vector_load %arg15[%parallel_loop3A_1892] {strides = array<i32>} : memref<768xf32, #tpu.memory_space<vmem>>, vector<16xf32>,
      %parallel_loop3A_1894 = vector.shape_cast %parallel_loop3A_1893 : vector<16xf32> to vector<16xf32>
      %parallel_loop3A_1895 = arith.mulf %parallel_loop3A_1891, %parallel_loop3A_1894 : vector<16xf32>
      %parallel_loop3A_1896 = arith.constant 496 : index
      %parallel_loop3A_1897 = tpu.vector_load %arg16[%parallel_loop3A_1896] {strides = array<i32>} : memref<768xf32, #tpu.memory_space<vmem>>, vector<16xf32>,
      %parallel_loop3A_1898 = vector.shape_cast %parallel_loop3A_1897 : vector<16xf32> to vector<16xf32>
      %parallel_loop3A_1899 = arith.addf %parallel_loop3A_1895, %parallel_loop3A_1898 : vector<16xf32>
      %parallel_loop3A_1900 = arith.index_cast %parallel_loop3A_1040 : i32 to index
      %parallel_loop3A_1901 = arith.constant 496 : index
      %parallel_loop3A_1902 = tpu.vector_load %arg13[%parallel_loop3A_1900, %parallel_loop3A_1901] {strides = array<i32>} : memref<16x768xf32, #tpu.memory_space<vmem>>, vector<1x16xf32>,
      %parallel_loop3A_1903 = vector.shape_cast %parallel_loop3A_1902 : vector<1x16xf32> to vector<16xf32>
      %parallel_loop3A_1904 = vector.shape_cast %parallel_loop3A_1899 : vector<16xf32> to vector<1x16xf32>
      tpu.vector_store %arg13[%parallel_loop3A_1900, %parallel_loop3A_1901], %parallel_loop3A_1904 {strides = array<i32>} : memref<16x768xf32, #tpu.memory_space<vmem>>, vector<1x16xf32>,
      %parallel_loop3A_1905 = arith.index_cast %parallel_loop3A_1040 : i32 to index
      %parallel_loop3A_1906 = arith.constant 512 : index
      %parallel_loop3A_1907 = tpu.vector_load %arg13[%parallel_loop3A_1905, %parallel_loop3A_1906] {strides = array<i32>} : memref<16x768xf32, #tpu.memory_space<vmem>>, vector<1x16xf32>,
      %parallel_loop3A_1908 = vector.shape_cast %parallel_loop3A_1907 : vector<1x16xf32> to vector<16xf32>
      %parallel_loop3A_1909 = arith.constant 0 : i32
      %parallel_loop3A_1910 = arith.index_cast %parallel_loop3A_1909 : i32 to index
      %parallel_loop3A_1911 = arith.constant 512 : index
      %parallel_loop3A_1912 = tpu.vector_load %arg14[%parallel_loop3A_1910, %parallel_loop3A_1911] {strides = array<i32>} : memref<2x768xf32, #tpu.memory_space<vmem>>, vector<1x16xf32>,
      %parallel_loop3A_1913 = vector.shape_cast %parallel_loop3A_1912 : vector<1x16xf32> to vector<16xf32>
      %parallel_loop3A_1914 = arith.addf %parallel_loop3A_1908, %parallel_loop3A_1913 : vector<16xf32>
      %parallel_loop3A_1915 = arith.constant 512 : index
      %parallel_loop3A_1916 = tpu.vector_load %arg17[%parallel_loop3A_1915] {strides = array<i32>} : memref<768xf32, #tpu.memory_space<vmem>>, vector<16xf32>,
      %parallel_loop3A_1917 = vector.shape_cast %parallel_loop3A_1916 : vector<16xf32> to vector<16xf32>
      %parallel_loop3A_1918 = arith.subf %parallel_loop3A_1914, %parallel_loop3A_1917 : vector<16xf32>
      %parallel_loop3A_1919 = arith.constant 512 : index
      %parallel_loop3A_1920 = tpu.vector_load %arg15[%parallel_loop3A_1919] {strides = array<i32>} : memref<768xf32, #tpu.memory_space<vmem>>, vector<16xf32>,
      %parallel_loop3A_1921 = vector.shape_cast %parallel_loop3A_1920 : vector<16xf32> to vector<16xf32>
      %parallel_loop3A_1922 = arith.mulf %parallel_loop3A_1918, %parallel_loop3A_1921 : vector<16xf32>
      %parallel_loop3A_1923 = arith.constant 512 : index
      %parallel_loop3A_1924 = tpu.vector_load %arg16[%parallel_loop3A_1923] {strides = array<i32>} : memref<768xf32, #tpu.memory_space<vmem>>, vector<16xf32>,
      %parallel_loop3A_1925 = vector.shape_cast %parallel_loop3A_1924 : vector<16xf32> to vector<16xf32>
      %parallel_loop3A_1926 = arith.addf %parallel_loop3A_1922, %parallel_loop3A_1925 : vector<16xf32>
      %parallel_loop3A_1927 = arith.index_cast %parallel_loop3A_1040 : i32 to index
      %parallel_loop3A_1928 = arith.constant 512 : index
      %parallel_loop3A_1929 = tpu.vector_load %arg13[%parallel_loop3A_1927, %parallel_loop3A_1928] {strides = array<i32>} : memref<16x768xf32, #tpu.memory_space<vmem>>, vector<1x16xf32>,
      %parallel_loop3A_1930 = vector.shape_cast %parallel_loop3A_1929 : vector<1x16xf32> to vector<16xf32>
      %parallel_loop3A_1931 = vector.shape_cast %parallel_loop3A_1926 : vector<16xf32> to vector<1x16xf32>
      tpu.vector_store %arg13[%parallel_loop3A_1927, %parallel_loop3A_1928], %parallel_loop3A_1931 {strides = array<i32>} : memref<16x768xf32, #tpu.memory_space<vmem>>, vector<1x16xf32>,
      %parallel_loop3A_1932 = arith.index_cast %parallel_loop3A_1040 : i32 to index
      %parallel_loop3A_1933 = arith.constant 528 : index
      %parallel_loop3A_1934 = tpu.vector_load %arg13[%parallel_loop3A_1932, %parallel_loop3A_1933] {strides = array<i32>} : memref<16x768xf32, #tpu.memory_space<vmem>>, vector<1x16xf32>,
      %parallel_loop3A_1935 = vector.shape_cast %parallel_loop3A_1934 : vector<1x16xf32> to vector<16xf32>
      %parallel_loop3A_1936 = arith.constant 0 : i32
      %parallel_loop3A_1937 = arith.index_cast %parallel_loop3A_1936 : i32 to index
      %parallel_loop3A_1938 = arith.constant 528 : index
      %parallel_loop3A_1939 = tpu.vector_load %arg14[%parallel_loop3A_1937, %parallel_loop3A_1938] {strides = array<i32>} : memref<2x768xf32, #tpu.memory_space<vmem>>, vector<1x16xf32>,
      %parallel_loop3A_1940 = vector.shape_cast %parallel_loop3A_1939 : vector<1x16xf32> to vector<16xf32>
      %parallel_loop3A_1941 = arith.addf %parallel_loop3A_1935, %parallel_loop3A_1940 : vector<16xf32>
      %parallel_loop3A_1942 = arith.constant 528 : index
      %parallel_loop3A_1943 = tpu.vector_load %arg17[%parallel_loop3A_1942] {strides = array<i32>} : memref<768xf32, #tpu.memory_space<vmem>>, vector<16xf32>,
      %parallel_loop3A_1944 = vector.shape_cast %parallel_loop3A_1943 : vector<16xf32> to vector<16xf32>
      %parallel_loop3A_1945 = arith.subf %parallel_loop3A_1941, %parallel_loop3A_1944 : vector<16xf32>
      %parallel_loop3A_1946 = arith.constant 528 : index
      %parallel_loop3A_1947 = tpu.vector_load %arg15[%parallel_loop3A_1946] {strides = array<i32>} : memref<768xf32, #tpu.memory_space<vmem>>, vector<16xf32>,
      %parallel_loop3A_1948 = vector.shape_cast %parallel_loop3A_1947 : vector<16xf32> to vector<16xf32>
      %parallel_loop3A_1949 = arith.mulf %parallel_loop3A_1945, %parallel_loop3A_1948 : vector<16xf32>
      %parallel_loop3A_1950 = arith.constant 528 : index
      %parallel_loop3A_1951 = tpu.vector_load %arg16[%parallel_loop3A_1950] {strides = array<i32>} : memref<768xf32, #tpu.memory_space<vmem>>, vector<16xf32>,
      %parallel_loop3A_1952 = vector.shape_cast %parallel_loop3A_1951 : vector<16xf32> to vector<16xf32>
      %parallel_loop3A_1953 = arith.addf %parallel_loop3A_1949, %parallel_loop3A_1952 : vector<16xf32>
      %parallel_loop3A_1954 = arith.index_cast %parallel_loop3A_1040 : i32 to index
      %parallel_loop3A_1955 = arith.constant 528 : index
      %parallel_loop3A_1956 = tpu.vector_load %arg13[%parallel_loop3A_1954, %parallel_loop3A_1955] {strides = array<i32>} : memref<16x768xf32, #tpu.memory_space<vmem>>, vector<1x16xf32>,
      %parallel_loop3A_1957 = vector.shape_cast %parallel_loop3A_1956 : vector<1x16xf32> to vector<16xf32>
      %parallel_loop3A_1958 = vector.shape_cast %parallel_loop3A_1953 : vector<16xf32> to vector<1x16xf32>
      tpu.vector_store %arg13[%parallel_loop3A_1954, %parallel_loop3A_1955], %parallel_loop3A_1958 {strides = array<i32>} : memref<16x768xf32, #tpu.memory_space<vmem>>, vector<1x16xf32>,
      %parallel_loop3A_1959 = arith.index_cast %parallel_loop3A_1040 : i32 to index
      %parallel_loop3A_1960 = arith.constant 544 : index
      %parallel_loop3A_1961 = tpu.vector_load %arg13[%parallel_loop3A_1959, %parallel_loop3A_1960] {strides = array<i32>} : memref<16x768xf32, #tpu.memory_space<vmem>>, vector<1x16xf32>,
      %parallel_loop3A_1962 = vector.shape_cast %parallel_loop3A_1961 : vector<1x16xf32> to vector<16xf32>
      %parallel_loop3A_1963 = arith.constant 0 : i32
      %parallel_loop3A_1964 = arith.index_cast %parallel_loop3A_1963 : i32 to index
      %parallel_loop3A_1965 = arith.constant 544 : index
      %parallel_loop3A_1966 = tpu.vector_load %arg14[%parallel_loop3A_1964, %parallel_loop3A_1965] {strides = array<i32>} : memref<2x768xf32, #tpu.memory_space<vmem>>, vector<1x16xf32>,
      %parallel_loop3A_1967 = vector.shape_cast %parallel_loop3A_1966 : vector<1x16xf32> to vector<16xf32>
      %parallel_loop3A_1968 = arith.addf %parallel_loop3A_1962, %parallel_loop3A_1967 : vector<16xf32>
      %parallel_loop3A_1969 = arith.constant 544 : index
      %parallel_loop3A_1970 = tpu.vector_load %arg17[%parallel_loop3A_1969] {strides = array<i32>} : memref<768xf32, #tpu.memory_space<vmem>>, vector<16xf32>,
      %parallel_loop3A_1971 = vector.shape_cast %parallel_loop3A_1970 : vector<16xf32> to vector<16xf32>
      %parallel_loop3A_1972 = arith.subf %parallel_loop3A_1968, %parallel_loop3A_1971 : vector<16xf32>
      %parallel_loop3A_1973 = arith.constant 544 : index
      %parallel_loop3A_1974 = tpu.vector_load %arg15[%parallel_loop3A_1973] {strides = array<i32>} : memref<768xf32, #tpu.memory_space<vmem>>, vector<16xf32>,
      %parallel_loop3A_1975 = vector.shape_cast %parallel_loop3A_1974 : vector<16xf32> to vector<16xf32>
      %parallel_loop3A_1976 = arith.mulf %parallel_loop3A_1972, %parallel_loop3A_1975 : vector<16xf32>
      %parallel_loop3A_1977 = arith.constant 544 : index
      %parallel_loop3A_1978 = tpu.vector_load %arg16[%parallel_loop3A_1977] {strides = array<i32>} : memref<768xf32, #tpu.memory_space<vmem>>, vector<16xf32>,
      %parallel_loop3A_1979 = vector.shape_cast %parallel_loop3A_1978 : vector<16xf32> to vector<16xf32>
      %parallel_loop3A_1980 = arith.addf %parallel_loop3A_1976, %parallel_loop3A_1979 : vector<16xf32>
      %parallel_loop3A_1981 = arith.index_cast %parallel_loop3A_1040 : i32 to index
      %parallel_loop3A_1982 = arith.constant 544 : index
      %parallel_loop3A_1983 = tpu.vector_load %arg13[%parallel_loop3A_1981, %parallel_loop3A_1982] {strides = array<i32>} : memref<16x768xf32, #tpu.memory_space<vmem>>, vector<1x16xf32>,
      %parallel_loop3A_1984 = vector.shape_cast %parallel_loop3A_1983 : vector<1x16xf32> to vector<16xf32>
      %parallel_loop3A_1985 = vector.shape_cast %parallel_loop3A_1980 : vector<16xf32> to vector<1x16xf32>
      tpu.vector_store %arg13[%parallel_loop3A_1981, %parallel_loop3A_1982], %parallel_loop3A_1985 {strides = array<i32>} : memref<16x768xf32, #tpu.memory_space<vmem>>, vector<1x16xf32>,
      %parallel_loop3A_1986 = arith.index_cast %parallel_loop3A_1040 : i32 to index
      %parallel_loop3A_1987 = arith.constant 560 : index
      %parallel_loop3A_1988 = tpu.vector_load %arg13[%parallel_loop3A_1986, %parallel_loop3A_1987] {strides = array<i32>} : memref<16x768xf32, #tpu.memory_space<vmem>>, vector<1x16xf32>,
      %parallel_loop3A_1989 = vector.shape_cast %parallel_loop3A_1988 : vector<1x16xf32> to vector<16xf32>
      %parallel_loop3A_1990 = arith.constant 0 : i32
      %parallel_loop3A_1991 = arith.index_cast %parallel_loop3A_1990 : i32 to index
      %parallel_loop3A_1992 = arith.constant 560 : index
      %parallel_loop3A_1993 = tpu.vector_load %arg14[%parallel_loop3A_1991, %parallel_loop3A_1992] {strides = array<i32>} : memref<2x768xf32, #tpu.memory_space<vmem>>, vector<1x16xf32>,
      %parallel_loop3A_1994 = vector.shape_cast %parallel_loop3A_1993 : vector<1x16xf32> to vector<16xf32>
      %parallel_loop3A_1995 = arith.addf %parallel_loop3A_1989, %parallel_loop3A_1994 : vector<16xf32>
      %parallel_loop3A_1996 = arith.constant 560 : index
      %parallel_loop3A_1997 = tpu.vector_load %arg17[%parallel_loop3A_1996] {strides = array<i32>} : memref<768xf32, #tpu.memory_space<vmem>>, vector<16xf32>,
      %parallel_loop3A_1998 = vector.shape_cast %parallel_loop3A_1997 : vector<16xf32> to vector<16xf32>
      %parallel_loop3A_1999 = arith.subf %parallel_loop3A_1995, %parallel_loop3A_1998 : vector<16xf32>
      %parallel_loop3A_2000 = arith.constant 560 : index
      %parallel_loop3A_2001 = tpu.vector_load %arg15[%parallel_loop3A_2000] {strides = array<i32>} : memref<768xf32, #tpu.memory_space<vmem>>, vector<16xf32>,
      %parallel_loop3A_2002 = vector.shape_cast %parallel_loop3A_2001 : vector<16xf32> to vector<16xf32>
      %parallel_loop3A_2003 = arith.mulf %parallel_loop3A_1999, %parallel_loop3A_2002 : vector<16xf32>
      %parallel_loop3A_2004 = arith.constant 560 : index
      %parallel_loop3A_2005 = tpu.vector_load %arg16[%parallel_loop3A_2004] {strides = array<i32>} : memref<768xf32, #tpu.memory_space<vmem>>, vector<16xf32>,
      %parallel_loop3A_2006 = vector.shape_cast %parallel_loop3A_2005 : vector<16xf32> to vector<16xf32>
      %parallel_loop3A_2007 = arith.addf %parallel_loop3A_2003, %parallel_loop3A_2006 : vector<16xf32>
      %parallel_loop3A_2008 = arith.index_cast %parallel_loop3A_1040 : i32 to index
      %parallel_loop3A_2009 = arith.constant 560 : index
      %parallel_loop3A_2010 = tpu.vector_load %arg13[%parallel_loop3A_2008, %parallel_loop3A_2009] {strides = array<i32>} : memref<16x768xf32, #tpu.memory_space<vmem>>, vector<1x16xf32>,
      %parallel_loop3A_2011 = vector.shape_cast %parallel_loop3A_2010 : vector<1x16xf32> to vector<16xf32>
      %parallel_loop3A_2012 = vector.shape_cast %parallel_loop3A_2007 : vector<16xf32> to vector<1x16xf32>
      tpu.vector_store %arg13[%parallel_loop3A_2008, %parallel_loop3A_2009], %parallel_loop3A_2012 {strides = array<i32>} : memref<16x768xf32, #tpu.memory_space<vmem>>, vector<1x16xf32>,
      %parallel_loop3A_2013 = arith.index_cast %parallel_loop3A_1040 : i32 to index
      %parallel_loop3A_2014 = arith.constant 576 : index
      %parallel_loop3A_2015 = tpu.vector_load %arg13[%parallel_loop3A_2013, %parallel_loop3A_2014] {strides = array<i32>} : memref<16x768xf32, #tpu.memory_space<vmem>>, vector<1x16xf32>,
      %parallel_loop3A_2016 = vector.shape_cast %parallel_loop3A_2015 : vector<1x16xf32> to vector<16xf32>
      %parallel_loop3A_2017 = arith.constant 0 : i32
      %parallel_loop3A_2018 = arith.index_cast %parallel_loop3A_2017 : i32 to index
      %parallel_loop3A_2019 = arith.constant 576 : index
      %parallel_loop3A_2020 = tpu.vector_load %arg14[%parallel_loop3A_2018, %parallel_loop3A_2019] {strides = array<i32>} : memref<2x768xf32, #tpu.memory_space<vmem>>, vector<1x16xf32>,
      %parallel_loop3A_2021 = vector.shape_cast %parallel_loop3A_2020 : vector<1x16xf32> to vector<16xf32>
      %parallel_loop3A_2022 = arith.addf %parallel_loop3A_2016, %parallel_loop3A_2021 : vector<16xf32>
      %parallel_loop3A_2023 = arith.constant 576 : index
      %parallel_loop3A_2024 = tpu.vector_load %arg17[%parallel_loop3A_2023] {strides = array<i32>} : memref<768xf32, #tpu.memory_space<vmem>>, vector<16xf32>,
      %parallel_loop3A_2025 = vector.shape_cast %parallel_loop3A_2024 : vector<16xf32> to vector<16xf32>
      %parallel_loop3A_2026 = arith.subf %parallel_loop3A_2022, %parallel_loop3A_2025 : vector<16xf32>
      %parallel_loop3A_2027 = arith.constant 576 : index
      %parallel_loop3A_2028 = tpu.vector_load %arg15[%parallel_loop3A_2027] {strides = array<i32>} : memref<768xf32, #tpu.memory_space<vmem>>, vector<16xf32>,
      %parallel_loop3A_2029 = vector.shape_cast %parallel_loop3A_2028 : vector<16xf32> to vector<16xf32>
      %parallel_loop3A_2030 = arith.mulf %parallel_loop3A_2026, %parallel_loop3A_2029 : vector<16xf32>
      %parallel_loop3A_2031 = arith.constant 576 : index
      %parallel_loop3A_2032 = tpu.vector_load %arg16[%parallel_loop3A_2031] {strides = array<i32>} : memref<768xf32, #tpu.memory_space<vmem>>, vector<16xf32>,
      %parallel_loop3A_2033 = vector.shape_cast %parallel_loop3A_2032 : vector<16xf32> to vector<16xf32>
      %parallel_loop3A_2034 = arith.addf %parallel_loop3A_2030, %parallel_loop3A_2033 : vector<16xf32>
      %parallel_loop3A_2035 = arith.index_cast %parallel_loop3A_1040 : i32 to index
      %parallel_loop3A_2036 = arith.constant 576 : index
      %parallel_loop3A_2037 = tpu.vector_load %arg13[%parallel_loop3A_2035, %parallel_loop3A_2036] {strides = array<i32>} : memref<16x768xf32, #tpu.memory_space<vmem>>, vector<1x16xf32>,
      %parallel_loop3A_2038 = vector.shape_cast %parallel_loop3A_2037 : vector<1x16xf32> to vector<16xf32>
      %parallel_loop3A_2039 = vector.shape_cast %parallel_loop3A_2034 : vector<16xf32> to vector<1x16xf32>
      tpu.vector_store %arg13[%parallel_loop3A_2035, %parallel_loop3A_2036], %parallel_loop3A_2039 {strides = array<i32>} : memref<16x768xf32, #tpu.memory_space<vmem>>, vector<1x16xf32>,
      %parallel_loop3A_2040 = arith.index_cast %parallel_loop3A_1040 : i32 to index
      %parallel_loop3A_2041 = arith.constant 592 : index
      %parallel_loop3A_2042 = tpu.vector_load %arg13[%parallel_loop3A_2040, %parallel_loop3A_2041] {strides = array<i32>} : memref<16x768xf32, #tpu.memory_space<vmem>>, vector<1x16xf32>,
      %parallel_loop3A_2043 = vector.shape_cast %parallel_loop3A_2042 : vector<1x16xf32> to vector<16xf32>
      %parallel_loop3A_2044 = arith.constant 0 : i32
      %parallel_loop3A_2045 = arith.index_cast %parallel_loop3A_2044 : i32 to index
      %parallel_loop3A_2046 = arith.constant 592 : index
      %parallel_loop3A_2047 = tpu.vector_load %arg14[%parallel_loop3A_2045, %parallel_loop3A_2046] {strides = array<i32>} : memref<2x768xf32, #tpu.memory_space<vmem>>, vector<1x16xf32>,
      %parallel_loop3A_2048 = vector.shape_cast %parallel_loop3A_2047 : vector<1x16xf32> to vector<16xf32>
      %parallel_loop3A_2049 = arith.addf %parallel_loop3A_2043, %parallel_loop3A_2048 : vector<16xf32>
      %parallel_loop3A_2050 = arith.constant 592 : index
      %parallel_loop3A_2051 = tpu.vector_load %arg17[%parallel_loop3A_2050] {strides = array<i32>} : memref<768xf32, #tpu.memory_space<vmem>>, vector<16xf32>,
      %parallel_loop3A_2052 = vector.shape_cast %parallel_loop3A_2051 : vector<16xf32> to vector<16xf32>
      %parallel_loop3A_2053 = arith.subf %parallel_loop3A_2049, %parallel_loop3A_2052 : vector<16xf32>
      %parallel_loop3A_2054 = arith.constant 592 : index
      %parallel_loop3A_2055 = tpu.vector_load %arg15[%parallel_loop3A_2054] {strides = array<i32>} : memref<768xf32, #tpu.memory_space<vmem>>, vector<16xf32>,
      %parallel_loop3A_2056 = vector.shape_cast %parallel_loop3A_2055 : vector<16xf32> to vector<16xf32>
      %parallel_loop3A_2057 = arith.mulf %parallel_loop3A_2053, %parallel_loop3A_2056 : vector<16xf32>
      %parallel_loop3A_2058 = arith.constant 592 : index
      %parallel_loop3A_2059 = tpu.vector_load %arg16[%parallel_loop3A_2058] {strides = array<i32>} : memref<768xf32, #tpu.memory_space<vmem>>, vector<16xf32>,
      %parallel_loop3A_2060 = vector.shape_cast %parallel_loop3A_2059 : vector<16xf32> to vector<16xf32>
      %parallel_loop3A_2061 = arith.addf %parallel_loop3A_2057, %parallel_loop3A_2060 : vector<16xf32>
      %parallel_loop3A_2062 = arith.index_cast %parallel_loop3A_1040 : i32 to index
      %parallel_loop3A_2063 = arith.constant 592 : index
      %parallel_loop3A_2064 = tpu.vector_load %arg13[%parallel_loop3A_2062, %parallel_loop3A_2063] {strides = array<i32>} : memref<16x768xf32, #tpu.memory_space<vmem>>, vector<1x16xf32>,
      %parallel_loop3A_2065 = vector.shape_cast %parallel_loop3A_2064 : vector<1x16xf32> to vector<16xf32>
      %parallel_loop3A_2066 = vector.shape_cast %parallel_loop3A_2061 : vector<16xf32> to vector<1x16xf32>
      tpu.vector_store %arg13[%parallel_loop3A_2062, %parallel_loop3A_2063], %parallel_loop3A_2066 {strides = array<i32>} : memref<16x768xf32, #tpu.memory_space<vmem>>, vector<1x16xf32>,
      %parallel_loop3A_2067 = arith.index_cast %parallel_loop3A_1040 : i32 to index
      %parallel_loop3A_2068 = arith.constant 608 : index
      %parallel_loop3A_2069 = tpu.vector_load %arg13[%parallel_loop3A_2067, %parallel_loop3A_2068] {strides = array<i32>} : memref<16x768xf32, #tpu.memory_space<vmem>>, vector<1x16xf32>,
      %parallel_loop3A_2070 = vector.shape_cast %parallel_loop3A_2069 : vector<1x16xf32> to vector<16xf32>
      %parallel_loop3A_2071 = arith.constant 0 : i32
      %parallel_loop3A_2072 = arith.index_cast %parallel_loop3A_2071 : i32 to index
      %parallel_loop3A_2073 = arith.constant 608 : index
      %parallel_loop3A_2074 = tpu.vector_load %arg14[%parallel_loop3A_2072, %parallel_loop3A_2073] {strides = array<i32>} : memref<2x768xf32, #tpu.memory_space<vmem>>, vector<1x16xf32>,
      %parallel_loop3A_2075 = vector.shape_cast %parallel_loop3A_2074 : vector<1x16xf32> to vector<16xf32>
      %parallel_loop3A_2076 = arith.addf %parallel_loop3A_2070, %parallel_loop3A_2075 : vector<16xf32>
      %parallel_loop3A_2077 = arith.constant 608 : index
      %parallel_loop3A_2078 = tpu.vector_load %arg17[%parallel_loop3A_2077] {strides = array<i32>} : memref<768xf32, #tpu.memory_space<vmem>>, vector<16xf32>,
      %parallel_loop3A_2079 = vector.shape_cast %parallel_loop3A_2078 : vector<16xf32> to vector<16xf32>
      %parallel_loop3A_2080 = arith.subf %parallel_loop3A_2076, %parallel_loop3A_2079 : vector<16xf32>
      %parallel_loop3A_2081 = arith.constant 608 : index
      %parallel_loop3A_2082 = tpu.vector_load %arg15[%parallel_loop3A_2081] {strides = array<i32>} : memref<768xf32, #tpu.memory_space<vmem>>, vector<16xf32>,
      %parallel_loop3A_2083 = vector.shape_cast %parallel_loop3A_2082 : vector<16xf32> to vector<16xf32>
      %parallel_loop3A_2084 = arith.mulf %parallel_loop3A_2080, %parallel_loop3A_2083 : vector<16xf32>
      %parallel_loop3A_2085 = arith.constant 608 : index
      %parallel_loop3A_2086 = tpu.vector_load %arg16[%parallel_loop3A_2085] {strides = array<i32>} : memref<768xf32, #tpu.memory_space<vmem>>, vector<16xf32>,
      %parallel_loop3A_2087 = vector.shape_cast %parallel_loop3A_2086 : vector<16xf32> to vector<16xf32>
      %parallel_loop3A_2088 = arith.addf %parallel_loop3A_2084, %parallel_loop3A_2087 : vector<16xf32>
      %parallel_loop3A_2089 = arith.index_cast %parallel_loop3A_1040 : i32 to index
      %parallel_loop3A_2090 = arith.constant 608 : index
      %parallel_loop3A_2091 = tpu.vector_load %arg13[%parallel_loop3A_2089, %parallel_loop3A_2090] {strides = array<i32>} : memref<16x768xf32, #tpu.memory_space<vmem>>, vector<1x16xf32>,
      %parallel_loop3A_2092 = vector.shape_cast %parallel_loop3A_2091 : vector<1x16xf32> to vector<16xf32>
      %parallel_loop3A_2093 = vector.shape_cast %parallel_loop3A_2088 : vector<16xf32> to vector<1x16xf32>
      tpu.vector_store %arg13[%parallel_loop3A_2089, %parallel_loop3A_2090], %parallel_loop3A_2093 {strides = array<i32>} : memref<16x768xf32, #tpu.memory_space<vmem>>, vector<1x16xf32>,
      %parallel_loop3A_2094 = arith.index_cast %parallel_loop3A_1040 : i32 to index
      %parallel_loop3A_2095 = arith.constant 624 : index
      %parallel_loop3A_2096 = tpu.vector_load %arg13[%parallel_loop3A_2094, %parallel_loop3A_2095] {strides = array<i32>} : memref<16x768xf32, #tpu.memory_space<vmem>>, vector<1x16xf32>,
      %parallel_loop3A_2097 = vector.shape_cast %parallel_loop3A_2096 : vector<1x16xf32> to vector<16xf32>
      %parallel_loop3A_2098 = arith.constant 0 : i32
      %parallel_loop3A_2099 = arith.index_cast %parallel_loop3A_2098 : i32 to index
      %parallel_loop3A_2100 = arith.constant 624 : index
      %parallel_loop3A_2101 = tpu.vector_load %arg14[%parallel_loop3A_2099, %parallel_loop3A_2100] {strides = array<i32>} : memref<2x768xf32, #tpu.memory_space<vmem>>, vector<1x16xf32>,
      %parallel_loop3A_2102 = vector.shape_cast %parallel_loop3A_2101 : vector<1x16xf32> to vector<16xf32>
      %parallel_loop3A_2103 = arith.addf %parallel_loop3A_2097, %parallel_loop3A_2102 : vector<16xf32>
      %parallel_loop3A_2104 = arith.constant 624 : index
      %parallel_loop3A_2105 = tpu.vector_load %arg17[%parallel_loop3A_2104] {strides = array<i32>} : memref<768xf32, #tpu.memory_space<vmem>>, vector<16xf32>,
      %parallel_loop3A_2106 = vector.shape_cast %parallel_loop3A_2105 : vector<16xf32> to vector<16xf32>
      %parallel_loop3A_2107 = arith.subf %parallel_loop3A_2103, %parallel_loop3A_2106 : vector<16xf32>
      %parallel_loop3A_2108 = arith.constant 624 : index
      %parallel_loop3A_2109 = tpu.vector_load %arg15[%parallel_loop3A_2108] {strides = array<i32>} : memref<768xf32, #tpu.memory_space<vmem>>, vector<16xf32>,
      %parallel_loop3A_2110 = vector.shape_cast %parallel_loop3A_2109 : vector<16xf32> to vector<16xf32>
      %parallel_loop3A_2111 = arith.mulf %parallel_loop3A_2107, %parallel_loop3A_2110 : vector<16xf32>
      %parallel_loop3A_2112 = arith.constant 624 : index
      %parallel_loop3A_2113 = tpu.vector_load %arg16[%parallel_loop3A_2112] {strides = array<i32>} : memref<768xf32, #tpu.memory_space<vmem>>, vector<16xf32>,
      %parallel_loop3A_2114 = vector.shape_cast %parallel_loop3A_2113 : vector<16xf32> to vector<16xf32>
      %parallel_loop3A_2115 = arith.addf %parallel_loop3A_2111, %parallel_loop3A_2114 : vector<16xf32>
      %parallel_loop3A_2116 = arith.index_cast %parallel_loop3A_1040 : i32 to index
      %parallel_loop3A_2117 = arith.constant 624 : index
      %parallel_loop3A_2118 = tpu.vector_load %arg13[%parallel_loop3A_2116, %parallel_loop3A_2117] {strides = array<i32>} : memref<16x768xf32, #tpu.memory_space<vmem>>, vector<1x16xf32>,
      %parallel_loop3A_2119 = vector.shape_cast %parallel_loop3A_2118 : vector<1x16xf32> to vector<16xf32>
      %parallel_loop3A_2120 = vector.shape_cast %parallel_loop3A_2115 : vector<16xf32> to vector<1x16xf32>
      tpu.vector_store %arg13[%parallel_loop3A_2116, %parallel_loop3A_2117], %parallel_loop3A_2120 {strides = array<i32>} : memref<16x768xf32, #tpu.memory_space<vmem>>, vector<1x16xf32>,
      %parallel_loop3A_2121 = arith.index_cast %parallel_loop3A_1040 : i32 to index
      %parallel_loop3A_2122 = arith.constant 640 : index
      %parallel_loop3A_2123 = tpu.vector_load %arg13[%parallel_loop3A_2121, %parallel_loop3A_2122] {strides = array<i32>} : memref<16x768xf32, #tpu.memory_space<vmem>>, vector<1x16xf32>,
      %parallel_loop3A_2124 = vector.shape_cast %parallel_loop3A_2123 : vector<1x16xf32> to vector<16xf32>
      %parallel_loop3A_2125 = arith.constant 0 : i32
      %parallel_loop3A_2126 = arith.index_cast %parallel_loop3A_2125 : i32 to index
      %parallel_loop3A_2127 = arith.constant 640 : index
      %parallel_loop3A_2128 = tpu.vector_load %arg14[%parallel_loop3A_2126, %parallel_loop3A_2127] {strides = array<i32>} : memref<2x768xf32, #tpu.memory_space<vmem>>, vector<1x16xf32>,
      %parallel_loop3A_2129 = vector.shape_cast %parallel_loop3A_2128 : vector<1x16xf32> to vector<16xf32>
      %parallel_loop3A_2130 = arith.addf %parallel_loop3A_2124, %parallel_loop3A_2129 : vector<16xf32>
      %parallel_loop3A_2131 = arith.constant 640 : index
      %parallel_loop3A_2132 = tpu.vector_load %arg17[%parallel_loop3A_2131] {strides = array<i32>} : memref<768xf32, #tpu.memory_space<vmem>>, vector<16xf32>,
      %parallel_loop3A_2133 = vector.shape_cast %parallel_loop3A_2132 : vector<16xf32> to vector<16xf32>
      %parallel_loop3A_2134 = arith.subf %parallel_loop3A_2130, %parallel_loop3A_2133 : vector<16xf32>
      %parallel_loop3A_2135 = arith.constant 640 : index
      %parallel_loop3A_2136 = tpu.vector_load %arg15[%parallel_loop3A_2135] {strides = array<i32>} : memref<768xf32, #tpu.memory_space<vmem>>, vector<16xf32>,
      %parallel_loop3A_2137 = vector.shape_cast %parallel_loop3A_2136 : vector<16xf32> to vector<16xf32>
      %parallel_loop3A_2138 = arith.mulf %parallel_loop3A_2134, %parallel_loop3A_2137 : vector<16xf32>
      %parallel_loop3A_2139 = arith.constant 640 : index
      %parallel_loop3A_2140 = tpu.vector_load %arg16[%parallel_loop3A_2139] {strides = array<i32>} : memref<768xf32, #tpu.memory_space<vmem>>, vector<16xf32>,
      %parallel_loop3A_2141 = vector.shape_cast %parallel_loop3A_2140 : vector<16xf32> to vector<16xf32>
      %parallel_loop3A_2142 = arith.addf %parallel_loop3A_2138, %parallel_loop3A_2141 : vector<16xf32>
      %parallel_loop3A_2143 = arith.index_cast %parallel_loop3A_1040 : i32 to index
      %parallel_loop3A_2144 = arith.constant 640 : index
      %parallel_loop3A_2145 = tpu.vector_load %arg13[%parallel_loop3A_2143, %parallel_loop3A_2144] {strides = array<i32>} : memref<16x768xf32, #tpu.memory_space<vmem>>, vector<1x16xf32>,
      %parallel_loop3A_2146 = vector.shape_cast %parallel_loop3A_2145 : vector<1x16xf32> to vector<16xf32>
      %parallel_loop3A_2147 = vector.shape_cast %parallel_loop3A_2142 : vector<16xf32> to vector<1x16xf32>
      tpu.vector_store %arg13[%parallel_loop3A_2143, %parallel_loop3A_2144], %parallel_loop3A_2147 {strides = array<i32>} : memref<16x768xf32, #tpu.memory_space<vmem>>, vector<1x16xf32>,
      %parallel_loop3A_2148 = arith.index_cast %parallel_loop3A_1040 : i32 to index
      %parallel_loop3A_2149 = arith.constant 656 : index
      %parallel_loop3A_2150 = tpu.vector_load %arg13[%parallel_loop3A_2148, %parallel_loop3A_2149] {strides = array<i32>} : memref<16x768xf32, #tpu.memory_space<vmem>>, vector<1x16xf32>,
      %parallel_loop3A_2151 = vector.shape_cast %parallel_loop3A_2150 : vector<1x16xf32> to vector<16xf32>
      %parallel_loop3A_2152 = arith.constant 0 : i32
      %parallel_loop3A_2153 = arith.index_cast %parallel_loop3A_2152 : i32 to index
      %parallel_loop3A_2154 = arith.constant 656 : index
      %parallel_loop3A_2155 = tpu.vector_load %arg14[%parallel_loop3A_2153, %parallel_loop3A_2154] {strides = array<i32>} : memref<2x768xf32, #tpu.memory_space<vmem>>, vector<1x16xf32>,
      %parallel_loop3A_2156 = vector.shape_cast %parallel_loop3A_2155 : vector<1x16xf32> to vector<16xf32>
      %parallel_loop3A_2157 = arith.addf %parallel_loop3A_2151, %parallel_loop3A_2156 : vector<16xf32>
      %parallel_loop3A_2158 = arith.constant 656 : index
      %parallel_loop3A_2159 = tpu.vector_load %arg17[%parallel_loop3A_2158] {strides = array<i32>} : memref<768xf32, #tpu.memory_space<vmem>>, vector<16xf32>,
      %parallel_loop3A_2160 = vector.shape_cast %parallel_loop3A_2159 : vector<16xf32> to vector<16xf32>
      %parallel_loop3A_2161 = arith.subf %parallel_loop3A_2157, %parallel_loop3A_2160 : vector<16xf32>
      %parallel_loop3A_2162 = arith.constant 656 : index
      %parallel_loop3A_2163 = tpu.vector_load %arg15[%parallel_loop3A_2162] {strides = array<i32>} : memref<768xf32, #tpu.memory_space<vmem>>, vector<16xf32>,
      %parallel_loop3A_2164 = vector.shape_cast %parallel_loop3A_2163 : vector<16xf32> to vector<16xf32>
      %parallel_loop3A_2165 = arith.mulf %parallel_loop3A_2161, %parallel_loop3A_2164 : vector<16xf32>
      %parallel_loop3A_2166 = arith.constant 656 : index
      %parallel_loop3A_2167 = tpu.vector_load %arg16[%parallel_loop3A_2166] {strides = array<i32>} : memref<768xf32, #tpu.memory_space<vmem>>, vector<16xf32>,
      %parallel_loop3A_2168 = vector.shape_cast %parallel_loop3A_2167 : vector<16xf32> to vector<16xf32>
      %parallel_loop3A_2169 = arith.addf %parallel_loop3A_2165, %parallel_loop3A_2168 : vector<16xf32>
      %parallel_loop3A_2170 = arith.index_cast %parallel_loop3A_1040 : i32 to index
      %parallel_loop3A_2171 = arith.constant 656 : index
      %parallel_loop3A_2172 = tpu.vector_load %arg13[%parallel_loop3A_2170, %parallel_loop3A_2171] {strides = array<i32>} : memref<16x768xf32, #tpu.memory_space<vmem>>, vector<1x16xf32>,
      %parallel_loop3A_2173 = vector.shape_cast %parallel_loop3A_2172 : vector<1x16xf32> to vector<16xf32>
      %parallel_loop3A_2174 = vector.shape_cast %parallel_loop3A_2169 : vector<16xf32> to vector<1x16xf32>
      tpu.vector_store %arg13[%parallel_loop3A_2170, %parallel_loop3A_2171], %parallel_loop3A_2174 {strides = array<i32>} : memref<16x768xf32, #tpu.memory_space<vmem>>, vector<1x16xf32>,
      %parallel_loop3A_2175 = arith.index_cast %parallel_loop3A_1040 : i32 to index
      %parallel_loop3A_2176 = arith.constant 672 : index
      %parallel_loop3A_2177 = tpu.vector_load %arg13[%parallel_loop3A_2175, %parallel_loop3A_2176] {strides = array<i32>} : memref<16x768xf32, #tpu.memory_space<vmem>>, vector<1x16xf32>,
      %parallel_loop3A_2178 = vector.shape_cast %parallel_loop3A_2177 : vector<1x16xf32> to vector<16xf32>
      %parallel_loop3A_2179 = arith.constant 0 : i32
      %parallel_loop3A_2180 = arith.index_cast %parallel_loop3A_2179 : i32 to index
      %parallel_loop3A_2181 = arith.constant 672 : index
      %parallel_loop3A_2182 = tpu.vector_load %arg14[%parallel_loop3A_2180, %parallel_loop3A_2181] {strides = array<i32>} : memref<2x768xf32, #tpu.memory_space<vmem>>, vector<1x16xf32>,
      %parallel_loop3A_2183 = vector.shape_cast %parallel_loop3A_2182 : vector<1x16xf32> to vector<16xf32>
      %parallel_loop3A_2184 = arith.addf %parallel_loop3A_2178, %parallel_loop3A_2183 : vector<16xf32>
      %parallel_loop3A_2185 = arith.constant 672 : index
      %parallel_loop3A_2186 = tpu.vector_load %arg17[%parallel_loop3A_2185] {strides = array<i32>} : memref<768xf32, #tpu.memory_space<vmem>>, vector<16xf32>,
      %parallel_loop3A_2187 = vector.shape_cast %parallel_loop3A_2186 : vector<16xf32> to vector<16xf32>
      %parallel_loop3A_2188 = arith.subf %parallel_loop3A_2184, %parallel_loop3A_2187 : vector<16xf32>
      %parallel_loop3A_2189 = arith.constant 672 : index
      %parallel_loop3A_2190 = tpu.vector_load %arg15[%parallel_loop3A_2189] {strides = array<i32>} : memref<768xf32, #tpu.memory_space<vmem>>, vector<16xf32>,
      %parallel_loop3A_2191 = vector.shape_cast %parallel_loop3A_2190 : vector<16xf32> to vector<16xf32>
      %parallel_loop3A_2192 = arith.mulf %parallel_loop3A_2188, %parallel_loop3A_2191 : vector<16xf32>
      %parallel_loop3A_2193 = arith.constant 672 : index
      %parallel_loop3A_2194 = tpu.vector_load %arg16[%parallel_loop3A_2193] {strides = array<i32>} : memref<768xf32, #tpu.memory_space<vmem>>, vector<16xf32>,
      %parallel_loop3A_2195 = vector.shape_cast %parallel_loop3A_2194 : vector<16xf32> to vector<16xf32>
      %parallel_loop3A_2196 = arith.addf %parallel_loop3A_2192, %parallel_loop3A_2195 : vector<16xf32>
      %parallel_loop3A_2197 = arith.index_cast %parallel_loop3A_1040 : i32 to index
      %parallel_loop3A_2198 = arith.constant 672 : index
      %parallel_loop3A_2199 = tpu.vector_load %arg13[%parallel_loop3A_2197, %parallel_loop3A_2198] {strides = array<i32>} : memref<16x768xf32, #tpu.memory_space<vmem>>, vector<1x16xf32>,
      %parallel_loop3A_2200 = vector.shape_cast %parallel_loop3A_2199 : vector<1x16xf32> to vector<16xf32>
      %parallel_loop3A_2201 = vector.shape_cast %parallel_loop3A_2196 : vector<16xf32> to vector<1x16xf32>
      tpu.vector_store %arg13[%parallel_loop3A_2197, %parallel_loop3A_2198], %parallel_loop3A_2201 {strides = array<i32>} : memref<16x768xf32, #tpu.memory_space<vmem>>, vector<1x16xf32>,
      %parallel_loop3A_2202 = arith.index_cast %parallel_loop3A_1040 : i32 to index
      %parallel_loop3A_2203 = arith.constant 688 : index
      %parallel_loop3A_2204 = tpu.vector_load %arg13[%parallel_loop3A_2202, %parallel_loop3A_2203] {strides = array<i32>} : memref<16x768xf32, #tpu.memory_space<vmem>>, vector<1x16xf32>,
      %parallel_loop3A_2205 = vector.shape_cast %parallel_loop3A_2204 : vector<1x16xf32> to vector<16xf32>
      %parallel_loop3A_2206 = arith.constant 0 : i32
      %parallel_loop3A_2207 = arith.index_cast %parallel_loop3A_2206 : i32 to index
      %parallel_loop3A_2208 = arith.constant 688 : index
      %parallel_loop3A_2209 = tpu.vector_load %arg14[%parallel_loop3A_2207, %parallel_loop3A_2208] {strides = array<i32>} : memref<2x768xf32, #tpu.memory_space<vmem>>, vector<1x16xf32>,
      %parallel_loop3A_2210 = vector.shape_cast %parallel_loop3A_2209 : vector<1x16xf32> to vector<16xf32>
      %parallel_loop3A_2211 = arith.addf %parallel_loop3A_2205, %parallel_loop3A_2210 : vector<16xf32>
      %parallel_loop3A_2212 = arith.constant 688 : index
      %parallel_loop3A_2213 = tpu.vector_load %arg17[%parallel_loop3A_2212] {strides = array<i32>} : memref<768xf32, #tpu.memory_space<vmem>>, vector<16xf32>,
      %parallel_loop3A_2214 = vector.shape_cast %parallel_loop3A_2213 : vector<16xf32> to vector<16xf32>
      %parallel_loop3A_2215 = arith.subf %parallel_loop3A_2211, %parallel_loop3A_2214 : vector<16xf32>
      %parallel_loop3A_2216 = arith.constant 688 : index
      %parallel_loop3A_2217 = tpu.vector_load %arg15[%parallel_loop3A_2216] {strides = array<i32>} : memref<768xf32, #tpu.memory_space<vmem>>, vector<16xf32>,
      %parallel_loop3A_2218 = vector.shape_cast %parallel_loop3A_2217 : vector<16xf32> to vector<16xf32>
      %parallel_loop3A_2219 = arith.mulf %parallel_loop3A_2215, %parallel_loop3A_2218 : vector<16xf32>
      %parallel_loop3A_2220 = arith.constant 688 : index
      %parallel_loop3A_2221 = tpu.vector_load %arg16[%parallel_loop3A_2220] {strides = array<i32>} : memref<768xf32, #tpu.memory_space<vmem>>, vector<16xf32>,
      %parallel_loop3A_2222 = vector.shape_cast %parallel_loop3A_2221 : vector<16xf32> to vector<16xf32>
      %parallel_loop3A_2223 = arith.addf %parallel_loop3A_2219, %parallel_loop3A_2222 : vector<16xf32>
      %parallel_loop3A_2224 = arith.index_cast %parallel_loop3A_1040 : i32 to index
      %parallel_loop3A_2225 = arith.constant 688 : index
      %parallel_loop3A_2226 = tpu.vector_load %arg13[%parallel_loop3A_2224, %parallel_loop3A_2225] {strides = array<i32>} : memref<16x768xf32, #tpu.memory_space<vmem>>, vector<1x16xf32>,
      %parallel_loop3A_2227 = vector.shape_cast %parallel_loop3A_2226 : vector<1x16xf32> to vector<16xf32>
      %parallel_loop3A_2228 = vector.shape_cast %parallel_loop3A_2223 : vector<16xf32> to vector<1x16xf32>
      tpu.vector_store %arg13[%parallel_loop3A_2224, %parallel_loop3A_2225], %parallel_loop3A_2228 {strides = array<i32>} : memref<16x768xf32, #tpu.memory_space<vmem>>, vector<1x16xf32>,
      %parallel_loop3A_2229 = arith.index_cast %parallel_loop3A_1040 : i32 to index
      %parallel_loop3A_2230 = arith.constant 704 : index
      %parallel_loop3A_2231 = tpu.vector_load %arg13[%parallel_loop3A_2229, %parallel_loop3A_2230] {strides = array<i32>} : memref<16x768xf32, #tpu.memory_space<vmem>>, vector<1x16xf32>,
      %parallel_loop3A_2232 = vector.shape_cast %parallel_loop3A_2231 : vector<1x16xf32> to vector<16xf32>
      %parallel_loop3A_2233 = arith.constant 0 : i32
      %parallel_loop3A_2234 = arith.index_cast %parallel_loop3A_2233 : i32 to index
      %parallel_loop3A_2235 = arith.constant 704 : index
      %parallel_loop3A_2236 = tpu.vector_load %arg14[%parallel_loop3A_2234, %parallel_loop3A_2235] {strides = array<i32>} : memref<2x768xf32, #tpu.memory_space<vmem>>, vector<1x16xf32>,
      %parallel_loop3A_2237 = vector.shape_cast %parallel_loop3A_2236 : vector<1x16xf32> to vector<16xf32>
      %parallel_loop3A_2238 = arith.addf %parallel_loop3A_2232, %parallel_loop3A_2237 : vector<16xf32>
      %parallel_loop3A_2239 = arith.constant 704 : index
      %parallel_loop3A_2240 = tpu.vector_load %arg17[%parallel_loop3A_2239] {strides = array<i32>} : memref<768xf32, #tpu.memory_space<vmem>>, vector<16xf32>,
      %parallel_loop3A_2241 = vector.shape_cast %parallel_loop3A_2240 : vector<16xf32> to vector<16xf32>
      %parallel_loop3A_2242 = arith.subf %parallel_loop3A_2238, %parallel_loop3A_2241 : vector<16xf32>
      %parallel_loop3A_2243 = arith.constant 704 : index
      %parallel_loop3A_2244 = tpu.vector_load %arg15[%parallel_loop3A_2243] {strides = array<i32>} : memref<768xf32, #tpu.memory_space<vmem>>, vector<16xf32>,
      %parallel_loop3A_2245 = vector.shape_cast %parallel_loop3A_2244 : vector<16xf32> to vector<16xf32>
      %parallel_loop3A_2246 = arith.mulf %parallel_loop3A_2242, %parallel_loop3A_2245 : vector<16xf32>
      %parallel_loop3A_2247 = arith.constant 704 : index
      %parallel_loop3A_2248 = tpu.vector_load %arg16[%parallel_loop3A_2247] {strides = array<i32>} : memref<768xf32, #tpu.memory_space<vmem>>, vector<16xf32>,
      %parallel_loop3A_2249 = vector.shape_cast %parallel_loop3A_2248 : vector<16xf32> to vector<16xf32>
      %parallel_loop3A_2250 = arith.addf %parallel_loop3A_2246, %parallel_loop3A_2249 : vector<16xf32>
      %parallel_loop3A_2251 = arith.index_cast %parallel_loop3A_1040 : i32 to index
      %parallel_loop3A_2252 = arith.constant 704 : index
      %parallel_loop3A_2253 = tpu.vector_load %arg13[%parallel_loop3A_2251, %parallel_loop3A_2252] {strides = array<i32>} : memref<16x768xf32, #tpu.memory_space<vmem>>, vector<1x16xf32>,
      %parallel_loop3A_2254 = vector.shape_cast %parallel_loop3A_2253 : vector<1x16xf32> to vector<16xf32>
      %parallel_loop3A_2255 = vector.shape_cast %parallel_loop3A_2250 : vector<16xf32> to vector<1x16xf32>
      tpu.vector_store %arg13[%parallel_loop3A_2251, %parallel_loop3A_2252], %parallel_loop3A_2255 {strides = array<i32>} : memref<16x768xf32, #tpu.memory_space<vmem>>, vector<1x16xf32>,
      %parallel_loop3A_2256 = arith.index_cast %parallel_loop3A_1040 : i32 to index
      %parallel_loop3A_2257 = arith.constant 720 : index
      %parallel_loop3A_2258 = tpu.vector_load %arg13[%parallel_loop3A_2256, %parallel_loop3A_2257] {strides = array<i32>} : memref<16x768xf32, #tpu.memory_space<vmem>>, vector<1x16xf32>,
      %parallel_loop3A_2259 = vector.shape_cast %parallel_loop3A_2258 : vector<1x16xf32> to vector<16xf32>
      %parallel_loop3A_2260 = arith.constant 0 : i32
      %parallel_loop3A_2261 = arith.index_cast %parallel_loop3A_2260 : i32 to index
      %parallel_loop3A_2262 = arith.constant 720 : index
      %parallel_loop3A_2263 = tpu.vector_load %arg14[%parallel_loop3A_2261, %parallel_loop3A_2262] {strides = array<i32>} : memref<2x768xf32, #tpu.memory_space<vmem>>, vector<1x16xf32>,
      %parallel_loop3A_2264 = vector.shape_cast %parallel_loop3A_2263 : vector<1x16xf32> to vector<16xf32>
      %parallel_loop3A_2265 = arith.addf %parallel_loop3A_2259, %parallel_loop3A_2264 : vector<16xf32>
      %parallel_loop3A_2266 = arith.constant 720 : index
      %parallel_loop3A_2267 = tpu.vector_load %arg17[%parallel_loop3A_2266] {strides = array<i32>} : memref<768xf32, #tpu.memory_space<vmem>>, vector<16xf32>,
      %parallel_loop3A_2268 = vector.shape_cast %parallel_loop3A_2267 : vector<16xf32> to vector<16xf32>
      %parallel_loop3A_2269 = arith.subf %parallel_loop3A_2265, %parallel_loop3A_2268 : vector<16xf32>
      %parallel_loop3A_2270 = arith.constant 720 : index
      %parallel_loop3A_2271 = tpu.vector_load %arg15[%parallel_loop3A_2270] {strides = array<i32>} : memref<768xf32, #tpu.memory_space<vmem>>, vector<16xf32>,
      %parallel_loop3A_2272 = vector.shape_cast %parallel_loop3A_2271 : vector<16xf32> to vector<16xf32>
      %parallel_loop3A_2273 = arith.mulf %parallel_loop3A_2269, %parallel_loop3A_2272 : vector<16xf32>
      %parallel_loop3A_2274 = arith.constant 720 : index
      %parallel_loop3A_2275 = tpu.vector_load %arg16[%parallel_loop3A_2274] {strides = array<i32>} : memref<768xf32, #tpu.memory_space<vmem>>, vector<16xf32>,
      %parallel_loop3A_2276 = vector.shape_cast %parallel_loop3A_2275 : vector<16xf32> to vector<16xf32>
      %parallel_loop3A_2277 = arith.addf %parallel_loop3A_2273, %parallel_loop3A_2276 : vector<16xf32>
      %parallel_loop3A_2278 = arith.index_cast %parallel_loop3A_1040 : i32 to index
      %parallel_loop3A_2279 = arith.constant 720 : index
      %parallel_loop3A_2280 = tpu.vector_load %arg13[%parallel_loop3A_2278, %parallel_loop3A_2279] {strides = array<i32>} : memref<16x768xf32, #tpu.memory_space<vmem>>, vector<1x16xf32>,
      %parallel_loop3A_2281 = vector.shape_cast %parallel_loop3A_2280 : vector<1x16xf32> to vector<16xf32>
      %parallel_loop3A_2282 = vector.shape_cast %parallel_loop3A_2277 : vector<16xf32> to vector<1x16xf32>
      tpu.vector_store %arg13[%parallel_loop3A_2278, %parallel_loop3A_2279], %parallel_loop3A_2282 {strides = array<i32>} : memref<16x768xf32, #tpu.memory_space<vmem>>, vector<1x16xf32>,
      %parallel_loop3A_2283 = arith.index_cast %parallel_loop3A_1040 : i32 to index
      %parallel_loop3A_2284 = arith.constant 736 : index
      %parallel_loop3A_2285 = tpu.vector_load %arg13[%parallel_loop3A_2283, %parallel_loop3A_2284] {strides = array<i32>} : memref<16x768xf32, #tpu.memory_space<vmem>>, vector<1x16xf32>,
      %parallel_loop3A_2286 = vector.shape_cast %parallel_loop3A_2285 : vector<1x16xf32> to vector<16xf32>
      %parallel_loop3A_2287 = arith.constant 0 : i32
      %parallel_loop3A_2288 = arith.index_cast %parallel_loop3A_2287 : i32 to index
      %parallel_loop3A_2289 = arith.constant 736 : index
      %parallel_loop3A_2290 = tpu.vector_load %arg14[%parallel_loop3A_2288, %parallel_loop3A_2289] {strides = array<i32>} : memref<2x768xf32, #tpu.memory_space<vmem>>, vector<1x16xf32>,
      %parallel_loop3A_2291 = vector.shape_cast %parallel_loop3A_2290 : vector<1x16xf32> to vector<16xf32>
      %parallel_loop3A_2292 = arith.addf %parallel_loop3A_2286, %parallel_loop3A_2291 : vector<16xf32>
      %parallel_loop3A_2293 = arith.constant 736 : index
      %parallel_loop3A_2294 = tpu.vector_load %arg17[%parallel_loop3A_2293] {strides = array<i32>} : memref<768xf32, #tpu.memory_space<vmem>>, vector<16xf32>,
      %parallel_loop3A_2295 = vector.shape_cast %parallel_loop3A_2294 : vector<16xf32> to vector<16xf32>
      %parallel_loop3A_2296 = arith.subf %parallel_loop3A_2292, %parallel_loop3A_2295 : vector<16xf32>
      %parallel_loop3A_2297 = arith.constant 736 : index
      %parallel_loop3A_2298 = tpu.vector_load %arg15[%parallel_loop3A_2297] {strides = array<i32>} : memref<768xf32, #tpu.memory_space<vmem>>, vector<16xf32>,
      %parallel_loop3A_2299 = vector.shape_cast %parallel_loop3A_2298 : vector<16xf32> to vector<16xf32>
      %parallel_loop3A_2300 = arith.mulf %parallel_loop3A_2296, %parallel_loop3A_2299 : vector<16xf32>
      %parallel_loop3A_2301 = arith.constant 736 : index
      %parallel_loop3A_2302 = tpu.vector_load %arg16[%parallel_loop3A_2301] {strides = array<i32>} : memref<768xf32, #tpu.memory_space<vmem>>, vector<16xf32>,
      %parallel_loop3A_2303 = vector.shape_cast %parallel_loop3A_2302 : vector<16xf32> to vector<16xf32>
      %parallel_loop3A_2304 = arith.addf %parallel_loop3A_2300, %parallel_loop3A_2303 : vector<16xf32>
      %parallel_loop3A_2305 = arith.index_cast %parallel_loop3A_1040 : i32 to index
      %parallel_loop3A_2306 = arith.constant 736 : index
      %parallel_loop3A_2307 = tpu.vector_load %arg13[%parallel_loop3A_2305, %parallel_loop3A_2306] {strides = array<i32>} : memref<16x768xf32, #tpu.memory_space<vmem>>, vector<1x16xf32>,
      %parallel_loop3A_2308 = vector.shape_cast %parallel_loop3A_2307 : vector<1x16xf32> to vector<16xf32>
      %parallel_loop3A_2309 = vector.shape_cast %parallel_loop3A_2304 : vector<16xf32> to vector<1x16xf32>
      tpu.vector_store %arg13[%parallel_loop3A_2305, %parallel_loop3A_2306], %parallel_loop3A_2309 {strides = array<i32>} : memref<16x768xf32, #tpu.memory_space<vmem>>, vector<1x16xf32>,
      %parallel_loop3A_2310 = arith.index_cast %parallel_loop3A_1040 : i32 to index
      %parallel_loop3A_2311 = arith.constant 752 : index
      %parallel_loop3A_2312 = tpu.vector_load %arg13[%parallel_loop3A_2310, %parallel_loop3A_2311] {strides = array<i32>} : memref<16x768xf32, #tpu.memory_space<vmem>>, vector<1x16xf32>,
      %parallel_loop3A_2313 = vector.shape_cast %parallel_loop3A_2312 : vector<1x16xf32> to vector<16xf32>
      %parallel_loop3A_2314 = arith.constant 0 : i32
      %parallel_loop3A_2315 = arith.index_cast %parallel_loop3A_2314 : i32 to index
      %parallel_loop3A_2316 = arith.constant 752 : index
      %parallel_loop3A_2317 = tpu.vector_load %arg14[%parallel_loop3A_2315, %parallel_loop3A_2316] {strides = array<i32>} : memref<2x768xf32, #tpu.memory_space<vmem>>, vector<1x16xf32>,
      %parallel_loop3A_2318 = vector.shape_cast %parallel_loop3A_2317 : vector<1x16xf32> to vector<16xf32>
      %parallel_loop3A_2319 = arith.addf %parallel_loop3A_2313, %parallel_loop3A_2318 : vector<16xf32>
      %parallel_loop3A_2320 = arith.constant 752 : index
      %parallel_loop3A_2321 = tpu.vector_load %arg17[%parallel_loop3A_2320] {strides = array<i32>} : memref<768xf32, #tpu.memory_space<vmem>>, vector<16xf32>,
      %parallel_loop3A_2322 = vector.shape_cast %parallel_loop3A_2321 : vector<16xf32> to vector<16xf32>
      %parallel_loop3A_2323 = arith.subf %parallel_loop3A_2319, %parallel_loop3A_2322 : vector<16xf32>
      %parallel_loop3A_2324 = arith.constant 752 : index
      %parallel_loop3A_2325 = tpu.vector_load %arg15[%parallel_loop3A_2324] {strides = array<i32>} : memref<768xf32, #tpu.memory_space<vmem>>, vector<16xf32>,
      %parallel_loop3A_2326 = vector.shape_cast %parallel_loop3A_2325 : vector<16xf32> to vector<16xf32>
      %parallel_loop3A_2327 = arith.mulf %parallel_loop3A_2323, %parallel_loop3A_2326 : vector<16xf32>
      %parallel_loop3A_2328 = arith.constant 752 : index
      %parallel_loop3A_2329 = tpu.vector_load %arg16[%parallel_loop3A_2328] {strides = array<i32>} : memref<768xf32, #tpu.memory_space<vmem>>, vector<16xf32>,
      %parallel_loop3A_2330 = vector.shape_cast %parallel_loop3A_2329 : vector<16xf32> to vector<16xf32>
      %parallel_loop3A_2331 = arith.addf %parallel_loop3A_2327, %parallel_loop3A_2330 : vector<16xf32>
      %parallel_loop3A_2332 = arith.index_cast %parallel_loop3A_1040 : i32 to index
      %parallel_loop3A_2333 = arith.constant 752 : index
      %parallel_loop3A_2334 = tpu.vector_load %arg13[%parallel_loop3A_2332, %parallel_loop3A_2333] {strides = array<i32>} : memref<16x768xf32, #tpu.memory_space<vmem>>, vector<1x16xf32>,
      %parallel_loop3A_2335 = vector.shape_cast %parallel_loop3A_2334 : vector<1x16xf32> to vector<16xf32>
      %parallel_loop3A_2336 = vector.shape_cast %parallel_loop3A_2331 : vector<16xf32> to vector<1x16xf32>
      tpu.vector_store %arg13[%parallel_loop3A_2332, %parallel_loop3A_2333], %parallel_loop3A_2336 {strides = array<i32>} : memref<16x768xf32, #tpu.memory_space<vmem>>, vector<1x16xf32>,
    } {sc.loop_unroll_factor = 1 : i64, sc.parallel_access}
    %dma_start3A = arith.constant 0 : i32
    %dma_start3A_1010 = arith.constant 0 : i32
    %dma_start3A_1011 = tpu.memref_slice %arg11[%dma_start3A, %dma_start3A_1010] : memref<128x16xi32, #tpu.memory_space<vmem>> -> memref<1x16xi32, #tpu.memory_space<vmem>>
    %dma_start3A_1012 = tpu.memref_squeeze %dma_start3A_1011 : memref<1x16xi32, #tpu.memory_space<vmem>> -> memref<16xi32, #tpu.memory_space<vmem>>
    %dma_start3A_1013 = arith.constant 0 : i32
    %dma_start3A_1014 = arith.constant 0 : i32
    %dma_start3A_1015 = tpu.memref_slice %arg4[%dma_start3A_1013, %dma_start3A_1014] : memref<30522x768xf32, #tpu.memory_space<hbm>> -> memref<30522x768xf32, #tpu.memory_space<hbm>>
    tpu.enqueue_indirect_dma source(%dma_start3A_1015 : memref<30522x768xf32, #tpu.memory_space<hbm>>) target(%arg18 : memref<16x768xf32, #tpu.memory_space<vmem>>) offsets(%dma_start3A_1012 : memref<16xi32, #tpu.memory_space<vmem>>) semaphore(%arg22 : memref<!tpu.dma_semaphore, #tpu.memory_space<semaphore_mem>>)
    %dma_start3A_1016 = arith.constant 1 : i32
    %dma_start3A_1017 = arith.constant 0 : i32
    %dma_start3A_1018 = tpu.memref_slice %arg11[%dma_start3A_1016, %dma_start3A_1017] : memref<128x16xi32, #tpu.memory_space<vmem>> -> memref<1x16xi32, #tpu.memory_space<vmem>>
    %dma_start3A_1019 = tpu.memref_squeeze %dma_start3A_1018 : memref<1x16xi32, #tpu.memory_space<vmem>> -> memref<16xi32, #tpu.memory_space<vmem>>
    %dma_start3A_1020 = arith.constant 0 : i32
    %dma_start3A_1021 = arith.constant 0 : i32
    %dma_start3A_1022 = tpu.memref_slice %arg4[%dma_start3A_1020, %dma_start3A_1021] : memref<30522x768xf32, #tpu.memory_space<hbm>> -> memref<30522x768xf32, #tpu.memory_space<hbm>>
    tpu.enqueue_indirect_dma source(%dma_start3A_1022 : memref<30522x768xf32, #tpu.memory_space<hbm>>) target(%arg19 : memref<16x768xf32, #tpu.memory_space<vmem>>) offsets(%dma_start3A_1019 : memref<16xi32, #tpu.memory_space<vmem>>) semaphore(%arg23 : memref<!tpu.dma_semaphore, #tpu.memory_space<semaphore_mem>>)
    %scan3A = arith.constant 0 : i32
    %scan3A_1023 = arith.constant 0 : i32
    %scan3A_1024 = arith.constant 64 : i32
    %scan3A_1025 = arith.addi %scan3A_1023, %scan3A_1024 : i32
    %scan3A_1026 = arith.constant 1 : i32
    %scan3A_1027 = scf.for %scan3A_1040 = %scan3A_1023 to %scan3A_1025 step %scan3A_1026 iter_args(%scan3A_1041 = %scan3A) -> (i32)  : i32 {
      %mul3A_1042 = arith.constant 2 : i32
      %mul3A_1043 = arith.muli %mul3A_1042, %scan3A_1040 : i32
      %add3A_1044 = arith.constant 1 : i32
      %add3A_1045 = arith.addi %mul3A_1043, %add3A_1044 : i32
      %dma_wait3A_1046 = arith.constant 0 : i32
      %dma_wait3A_1047 = arith.constant 0 : i32
      %dma_wait3A_1048 = tpu.memref_slice %arg11[%dma_wait3A_1046, %dma_wait3A_1047] : memref<128x16xi32, #tpu.memory_space<vmem>> -> memref<1x16xi32, #tpu.memory_space<vmem>>
      %dma_wait3A_1049 = tpu.memref_squeeze %dma_wait3A_1048 : memref<1x16xi32, #tpu.memory_space<vmem>> -> memref<16xi32, #tpu.memory_space<vmem>>
      %dma_wait3A_1050 = arith.constant 0 : i32
      %dma_wait3A_1051 = arith.constant 0 : i32
      %dma_wait3A_1052 = tpu.memref_slice %arg4[%dma_wait3A_1050, %dma_wait3A_1051] : memref<30522x768xf32, #tpu.memory_space<hbm>> -> memref<30522x768xf32, #tpu.memory_space<hbm>>
      tpu.wait_indirect_dma semaphore(%arg22 : memref<!tpu.dma_semaphore, #tpu.memory_space<semaphore_mem>>) src(%dma_wait3A_1052 : memref<30522x768xf32, #tpu.memory_space<hbm>>) dst(%arg18 : memref<16x768xf32, #tpu.memory_space<vmem>>)
      %gt3A = arith.constant 0 : i32
      %gt3A_1053 = arith.cmpi sgt, %scan3A_1040, %gt3A : i32
      %convert_element_type3A = arith.extui %gt3A_1053 : i1 to i32
      %cond3A = arith.constant 0 : i32
      %cond3A_1054 = arith.cmpi ne, %convert_element_type3A, %cond3A : i32
      scf.if %cond3A_1054 {
        %mul3A_1099 = arith.constant 16 : i32
        %mul3A_1100 = arith.muli %add3A, %mul3A_1099 : i32
        %dma_wait3A_1101 = arith.constant 0 : i32
        %dma_wait3A_1102 = tpu.memref_slice %arg10[%mul3A_1100, %dma_wait3A_1101] : memref<65536x768xf32, #tpu.memory_space<hbm>> -> memref<16x768xf32, #tpu.memory_space<hbm>>
        %dma_wait3A_1103 = arith.constant 0 : i32
        %dma_wait3A_1104 = tpu.memref_slice %arg10[%mul3A_1100, %dma_wait3A_1103] : memref<65536x768xf32, #tpu.memory_space<hbm>> -> memref<16x768xf32, #tpu.memory_space<hbm>>
        tpu.wait_dma2 semaphore(%arg24 : memref<!tpu.dma_semaphore, #tpu.memory_space<semaphore_mem>>) src(%arg20 : memref<16x768xf32, #tpu.memory_space<vmem>>) dst(%dma_wait3A_1104 : memref<16x768xf32, #tpu.memory_space<hbm>>)
      } else {
      }
      %mul3A_1055 = arith.constant 512 : i32
      %mul3A_1056 = arith.muli %mul3A_1043, %mul3A_1055 : i32
      %mul3A_1057 = arith.constant 16 : i32
      %mul3A_1058 = arith.muli %add3A, %mul3A_1057 : i32
      %add3A_1059 = arith.addi %mul3A_1056, %mul3A_1058 : i32
      %dma_start3A_1060 = arith.constant 0 : i32
      %dma_start3A_1061 = tpu.memref_slice %arg10[%add3A_1059, %dma_start3A_1060] : memref<65536x768xf32, #tpu.memory_space<hbm>> -> memref<16x768xf32, #tpu.memory_space<hbm>>
      %dma_start3A_1062 = arith.constant 0 : i32
      %dma_start3A_1063 = tpu.memref_slice %arg10[%add3A_1059, %dma_start3A_1062] : memref<65536x768xf32, #tpu.memory_space<hbm>> -> memref<16x768xf32, #tpu.memory_space<hbm>>
      tpu.enqueue_dma source(%arg20 : memref<16x768xf32, #tpu.memory_space<vmem>>) target(%dma_start3A_1063 : memref<16x768xf32, #tpu.memory_space<hbm>>) target_semaphore(%arg24 : memref<!tpu.dma_semaphore, #tpu.memory_space<semaphore_mem>>)
      %add3A_1064 = arith.constant 2 : i32
      %add3A_1065 = arith.addi %mul3A_1043, %add3A_1064 : i32
      %lt3A = arith.constant 128 : i32
      %lt3A_1066 = arith.cmpi slt, %add3A_1065, %lt3A : i32
      %convert_element_type3A_1067 = arith.extui %lt3A_1066 : i1 to i32
      %cond3A_1068 = arith.constant 0 : i32
      %cond3A_1069 = arith.cmpi ne, %convert_element_type3A_1067, %cond3A_1068 : i32
      scf.if %cond3A_1069 {
        %add3A_1099 = arith.constant 2 : i32
        %add3A_1100 = arith.addi %mul3A_1043, %add3A_1099 : i32
        %dma_start3A_1101 = arith.constant 0 : i32
        %dma_start3A_1102 = tpu.memref_slice %arg11[%add3A_1100, %dma_start3A_1101] : memref<128x16xi32, #tpu.memory_space<vmem>> -> memref<1x16xi32, #tpu.memory_space<vmem>>
        %dma_start3A_1103 = tpu.memref_squeeze %dma_start3A_1102 : memref<1x16xi32, #tpu.memory_space<vmem>> -> memref<16xi32, #tpu.memory_space<vmem>>
        %dma_start3A_1104 = arith.constant 0 : i32
        %dma_start3A_1105 = arith.constant 0 : i32
        %dma_start3A_1106 = tpu.memref_slice %arg4[%dma_start3A_1104, %dma_start3A_1105] : memref<30522x768xf32, #tpu.memory_space<hbm>> -> memref<30522x768xf32, #tpu.memory_space<hbm>>
        tpu.enqueue_indirect_dma source(%dma_start3A_1106 : memref<30522x768xf32, #tpu.memory_space<hbm>>) target(%arg18 : memref<16x768xf32, #tpu.memory_space<vmem>>) offsets(%dma_start3A_1103 : memref<16xi32, #tpu.memory_space<vmem>>) semaphore(%arg22 : memref<!tpu.dma_semaphore, #tpu.memory_space<semaphore_mem>>)
      } else {
      }
      %dma_wait3A_1070 = arith.constant 0 : i32
      %dma_wait3A_1071 = arith.constant 0 : i32
      %dma_wait3A_1072 = tpu.memref_slice %arg11[%dma_wait3A_1070, %dma_wait3A_1071] : memref<128x16xi32, #tpu.memory_space<vmem>> -> memref<1x16xi32, #tpu.memory_space<vmem>>
      %dma_wait3A_1073 = tpu.memref_squeeze %dma_wait3A_1072 : memref<1x16xi32, #tpu.memory_space<vmem>> -> memref<16xi32, #tpu.memory_space<vmem>>
      %dma_wait3A_1074 = arith.constant 0 : i32
      %dma_wait3A_1075 = arith.constant 0 : i32
      %dma_wait3A_1076 = tpu.memref_slice %arg4[%dma_wait3A_1074, %dma_wait3A_1075] : memref<30522x768xf32, #tpu.memory_space<hbm>> -> memref<30522x768xf32, #tpu.memory_space<hbm>>
      tpu.wait_indirect_dma semaphore(%arg23 : memref<!tpu.dma_semaphore, #tpu.memory_space<semaphore_mem>>) src(%dma_wait3A_1076 : memref<30522x768xf32, #tpu.memory_space<hbm>>) dst(%arg19 : memref<16x768xf32, #tpu.memory_space<vmem>>)
      %gt3A_1077 = arith.constant 0 : i32
      %gt3A_1078 = arith.cmpi sgt, %scan3A_1040, %gt3A_1077 : i32
      %convert_element_type3A_1079 = arith.extui %gt3A_1078 : i1 to i32
      %cond3A_1080 = arith.constant 0 : i32
      %cond3A_1081 = arith.cmpi ne, %convert_element_type3A_1079, %cond3A_1080 : i32
      scf.if %cond3A_1081 {
        %mul3A_1099 = arith.constant 16 : i32
        %mul3A_1100 = arith.muli %add3A, %mul3A_1099 : i32
        %dma_wait3A_1101 = arith.constant 0 : i32
        %dma_wait3A_1102 = tpu.memref_slice %arg10[%mul3A_1100, %dma_wait3A_1101] : memref<65536x768xf32, #tpu.memory_space<hbm>> -> memref<16x768xf32, #tpu.memory_space<hbm>>
        %dma_wait3A_1103 = arith.constant 0 : i32
        %dma_wait3A_1104 = tpu.memref_slice %arg10[%mul3A_1100, %dma_wait3A_1103] : memref<65536x768xf32, #tpu.memory_space<hbm>> -> memref<16x768xf32, #tpu.memory_space<hbm>>
        tpu.wait_dma2 semaphore(%arg25 : memref<!tpu.dma_semaphore, #tpu.memory_space<semaphore_mem>>) src(%arg21 : memref<16x768xf32, #tpu.memory_space<vmem>>) dst(%dma_wait3A_1104 : memref<16x768xf32, #tpu.memory_space<hbm>>)
      } else {
      }
      %mul3A_1082 = arith.constant 512 : i32
      %mul3A_1083 = arith.muli %add3A_1045, %mul3A_1082 : i32
      %mul3A_1084 = arith.constant 16 : i32
      %mul3A_1085 = arith.muli %add3A, %mul3A_1084 : i32
      %add3A_1086 = arith.addi %mul3A_1083, %mul3A_1085 : i32
      %dma_start3A_1087 = arith.constant 0 : i32
      %dma_start3A_1088 = tpu.memref_slice %arg10[%add3A_1086, %dma_start3A_1087] : memref<65536x768xf32, #tpu.memory_space<hbm>> -> memref<16x768xf32, #tpu.memory_space<hbm>>
      %dma_start3A_1089 = arith.constant 0 : i32
      %dma_start3A_1090 = tpu.memref_slice %arg10[%add3A_1086, %dma_start3A_1089] : memref<65536x768xf32, #tpu.memory_space<hbm>> -> memref<16x768xf32, #tpu.memory_space<hbm>>
      tpu.enqueue_dma source(%arg21 : memref<16x768xf32, #tpu.memory_space<vmem>>) target(%dma_start3A_1090 : memref<16x768xf32, #tpu.memory_space<hbm>>) target_semaphore(%arg25 : memref<!tpu.dma_semaphore, #tpu.memory_space<semaphore_mem>>)
      %add3A_1091 = arith.constant 2 : i32
      %add3A_1092 = arith.addi %add3A_1045, %add3A_1091 : i32
      %lt3A_1093 = arith.constant 128 : i32
      %lt3A_1094 = arith.cmpi slt, %add3A_1092, %lt3A_1093 : i32
      %convert_element_type3A_1095 = arith.extui %lt3A_1094 : i1 to i32
      %cond3A_1096 = arith.constant 0 : i32
      %cond3A_1097 = arith.cmpi ne, %convert_element_type3A_1095, %cond3A_1096 : i32
      scf.if %cond3A_1097 {
        %add3A_1099 = arith.constant 2 : i32
        %add3A_1100 = arith.addi %add3A_1045, %add3A_1099 : i32
        %dma_start3A_1101 = arith.constant 0 : i32
        %dma_start3A_1102 = tpu.memref_slice %arg11[%add3A_1100, %dma_start3A_1101] : memref<128x16xi32, #tpu.memory_space<vmem>> -> memref<1x16xi32, #tpu.memory_space<vmem>>
        %dma_start3A_1103 = tpu.memref_squeeze %dma_start3A_1102 : memref<1x16xi32, #tpu.memory_space<vmem>> -> memref<16xi32, #tpu.memory_space<vmem>>
        %dma_start3A_1104 = arith.constant 0 : i32
        %dma_start3A_1105 = arith.constant 0 : i32
        %dma_start3A_1106 = tpu.memref_slice %arg4[%dma_start3A_1104, %dma_start3A_1105] : memref<30522x768xf32, #tpu.memory_space<hbm>> -> memref<30522x768xf32, #tpu.memory_space<hbm>>
        tpu.enqueue_indirect_dma source(%dma_start3A_1106 : memref<30522x768xf32, #tpu.memory_space<hbm>>) target(%arg19 : memref<16x768xf32, #tpu.memory_space<vmem>>) offsets(%dma_start3A_1103 : memref<16xi32, #tpu.memory_space<vmem>>) semaphore(%arg23 : memref<!tpu.dma_semaphore, #tpu.memory_space<semaphore_mem>>)
      } else {
      }
      %scan3A_1098 = arith.constant 0 : i32
      scf.yield %scan3A_1098 : i32
    }
    %scan3A_1028 = arith.constant 64 : i32
    %mul3A_1029 = arith.constant 16 : i32
    %mul3A_1030 = arith.muli %add3A, %mul3A_1029 : i32
    %dma_wait3A = arith.constant 0 : i32
    %dma_wait3A_1031 = tpu.memref_slice %arg10[%mul3A_1030, %dma_wait3A] : memref<65536x768xf32, #tpu.memory_space<hbm>> -> memref<16x768xf32, #tpu.memory_space<hbm>>
    %dma_wait3A_1032 = arith.constant 0 : i32
    %dma_wait3A_1033 = tpu.memref_slice %arg10[%mul3A_1030, %dma_wait3A_1032] : memref<65536x768xf32, #tpu.memory_space<hbm>> -> memref<16x768xf32, #tpu.memory_space<hbm>>
    tpu.wait_dma2 semaphore(%arg24 : memref<!tpu.dma_semaphore, #tpu.memory_space<semaphore_mem>>) src(%arg20 : memref<16x768xf32, #tpu.memory_space<vmem>>) dst(%dma_wait3A_1033 : memref<16x768xf32, #tpu.memory_space<hbm>>)
    %mul3A_1034 = arith.constant 16 : i32
    %mul3A_1035 = arith.muli %add3A, %mul3A_1034 : i32
    %dma_wait3A_1036 = arith.constant 0 : i32
    %dma_wait3A_1037 = tpu.memref_slice %arg10[%mul3A_1035, %dma_wait3A_1036] : memref<65536x768xf32, #tpu.memory_space<hbm>> -> memref<16x768xf32, #tpu.memory_space<hbm>>
    %dma_wait3A_1038 = arith.constant 0 : i32
    %dma_wait3A_1039 = tpu.memref_slice %arg10[%mul3A_1035, %dma_wait3A_1038] : memref<65536x768xf32, #tpu.memory_space<hbm>> -> memref<16x768xf32, #tpu.memory_space<hbm>>
    tpu.wait_dma2 semaphore(%arg25 : memref<!tpu.dma_semaphore, #tpu.memory_space<semaphore_mem>>) src(%arg21 : memref<16x768xf32, #tpu.memory_space<vmem>>) dst(%dma_wait3A_1039 : memref<16x768xf32, #tpu.memory_space<hbm>>)
    return
  }
}

module attributes {stable_mosaic.version = 14 : i64} {
  func.func @_scale_body(%arg0: memref<6x128xf32, #tpu.memory_space<vmem>>, %arg1: memref<6x128xf32, #tpu.memory_space<vmem>>, %arg2: memref<6x128xf32, #tpu.memory_space<vmem>>) attributes {dimension_semantics = [], scalar_prefetch = 0 : i64, scratch_operands = 0 : i64, tpu.core_type = #tpu.core_type<tc>} {
    %get3A = arith.constant 0 : index
    %get3A_0 = arith.constant 0 : index
    %get3A_1 = vector.load %arg0[%get3A, %get3A_0] : memref<6x128xf32, #tpu.memory_space<vmem>>, vector<6x128xf32>
    %get3A_2 = arith.constant 0 : index
    %get3A_3 = arith.constant 0 : index
    %get3A_4 = vector.load %arg1[%get3A_2, %get3A_3] : memref<6x128xf32, #tpu.memory_space<vmem>>, vector<6x128xf32>
    %add3A = arith.constant 1.000000e-03 : f32
    %add3A_5 = vector.broadcast %add3A : f32 to vector<6x128xf32>
    %add3A_6 = arith.addf %get3A_4, %add3A_5 : vector<6x128xf32>
    %rsqrt3A = math.rsqrt %add3A_6 : vector<6x128xf32>
    %mul3A = arith.mulf %get3A_1, %rsqrt3A : vector<6x128xf32>
    %swap3A = arith.constant 0 : index
    %swap3A_7 = arith.constant 0 : index
    %swap3A_8 = vector.load %arg2[%swap3A, %swap3A_7] : memref<6x128xf32, #tpu.memory_space<vmem>>, vector<6x128xf32>
    tpu.vector_store %arg2[%swap3A, %swap3A_7], %mul3A {strides = array<i32>} : memref<6x128xf32, #tpu.memory_space<vmem>>, vector<6x128xf32>,
    return
  }
}

</mosaic_0001>

<sc_bundles>
// kernel: kernel.4.cloned.1.call-start
scs
__scs_entry_jumppad:
0x0: {  	(pc) =	sbr.rel $0x88, $3  }
0x1: {  	(tag) =	ssettag $0x0;
	lr =	simm.s32 $0x1  }
0x2: {  	[smem:$0x3F98] =	sst lr;
	_ =	strace $0xD0000000  }
0x3: {  	_ = 	snop  }
0x4: {  	_ = 	snop  }
0x5: {  	_ = 	snop  }
0x6: {  	_ = 	snop  }
0x7: {  	_ = 	snop  }
__scs_overlays_trampoline_lowered:
0x8: {  	[smem:$0x3FA7] =	sst s0  }
0x9: {  	[smem:$0x3FA8] =	sst s1  }
0xa: {  	[smem:$0x3FA9] =	sst s2  }
0xb: {  	[smem:$0x3FAA] =	sst s3  }
0xc: {  	[smem:$0x3FAB] =	sst s4  }
0xd: {  	[smem:$0x3FAC] =	sst s5  }
0xe: {  	[smem:$0x3FAD] =	sst s6  }
0xf: {  	[smem:$0x3FAE] =	sst s7  }
0x10: {  	[smem:$0x3FAF] =	sst s8  }
0x11: {  	[smem:$0x3FB0] =	sst s9;
	s0 =	simm.s32 @!p0 $0x0  }
0x12: {  	s1 =	sld [smem:$0x3F96];
	s0 =	simm.s32 @p0 $0x1  }
0x13: {  	[smem:$0x3FB1] =	sst s0;
	s0 =	simm.s32 @!p1 $0x0  }
0x14: {  	s2 =	sld [smem:$0x3F95];
	s0 =	simm.s32 @p1 $0x1  }
0x15: {  	[smem:$0x3FB2] =	sst s0;
	s0 =	simm.s32 @!p2 $0x0  }
0x16: {  	s3 =	sld [smem:$0x3FDB];
	s0 =	simm.s32 @p2 $0x1  }
0x17: {  	s4 =	simm.s32 $0x1BF5;
	[smem:$0x3FB4] =	sst s0  }
0x18: {  	s0 =	sld [smem:$0x3F97];
	_ =	swait.ge [sflag:s4], $0x0  }
0x19: {  	s7 =	sld [smem:$0x3F98]  }
0x1a: {  	s8 =	sadd.s32 $0xFFFFE003, lr  }
0x1b: {  	s9 =	sadd.s32 $0xFFFFFEF7, lr;
	s5 =	simm.s32 $0xFFFFFFFF;
	p2 =	slt.u32 s8, $0xFFFFF086  }
0x1c: {  	p1 =	slt.u32 s9, $0xF7A;
	s5 =	simm.s32 @!p2 $0x0  }
0x1d: {  	s5 =	simm.s32 @p1 $0x1;
	p0 =	seq.s32 s7, s2  }
0x1e: {  	s7 =	smul.u32 @!p0 $0xF7A, s2;
	p2 =	seq.s32 @!p0 s5, $0x0  }
0x1f: {  	s9 =	smul.u32 $0xF7A, s1;
	s8 =	simm.s32 @!p0 $0x1BF5;
	p2 =	por !p2, p0  }
0x20: {  	[sflag:s8] =	ssyncset.s32 @!p0 $0xFFFFF086;
	s6 =	sadd.s32 @!p0 s3, s7;
	s7 =	simm.s32 @!p0 $0x108  }
0x21: {  	s3 =	sadd.s32 s3, s9;
	s6 =	sadd.s32 @!p0 $0x88, s6;
	s7 =	simm.s32 @p2 $0x1082  }
0x22: {  	[simem:s7], [sflag:s8] =	dma.local @!p0 [hbm:s6], $0xF7A  }
0x23: {  	s9 =	sor.u32 $0xD0000000, s2;
	s6 =	simm.s32 $0x108;
	_ =	swait.ge @!p0 [sflag:s8], $0x0  }
0x24: {  	s3 =	sadd.s32 $0x88, s3;
	s6 =	simm.s32 @!p1 $0x1082;
	[sflag:s4] =	ssyncset.s32 $0xFFFFF086  }
0x25: {  	[simem:s6], [sflag:s4] =	dma.local [hbm:s3], $0xF7A  }
0x26: {  	[smem:$0x3F98] =	sst s1;
	(tag) =	ssettag s2;
	_ =	strace s9  }
0x27: {  	s1 =	sld [smem:$0x3FA8]  }
0x28: {  	s2 =	sld [smem:$0x3FA9]  }
0x29: {  	s4 =	sld [smem:$0x3FAB]  }
0x2a: {  	p0 =	seq.s32 s5, $0x0;
	s5 =	sld [smem:$0x3FAC]  }
0x2b: {  	s6 =	sld [smem:$0x3FAD]  }
0x2c: {  	s7 =	sld [smem:$0x3FAE]  }
0x2d: {  	s3 =	simm.s32 $0x108;
	s8 =	sld [smem:$0x3FAF]  }
0x2e: {  	s3 =	simm.s32 @!p0 $0x1082;
	s9 =	sld [smem:$0x3FB0]  }
0x2f: {  	lr =	sadd.s32 s0, s3;
	s0 =	sld [smem:$0x3FA7]  }
0x30: {  	s3 =	sld [smem:$0x3FAA]  }
0x31: {  	[smem:$0x3FB3] =	sst s10  }
0x32: {  	s10 =	sld [smem:$0x3FB1];
	_ =	sdelay $0x3  }
0x33: {  	p0 =	seq.s32 s10, $0x1;
	s10 =	sld [smem:$0x3FB3];
	_ =	sdelay $0x3  }
0x34: {  	[smem:$0x3FB3] =	sst s10  }
0x35: {  	s10 =	sld [smem:$0x3FB2];
	_ =	sdelay $0x3  }
0x36: {  	p1 =	seq.s32 s10, $0x1;
	s10 =	sld [smem:$0x3FB3];
	_ =	sdelay $0x3  }
0x37: {  	[smem:$0x3FB3] =	sst s10  }
0x38: {  	s10 =	sld [smem:$0x3FB4]  }
0x39: {  	_ = 	snop;
	(pc) =	sbr.ind lr, $3  }
0x3a: {  	_ = 	snop  }
0x3b: {  	_ = 	snop  }
0x3c: {  	p2 =	seq.s32 s10, $0x1;
	s10 =	sld [smem:$0x3FB3]  }
0x3d: {  	_ =	shalt  }
0x3e: {  	_ =	shalt  }
0x3f: {  	_ =	shalt  }
0x40: {  	_ =	shalt  }
0x41: {  	_ =	shalt  }
0x42: {  	_ =	shalt  }
0x43: {  	_ =	shalt  }
0x44: {  	_ =	shalt  }
0x45: {  	_ =	shalt  }
0x46: {  	_ =	shalt  }
0x47: {  	_ =	shalt  }
0x48: {  	_ =	shalt  }
0x49: {  	_ =	shalt  }
0x4a: {  	_ =	shalt  }
0x4b: {  	_ =	shalt  }
0x4c: {  	_ =	shalt  }
0x4d: {  	_ =	shalt  }
0x4e: {  	_ =	shalt  }
0x4f: {  	_ =	shalt  }
0x50: {  	_ =	shalt  }
0x51: {  	_ =	shalt  }
0x52: {  	_ =	shalt  }
0x53: {  	_ =	shalt  }
0x54: {  	_ =	shalt  }
0x55: {  	_ =	shalt  }
0x56: {  	_ =	shalt  }
0x57: {  	_ =	shalt  }
0x58: {  	_ =	shalt  }
0x59: {  	_ =	shalt  }
0x5a: {  	_ =	shalt  }
0x5b: {  	_ =	shalt  }
0x5c: {  	_ =	shalt  }
0x5d: {  	_ =	shalt  }
0x5e: {  	_ =	shalt  }
0x5f: {  	_ =	shalt  }
0x60: {  	_ =	shalt  }
0x61: {  	_ =	shalt  }
0x62: {  	_ =	shalt  }
0x63: {  	_ =	shalt  }
0x64: {  	_ =	shalt  }
0x65: {  	_ =	shalt  }
0x66: {  	_ =	shalt  }
0x67: {  	_ =	shalt  }
0x68: {  	_ =	shalt  }
0x69: {  	_ =	shalt  }
0x6a: {  	_ =	shalt  }
0x6b: {  	_ =	shalt  }
0x6c: {  	_ =	shalt  }
0x6d: {  	_ =	shalt  }
0x6e: {  	_ =	shalt  }
0x6f: {  	_ =	shalt  }
0x70: {  	_ =	shalt  }
0x71: {  	_ =	shalt  }
0x72: {  	_ =	shalt  }
0x73: {  	_ =	shalt  }
0x74: {  	_ =	shalt  }
0x75: {  	_ =	shalt  }
0x76: {  	_ =	shalt  }
0x77: {  	_ =	shalt  }
0x78: {  	_ =	shalt  }
0x79: {  	_ =	shalt  }
0x7a: {  	_ =	shalt  }
0x7b: {  	_ =	shalt  }
0x7c: {  	_ =	shalt  }
0x7d: {  	_ =	shalt  }
0x7e: {  	_ =	shalt  }
0x7f: {  	_ =	shalt  }
0x80: {  	_ =	shalt  }
0x81: {  	_ =	shalt  }
0x82: {  	_ =	shalt  }
0x83: {  	_ =	shalt  }
0x84: {  	_ =	shalt  }
0x85: {  	_ =	shalt  }
0x86: {  	_ =	shalt  }
0x87: {  	_ =	shalt  }
.Lfunc_end0:
.L_simem_size_0:
called_computation_lowered:
.L_overlay_start_0:
0x88: {  	s2 =	sld [smem:$0x3FD9]  }
0x89: {  	s3 =	sld [smem:$0x3FFE];
	_ =	sdelay $0x1  }
0x8a: {  	s1 =	srdreg.scid  }
0x8b: {  	s0 =	sand.u32 $0x1, s1  }
0x8c: {  	s17 =	sshll.u32 s0, $0xA;
	s2 =	sadd.s32 s3, s2  }
0x8d: {  	s2 =	sadd.s32 s2, s17  }
0x8e: {  	[smem:$0x3FBF] =	sst s2  }
0x8f: {  	_ = 	snop  }
0x90: {  	s2 =	sld [smem:$0x3FC7]  }
0x91: {  	s18 =	sld [smem:$0x3FC6]  }
0x92: {  	s4 =	sld [smem:$0x3FC5]  }
0x93: {  	s5 =	sld [smem:$0x3FC3]  }
0x94: {  	s6 =	sld [smem:$0x3FC2]  }
0x95: {  	s7 =	sld [smem:$0x3FD0];
	(tm) =	ssettm $0x1  }
0x96: {  	s8 =	sld [smem:$0x3FFB];
	_ =	sdelay $0x3  }
0x97: {  	_ =	strace s8  }
0x98: {  	s8 =	sld [smem:$0x3FFC];
	_ =	sdelay $0x3  }
0x99: {  	_ =	strace s8  }
0x9a: {  	s8 =	sld [smem:$0x3FFD];
	_ =	sdelay $0x3  }
0x9b: {  	_ =	strace s8  }
0x9c: {  	_ =	strace $0x8FFFFFFF  }
0x9d: {  	s19 =	sld [smem:$0x3FDB];
	_ =	sdelay $0x1  }
0x9e: {  	s9 =	simm.s32 $_scs_section_size  }
0x9f: {  	s10 =	simm.s32 $_size__tile_overlayer_lowered;
	s11 =	simm.s32 $_tile_overlayer_lowered  }
0xa0: {  	s22 =	simm.s32 $0x1BFF;
	s21 =	sshll.u32 s11, $0x1;
	s8 =	sadd.s32 s9, s19  }
0xa1: {  	s12 =	simm.s32 $0x0;
	s20 =	sshll.u32 s10, $0x1;
	s10 =	sadd.s32 s21, s8  }
0xa2: {  	[timem:s12], [sflag:s22] =	dma.local [hbm:s10], s20  }
0xa3: {  	_ =	swait.ge [sflag:s22], s20  }
0xa4: {  	s9 =	ssub.s32 $0x0, s20;
	[sflag:s22] =	ssyncset.done $0x0  }
0xa5: {  	[sflag:s22] =	ssyncadd.s32 s9;
	_ =	sdelay $0x1  }
0xa6: {  	s23 =	simm.s32 $0x1B8B  }
0xa7: {  	_ =	swait.ge [sflag:s23], $0x1  }
0xa8: {  	[sflag:s23] =	ssyncset.done $0x0  }
0xa9: {  	s25 =	simm.s32 $0x1B8E;
	s24 =	sld [smem:$0x3FFE];
	[sflag:s23] =	ssyncadd.s32 $0xFFFFFFFF  }
0xaa: {  	s26 =	simm.s32 $execute0_lowered;
	[smem:$0x3FD2] =	sst s25  }
0xab: {  	s10 =	sshll.u32 s26, $0x1;
	_ =	strace $0x80000046;
	[dreg:$0x1] =	wrdreg $0xFFFFFFFF  }
0xac: {  	s28 =	simm.s32 $_size_execute0_lowered;
	s8 =	sadd.s32 s8, s10;
	[dreg:$0x0] =	wrdreg $0x0  }
0xad: {  	s10 =	sshll.u32 s28, $0x1;
	[dreg:$0x2] =	wrdreg s8  }
0xae: {  	[dreg:$0x3] =	wrdreg s10  }
0xaf: {  	[dreg:$0x4] =	wrdreg $0xC0  }
0xb0: {  	_ =	task [dreg:s12], $0x5FFFF  }
0xb1: {  	[dreg:$0x1] =	wrdreg $0xFFFFFFFF  }
0xb2: {  	[dreg:$0x0] =	wrdreg $0x60  }
0xb3: {  	[dreg:$0x2] =	wrdreg s24  }
0xb4: {  	[dreg:$0x3] =	wrdreg s2  }
0xb5: {  	[dreg:$0x4] =	wrdreg s18  }
0xb6: {  	[dreg:$0x5] =	wrdreg s4  }
0xb7: {  	[dreg:$0x6] =	wrdreg s5  }
0xb8: {  	[dreg:$0x7] =	wrdreg s6  }
0xb9: {  	[dreg:$0x8] =	wrdreg s7  }
0xba: {  	[dreg:$0x9] =	wrdreg $0x9  }
0xbb: {  	_ =	task.clear_ibuf [dreg:s12], $0xAFFFF;
	_ =	strace $0x90000046  }
0xbc: {  	s29 =	simm.s32 $0x9;
	_ =	strace $0x80000048  }
0xbd: {  	_ =	swait.ge [sflag:s29], $0x1  }
0xbe: {  	[sflag:s29] =	ssyncadd.s32 $0xFFFFFFFF  }
0xbf: {  	_ =	strace $0x90000048  }
0xc0: {  	_ =	sfence  }
0xc1: {  	s30 =	sld [smem:$0x0];
	_ =	sdelay $0x2  }
0xc2: {  	s31 =	sshll.u32 s1, $0xD;
	s1 =	sshrl.u32 s1, $0x2  }
0xc3: {  	s3 =	sand.u32 $0x4000, s31;
	s1 =	sadd.s32 s1, s30  }
0xc4: {  	s0 =	sor.u32 s3, s0;
	s1 =	sshll.u32 s1, $0x11  }
0xc5: {  	s0 =	sor.u32 s1, s0  }
0xc6: {  	s0 =	sadd.s32 $0x8F2B, s0  }
0xc7: {  	[sflag:s0] =	ssyncadd.remote.s32 $0x1  }
0xc8: {  	_ =	sfence.sel $0xFFFF  }
0xc9: {  	[dreg:$0x0] =	wrdreg $0xFFFFFFFF;
	(pc) =	sbr.abs _section_cstart, $3  }
0xca: {  	[dreg:$0x1] =	wrdreg $0xFFFFFFFF  }
0xcb: {  	_ =	task.clear_ibuf [dreg:s12], $0x2FFFF;
	_ =	strace $0x9FFFFFFF  }
0xcc: {  	(tm) =	ssettm $0x7FFFFFFF  }
0xcd: {  	_ =	shalt  }
tec
execute0_lowered:
.L_overlay_start_1:
0x0: {  	(tag) =	ssettag $0x1  }
0x1: {  	s0 =	rddreg [dreg:$0x0]  }
0x2: {  	s1 =	rddreg [dreg:$0x1]  }
0x3: {  	s2 =	rddreg [dreg:$0x3]  }
0x4: {  	s6 =	rddreg [dreg:$0x6]  }
0x5: {  	s7 =	simm.s32 $0x0;
	s3 =	srdreg.scid;
	s10 =	stileid.u32  }
0x6: {  	s19 =	simm.s32 $0x5;
	s20 =	simm.s32 $0x10F00;
	s21 =	simm.s32 $0x11700  }
0x7: {  	s22 =	simm.s32 $0x1;
	s23 =	simm.s32 $0x11F00;
	s28 =	simm.s32 $0x4  }
0x8: {  	s29 =	simm.s32 $0x0;
	s11 =	simm.s32 $0xE700;
	[smem:$0x7FF] =	sst s7  }
0x9: {  	s3 =	sand.u32 $0x1, s3;
	s4 =	sshll.u32 s10, $0x1;
	s12 =	sadd.s32 $0x100, s1  }
0xa: {  	s13 =	sadd.s32 $0x200, s1;
	s30 =	sshll.u32 s10, $0x5;
	s17 =	sadd.s32 $0xC000, s6  }
0xb: {  	_ =	strace $0x80000047;
	s4 =	sor.u32 s3, s4;
	s5 =	ssub.s32 $0x2, s3  }
0xc: {  	s31 =	sshll.u32 s3, $0x4;
	s3 =	simm.s32 $0xFF00;
	s8 =	sshll.u32 s4, $0xB  }
0xd: {  	s9 =	sshrl.u32 s5, $0x1;
	s4 =	smul.u32 $0x600, s4;
	s8 =	sadd.s32 s8, s0  }
0xe: {  	s0 =	sadd.s32 $0x20A00, s0;
	s24 =	ssub.s32 s5, s9;
	s5 =	simm.s32 $0xEF00  }
0xf: {  	[dreg:$0x8] =	wrdreg s0;
	s25 =	sadd.s32 $0x10A00, s8;
	s26 =	sadd.s32 $0xA00, s8  }
.Ltmp0:
0x10: {  	s2 =	sadd.s32 s2, s4;
	s14 =	smax.u32 s24, $0x1;
	(pc) =	sbr.rel .LBB2_1-.Ltmp0, $4  }
0x11: {  	v2 =	vlaneseq.u32;
	s15 =	sadd.s32 s6, s4;
	s0 =	sor.u32 s31, s30;
	[dreg:$0x9] =	wrdreg s25  }
0x12: {  	v5 =	vand.u32 $0x7, v2;
	s4 =	simm.s32 $0x10700;
	s24 =	simm.s32 $0x2;
	[dreg:$0xa] =	wrdreg s26  }
0x13: {  	v1 =	vshrl.u32 v2, $0x3;
	v6 =	vor.u32 $0x8, v2;
	[tilespmem:$0x1FFE0] =	vst v5;
	[dreg:$0xb] =	wrdreg s2;
	s16 =	sadd.s32 $0xC000, s15;
	s18 =	sor.u32 $0x400, s0  }
0x14: {  	vm0 =	vmmov $0xffff;
	v1 =	vmul.u32 $0x8, v1;
	[tilespmem:$0x1FFF0] =	vst v6;
	s2 =	simm.s32 $0xF700;
	s25 =	simm.s32 $0x14F00;
	s26 =	simm.s32 $0x3  }
.LBB2_6:
0x15: {  	s29 =	sadd.s32 $0x1, s29  }
0x16: {  	_ =	swait.ge [sflag:s26], $0x3000;
	p0 =	sne.s32 s29, s14  }
.Ltmp1:
0x17: {  	[sflag:s26] =	ssyncset.done $0x0;
	(pc) =	sbr.rel @!p0 .LBB2_7-.Ltmp1, $4  }
0x18: {  	[sflag:s26] =	ssyncadd.s32 $0xFFFFD000  }
0x19: {  	_ =	swait.ge [sflag:s28], $0x3000  }
0x1a: {  	[sflag:s28] =	ssyncset.done $0x0  }
0x1b: {  	[sflag:s28] =	ssyncadd.s32 $0xFFFFD000  }
.LBB2_1:
0x1c: {  	s0 =	rddreg [dreg:$0x9]  }
0x1d: {  	[tilespmem:s7], [sflag:$0x5] =	stream.linear.gather [hbm4b:s0+s7], $0x4000, $0x38;
	[tilespmem:$0x17F00] =	vst v63  }
0x1e: {  	_ =	swait.ge [sflag:s19], $0x4000  }
0x1f: {  	[sflag:s19] =	ssyncset.done $0x0  }
0x20: {  	s8 =	simm.s32 $0x4000;
	s10 =	rddreg [dreg:$0xa];
	[sflag:s19] =	ssyncadd.s32 $0xFFFFC000  }
0x21: {  	[tilespmem:s8], [sflag:$0x5] =	stream.linear.gather [hbm4b:s10+s7], $0x4000, $0x38;
	[tilespmem:$0x17F00] =	vst v63  }
0x22: {  	_ =	swait.ge [sflag:s19], $0x4000  }
0x23: {  	[sflag:s19] =	ssyncset.done $0x0  }
0x24: {  	s9 =	simm.s32 $0x8000;
	s10 =	rddreg [dreg:$0xb];
	[sflag:s19] =	ssyncadd.s32 $0xFFFFC000  }
0x25: {  	[tilespmem:s9], [sflag:$0x5] =	stream.linear.gather [hbm4b:s10+s7], $0x3000, $0x38;
	[tilespmem:$0x17F00] =	vst v63  }
0x26: {  	_ =	swait.ge [sflag:s19], $0x3000  }
0x27: {  	[sflag:s19] =	ssyncset.done $0x0  }
0x28: {  	[sflag:s19] =	ssyncadd.s32 $0xFFFFD000  }
0x29: {  	s10 =	simm.s32 $0xB000;
	s9 =	rddreg [dreg:$0x2]  }
0x2a: {  	[tilespmem:s10], [sflag:$0x5] =	stream.linear.gather [hbm4b:s9+s7], $0x600, $0x38;
	[tilespmem:$0x17F00] =	vst v63  }
0x2b: {  	_ =	swait.ge [sflag:s19], $0x600  }
0x2c: {  	[sflag:s19] =	ssyncset.done $0x0  }
0x2d: {  	s10 =	simm.s32 $0xB600;
	s9 =	rddreg [dreg:$0x8];
	[sflag:s19] =	ssyncadd.s32 $0xFFFFFA00  }
0x2e: {  	[tilespmem:s10], [sflag:$0x5] =	stream.linear.gather [hbm4b:s9+s7], $0x300, $0x38;
	[tilespmem:$0x17F00] =	vst v63  }
0x2f: {  	_ =	swait.ge [sflag:s19], $0x300  }
0x30: {  	[sflag:s19] =	ssyncset.done $0x0  }
0x31: {  	[sflag:s19] =	ssyncadd.s32 $0xFFFFFD00  }
0x32: {  	s10 =	simm.s32 $0xB900;
	s9 =	rddreg [dreg:$0x4]  }
0x33: {  	[tilespmem:s10], [sflag:$0x5] =	stream.linear.gather [hbm4b:s9+s7], $0x300, $0x38;
	[tilespmem:$0x17F00] =	vst v63  }
0x34: {  	_ =	swait.ge [sflag:s19], $0x300  }
0x35: {  	[sflag:s19] =	ssyncset.done $0x0  }
0x36: {  	[sflag:s19] =	ssyncadd.s32 $0xFFFFFD00  }
0x37: {  	s10 =	simm.s32 $0xBC00;
	s9 =	rddreg [dreg:$0x5]  }
0x38: {  	[tilespmem:s10], [sflag:$0x5] =	stream.linear.gather [hbm4b:s9+s7], $0x300, $0x38;
	[tilespmem:$0x17F00] =	vst v63  }
0x39: {  	_ =	swait.ge [sflag:s19], $0x300  }
0x3a: {  	[sflag:s19] =	ssyncset.done $0x0  }
0x3b: {  	[sflag:s19] =	ssyncadd.s32 $0xFFFFFD00  }
0x3c: {  	v3 =	vld [tilespmem:$0xB080]  }
0x3d: {  	v4 =	vld [tilespmem:$0xB000]  }
0x3e: {  	v5 =	vld [tilespmem:$0xB600]  }
0x3f: {  	v6 =	vld [tilespmem:$0xB090]  }
0x40: {  	v7 =	vld [tilespmem:$0xB010]  }
0x41: {  	v8 =	vld [tilespmem:$0xB610]  }
0x42: {  	v9 =	vld [tilespmem:$0xB0A0]  }
0x43: {  	v10 =	vld [tilespmem:$0xB020]  }
0x44: {  	v11 =	vld [tilespmem:$0xB0B0]  }
0x45: {  	v12 =	vld [tilespmem:$0xB030]  }
0x46: {  	v13 =	vld [tilespmem:$0xB620]  }
0x47: {  	v14 =	vld [tilespmem:$0xB670]  }
0x48: {  	v15 =	vld [tilespmem:$0xB180]  }
0x49: {  	v16 =	vld [tilespmem:$0xB100]  }
0x4a: {  	v17 =	vld [tilespmem:$0xB680]  }
0x4b: {  	v18 =	vld [tilespmem:$0xB190]  }
0x4c: {  	v19 =	vld [tilespmem:$0xB110]  }
0x4d: {  	v20 =	vld [tilespmem:$0xB690]  }
0x4e: {  	v21 =	vld [tilespmem:$0xB1A0]  }
0x4f: {  	v22 =	vld [tilespmem:$0xB120]  }
0x50: {  	v23 =	vld [tilespmem:$0xB6A0]  }
0x51: {  	v24 =	vld [tilespmem:$0xB1B0]  }
0x52: {  	v25 =	vld [tilespmem:$0xB130]  }
0x53: {  	v26 =	vld [tilespmem:$0xB6B0]  }
0x54: {  	v27 =	vld [tilespmem:$0xB1C0]  }
0x55: {  	v28 =	vld [tilespmem:$0xB140]  }
0x56: {  	v29 =	vld [tilespmem:$0xB6C0]  }
0x57: {  	v30 =	vld [tilespmem:$0xB1D0]  }
0x58: {  	v31 =	vld [tilespmem:$0xB150]  }
0x59: {  	v32 =	vld [tilespmem:$0xB6D0]  }
0x5a: {  	v33 =	vld [tilespmem:$0xB1E0]  }
0x5b: {  	v34 =	vld [tilespmem:$0xB160]  }
0x5c: {  	v35 =	vld [tilespmem:$0xB6E0]  }
0x5d: {  	v36 =	vld [tilespmem:$0xB1F0]  }
0x5e: {  	v37 =	vld [tilespmem:$0xB170]  }
0x5f: {  	v38 =	vld [tilespmem:$0xB6F0]  }
0x60: {  	v39 =	vld [tilespmem:$0xB280]  }
0x61: {  	v40 =	vld [tilespmem:$0xB200]  }
0x62: {  	v41 =	vld [tilespmem:$0xB700]  }
0x63: {  	v42 =	vld [tilespmem:$0xB290]  }
0x64: {  	v43 =	vld [tilespmem:$0xB210]  }
0x65: {  	v44 =	vld [tilespmem:$0xB710]  }
0x66: {  	v45 =	vld [tilespmem:$0xB2A0]  }
0x67: {  	v46 =	vld [tilespmem:$0xB220]  }
0x68: {  	v47 =	vld [tilespmem:$0xB720]  }
0x69: {  	v48 =	vld [tilespmem:$0xB2B0]  }
0x6a: {  	v49 =	vld [tilespmem:$0xB230]  }
0x6b: {  	v50 =	vld [tilespmem:$0xB730]  }
0x6c: {  	v51 =	vld [tilespmem:$0xB2C0]  }
0x6d: {  	v52 =	vld [tilespmem:$0xB240]  }
0x6e: {  	v53 =	vld [tilespmem:$0xB740]  }
0x6f: {  	v54 =	vld [tilespmem:$0xB2D0]  }
0x70: {  	v55 =	vld [tilespmem:$0xB250]  }
0x71: {  	v0 =	vld [tilespmem:$0xB750]  }
0x72: {  	v57 =	vld [tilespmem:$0xB2E0]  }
0x73: {  	v3 =	vsub.f32 v3, v4;
	v4 =	vld [tilespmem:$0xB630]  }
0x74: {  	v6 =	vsub.f32 v6, v7;
	v7 =	vsub.f32 v11, v12;
	v11 =	vld [tilespmem:$0xB660]  }
0x75: {  	v12 =	vld [tilespmem:$0xB0F0]  }
0x76: {  	v6 =	vmul.f32 v8, v6;
	v8 =	vld [tilespmem:$0xB650]  }
0x77: {  	v3 =	vmul.f32 v5, v3;
	v5 =	vsub.f32 v9, v10;
	v9 =	vld [tilespmem:$0xB0E0]  }
0x78: {  	v10 =	vld [tilespmem:$0xB060]  }
0x79: {  	[tilespmem:$0xB080] =	vst v3;
	v3 =	vmul.f32 v13, v5;
	v5 =	vld [tilespmem:$0xB640]  }
0x7a: {  	[tilespmem:$0xB090] =	vst v6;
	v6 =	vld [tilespmem:$0xB0D0]  }
0x7b: {  	v13 =	vld [tilespmem:$0xB070]  }
0x7c: {  	[tilespmem:$0x1FE20] =	vst v0;
	v4 =	vmul.f32 v4, v7;
	v7 =	vld [tilespmem:$0xB050]  }
0x7d: {  	[tilespmem:$0xB0A0] =	vst v3;
	v3 =	vld [tilespmem:$0xB0C0]  }
0x7e: {  	[tilespmem:$0xB0B0] =	vst v4;
	v4 =	vld [tilespmem:$0xB040]  }
0x7f: {  	v58 =	vld [tilespmem:$0xB260]  }
0x80: {  	v62 =	vld [tilespmem:$0xB3A0];
	_ =	sdelay $0x4  }
0x81: {  	[tilespmem:$0x1FE60] =	vst v62;
	v62 =	vld [tilespmem:$0xB7A0];
	_ =	sdelay $0x4  }
0x82: {  	[tilespmem:$0x1FEA0] =	vst v62;
	v62 =	vld [tilespmem:$0xB3B0];
	_ =	sdelay $0x4  }
0x83: {  	[tilespmem:$0x1FE80] =	vst v62;
	v62 =	vld [tilespmem:$0xB330];
	_ =	sdelay $0x4  }
0x84: {  	[tilespmem:$0x1FE90] =	vst v62;
	v62 =	vld [tilespmem:$0xB7B0];
	_ =	sdelay $0x4  }
0x85: {  	[tilespmem:$0x1FED0] =	vst v62;
	v62 =	vld [tilespmem:$0xB3C0];
	_ =	sdelay $0x4  }
0x86: {  	[tilespmem:$0x1FEB0] =	vst v62;
	v62 =	vld [tilespmem:$0xB340];
	_ =	sdelay $0x3  }
0x87: {  	v0 =	vld [tilespmem:$0xB760]  }
0x88: {  	[tilespmem:$0x1FEC0] =	vst v62;
	v62 =	vld [tilespmem:$0xB7C0]  }
0x89: {  	v60 =	vld [tilespmem:$0xB2F0]  }
0x8a: {  	v61 =	vld [tilespmem:$0xB270]  }
0x8b: {  	v63 =	vld [tilespmem:$0xB380]  }
0x8c: {  	v2 =	vld [tilespmem:$0xB780]  }
0x8d: {  	[tilespmem:$0x1FF00] =	vst v62;
	v62 =	vld [tilespmem:$0xB3D0]  }
0x8e: {  	v56 =	vld [tilespmem:$0xB390]  }
0x8f: {  	v59 =	vld [tilespmem:$0xB790]  }
0x90: {  	v6 =	vsub.f32 v6, v7;
	v7 =	vld [tilespmem:$0xB820]  }
0x91: {  	v3 =	vsub.f32 v3, v4;
	v4 =	vld [tilespmem:$0xB420]  }
0x92: {  	[tilespmem:$0x1FEE0] =	vst v62;
	v62 =	vld [tilespmem:$0xB350]  }
0x93: {  	v6 =	vmul.f32 v8, v6;
	v8 =	vsub.f32 v12, v13;
	v12 =	vld [tilespmem:$0xB4C0];
	[tilespmem:$0x1FE30] =	vst v0  }
0x94: {  	v13 =	vld [tilespmem:$0xB440];
	[tilespmem:$0x1FE50] =	vst v2  }
0x95: {  	v0 =	vld [tilespmem:$0xB770];
	[tilespmem:$0x1FE70] =	vst v59  }
0x96: {  	v2 =	vld [tilespmem:$0xB310];
	v3 =	vmul.f32 v5, v3;
	[tilespmem:$0xB0D0] =	vst v6  }
0x97: {  	v5 =	vsub.f32 v9, v10;
	v6 =	vmul.f32 v14, v8;
	[tilespmem:$0x1FEF0] =	vst v62;
	v62 =	vld [tilespmem:$0xB7D0]  }
0x98: {  	v59 =	vld [tilespmem:$0xB320];
	[tilespmem:$0xB0C0] =	vst v3  }
0x99: {  	v9 =	vld [tilespmem:$0xB4B0];
	v8 =	vsub.f32 v18, v19;
	v3 =	vmul.f32 v11, v5;
	[tilespmem:$0xB0F0] =	vst v6  }
0x9a: {  	v10 =	vld [tilespmem:$0xB430];
	v5 =	vsub.f32 v15, v16;
	[tilespmem:$0x1FE40] =	vst v0  }
0x9b: {  	v14 =	vld [tilespmem:$0xB840];
	v6 =	vmul.f32 v20, v8;
	v8 =	vsub.f32 v24, v25;
	[tilespmem:$0xB0E0] =	vst v3  }
0x9c: {  	v3 =	vmul.f32 v17, v5;
	v5 =	vsub.f32 v21, v22;
	[tilespmem:$0x1FF30] =	vst v62;
	v62 =	vld [tilespmem:$0xB3E0]  }
0x9d: {  	v18 =	vld [tilespmem:$0xB4E0];
	[tilespmem:$0xB190] =	vst v6;
	v6 =	vmul.f32 v26, v8  }
0x9e: {  	v19 =	vld [tilespmem:$0xB460];
	v8 =	vsub.f32 v30, v31;
	[tilespmem:$0xB180] =	vst v3;
	v3 =	vmul.f32 v23, v5  }
0x9f: {  	v11 =	vld [tilespmem:$0xB830];
	v5 =	vsub.f32 v27, v28;
	[tilespmem:$0xB1B0] =	vst v6  }
0xa0: {  	v15 =	vld [tilespmem:$0xB4D0];
	v6 =	vmul.f32 v32, v8;
	v8 =	vsub.f32 v36, v37;
	[tilespmem:$0xB1A0] =	vst v3  }
0xa1: {  	v3 =	vmul.f32 v29, v5;
	v5 =	vsub.f32 v33, v34;
	[tilespmem:$0x1FF10] =	vst v62;
	v62 =	vld [tilespmem:$0xB360]  }
0xa2: {  	v16 =	vld [tilespmem:$0xB450];
	[tilespmem:$0xB1D0] =	vst v6;
	v6 =	vmul.f32 v38, v8  }
0xa3: {  	v20 =	vld [tilespmem:$0xB860];
	v8 =	vsub.f32 v42, v43;
	[tilespmem:$0xB1C0] =	vst v3;
	v3 =	vmul.f32 v35, v5  }
0xa4: {  	v0 =	vld [tilespmem:$0xB300];
	v5 =	vsub.f32 v39, v40;
	[tilespmem:$0xB1F0] =	vst v6  }
0xa5: {  	v17 =	vld [tilespmem:$0xB850];
	v6 =	vmul.f32 v44, v8;
	v8 =	vsub.f32 v48, v49;
	[tilespmem:$0xB1E0] =	vst v3  }
0xa6: {  	v3 =	vmul.f32 v41, v5;
	v5 =	vsub.f32 v45, v46;
	[tilespmem:$0x1FF20] =	vst v62;
	v62 =	vld [tilespmem:$0xB7E0]  }
0xa7: {  	v21 =	vld [tilespmem:$0xB4F0];
	[tilespmem:$0xB290] =	vst v6;
	v6 =	vmul.f32 v50, v8  }
0xa8: {  	v22 =	vld [tilespmem:$0xB470];
	[tilespmem:$0xB280] =	vst v3;
	v3 =	vmul.f32 v47, v5  }
0xa9: {  	v23 =	vld [tilespmem:$0xB870];
	v5 =	vsub.f32 v51, v52;
	[tilespmem:$0xB2B0] =	vst v6  }
0xaa: {  	v6 =	vld [tilespmem:$0x1FE20];
	[tilespmem:$0xB2A0] =	vst v3  }
0xab: {  	v3 =	vmul.f32 v53, v5;
	[tilespmem:$0x1FF60] =	vst v62;
	v62 =	vld [tilespmem:$0xB3F0]  }
0xac: {  	v44 =	vld [tilespmem:$0xB580]  }
0xad: {  	v8 =	vsub.f32 v54, v55;
	[tilespmem:$0xB2C0] =	vst v3;
	v3 =	vld [tilespmem:$0x1FE30]  }
0xae: {  	v49 =	vld [tilespmem:$0xB5A0]  }
0xaf: {  	v45 =	vld [tilespmem:$0xB500];
	v6 =	vmul.f32 v6, v8  }
0xb0: {  	v5 =	vsub.f32 v57, v58;
	[tilespmem:$0x1FF40] =	vst v62;
	v62 =	vld [tilespmem:$0xB370]  }
0xb1: {  	[tilespmem:$0xB2D0] =	vst v6;
	v6 =	vld [tilespmem:$0x1FE40]  }
0xb2: {  	v46 =	vld [tilespmem:$0xB880];
	v3 =	vmul.f32 v3, v5  }
0xb3: {  	v55 =	vld [tilespmem:$0xB5B0]  }
0xb4: {  	v8 =	vsub.f32 v60, v61;
	[tilespmem:$0xB2E0] =	vst v3;
	v3 =	vld [tilespmem:$0x1FE50]  }
0xb5: {  	[tilespmem:$0x1FF50] =	vst v62;
	v62 =	vld [tilespmem:$0xB7F0]  }
0xb6: {  	v47 =	vld [tilespmem:$0xB890];
	v6 =	vmul.f32 v6, v8  }
0xb7: {  	v0 =	vsub.f32 v63, v0;
	v51 =	vld [tilespmem:$0xB520]  }
0xb8: {  	[tilespmem:$0xB2F0] =	vst v6;
	v6 =	vld [tilespmem:$0x1FE70]  }
0xb9: {  	v0 =	vmul.f32 v3, v0;
	v3 =	vld [tilespmem:$0x1FE60]  }
0xba: {  	[tilespmem:$0x1FF90] =	vst v62;
	v62 =	vld [tilespmem:$0xB480]  }
0xbb: {  	v48 =	vld [tilespmem:$0x1FE90]  }
0xbc: {  	v2 =	vsub.f32 v56, v2;
	[tilespmem:$0xB380] =	vst v0;
	v0 =	vld [tilespmem:$0x1FEA0]  }
0xbd: {  	v53 =	vld [tilespmem:$0xB8A0]  }
0xbe: {  	v2 =	vmul.f32 v6, v2;
	v6 =	vld [tilespmem:$0x1FE80]  }
0xbf: {  	v3 =	vsub.f32 v3, v59;
	[tilespmem:$0x1FF70] =	vst v62;
	v62 =	vld [tilespmem:$0xB400]  }
0xc0: {  	[tilespmem:$0xB390] =	vst v2;
	v2 =	vld [tilespmem:$0x1FED0]  }
0xc1: {  	v50 =	vld [tilespmem:$0x1FEC0];
	v0 =	vmul.f32 v0, v3  }
0xc2: {  	v3 =	vld [tilespmem:$0x1FEB0]  }
0xc3: {  	v6 =	vsub.f32 v6, v48;
	[tilespmem:$0xB3A0] =	vst v0;
	v0 =	vld [tilespmem:$0x1FF00]  }
0xc4: {  	[tilespmem:$0x1FF80] =	vst v62;
	v62 =	vld [tilespmem:$0xB800]  }
0xc5: {  	v2 =	vmul.f32 v2, v6;
	v6 =	vld [tilespmem:$0x1FEE0]  }
0xc6: {  	v52 =	vld [tilespmem:$0x1FEF0]  }
0xc7: {  	v5 =	vld [tilespmem:$0xB590]  }
0xc8: {  	v3 =	vsub.f32 v3, v50;
	[tilespmem:$0xB3B0] =	vst v2;
	v2 =	vld [tilespmem:$0x1FF30]  }
0xc9: {  	[tilespmem:$0x1FFC0] =	vst v62;
	v62 =	vld [tilespmem:$0xB490]  }
0xca: {  	v0 =	vmul.f32 v0, v3;
	v3 =	vld [tilespmem:$0x1FF10]  }
0xcb: {  	v6 =	vsub.f32 v6, v52;
	v54 =	vld [tilespmem:$0x1FF20]  }
0xcc: {  	[tilespmem:$0xB3C0] =	vst v0;
	v0 =	vld [tilespmem:$0x1FF60]  }
0xcd: {  	v2 =	vmul.f32 v2, v6;
	v6 =	vld [tilespmem:$0x1FF40]  }
0xce: {  	[tilespmem:$0x1FFA0] =	vst v62;
	v62 =	vld [tilespmem:$0xB410]  }
0xcf: {  	v56 =	vld [tilespmem:$0x1FF50]  }
0xd0: {  	v8 =	vld [tilespmem:$0xB510];
	v3 =	vsub.f32 v3, v54  }
0xd1: {  	[tilespmem:$0xB3D0] =	vst v2;
	v2 =	vld [tilespmem:$0x1FF90]  }
0xd2: {  	v0 =	vmul.f32 v0, v3;
	v3 =	vld [tilespmem:$0x1FF70]  }
0xd3: {  	[tilespmem:$0x1FFB0] =	vst v62;
	v62 =	vld [tilespmem:$0xB810]  }
0xd4: {  	v6 =	vsub.f32 v6, v56;
	v58 =	vld [tilespmem:$0x1FF80]  }
0xd5: {  	[tilespmem:$0xB3E0] =	vst v0;
	v0 =	vld [tilespmem:$0x1FFC0]  }
0xd6: {  	v2 =	vmul.f32 v2, v6;
	v6 =	vld [tilespmem:$0x1FFA0]  }
0xd7: {  	v60 =	vld [tilespmem:$0x1FFB0]  }
0xd8: {  	[tilespmem:$0x1FFD0] =	vst v62;
	v62 =	vld [tilespmem:$0xB4A0]  }
0xd9: {  	[tilespmem:$0xB3F0] =	vst v2;
	v2 =	vld [tilespmem:$0x1FFD0]  }
0xda: {  	v57 =	vld [tilespmem:$0xB530]  }
0xdb: {  	v61 =	vld [tilespmem:$0xB5C0];
	v3 =	vsub.f32 v3, v58  }
0xdc: {  	v5 =	vsub.f32 v5, v8;
	v8 =	vld [tilespmem:$0xB570];
	v6 =	vsub.f32 v6, v60  }
0xdd: {  	v59 =	vld [tilespmem:$0xB8B0];
	v0 =	vmul.f32 v0, v3;
	v3 =	vsub.f32 v62, v4  }
0xde: {  	v4 =	vld [tilespmem:$0xB540];
	v2 =	vmul.f32 v2, v6;
	v6 =	vsub.f32 v9, v10  }
0xdf: {  	[tilespmem:$0xB480] =	vst v0;
	v9 =	vld [tilespmem:$0xB8C0];
	v0 =	vmul.f32 v7, v3;
	v3 =	vsub.f32 v12, v13  }
0xe0: {  	v10 =	vld [tilespmem:$0xB550];
	[tilespmem:$0xB490] =	vst v2;
	v2 =	vmul.f32 v11, v6;
	v6 =	vsub.f32 v15, v16  }
0xe1: {  	v7 =	vld [tilespmem:$0xB5D0];
	[tilespmem:$0xB4A0] =	vst v0;
	v0 =	vmul.f32 v14, v3;
	v3 =	vsub.f32 v18, v19  }
0xe2: {  	v12 =	vld [tilespmem:$0xB5E0];
	[tilespmem:$0xB4B0] =	vst v2;
	v2 =	vmul.f32 v17, v6;
	v6 =	vsub.f32 v21, v22  }
0xe3: {  	v13 =	vld [tilespmem:$0xB560];
	[tilespmem:$0xB4C0] =	vst v0;
	v0 =	vmul.f32 v20, v3;
	v3 =	vsub.f32 v44, v45  }
0xe4: {  	v11 =	vld [tilespmem:$0xB8D0];
	[tilespmem:$0xB4D0] =	vst v2;
	v2 =	vmul.f32 v23, v6  }
0xe5: {  	v6 =	vld [tilespmem:$0xB5F0];
	[tilespmem:$0xB4E0] =	vst v0;
	v0 =	vmul.f32 v46, v3;
	v3 =	vsub.f32 v49, v51  }
0xe6: {  	v14 =	vld [tilespmem:$0xB8E0];
	[tilespmem:$0xB4F0] =	vst v2;
	v2 =	vmul.f32 v47, v5;
	v5 =	vsub.f32 v55, v57  }
0xe7: {  	[tilespmem:$0xB580] =	vst v0;
	v0 =	vmul.f32 v53, v3;
	v3 =	vsub.f32 v61, v4;
	v4 =	vld [tilespmem:$0xB8F0]  }
0xe8: {  	[tilespmem:$0xB590] =	vst v2;
	v2 =	vmul.f32 v59, v5;
	v5 =	vsub.f32 v7, v10  }
0xe9: {  	[tilespmem:$0xB5A0] =	vst v0;
	v0 =	vmul.f32 v9, v3;
	v3 =	vsub.f32 v12, v13  }
0xea: {  	s9 =	simm.s32 $0x0;
	[tilespmem:$0xB5B0] =	vst v2;
	v2 =	vmul.f32 v11, v5;
	v5 =	vsub.f32 v6, v8  }
0xeb: {  	s0 =	smul.u32 $0x6000, s9;
	[tilespmem:$0xB5C0] =	vst v0;
	v0 =	vmul.f32 v14, v3  }
0xec: {  	[tilespmem:$0xB5D0] =	vst v2;
	v2 =	vmul.f32 v4, v5  }
0xed: {  	s10 =	sand.u32 $0x380, s7;
	s0 =	sshra.s32 s0, $0x2;
	[tilespmem:$0xB5E0] =	vst v0  }
0xee: {  	s30 =	sor.u32 s10, s0;
	v0 =	vld [tilespmem:$0xB000];
	[tilespmem:$0xB5F0] =	vst v2  }
0xef: {  	v2 =	vld [tilespmem:s30+$0x8000];
	_ =	sdelay $0x1  }
0xf0: {  	v3 =	vld [tilespmem:$0xBC00];
	_ =	sdelay $0x1  }
0xf1: {  	v4 =	vld [tilespmem:$0xB600]  }
0xf2: {  	v0 =	vadd.f32 v0, v2  }
0xf3: {  	v2 =	vld [tilespmem:$0xB900]  }
0xf4: {  	v0 =	vsub.f32 v0, v3;
	_ =	sdelay $0x1  }
0xf5: {  	v0 =	vmul.f32 v4, v0;
	_ =	sdelay $0x1  }
0xf6: {  	v0 =	vadd.f32 v2, v0;
	_ =	sdelay $0x1  }
0xf7: {  	[tilespmem:s30+$0x8000] =	vst v0;
	v0 =	vld [tilespmem:s30+$0x8010]  }
0xf8: {  	v2 =	vld [tilespmem:$0xB010];
	_ =	sdelay $0x1  }
0xf9: {  	v3 =	vld [tilespmem:$0xBC10];
	_ =	sdelay $0x1  }
0xfa: {  	v4 =	vld [tilespmem:$0xB610]  }
0xfb: {  	v0 =	vadd.f32 v2, v0  }
0xfc: {  	v2 =	vld [tilespmem:$0xB910]  }
0xfd: {  	v0 =	vsub.f32 v0, v3;
	_ =	sdelay $0x1  }
0xfe: {  	v0 =	vmul.f32 v4, v0;
	_ =	sdelay $0x1  }
0xff: {  	v0 =	vadd.f32 v2, v0;
	_ =	sdelay $0x1  }
0x100: {  	[tilespmem:s30+$0x8010] =	vst v0;
	v0 =	vld [tilespmem:s30+$0x8020]  }
0x101: {  	v2 =	vld [tilespmem:$0xB020];
	_ =	sdelay $0x1  }
0x102: {  	v3 =	vld [tilespmem:$0xBC20];
	_ =	sdelay $0x1  }
0x103: {  	v4 =	vld [tilespmem:$0xB620]  }
0x104: {  	v0 =	vadd.f32 v2, v0  }
0x105: {  	v2 =	vld [tilespmem:$0xB920]  }
0x106: {  	v0 =	vsub.f32 v0, v3;
	_ =	sdelay $0x1  }
0x107: {  	v0 =	vmul.f32 v4, v0;
	_ =	sdelay $0x1  }
0x108: {  	v0 =	vadd.f32 v2, v0;
	_ =	sdelay $0x1  }
0x109: {  	[tilespmem:s30+$0x8020] =	vst v0;
	v0 =	vld [tilespmem:s30+$0x8030]  }
0x10a: {  	v2 =	vld [tilespmem:$0xB030];
	_ =	sdelay $0x1  }
0x10b: {  	v3 =	vld [tilespmem:$0xBC30];
	_ =	sdelay $0x1  }
0x10c: {  	v4 =	vld [tilespmem:$0xB630]  }
0x10d: {  	v0 =	vadd.f32 v2, v0  }
0x10e: {  	v2 =	vld [tilespmem:$0xB930]  }
0x10f: {  	v0 =	vsub.f32 v0, v3;
	_ =	sdelay $0x1  }
0x110: {  	v0 =	vmul.f32 v4, v0;
	_ =	sdelay $0x1  }
0x111: {  	v0 =	vadd.f32 v2, v0;
	_ =	sdelay $0x1  }
0x112: {  	[tilespmem:s30+$0x8030] =	vst v0;
	v0 =	vld [tilespmem:s30+$0x8040]  }
0x113: {  	v2 =	vld [tilespmem:$0xB040];
	_ =	sdelay $0x1  }
0x114: {  	v3 =	vld [tilespmem:$0xBC40];
	_ =	sdelay $0x1  }
0x115: {  	v4 =	vld [tilespmem:$0xB640]  }
0x116: {  	v0 =	vadd.f32 v2, v0  }
0x117: {  	v2 =	vld [tilespmem:$0xB940]  }
0x118: {  	v0 =	vsub.f32 v0, v3;
	_ =	sdelay $0x1  }
0x119: {  	v0 =	vmul.f32 v4, v0;
	_ =	sdelay $0x1  }
0x11a: {  	v0 =	vadd.f32 v2, v0;
	_ =	sdelay $0x1  }
0x11b: {  	[tilespmem:s30+$0x8040] =	vst v0;
	v0 =	vld [tilespmem:s30+$0x8050]  }
0x11c: {  	v2 =	vld [tilespmem:$0xB050];
	_ =	sdelay $0x1  }
0x11d: {  	v3 =	vld [tilespmem:$0xBC50];
	_ =	sdelay $0x1  }
0x11e: {  	v4 =	vld [tilespmem:$0xB650]  }
0x11f: {  	v0 =	vadd.f32 v2, v0  }
0x120: {  	v2 =	vld [tilespmem:$0xB950]  }
0x121: {  	v0 =	vsub.f32 v0, v3;
	_ =	sdelay $0x1  }
0x122: {  	v0 =	vmul.f32 v4, v0;
	_ =	sdelay $0x1  }
0x123: {  	v0 =	vadd.f32 v2, v0;
	_ =	sdelay $0x1  }
0x124: {  	[tilespmem:s30+$0x8050] =	vst v0;
	v0 =	vld [tilespmem:s30+$0x8060]  }
0x125: {  	v2 =	vld [tilespmem:$0xB060];
	_ =	sdelay $0x1  }
0x126: {  	v3 =	vld [tilespmem:$0xBC60];
	_ =	sdelay $0x1  }
0x127: {  	v4 =	vld [tilespmem:$0xB660]  }
0x128: {  	v0 =	vadd.f32 v2, v0  }
0x129: {  	v2 =	vld [tilespmem:$0xB960]  }
0x12a: {  	v0 =	vsub.f32 v0, v3;
	_ =	sdelay $0x1  }
0x12b: {  	v0 =	vmul.f32 v4, v0;
	_ =	sdelay $0x1  }
0x12c: {  	v0 =	vadd.f32 v2, v0;
	_ =	sdelay $0x1  }
0x12d: {  	[tilespmem:s30+$0x8060] =	vst v0;
	v0 =	vld [tilespmem:s30+$0x8070]  }
0x12e: {  	v2 =	vld [tilespmem:$0xB070];
	_ =	sdelay $0x1  }
0x12f: {  	v3 =	vld [tilespmem:$0xBC70];
	_ =	sdelay $0x1  }
0x130: {  	v4 =	vld [tilespmem:$0xB670]  }
0x131: {  	v0 =	vadd.f32 v2, v0  }
0x132: {  	v2 =	vld [tilespmem:$0xB970]  }
0x133: {  	v0 =	vsub.f32 v0, v3;
	_ =	sdelay $0x1  }
0x134: {  	v0 =	vmul.f32 v4, v0;
	_ =	sdelay $0x1  }
0x135: {  	v0 =	vadd.f32 v2, v0;
	_ =	sdelay $0x1  }
0x136: {  	[tilespmem:s30+$0x8070] =	vst v0;
	v0 =	vld [tilespmem:s30+$0x8400]  }
0x137: {  	v2 =	vld [tilespmem:$0xB100];
	_ =	sdelay $0x1  }
0x138: {  	v3 =	vld [tilespmem:$0xBC80];
	_ =	sdelay $0x1  }
0x139: {  	v4 =	vld [tilespmem:$0xB680]  }
0x13a: {  	v0 =	vadd.f32 v2, v0  }
0x13b: {  	v2 =	vld [tilespmem:$0xB980]  }
0x13c: {  	v0 =	vsub.f32 v0, v3;
	_ =	sdelay $0x1  }
0x13d: {  	v0 =	vmul.f32 v4, v0;
	_ =	sdelay $0x1  }
0x13e: {  	v0 =	vadd.f32 v2, v0;
	_ =	sdelay $0x1  }
0x13f: {  	[tilespmem:s30+$0x8400] =	vst v0;
	v0 =	vld [tilespmem:s30+$0x8410]  }
0x140: {  	v2 =	vld [tilespmem:$0xB110];
	_ =	sdelay $0x1  }
0x141: {  	v3 =	vld [tilespmem:$0xBC90];
	_ =	sdelay $0x1  }
0x142: {  	v4 =	vld [tilespmem:$0xB690]  }
0x143: {  	v0 =	vadd.f32 v2, v0  }
0x144: {  	v2 =	vld [tilespmem:$0xB990]  }
0x145: {  	v0 =	vsub.f32 v0, v3;
	_ =	sdelay $0x1  }
0x146: {  	v0 =	vmul.f32 v4, v0;
	_ =	sdelay $0x1  }
0x147: {  	v0 =	vadd.f32 v2, v0;
	_ =	sdelay $0x1  }
0x148: {  	[tilespmem:s30+$0x8410] =	vst v0;
	v0 =	vld [tilespmem:s30+$0x8420]  }
0x149: {  	v2 =	vld [tilespmem:$0xB120];
	_ =	sdelay $0x1  }
0x14a: {  	v3 =	vld [tilespmem:$0xBCA0];
	_ =	sdelay $0x1  }
0x14b: {  	v4 =	vld [tilespmem:$0xB6A0]  }
0x14c: {  	v0 =	vadd.f32 v2, v0  }
0x14d: {  	v2 =	vld [tilespmem:$0xB9A0]  }
0x14e: {  	v0 =	vsub.f32 v0, v3;
	_ =	sdelay $0x1  }
0x14f: {  	v0 =	vmul.f32 v4, v0;
	_ =	sdelay $0x1  }
0x150: {  	v0 =	vadd.f32 v2, v0;
	_ =	sdelay $0x1  }
0x151: {  	[tilespmem:s30+$0x8420] =	vst v0;
	v0 =	vld [tilespmem:s30+$0x8430]  }
0x152: {  	v2 =	vld [tilespmem:$0xB130];
	_ =	sdelay $0x1  }
0x153: {  	v3 =	vld [tilespmem:$0xBCB0];
	_ =	sdelay $0x1  }
0x154: {  	v4 =	vld [tilespmem:$0xB6B0]  }
0x155: {  	v0 =	vadd.f32 v2, v0  }
0x156: {  	v2 =	vld [tilespmem:$0xB9B0]  }
0x157: {  	v0 =	vsub.f32 v0, v3;
	_ =	sdelay $0x1  }
0x158: {  	v0 =	vmul.f32 v4, v0;
	_ =	sdelay $0x1  }
0x159: {  	v0 =	vadd.f32 v2, v0;
	_ =	sdelay $0x1  }
0x15a: {  	[tilespmem:s30+$0x8430] =	vst v0;
	v0 =	vld [tilespmem:s30+$0x8440]  }
0x15b: {  	v2 =	vld [tilespmem:$0xB140];
	_ =	sdelay $0x1  }
0x15c: {  	v3 =	vld [tilespmem:$0xBCC0];
	_ =	sdelay $0x1  }
0x15d: {  	v4 =	vld [tilespmem:$0xB6C0]  }
0x15e: {  	v0 =	vadd.f32 v2, v0  }
0x15f: {  	v2 =	vld [tilespmem:$0xB9C0]  }
0x160: {  	v0 =	vsub.f32 v0, v3;
	_ =	sdelay $0x1  }
0x161: {  	v0 =	vmul.f32 v4, v0;
	_ =	sdelay $0x1  }
0x162: {  	v0 =	vadd.f32 v2, v0;
	_ =	sdelay $0x1  }
0x163: {  	[tilespmem:s30+$0x8440] =	vst v0;
	v0 =	vld [tilespmem:s30+$0x8450]  }
0x164: {  	v2 =	vld [tilespmem:$0xB150];
	_ =	sdelay $0x1  }
0x165: {  	v3 =	vld [tilespmem:$0xBCD0];
	_ =	sdelay $0x1  }
0x166: {  	v4 =	vld [tilespmem:$0xB6D0]  }
0x167: {  	v0 =	vadd.f32 v2, v0  }
0x168: {  	v2 =	vld [tilespmem:$0xB9D0]  }
0x169: {  	v0 =	vsub.f32 v0, v3;
	_ =	sdelay $0x1  }
0x16a: {  	v0 =	vmul.f32 v4, v0;
	_ =	sdelay $0x1  }
0x16b: {  	v0 =	vadd.f32 v2, v0;
	_ =	sdelay $0x1  }
0x16c: {  	v2 =	vld [tilespmem:s30+$0x8460];
	[tilespmem:s30+$0x8450] =	vst v0  }
0x16d: {  	v0 =	vld [tilespmem:$0xB160];
	_ =	sdelay $0x1  }
0x16e: {  	v3 =	vld [tilespmem:$0xBCE0];
	_ =	sdelay $0x1  }
0x16f: {  	v4 =	vld [tilespmem:$0xB6E0]  }
0x170: {  	v0 =	vadd.f32 v0, v2  }
0x171: {  	v2 =	vld [tilespmem:$0xB9E0]  }
0x172: {  	v0 =	vsub.f32 v0, v3;
	_ =	sdelay $0x1  }
0x173: {  	v0 =	vmul.f32 v4, v0;
	_ =	sdelay $0x1  }
0x174: {  	v0 =	vadd.f32 v2, v0;
	_ =	sdelay $0x1  }
0x175: {  	v2 =	vld [tilespmem:s30+$0x8470];
	[tilespmem:s30+$0x8460] =	vst v0  }
0x176: {  	v0 =	vld [tilespmem:$0xB170];
	_ =	sdelay $0x1  }
0x177: {  	v3 =	vld [tilespmem:$0xBCF0];
	_ =	sdelay $0x1  }
0x178: {  	v4 =	vld [tilespmem:$0xB6F0]  }
0x179: {  	v0 =	vadd.f32 v0, v2  }
0x17a: {  	v2 =	vld [tilespmem:$0xB9F0]  }
0x17b: {  	v0 =	vsub.f32 v0, v3;
	_ =	sdelay $0x1  }
0x17c: {  	v0 =	vmul.f32 v4, v0  }
0x17d: {  	s8 =	simm.s32 $0x0  }
0x17e: {  	s0 =	smul.u32 $0x6000, s8;
	v0 =	vadd.f32 v2, v0  }
0x17f: {  	s9 =	simm.s32 $0x80  }
0x180: {  	s8 =	sand.u32 $0x380, s9;
	s0 =	sshra.s32 s0, $0x2;
	v2 =	vld [tilespmem:s30+$0x8800];
	[tilespmem:s30+$0x8470] =	vst v0  }
0x181: {  	s31 =	sor.u32 s8, s0;
	v0 =	vld [tilespmem:$0xB200]  }
0x182: {  	v5 =	vld [tilespmem:s31+$0x8000]  }
0x183: {  	v4 =	vld [tilespmem:$0xBD00]  }
0x184: {  	v3 =	vld [tilespmem:$0xB000]  }
0x185: {  	v7 =	vld [tilespmem:$0xB700]  }
0x186: {  	v6 =	vld [tilespmem:$0xBC00];
	v0 =	vadd.f32 v0, v2  }
0x187: {  	v2 =	vld [tilespmem:$0xBA00]  }
0x188: {  	v8 =	vld [tilespmem:$0xB600];
	v0 =	vsub.f32 v0, v4  }
0x189: {  	v3 =	vadd.f32 v3, v5  }
0x18a: {  	v4 =	vld [tilespmem:$0xB900];
	v0 =	vmul.f32 v7, v0  }
0x18b: {  	v3 =	vsub.f32 v3, v6  }
0x18c: {  	v0 =	vadd.f32 v2, v0  }
0x18d: {  	v2 =	vmul.f32 v8, v3  }
0x18e: {  	v3 =	vld [tilespmem:s30+$0x8810];
	[tilespmem:s30+$0x8800] =	vst v0  }
0x18f: {  	v0 =	vadd.f32 v4, v2;
	v2 =	vld [tilespmem:$0xB210];
	_ =	sdelay $0x1  }
0x190: {  	v4 =	vld [tilespmem:$0xBD10]  }
0x191: {  	v6 =	vld [tilespmem:$0xB710]  }
0x192: {  	[tilespmem:s31+$0x8000] =	vst v0;
	v0 =	vld [tilespmem:s31+$0x8010]  }
0x193: {  	v5 =	vld [tilespmem:$0xB010];
	v2 =	vadd.f32 v2, v3  }
0x194: {  	v3 =	vld [tilespmem:$0xBA10]  }
0x195: {  	v7 =	vld [tilespmem:$0xBC10];
	v2 =	vsub.f32 v2, v4;
	_ =	sdelay $0x1  }
0x196: {  	v8 =	vld [tilespmem:$0xB610];
	v2 =	vmul.f32 v6, v2  }
0x197: {  	v0 =	vadd.f32 v5, v0  }
0x198: {  	v4 =	vld [tilespmem:$0xB910];
	v2 =	vadd.f32 v3, v2  }
0x199: {  	v0 =	vsub.f32 v0, v7  }
0x19a: {  	v3 =	vld [tilespmem:s30+$0x8820];
	[tilespmem:s30+$0x8810] =	vst v2  }
0x19b: {  	v0 =	vmul.f32 v8, v0;
	v2 =	vld [tilespmem:$0xB220];
	_ =	sdelay $0x1  }
0x19c: {  	v0 =	vadd.f32 v4, v0;
	v4 =	vld [tilespmem:$0xBD20]  }
0x19d: {  	v6 =	vld [tilespmem:$0xB720]  }
0x19e: {  	[tilespmem:s31+$0x8010] =	vst v0;
	v0 =	vld [tilespmem:s31+$0x8020]  }
0x19f: {  	v5 =	vld [tilespmem:$0xB020];
	v2 =	vadd.f32 v2, v3  }
0x1a0: {  	v7 =	vld [tilespmem:$0xBA20]  }
0x1a1: {  	v3 =	vld [tilespmem:$0xBC20];
	v2 =	vsub.f32 v2, v4;
	_ =	sdelay $0x1  }
0x1a2: {  	v4 =	vld [tilespmem:$0xB620];
	v2 =	vmul.f32 v6, v2  }
0x1a3: {  	v0 =	vadd.f32 v5, v0  }
0x1a4: {  	v5 =	vld [tilespmem:$0xB920];
	v2 =	vadd.f32 v7, v2  }
0x1a5: {  	v0 =	vsub.f32 v0, v3  }
0x1a6: {  	v3 =	vld [tilespmem:s30+$0x8830];
	[tilespmem:s30+$0x8820] =	vst v2  }
0x1a7: {  	v0 =	vmul.f32 v4, v0;
	v2 =	vld [tilespmem:$0xB230];
	_ =	sdelay $0x1  }
0x1a8: {  	v0 =	vadd.f32 v5, v0;
	v4 =	vld [tilespmem:$0xBD30]  }
0x1a9: {  	v5 =	vld [tilespmem:$0xB730]  }
0x1aa: {  	[tilespmem:s31+$0x8020] =	vst v0;
	v0 =	vld [tilespmem:s31+$0x8030]  }
0x1ab: {  	v6 =	vld [tilespmem:$0xB030];
	v2 =	vadd.f32 v2, v3  }
0x1ac: {  	v3 =	vld [tilespmem:$0xBA30]  }
0x1ad: {  	v2 =	vsub.f32 v2, v4  }
0x1ae: {  	v7 =	vld [tilespmem:$0xBC30]  }
0x1af: {  	v2 =	vmul.f32 v5, v2  }
0x1b0: {  	v4 =	vld [tilespmem:$0xB630]  }
0x1b1: {  	v0 =	vadd.f32 v6, v0;
	v2 =	vadd.f32 v3, v2  }
0x1b2: {  	v5 =	vld [tilespmem:$0xB930]  }
0x1b3: {  	v0 =	vsub.f32 v0, v7;
	v3 =	vld [tilespmem:s30+$0x8840];
	[tilespmem:s30+$0x8830] =	vst v2  }
0x1b4: {  	v2 =	vld [tilespmem:$0xB240]  }
0x1b5: {  	v0 =	vmul.f32 v4, v0  }
0x1b6: {  	v4 =	vld [tilespmem:$0xBD40]  }
0x1b7: {  	v0 =	vadd.f32 v5, v0;
	v5 =	vld [tilespmem:$0xB740]  }
0x1b8: {  	v6 =	vld [tilespmem:$0xBA40]  }
0x1b9: {  	[tilespmem:s31+$0x8030] =	vst v0;
	v0 =	vld [tilespmem:s31+$0x8040];
	v2 =	vadd.f32 v2, v3  }
0x1ba: {  	v3 =	vld [tilespmem:$0xB040]  }
0x1bb: {  	v2 =	vsub.f32 v2, v4  }
0x1bc: {  	v4 =	vld [tilespmem:$0xBC40]  }
0x1bd: {  	v2 =	vmul.f32 v5, v2  }
0x1be: {  	v5 =	vld [tilespmem:$0xB640]  }
0x1bf: {  	v0 =	vadd.f32 v3, v0;
	v2 =	vadd.f32 v6, v2  }
0x1c0: {  	v3 =	vld [tilespmem:$0xB940]  }
0x1c1: {  	v6 =	vld [tilespmem:s30+$0x8850];
	v0 =	vsub.f32 v0, v4;
	[tilespmem:s30+$0x8840] =	vst v2  }
0x1c2: {  	v2 =	vld [tilespmem:$0xB250]  }
0x1c3: {  	v0 =	vmul.f32 v5, v0  }
0x1c4: {  	v4 =	vld [tilespmem:$0xBD50]  }
0x1c5: {  	v0 =	vadd.f32 v3, v0  }
0x1c6: {  	v3 =	vld [tilespmem:$0xB750]  }
0x1c7: {  	v5 =	vld [tilespmem:$0xBA50];
	[tilespmem:s31+$0x8040] =	vst v0;
	v0 =	vadd.f32 v2, v6  }
0x1c8: {  	v2 =	vld [tilespmem:s31+$0x8050]  }
0x1c9: {  	v6 =	vld [tilespmem:$0xB050];
	v0 =	vsub.f32 v0, v4;
	_ =	sdelay $0x1  }
0x1ca: {  	v4 =	vld [tilespmem:$0xBC50];
	v0 =	vmul.f32 v3, v0;
	_ =	sdelay $0x1  }
0x1cb: {  	v3 =	vld [tilespmem:$0xB650];
	v0 =	vadd.f32 v5, v0  }
0x1cc: {  	v7 =	vld [tilespmem:s30+$0x8860];
	v2 =	vadd.f32 v6, v2  }
0x1cd: {  	v5 =	vld [tilespmem:$0xB950];
	[tilespmem:s30+$0x8850] =	vst v0  }
0x1ce: {  	v0 =	vsub.f32 v2, v4;
	v2 =	vld [tilespmem:$0xB260];
	_ =	sdelay $0x1  }
0x1cf: {  	v0 =	vmul.f32 v3, v0;
	v3 =	vld [tilespmem:$0xBD60];
	_ =	sdelay $0x1  }
0x1d0: {  	v4 =	vld [tilespmem:$0xB760]  }
0x1d1: {  	v0 =	vadd.f32 v5, v0;
	v2 =	vadd.f32 v2, v7  }
0x1d2: {  	v5 =	vld [tilespmem:$0xBA60]  }
0x1d3: {  	[tilespmem:s31+$0x8050] =	vst v0;
	v0 =	vld [tilespmem:s31+$0x8060];
	v2 =	vsub.f32 v2, v3  }
0x1d4: {  	v3 =	vld [tilespmem:$0xB060]  }
0x1d5: {  	v2 =	vmul.f32 v4, v2  }
0x1d6: {  	v4 =	vld [tilespmem:$0xBC60]  }
0x1d7: {  	v6 =	vld [tilespmem:s30+$0x8870];
	v2 =	vadd.f32 v5, v2  }
0x1d8: {  	v5 =	vld [tilespmem:$0xB660]  }
0x1d9: {  	v0 =	vadd.f32 v3, v0;
	v3 =	vld [tilespmem:$0xB960];
	[tilespmem:s30+$0x8860] =	vst v2  }
0x1da: {  	v2 =	vld [tilespmem:$0xB270]  }
0x1db: {  	v0 =	vsub.f32 v0, v4  }
0x1dc: {  	v4 =	vld [tilespmem:$0xBD70]  }
0x1dd: {  	v0 =	vmul.f32 v5, v0  }
0x1de: {  	v5 =	vld [tilespmem:$0xB770]  }
0x1df: {  	v0 =	vadd.f32 v3, v0;
	v2 =	vadd.f32 v2, v6  }
0x1e0: {  	v3 =	vld [tilespmem:$0xBA70]  }
0x1e1: {  	[tilespmem:s31+$0x8060] =	vst v0;
	v0 =	vsub.f32 v2, v4  }
0x1e2: {  	v2 =	vld [tilespmem:s31+$0x8070]  }
0x1e3: {  	v4 =	vld [tilespmem:$0xB070];
	v0 =	vmul.f32 v5, v0;
	_ =	sdelay $0x1  }
0x1e4: {  	v5 =	vld [tilespmem:$0xBC70];
	v0 =	vadd.f32 v3, v0  }
0x1e5: {  	v6 =	vld [tilespmem:s30+$0x8C00]  }
0x1e6: {  	v3 =	vld [tilespmem:$0xB670];
	[tilespmem:s30+$0x8870] =	vst v0  }
0x1e7: {  	v0 =	vadd.f32 v4, v2;
	v2 =	vld [tilespmem:$0xB300]  }
0x1e8: {  	v7 =	vld [tilespmem:$0xB970]  }
0x1e9: {  	v4 =	vld [tilespmem:$0xBD80];
	v0 =	vsub.f32 v0, v5;
	_ =	sdelay $0x1  }
0x1ea: {  	v0 =	vmul.f32 v3, v0;
	v3 =	vld [tilespmem:$0xB780]  }
0x1eb: {  	v2 =	vadd.f32 v2, v6  }
0x1ec: {  	v5 =	vld [tilespmem:$0xBA80];
	v0 =	vadd.f32 v7, v0  }
0x1ed: {  	v2 =	vsub.f32 v2, v4  }
0x1ee: {  	[tilespmem:s31+$0x8070] =	vst v0;
	v0 =	vld [tilespmem:s31+$0x8400]  }
0x1ef: {  	v4 =	vld [tilespmem:$0xB100];
	v2 =	vmul.f32 v3, v2;
	_ =	sdelay $0x1  }
0x1f0: {  	v3 =	vld [tilespmem:$0xBC80];
	v2 =	vadd.f32 v5, v2  }
0x1f1: {  	v6 =	vld [tilespmem:$0xB680]  }
0x1f2: {  	v5 =	vld [tilespmem:s30+$0x8C10];
	[tilespmem:s30+$0x8C00] =	vst v2  }
0x1f3: {  	v0 =	vadd.f32 v4, v0;
	v2 =	vld [tilespmem:$0xB310]  }
0x1f4: {  	v4 =	vld [tilespmem:$0xB980]  }
0x1f5: {  	v0 =	vsub.f32 v0, v3;
	v3 =	vld [tilespmem:$0xBD90];
	_ =	sdelay $0x1  }
0x1f6: {  	v0 =	vmul.f32 v6, v0;
	v6 =	vld [tilespmem:$0xB790]  }
0x1f7: {  	v2 =	vadd.f32 v2, v5  }
0x1f8: {  	v0 =	vadd.f32 v4, v0;
	v4 =	vld [tilespmem:$0xBA90]  }
0x1f9: {  	v2 =	vsub.f32 v2, v3;
	_ =	sdelay $0x1  }
0x1fa: {  	[tilespmem:s31+$0x8400] =	vst v0;
	v0 =	vld [tilespmem:s31+$0x8410];
	v2 =	vmul.f32 v6, v2  }
0x1fb: {  	v3 =	vld [tilespmem:$0xB110]  }
0x1fc: {  	v5 =	vld [tilespmem:s30+$0x8C20];
	v2 =	vadd.f32 v4, v2  }
0x1fd: {  	v4 =	vld [tilespmem:$0xBC90]  }
0x1fe: {  	v6 =	vld [tilespmem:$0xB690];
	[tilespmem:s30+$0x8C10] =	vst v2  }
0x1ff: {  	v2 =	vld [tilespmem:$0xB320]  }
0x200: {  	v7 =	vld [tilespmem:$0xB990];
	v0 =	vadd.f32 v3, v0  }
0x201: {  	v3 =	vld [tilespmem:$0xBDA0]  }
0x202: {  	v0 =	vsub.f32 v0, v4  }
0x203: {  	v4 =	vld [tilespmem:$0xB7A0]  }
0x204: {  	v0 =	vmul.f32 v6, v0;
	v2 =	vadd.f32 v2, v5  }
0x205: {  	v5 =	vld [tilespmem:$0xBAA0]  }
0x206: {  	v0 =	vadd.f32 v7, v0;
	v2 =	vsub.f32 v2, v3;
	_ =	sdelay $0x1  }
0x207: {  	[tilespmem:s31+$0x8410] =	vst v0;
	v0 =	vmul.f32 v4, v2  }
0x208: {  	v2 =	vld [tilespmem:s31+$0x8420]  }
0x209: {  	v3 =	vld [tilespmem:$0xB120];
	v0 =	vadd.f32 v5, v0  }
0x20a: {  	v4 =	vld [tilespmem:s30+$0x8C30]  }
0x20b: {  	v5 =	vld [tilespmem:$0xBCA0];
	[tilespmem:s30+$0x8C20] =	vst v0  }
0x20c: {  	v0 =	vld [tilespmem:$0xB330];
	_ =	sdelay $0x1  }
0x20d: {  	v2 =	vadd.f32 v3, v2;
	v3 =	vld [tilespmem:$0xBDB0]  }
0x20e: {  	v6 =	vld [tilespmem:$0xB6A0]  }
0x20f: {  	v2 =	vsub.f32 v2, v5;
	v5 =	vld [tilespmem:$0xB7B0]  }
0x210: {  	v7 =	vld [tilespmem:$0xB9A0];
	v0 =	vadd.f32 v0, v4  }
0x211: {  	v4 =	vld [tilespmem:$0xBAB0]  }
0x212: {  	v0 =	vsub.f32 v0, v3  }
0x213: {  	v2 =	vmul.f32 v6, v2  }
0x214: {  	v0 =	vmul.f32 v5, v0  }
0x215: {  	v2 =	vadd.f32 v7, v2  }
0x216: {  	v3 =	vld [tilespmem:s30+$0x8C40];
	v0 =	vadd.f32 v4, v0  }
0x217: {  	[tilespmem:s31+$0x8420] =	vst v2;
	v2 =	vld [tilespmem:s31+$0x8430]  }
0x218: {  	v4 =	vld [tilespmem:$0xB130];
	[tilespmem:s30+$0x8C30] =	vst v0  }
0x219: {  	v0 =	vld [tilespmem:$0xB340]  }
0x21a: {  	v5 =	vld [tilespmem:$0xBCB0]  }
0x21b: {  	v7 =	vld [tilespmem:$0xBDC0]  }
0x21c: {  	v6 =	vld [tilespmem:$0xB6B0]  }
0x21d: {  	v2 =	vadd.f32 v4, v2;
	v4 =	vld [tilespmem:$0xB7C0]  }
0x21e: {  	v8 =	vld [tilespmem:$0xB9B0];
	v0 =	vadd.f32 v0, v3  }
0x21f: {  	v2 =	vsub.f32 v2, v5;
	v3 =	vld [tilespmem:$0xBAC0]  }
0x220: {  	v0 =	vsub.f32 v0, v7  }
0x221: {  	v2 =	vmul.f32 v6, v2  }
0x222: {  	v0 =	vmul.f32 v4, v0  }
0x223: {  	v2 =	vadd.f32 v8, v2  }
0x224: {  	v4 =	vld [tilespmem:s30+$0x8C50];
	v0 =	vadd.f32 v3, v0  }
0x225: {  	[tilespmem:s31+$0x8430] =	vst v2;
	v2 =	vld [tilespmem:s31+$0x8440]  }
0x226: {  	v3 =	vld [tilespmem:$0xB140];
	[tilespmem:s30+$0x8C40] =	vst v0  }
0x227: {  	v0 =	vld [tilespmem:$0xB350]  }
0x228: {  	v5 =	vld [tilespmem:$0xBCC0]  }
0x229: {  	v6 =	vld [tilespmem:$0xBDD0]  }
0x22a: {  	v7 =	vld [tilespmem:$0xB6C0]  }
0x22b: {  	v2 =	vadd.f32 v3, v2;
	v3 =	vld [tilespmem:$0xB7D0]  }
0x22c: {  	v8 =	vld [tilespmem:$0xB9C0];
	v0 =	vadd.f32 v0, v4  }
0x22d: {  	v2 =	vsub.f32 v2, v5;
	v4 =	vld [tilespmem:$0xBAD0]  }
0x22e: {  	v0 =	vsub.f32 v0, v6  }
0x22f: {  	v2 =	vmul.f32 v7, v2  }
0x230: {  	v0 =	vmul.f32 v3, v0  }
0x231: {  	v2 =	vadd.f32 v8, v2  }
0x232: {  	v15 =	vld [tilespmem:$0xBC00];
	v0 =	vadd.f32 v4, v0  }
0x233: {  	v3 =	vld [tilespmem:s30+$0x8C60];
	[tilespmem:s31+$0x8440] =	vst v2  }
0x234: {  	v2 =	vld [tilespmem:s31+$0x8450];
	[tilespmem:s30+$0x8C50] =	vst v0  }
0x235: {  	v0 =	vld [tilespmem:$0xB360]  }
0x236: {  	v4 =	vld [tilespmem:$0xB150]  }
0x237: {  	v5 =	vld [tilespmem:$0xBDE0]  }
0x238: {  	v6 =	vld [tilespmem:$0xBCD0]  }
0x239: {  	v7 =	vld [tilespmem:$0xB7E0]  }
0x23a: {  	v8 =	vld [tilespmem:$0xB6D0];
	v0 =	vadd.f32 v0, v3  }
0x23b: {  	s10 =	simm.s32 $0x0;
	v2 =	vadd.f32 v4, v2;
	v3 =	vld [tilespmem:$0xBAE0]  }
0x23c: {  	s0 =	smul.u32 $0x6000, s10;
	v4 =	vld [tilespmem:$0xB9D0];
	v0 =	vsub.f32 v0, v5  }
0x23d: {  	s8 =	simm.s32 $0x100;
	v16 =	vld [tilespmem:$0xB000];
	v2 =	vsub.f32 v2, v6  }
0x23e: {  	s9 =	sand.u32 $0x380, s8;
	s0 =	sshra.s32 s0, $0x2;
	v12 =	vld [tilespmem:$0xB900];
	v0 =	vmul.f32 v7, v0  }
0x23f: {  	s0 =	sor.u32 s9, s0;
	v14 =	vld [tilespmem:$0xB600];
	v2 =	vmul.f32 v8, v2  }
0x240: {  	v21 =	vld [tilespmem:s0+$0x8000];
	v0 =	vadd.f32 v3, v0  }
0x241: {  	v5 =	vld [tilespmem:s31+$0x8460];
	v2 =	vadd.f32 v4, v2  }
0x242: {  	v4 =	vld [tilespmem:s30+$0x8C70];
	[tilespmem:s30+$0x8C60] =	vst v0  }
0x243: {  	[tilespmem:s31+$0x8450] =	vst v2;
	v0 =	vld [tilespmem:$0xB370]  }
0x244: {  	v2 =	vld [tilespmem:$0xB160]  }
0x245: {  	v6 =	vld [tilespmem:$0xBDF0]  }
0x246: {  	v7 =	vld [tilespmem:$0xBCE0]  }
0x247: {  	v8 =	vld [tilespmem:$0xB7F0]  }
0x248: {  	v9 =	vld [tilespmem:$0xB6E0];
	v0 =	vadd.f32 v0, v4  }
0x249: {  	v10 =	vld [tilespmem:$0xBAF0];
	v2 =	vadd.f32 v2, v5  }
0x24a: {  	v11 =	vld [tilespmem:$0xB9E0];
	v0 =	vsub.f32 v0, v6  }
0x24b: {  	v3 =	vld [tilespmem:s30+$0x9460];
	v2 =	vsub.f32 v2, v7  }
0x24c: {  	v5 =	vld [tilespmem:s30+$0x9440];
	v0 =	vmul.f32 v8, v0  }
0x24d: {  	v7 =	vld [tilespmem:s30+$0x9420];
	v2 =	vmul.f32 v9, v2  }
0x24e: {  	v4 =	vld [tilespmem:s30+$0x9450];
	v0 =	vadd.f32 v10, v0  }
0x24f: {  	v9 =	vld [tilespmem:s31+$0x8470];
	v2 =	vadd.f32 v11, v2  }
0x250: {  	v8 =	vld [tilespmem:s30+$0x9000];
	[tilespmem:s30+$0x8C70] =	vst v0  }
0x251: {  	[tilespmem:s31+$0x8460] =	vst v2;
	v0 =	vld [tilespmem:$0xB400]  }
0x252: {  	v2 =	vld [tilespmem:$0xB170]  }
0x253: {  	v10 =	vld [tilespmem:$0xBE00]  }
0x254: {  	v11 =	vld [tilespmem:$0xBCF0]  }
0x255: {  	v13 =	vld [tilespmem:$0xB800]  }
0x256: {  	v17 =	vld [tilespmem:$0xB6F0];
	v0 =	vadd.f32 v0, v8  }
0x257: {  	v18 =	vld [tilespmem:$0xBB00];
	v2 =	vadd.f32 v2, v9  }
0x258: {  	v19 =	vld [tilespmem:$0xB9F0];
	v0 =	vsub.f32 v0, v10  }
0x259: {  	v6 =	vld [tilespmem:s30+$0x9430];
	v2 =	vsub.f32 v2, v11  }
0x25a: {  	v9 =	vld [tilespmem:s30+$0x9400];
	v0 =	vmul.f32 v13, v0  }
0x25b: {  	v11 =	vld [tilespmem:s30+$0x9060];
	v2 =	vmul.f32 v17, v2  }
0x25c: {  	v8 =	vld [tilespmem:s30+$0x9410];
	v0 =	vadd.f32 v18, v0  }
0x25d: {  	v17 =	vld [tilespmem:s31+$0x8800];
	v2 =	vadd.f32 v19, v2  }
0x25e: {  	v13 =	vld [tilespmem:s30+$0x9010];
	[tilespmem:s30+$0x9000] =	vst v0  }
0x25f: {  	[tilespmem:s31+$0x8470] =	vst v2;
	v0 =	vld [tilespmem:$0xB410]  }
0x260: {  	v2 =	vld [tilespmem:$0xB200]  }
0x261: {  	v18 =	vld [tilespmem:$0xBE10]  }
0x262: {  	v19 =	vld [tilespmem:$0xBD00]  }
0x263: {  	v20 =	vld [tilespmem:$0xB810]  }
0x264: {  	v22 =	vld [tilespmem:$0xB700];
	v0 =	vadd.f32 v0, v13  }
0x265: {  	v23 =	vld [tilespmem:$0xBB10];
	v2 =	vadd.f32 v2, v17  }
0x266: {  	v63 =	vld [tilespmem:$0xBA00];
	v0 =	vsub.f32 v0, v18  }
0x267: {  	v10 =	vld [tilespmem:s30+$0x9070];
	v2 =	vsub.f32 v2, v19  }
0x268: {  	v17 =	vld [tilespmem:s30+$0x9040];
	v0 =	vmul.f32 v20, v0  }
0x269: {  	v19 =	vld [tilespmem:s30+$0x9020];
	v2 =	vmul.f32 v22, v2  }
0x26a: {  	v13 =	vld [tilespmem:s30+$0x9050];
	v0 =	vadd.f32 v23, v0  }
0x26b: {  	v18 =	vld [tilespmem:s30+$0x9030];
	v22 =	vadd.f32 v63, v2  }
0x26c: {  	s9 =	simm.s32 $0x3;
	v20 =	vld [tilespmem:s31+$0x8810];
	[tilespmem:s30+$0x9010] =	vst v0  }
.LBB2_2:
0x26d: {  	p0 =	sne.s32 s9, $0xF;
	[tilespmem:s31+$0x8800] =	vst v22;
	v0 =	vld [tilespmem:$0xB420]  }
0x26e: {  	v2 =	vadd.f32 v16, v21;
	v16 =	vld [tilespmem:$0xB210]  }
0x26f: {  	v21 =	vld [tilespmem:$0xBE20]  }
0x270: {  	v2 =	vsub.f32 v2, v15;
	v15 =	vld [tilespmem:$0xBD10]  }
0x271: {  	v22 =	vld [tilespmem:$0xB820]  }
0x272: {  	v2 =	vmul.f32 v14, v2;
	v14 =	vld [tilespmem:$0xB710];
	v0 =	vadd.f32 v0, v19  }
0x273: {  	v16 =	vadd.f32 v16, v20;
	v19 =	vld [tilespmem:$0xBB20]  }
0x274: {  	v2 =	vadd.f32 v12, v2;
	v12 =	vld [tilespmem:$0xBA10];
	v0 =	vsub.f32 v0, v21  }
0x275: {  	v15 =	vsub.f32 v16, v15;
	v16 =	vld [tilespmem:s31+$0x8820]  }
0x276: {  	[tilespmem:s0+$0x8000] =	vst v2;
	v2 =	vld [tilespmem:s0+$0x8010];
	v0 =	vmul.f32 v22, v0  }
0x277: {  	v20 =	vld [tilespmem:$0xB010];
	v14 =	vmul.f32 v14, v15  }
0x278: {  	v15 =	vld [tilespmem:$0xB910];
	v0 =	vadd.f32 v19, v0  }
0x279: {  	v19 =	vld [tilespmem:$0xBC10];
	v12 =	vadd.f32 v12, v14  }
0x27a: {  	v14 =	vld [tilespmem:$0xB610];
	[tilespmem:s30+$0x9020] =	vst v0  }
0x27b: {  	[tilespmem:s31+$0x8810] =	vst v12;
	v0 =	vld [tilespmem:$0xB430]  }
0x27c: {  	v2 =	vadd.f32 v20, v2;
	v12 =	vld [tilespmem:$0xB220]  }
0x27d: {  	v20 =	vld [tilespmem:$0xBE30]  }
0x27e: {  	v2 =	vsub.f32 v2, v19;
	v19 =	vld [tilespmem:$0xBD20]  }
0x27f: {  	v21 =	vld [tilespmem:$0xB830]  }
0x280: {  	v2 =	vmul.f32 v14, v2;
	v14 =	vld [tilespmem:$0xB720];
	v0 =	vadd.f32 v0, v18  }
0x281: {  	v12 =	vadd.f32 v12, v16;
	v16 =	vld [tilespmem:$0xBB30]  }
0x282: {  	v2 =	vadd.f32 v15, v2;
	v15 =	vld [tilespmem:$0xBA20];
	v0 =	vsub.f32 v0, v20  }
0x283: {  	v12 =	vsub.f32 v12, v19;
	v18 =	vld [tilespmem:s31+$0x8830]  }
0x284: {  	[tilespmem:s0+$0x8010] =	vst v2;
	v2 =	vld [tilespmem:s0+$0x8020];
	v0 =	vmul.f32 v21, v0  }
0x285: {  	v19 =	vld [tilespmem:$0xB020];
	v12 =	vmul.f32 v14, v12  }
0x286: {  	v14 =	vld [tilespmem:$0xB920];
	v0 =	vadd.f32 v16, v0  }
0x287: {  	v16 =	vld [tilespmem:$0xBC20];
	v12 =	vadd.f32 v15, v12  }
0x288: {  	v15 =	vld [tilespmem:$0xB620];
	[tilespmem:s30+$0x9030] =	vst v0  }
0x289: {  	[tilespmem:s31+$0x8820] =	vst v12;
	v0 =	vld [tilespmem:$0xB440]  }
0x28a: {  	v2 =	vadd.f32 v19, v2;
	v12 =	vld [tilespmem:$0xB230]  }
0x28b: {  	v19 =	vld [tilespmem:$0xBE40]  }
0x28c: {  	v2 =	vsub.f32 v2, v16;
	v16 =	vld [tilespmem:$0xBD30]  }
0x28d: {  	v20 =	vld [tilespmem:$0xB840]  }
0x28e: {  	v2 =	vmul.f32 v15, v2;
	v15 =	vld [tilespmem:$0xB730];
	v0 =	vadd.f32 v0, v17  }
0x28f: {  	v12 =	vadd.f32 v12, v18;
	v17 =	vld [tilespmem:$0xBB40]  }
0x290: {  	v2 =	vadd.f32 v14, v2;
	v14 =	vld [tilespmem:$0xBA30];
	v0 =	vsub.f32 v0, v19  }
0x291: {  	v12 =	vsub.f32 v12, v16;
	v16 =	vld [tilespmem:s31+$0x8840]  }
0x292: {  	[tilespmem:s0+$0x8020] =	vst v2;
	v2 =	vld [tilespmem:s0+$0x8030];
	v0 =	vmul.f32 v20, v0  }
0x293: {  	v18 =	vld [tilespmem:$0xB030];
	v12 =	vmul.f32 v15, v12  }
0x294: {  	v15 =	vld [tilespmem:$0xB930];
	v0 =	vadd.f32 v17, v0  }
0x295: {  	v17 =	vld [tilespmem:$0xBC30];
	v12 =	vadd.f32 v14, v12  }
0x296: {  	v14 =	vld [tilespmem:$0xB630];
	[tilespmem:s30+$0x9040] =	vst v0  }
0x297: {  	[tilespmem:s31+$0x8830] =	vst v12;
	v0 =	vld [tilespmem:$0xB450]  }
0x298: {  	v2 =	vadd.f32 v18, v2;
	v12 =	vld [tilespmem:$0xB240]  }
0x299: {  	v18 =	vld [tilespmem:$0xBE50]  }
0x29a: {  	v2 =	vsub.f32 v2, v17;
	v17 =	vld [tilespmem:$0xBD40]  }
0x29b: {  	v19 =	vld [tilespmem:$0xB850]  }
0x29c: {  	v2 =	vmul.f32 v14, v2;
	v14 =	vld [tilespmem:$0xB740];
	v0 =	vadd.f32 v0, v13  }
0x29d: {  	v12 =	vadd.f32 v12, v16;
	v13 =	vld [tilespmem:$0xBB50]  }
0x29e: {  	v2 =	vadd.f32 v15, v2;
	v15 =	vld [tilespmem:$0xBA40];
	v0 =	vsub.f32 v0, v18  }
0x29f: {  	v12 =	vsub.f32 v12, v17;
	v16 =	vld [tilespmem:s31+$0x8850]  }
0x2a0: {  	[tilespmem:s0+$0x8030] =	vst v2;
	v2 =	vld [tilespmem:s0+$0x8040];
	v0 =	vmul.f32 v19, v0  }
0x2a1: {  	v17 =	vld [tilespmem:$0xB040];
	v12 =	vmul.f32 v14, v12  }
0x2a2: {  	v14 =	vld [tilespmem:$0xB940];
	v0 =	vadd.f32 v13, v0  }
0x2a3: {  	v13 =	vld [tilespmem:$0xBC40];
	v12 =	vadd.f32 v15, v12  }
0x2a4: {  	v15 =	vld [tilespmem:$0xB640];
	[tilespmem:s30+$0x9050] =	vst v0  }
0x2a5: {  	[tilespmem:s31+$0x8840] =	vst v12;
	v0 =	vld [tilespmem:$0xB460]  }
0x2a6: {  	v2 =	vadd.f32 v17, v2;
	v12 =	vld [tilespmem:$0xB250]  }
0x2a7: {  	v17 =	vld [tilespmem:$0xBE60]  }
0x2a8: {  	v2 =	vsub.f32 v2, v13;
	v13 =	vld [tilespmem:$0xBD50]  }
0x2a9: {  	v18 =	vld [tilespmem:$0xB860]  }
0x2aa: {  	v2 =	vmul.f32 v15, v2;
	v15 =	vld [tilespmem:$0xB750];
	v0 =	vadd.f32 v0, v11  }
0x2ab: {  	v11 =	vadd.f32 v12, v16;
	v12 =	vld [tilespmem:$0xBB60]  }
0x2ac: {  	v2 =	vadd.f32 v14, v2;
	v14 =	vld [tilespmem:$0xBA50];
	v0 =	vsub.f32 v0, v17  }
0x2ad: {  	v11 =	vsub.f32 v11, v13;
	v13 =	vld [tilespmem:s31+$0x8860]  }
0x2ae: {  	[tilespmem:s0+$0x8040] =	vst v2;
	v2 =	vld [tilespmem:s0+$0x8050];
	v0 =	vmul.f32 v18, v0  }
0x2af: {  	v16 =	vld [tilespmem:$0xB050];
	v11 =	vmul.f32 v15, v11  }
0x2b0: {  	v15 =	vld [tilespmem:$0xB950];
	v0 =	vadd.f32 v12, v0  }
0x2b1: {  	v12 =	vld [tilespmem:$0xBC50];
	v11 =	vadd.f32 v14, v11  }
0x2b2: {  	v14 =	vld [tilespmem:$0xB650];
	[tilespmem:s30+$0x9060] =	vst v0  }
0x2b3: {  	[tilespmem:s31+$0x8850] =	vst v11;
	v0 =	vld [tilespmem:$0xB470]  }
0x2b4: {  	v2 =	vadd.f32 v16, v2;
	v11 =	vld [tilespmem:$0xB260]  }
0x2b5: {  	v16 =	vld [tilespmem:$0xBE70]  }
0x2b6: {  	v2 =	vsub.f32 v2, v12;
	v12 =	vld [tilespmem:$0xBD60]  }
0x2b7: {  	v17 =	vld [tilespmem:$0xB870]  }
0x2b8: {  	v2 =	vmul.f32 v14, v2;
	v14 =	vld [tilespmem:$0xB760];
	v0 =	vadd.f32 v0, v10  }
0x2b9: {  	v10 =	vadd.f32 v11, v13;
	v11 =	vld [tilespmem:$0xBB70]  }
0x2ba: {  	v2 =	vadd.f32 v15, v2;
	v13 =	vld [tilespmem:$0xBA60];
	v0 =	vsub.f32 v0, v16  }
0x2bb: {  	v10 =	vsub.f32 v10, v12;
	v12 =	vld [tilespmem:s31+$0x8870]  }
0x2bc: {  	[tilespmem:s0+$0x8050] =	vst v2;
	v2 =	vld [tilespmem:s0+$0x8060];
	v0 =	vmul.f32 v17, v0  }
0x2bd: {  	v15 =	vld [tilespmem:$0xB060];
	v10 =	vmul.f32 v14, v10  }
0x2be: {  	v14 =	vld [tilespmem:$0xB960];
	v0 =	vadd.f32 v11, v0  }
0x2bf: {  	v11 =	vld [tilespmem:$0xBC60];
	v10 =	vadd.f32 v13, v10  }
0x2c0: {  	v13 =	vld [tilespmem:$0xB660];
	[tilespmem:s30+$0x9070] =	vst v0  }
0x2c1: {  	[tilespmem:s31+$0x8860] =	vst v10;
	v0 =	vld [tilespmem:$0xB500]  }
0x2c2: {  	v2 =	vadd.f32 v15, v2;
	v10 =	vld [tilespmem:$0xB270]  }
0x2c3: {  	v15 =	vld [tilespmem:$0xBE80]  }
0x2c4: {  	v2 =	vsub.f32 v2, v11;
	v11 =	vld [tilespmem:$0xBD70]  }
0x2c5: {  	v16 =	vld [tilespmem:$0xB880]  }
0x2c6: {  	v2 =	vmul.f32 v13, v2;
	v13 =	vld [tilespmem:$0xB770];
	v0 =	vadd.f32 v0, v9  }
0x2c7: {  	v9 =	vadd.f32 v10, v12;
	v10 =	vld [tilespmem:$0xBB80]  }
0x2c8: {  	v2 =	vadd.f32 v14, v2;
	v12 =	vld [tilespmem:$0xBA70];
	v0 =	vsub.f32 v0, v15  }
0x2c9: {  	v9 =	vsub.f32 v9, v11;
	v11 =	vld [tilespmem:s31+$0x8C00]  }
0x2ca: {  	[tilespmem:s0+$0x8060] =	vst v2;
	v2 =	vld [tilespmem:s0+$0x8070];
	v0 =	vmul.f32 v16, v0  }
0x2cb: {  	v14 =	vld [tilespmem:$0xB070];
	v9 =	vmul.f32 v13, v9  }
0x2cc: {  	v13 =	vld [tilespmem:$0xB970];
	v0 =	vadd.f32 v10, v0  }
0x2cd: {  	v10 =	vld [tilespmem:$0xBC70];
	v9 =	vadd.f32 v12, v9  }
0x2ce: {  	v12 =	vld [tilespmem:$0xB670];
	[tilespmem:s30+$0x9400] =	vst v0  }
0x2cf: {  	[tilespmem:s31+$0x8870] =	vst v9;
	v0 =	vld [tilespmem:$0xB510]  }
0x2d0: {  	v2 =	vadd.f32 v14, v2;
	v9 =	vld [tilespmem:$0xB300]  }
0x2d1: {  	v14 =	vld [tilespmem:$0xBE90]  }
0x2d2: {  	v2 =	vsub.f32 v2, v10;
	v10 =	vld [tilespmem:$0xBD80]  }
0x2d3: {  	v15 =	vld [tilespmem:$0xB890]  }
0x2d4: {  	v2 =	vmul.f32 v12, v2;
	v12 =	vld [tilespmem:$0xB780];
	v0 =	vadd.f32 v0, v8  }
0x2d5: {  	v8 =	vadd.f32 v9, v11;
	v9 =	vld [tilespmem:$0xBB90]  }
0x2d6: {  	v2 =	vadd.f32 v13, v2;
	v11 =	vld [tilespmem:$0xBA80];
	v0 =	vsub.f32 v0, v14  }
0x2d7: {  	v8 =	vsub.f32 v8, v10;
	v10 =	vld [tilespmem:s31+$0x8C10]  }
0x2d8: {  	[tilespmem:s0+$0x8070] =	vst v2;
	v2 =	vld [tilespmem:s0+$0x8400];
	v0 =	vmul.f32 v15, v0  }
0x2d9: {  	v13 =	vld [tilespmem:$0xB100];
	v8 =	vmul.f32 v12, v8  }
0x2da: {  	v12 =	vld [tilespmem:$0xB980];
	v0 =	vadd.f32 v9, v0  }
0x2db: {  	v9 =	vld [tilespmem:$0xBC80];
	v8 =	vadd.f32 v11, v8  }
0x2dc: {  	v11 =	vld [tilespmem:$0xB680];
	[tilespmem:s30+$0x9410] =	vst v0  }
0x2dd: {  	[tilespmem:s31+$0x8C00] =	vst v8;
	v0 =	vld [tilespmem:$0xB520]  }
0x2de: {  	v2 =	vadd.f32 v13, v2;
	v8 =	vld [tilespmem:$0xB310]  }
0x2df: {  	v13 =	vld [tilespmem:$0xBEA0]  }
0x2e0: {  	v2 =	vsub.f32 v2, v9;
	v9 =	vld [tilespmem:$0xBD90]  }
0x2e1: {  	v14 =	vld [tilespmem:$0xB8A0]  }
0x2e2: {  	v2 =	vmul.f32 v11, v2;
	v11 =	vld [tilespmem:$0xB790];
	v0 =	vadd.f32 v0, v7  }
0x2e3: {  	v7 =	vadd.f32 v8, v10;
	v8 =	vld [tilespmem:$0xBBA0]  }
0x2e4: {  	v2 =	vadd.f32 v12, v2;
	v10 =	vld [tilespmem:$0xBA90];
	v0 =	vsub.f32 v0, v13  }
0x2e5: {  	v7 =	vsub.f32 v7, v9;
	v9 =	vld [tilespmem:s31+$0x8C20]  }
0x2e6: {  	[tilespmem:s0+$0x8400] =	vst v2;
	v2 =	vld [tilespmem:s0+$0x8410];
	v0 =	vmul.f32 v14, v0  }
0x2e7: {  	v12 =	vld [tilespmem:$0xB110];
	v7 =	vmul.f32 v11, v7  }
0x2e8: {  	v11 =	vld [tilespmem:$0xB990];
	v0 =	vadd.f32 v8, v0  }
0x2e9: {  	v8 =	vld [tilespmem:$0xBC90];
	v7 =	vadd.f32 v10, v7  }
0x2ea: {  	v10 =	vld [tilespmem:$0xB690];
	[tilespmem:s30+$0x9420] =	vst v0  }
0x2eb: {  	[tilespmem:s31+$0x8C10] =	vst v7;
	v0 =	vld [tilespmem:$0xB530]  }
0x2ec: {  	v2 =	vadd.f32 v12, v2;
	v7 =	vld [tilespmem:$0xB320]  }
0x2ed: {  	v12 =	vld [tilespmem:$0xBEB0]  }
0x2ee: {  	v2 =	vsub.f32 v2, v8;
	v8 =	vld [tilespmem:$0xBDA0]  }
0x2ef: {  	v13 =	vld [tilespmem:$0xB8B0]  }
0x2f0: {  	v2 =	vmul.f32 v10, v2;
	v10 =	vld [tilespmem:$0xB7A0];
	v0 =	vadd.f32 v0, v6  }
0x2f1: {  	v6 =	vadd.f32 v7, v9;
	v7 =	vld [tilespmem:$0xBBB0]  }
0x2f2: {  	v2 =	vadd.f32 v11, v2;
	v9 =	vld [tilespmem:$0xBAA0];
	v0 =	vsub.f32 v0, v12  }
0x2f3: {  	v6 =	vsub.f32 v6, v8;
	v8 =	vld [tilespmem:s31+$0x8C30]  }
0x2f4: {  	[tilespmem:s0+$0x8410] =	vst v2;
	v2 =	vld [tilespmem:s0+$0x8420];
	v0 =	vmul.f32 v13, v0  }
0x2f5: {  	v11 =	vld [tilespmem:$0xB120];
	v6 =	vmul.f32 v10, v6  }
0x2f6: {  	v10 =	vld [tilespmem:$0xB9A0];
	v0 =	vadd.f32 v7, v0  }
0x2f7: {  	v7 =	vld [tilespmem:$0xBCA0];
	v6 =	vadd.f32 v9, v6  }
0x2f8: {  	v9 =	vld [tilespmem:$0xB6A0];
	[tilespmem:s30+$0x9430] =	vst v0  }
0x2f9: {  	[tilespmem:s31+$0x8C20] =	vst v6;
	v0 =	vld [tilespmem:$0xB540]  }
0x2fa: {  	v2 =	vadd.f32 v11, v2;
	v6 =	vld [tilespmem:$0xB330]  }
0x2fb: {  	v11 =	vld [tilespmem:$0xBEC0]  }
0x2fc: {  	v2 =	vsub.f32 v2, v7;
	v7 =	vld [tilespmem:$0xBDB0]  }
0x2fd: {  	v12 =	vld [tilespmem:$0xB8C0]  }
0x2fe: {  	v2 =	vmul.f32 v9, v2;
	v9 =	vld [tilespmem:$0xB7B0];
	v0 =	vadd.f32 v0, v5  }
0x2ff: {  	v5 =	vadd.f32 v6, v8;
	v6 =	vld [tilespmem:$0xBBC0]  }
0x300: {  	v2 =	vadd.f32 v10, v2;
	v8 =	vld [tilespmem:$0xBAB0];
	v0 =	vsub.f32 v0, v11  }
0x301: {  	v5 =	vsub.f32 v5, v7;
	v7 =	vld [tilespmem:s31+$0x8C40]  }
0x302: {  	[tilespmem:s0+$0x8420] =	vst v2;
	v2 =	vld [tilespmem:s0+$0x8430];
	v0 =	vmul.f32 v12, v0  }
0x303: {  	v10 =	vld [tilespmem:$0xB130];
	v5 =	vmul.f32 v9, v5  }
0x304: {  	v9 =	vld [tilespmem:$0xB9B0];
	v0 =	vadd.f32 v6, v0  }
0x305: {  	v6 =	vld [tilespmem:$0xBCB0];
	v5 =	vadd.f32 v8, v5  }
0x306: {  	v8 =	vld [tilespmem:$0xB6B0];
	[tilespmem:s30+$0x9440] =	vst v0  }
0x307: {  	[tilespmem:s31+$0x8C30] =	vst v5;
	v0 =	vld [tilespmem:$0xB550]  }
0x308: {  	v2 =	vadd.f32 v10, v2;
	v5 =	vld [tilespmem:$0xB340]  }
0x309: {  	v10 =	vld [tilespmem:$0xBED0]  }
0x30a: {  	v2 =	vsub.f32 v2, v6;
	v6 =	vld [tilespmem:$0xBDC0]  }
0x30b: {  	v11 =	vld [tilespmem:$0xB8D0]  }
0x30c: {  	v2 =	vmul.f32 v8, v2;
	v8 =	vld [tilespmem:$0xB7C0];
	v0 =	vadd.f32 v0, v4  }
0x30d: {  	v4 =	vadd.f32 v5, v7;
	v5 =	vld [tilespmem:$0xBBD0]  }
0x30e: {  	v2 =	vadd.f32 v9, v2;
	v7 =	vld [tilespmem:$0xBAC0];
	v0 =	vsub.f32 v0, v10  }
0x30f: {  	v4 =	vsub.f32 v4, v6;
	v6 =	vld [tilespmem:s31+$0x8C50]  }
0x310: {  	[tilespmem:s0+$0x8430] =	vst v2;
	v2 =	vld [tilespmem:s0+$0x8440];
	v0 =	vmul.f32 v11, v0  }
0x311: {  	v9 =	vld [tilespmem:$0xB9C0];
	v4 =	vmul.f32 v8, v4  }
0x312: {  	v8 =	vld [tilespmem:$0xB6C0];
	v0 =	vadd.f32 v5, v0  }
0x313: {  	v5 =	vld [tilespmem:$0xB140];
	v4 =	vadd.f32 v7, v4  }
0x314: {  	v7 =	vld [tilespmem:$0xBCC0];
	[tilespmem:s30+$0x9450] =	vst v0  }
0x315: {  	[tilespmem:s31+$0x8C40] =	vst v4;
	v0 =	vld [tilespmem:$0xB560]  }
0x316: {  	v4 =	vld [tilespmem:$0xB350]  }
0x317: {  	v10 =	vld [tilespmem:$0xBEE0]  }
0x318: {  	v2 =	vadd.f32 v5, v2;
	v5 =	vld [tilespmem:$0xBDD0]  }
0x319: {  	v11 =	vld [tilespmem:$0xB8E0]  }
0x31a: {  	v2 =	vsub.f32 v2, v7;
	v7 =	vld [tilespmem:$0xB7D0];
	v0 =	vadd.f32 v0, v3  }
0x31b: {  	v3 =	vadd.f32 v4, v6;
	v4 =	vld [tilespmem:$0xBBE0]  }
0x31c: {  	v2 =	vmul.f32 v8, v2;
	v6 =	vld [tilespmem:$0xBAD0];
	v0 =	vsub.f32 v0, v10  }
0x31d: {  	v12 =	vld [tilespmem:$0xB900];
	v3 =	vsub.f32 v3, v5  }
0x31e: {  	v2 =	vadd.f32 v9, v2;
	v0 =	vmul.f32 v11, v0;
	v5 =	vld [tilespmem:s30+$0x9470]  }
0x31f: {  	v3 =	vmul.f32 v7, v3;
	v7 =	vld [tilespmem:s31+$0x8C60]  }
0x320: {  	[tilespmem:s0+$0x8440] =	vst v2;
	v2 =	vld [tilespmem:s0+$0x8450];
	v0 =	vadd.f32 v4, v0  }
0x321: {  	v4 =	vld [tilespmem:$0xBCD0];
	v3 =	vadd.f32 v6, v3  }
0x322: {  	v6 =	vld [tilespmem:$0xB150];
	[tilespmem:s30+$0x9460] =	vst v0  }
0x323: {  	[tilespmem:s31+$0x8C50] =	vst v3;
	v0 =	vld [tilespmem:$0xB570]  }
0x324: {  	v3 =	vld [tilespmem:$0xB360]  }
0x325: {  	v8 =	vld [tilespmem:$0xBEF0]  }
0x326: {  	v9 =	vld [tilespmem:$0xBDE0]  }
0x327: {  	v10 =	vld [tilespmem:$0xB8F0]  }
0x328: {  	v11 =	vld [tilespmem:$0xB7E0];
	v0 =	vadd.f32 v0, v5  }
0x329: {  	v5 =	vld [tilespmem:$0xBBF0]  }
0x32a: {  	v3 =	vadd.f32 v3, v7;
	v13 =	vld [tilespmem:$0xB6D0];
	v0 =	vsub.f32 v0, v8  }
0x32b: {  	v2 =	vadd.f32 v6, v2;
	v6 =	vld [tilespmem:$0xBAE0]  }
0x32c: {  	v3 =	vsub.f32 v3, v9;
	v7 =	vld [tilespmem:$0xB9D0];
	v0 =	vmul.f32 v10, v0  }
0x32d: {  	v2 =	vsub.f32 v2, v4;
	v14 =	vld [tilespmem:$0xB600]  }
0x32e: {  	v3 =	vmul.f32 v11, v3;
	v15 =	vld [tilespmem:$0xBC00];
	v0 =	vadd.f32 v5, v0  }
0x32f: {  	v16 =	vld [tilespmem:$0xB000];
	v2 =	vmul.f32 v13, v2  }
0x330: {  	v4 =	vadd.f32 v6, v3;
	v3 =	vld [tilespmem:s31+$0x9460];
	[tilespmem:s30+$0x9470] =	vst v0;
	s30 =	smov.u32 s31;
	s31 =	smov.u32 s0  }
0x331: {  	v0 =	vadd.f32 v7, v2;
	v2 =	vld [tilespmem:s30+$0x8C70]  }
0x332: {  	v5 =	vld [tilespmem:s31+$0x8460];
	[tilespmem:s30+$0x8C60] =	vst v4  }
0x333: {  	[tilespmem:s31+$0x8450] =	vst v0;
	v0 =	vld [tilespmem:$0xB370]  }
0x334: {  	v4 =	vld [tilespmem:$0xB160]  }
0x335: {  	v6 =	vld [tilespmem:$0xBDF0]  }
0x336: {  	v7 =	vld [tilespmem:$0xBCE0]  }
0x337: {  	v8 =	vld [tilespmem:$0xB7F0]  }
0x338: {  	v9 =	vld [tilespmem:$0xB6E0];
	v0 =	vadd.f32 v0, v2  }
0x339: {  	v2 =	vadd.f32 v4, v5;
	v10 =	vld [tilespmem:$0xBAF0]  }
0x33a: {  	v11 =	vld [tilespmem:$0xB9E0];
	v0 =	vsub.f32 v0, v6  }
0x33b: {  	v2 =	vsub.f32 v2, v7;
	v4 =	vld [tilespmem:s30+$0x9450]  }
0x33c: {  	v0 =	vmul.f32 v8, v0;
	v5 =	vld [tilespmem:s30+$0x9440]  }
0x33d: {  	v2 =	vmul.f32 v9, v2;
	v6 =	vld [tilespmem:s30+$0x9430]  }
0x33e: {  	v0 =	vadd.f32 v10, v0;
	v7 =	vld [tilespmem:s30+$0x9420]  }
0x33f: {  	v2 =	vadd.f32 v11, v2;
	v8 =	vld [tilespmem:s30+$0x9000]  }
0x340: {  	v9 =	vld [tilespmem:s31+$0x8470];
	[tilespmem:s30+$0x8C70] =	vst v0  }
0x341: {  	[tilespmem:s31+$0x8460] =	vst v2;
	v0 =	vld [tilespmem:$0xB400]  }
0x342: {  	v2 =	vld [tilespmem:$0xB170]  }
0x343: {  	v10 =	vld [tilespmem:$0xBE00]  }
0x344: {  	v11 =	vld [tilespmem:$0xBCF0]  }
0x345: {  	v13 =	vld [tilespmem:$0xB800]  }
0x346: {  	v17 =	vld [tilespmem:$0xB6F0];
	v0 =	vadd.f32 v0, v8  }
0x347: {  	v2 =	vadd.f32 v2, v9;
	v18 =	vld [tilespmem:$0xBB00]  }
0x348: {  	v19 =	vld [tilespmem:$0xB9F0];
	v0 =	vsub.f32 v0, v10  }
0x349: {  	v2 =	vsub.f32 v2, v11;
	v8 =	vld [tilespmem:s30+$0x9410]  }
0x34a: {  	v0 =	vmul.f32 v13, v0;
	v9 =	vld [tilespmem:s30+$0x9400]  }
0x34b: {  	v2 =	vmul.f32 v17, v2;
	v10 =	vld [tilespmem:s30+$0x9070]  }
0x34c: {  	v0 =	vadd.f32 v18, v0;
	v11 =	vld [tilespmem:s30+$0x9060]  }
0x34d: {  	v2 =	vadd.f32 v19, v2;
	v13 =	vld [tilespmem:s30+$0x9010]  }
0x34e: {  	v17 =	vld [tilespmem:s31+$0x8800];
	[tilespmem:s30+$0x9000] =	vst v0  }
0x34f: {  	[tilespmem:s31+$0x8470] =	vst v2;
	v0 =	vld [tilespmem:$0xB410]  }
0x350: {  	v2 =	vld [tilespmem:$0xB200]  }
0x351: {  	v18 =	vld [tilespmem:$0xBE10]  }
0x352: {  	v19 =	vld [tilespmem:$0xBD00]  }
0x353: {  	v20 =	vld [tilespmem:$0xB810]  }
0x354: {  	s0 =	sshrl.u32 s9, $0x3;
	v22 =	vld [tilespmem:$0xB700];
	v0 =	vadd.f32 v0, v13  }
0x355: {  	s0 =	smul.u32 $0x6000, s0;
	v2 =	vadd.f32 v2, v17;
	v23 =	vld [tilespmem:$0xBB10]  }
0x356: {  	s8 =	sadd.s32 $0x80, s8;
	v24 =	vld [tilespmem:$0xBA00];
	v0 =	vsub.f32 v0, v18  }
0x357: {  	s10 =	sand.u32 $0x380, s8;
	s0 =	sshra.s32 s0, $0x2;
	v2 =	vsub.f32 v2, v19;
	v13 =	vld [tilespmem:s30+$0x9050]  }
.Ltmp2:
0x358: {  	s0 =	sor.u32 s10, s0;
	v0 =	vmul.f32 v20, v0;
	v17 =	vld [tilespmem:s30+$0x9040];
	(pc) =	sbr.rel @p0 .LBB2_2-.Ltmp2, $4  }
0x359: {  	v21 =	vld [tilespmem:s0+$0x8000];
	v2 =	vmul.f32 v22, v2  }
0x35a: {  	v0 =	vadd.f32 v23, v0;
	v18 =	vld [tilespmem:s30+$0x9030]  }
0x35b: {  	v22 =	vadd.f32 v24, v2;
	v19 =	vld [tilespmem:s30+$0x9020]  }
0x35c: {  	s9 =	sadd.s32 $0x1, s9;
	v20 =	vld [tilespmem:s31+$0x8810];
	[tilespmem:s30+$0x9010] =	vst v0  }
0x35d: {  	[tilespmem:s31+$0x8800] =	vst v22  }
0x35e: {  	v0 =	vadd.f32 v16, v21;
	v53 =	vld [tilespmem:$0xB210]  }
0x35f: {  	v2 =	vld [tilespmem:$0xB420]  }
0x360: {  	v55 =	vld [tilespmem:$0xBD10];
	v0 =	vsub.f32 v0, v15  }
0x361: {  	v54 =	vld [tilespmem:$0xBE20]  }
0x362: {  	v22 =	vld [tilespmem:$0xB710];
	v0 =	vmul.f32 v14, v0  }
0x363: {  	v56 =	vld [tilespmem:$0xB820];
	v16 =	vadd.f32 v53, v20  }
0x364: {  	v58 =	vld [tilespmem:$0xBA10];
	v2 =	vadd.f32 v2, v19;
	v0 =	vadd.f32 v12, v0  }
0x365: {  	v57 =	vld [tilespmem:$0xBB20];
	v59 =	vsub.f32 v16, v55  }
0x366: {  	[tilespmem:s0+$0x8000] =	vst v0;
	v0 =	vsub.f32 v2, v54;
	v2 =	vld [tilespmem:s0+$0x8010]  }
0x367: {  	v60 =	vld [tilespmem:$0xB010];
	v61 =	vmul.f32 v22, v59  }
0x368: {  	v63 =	vld [tilespmem:s31+$0x8820];
	v0 =	vmul.f32 v56, v0  }
0x369: {  	v62 =	vld [tilespmem:$0xBC10];
	v22 =	vadd.f32 v58, v61  }
0x36a: {  	v23 =	vld [tilespmem:$0xB610];
	v0 =	vadd.f32 v57, v0  }
0x36b: {  	v24 =	vld [tilespmem:$0xB910];
	[tilespmem:s31+$0x8810] =	vst v22  }
0x36c: {  	[tilespmem:s30+$0x9020] =	vst v0;
	v0 =	vadd.f32 v60, v2;
	v12 =	vld [tilespmem:$0xB220]  }
0x36d: {  	v2 =	vld [tilespmem:$0xB430]  }
0x36e: {  	v26 =	vld [tilespmem:$0xBD20];
	v0 =	vsub.f32 v0, v62  }
0x36f: {  	v25 =	vld [tilespmem:$0xBE30]  }
0x370: {  	v28 =	vld [tilespmem:$0xB720];
	v0 =	vmul.f32 v23, v0  }
0x371: {  	v27 =	vld [tilespmem:$0xB830];
	v12 =	vadd.f32 v12, v63  }
0x372: {  	v30 =	vld [tilespmem:$0xBA20];
	v0 =	vadd.f32 v24, v0;
	v2 =	vadd.f32 v2, v18  }
0x373: {  	v29 =	vld [tilespmem:$0xBB30];
	v12 =	vsub.f32 v12, v26  }
0x374: {  	[tilespmem:s0+$0x8010] =	vst v0;
	v0 =	vsub.f32 v2, v25;
	v2 =	vld [tilespmem:s0+$0x8020]  }
0x375: {  	v31 =	vld [tilespmem:$0xB020];
	v12 =	vmul.f32 v28, v12  }
0x376: {  	v33 =	vld [tilespmem:s31+$0x8830];
	v0 =	vmul.f32 v27, v0  }
0x377: {  	v32 =	vld [tilespmem:$0xBC20];
	v12 =	vadd.f32 v30, v12  }
0x378: {  	v34 =	vld [tilespmem:$0xB620];
	v0 =	vadd.f32 v29, v0  }
0x379: {  	v35 =	vld [tilespmem:$0xB920];
	[tilespmem:s31+$0x8820] =	vst v12  }
0x37a: {  	[tilespmem:s30+$0x9030] =	vst v0;
	v0 =	vadd.f32 v31, v2;
	v12 =	vld [tilespmem:$0xB230]  }
0x37b: {  	v2 =	vld [tilespmem:$0xB440]  }
0x37c: {  	v37 =	vld [tilespmem:$0xBD30];
	v0 =	vsub.f32 v0, v32  }
0x37d: {  	v36 =	vld [tilespmem:$0xBE40]  }
0x37e: {  	v39 =	vld [tilespmem:$0xB730];
	v0 =	vmul.f32 v34, v0  }
0x37f: {  	v38 =	vld [tilespmem:$0xB840];
	v12 =	vadd.f32 v12, v33  }
0x380: {  	v41 =	vld [tilespmem:$0xBA30];
	v0 =	vadd.f32 v35, v0;
	v2 =	vadd.f32 v2, v17  }
0x381: {  	v40 =	vld [tilespmem:$0xBB40];
	v12 =	vsub.f32 v12, v37  }
0x382: {  	[tilespmem:s0+$0x8020] =	vst v0;
	v0 =	vsub.f32 v2, v36;
	v2 =	vld [tilespmem:s0+$0x8030]  }
0x383: {  	v42 =	vld [tilespmem:$0xB030];
	v12 =	vmul.f32 v39, v12  }
0x384: {  	v44 =	vld [tilespmem:s31+$0x8840];
	v0 =	vmul.f32 v38, v0  }
0x385: {  	v43 =	vld [tilespmem:$0xBC30];
	v12 =	vadd.f32 v41, v12  }
0x386: {  	v53 =	vld [tilespmem:s0+$0x8040];
	v0 =	vadd.f32 v40, v0  }
0x387: {  	v45 =	vld [tilespmem:$0xB630];
	[tilespmem:s31+$0x8830] =	vst v12  }
0x388: {  	v46 =	vld [tilespmem:$0xB930];
	[tilespmem:s30+$0x9040] =	vst v0;
	v0 =	vadd.f32 v42, v2  }
0x389: {  	v12 =	vld [tilespmem:$0xB240]  }
0x38a: {  	v2 =	vld [tilespmem:$0xB450];
	v0 =	vsub.f32 v0, v43  }
0x38b: {  	v48 =	vld [tilespmem:$0xBD40]  }
0x38c: {  	v47 =	vld [tilespmem:$0xBE50];
	v0 =	vmul.f32 v45, v0  }
0x38d: {  	v50 =	vld [tilespmem:$0xB740]  }
0x38e: {  	v49 =	vld [tilespmem:$0xB850];
	v0 =	vadd.f32 v46, v0  }
0x38f: {  	v52 =	vld [tilespmem:$0xBA40];
	v2 =	vadd.f32 v2, v13  }
0x390: {  	v51 =	vld [tilespmem:$0xBB50];
	[tilespmem:s0+$0x8030] =	vst v0;
	v0 =	vadd.f32 v12, v44  }
0x391: {  	v2 =	vsub.f32 v2, v47;
	v54 =	vld [tilespmem:$0xB040]  }
0x392: {  	v0 =	vsub.f32 v0, v48  }
0x393: {  	v55 =	vld [tilespmem:$0xBC40];
	v2 =	vmul.f32 v49, v2  }
0x394: {  	v0 =	vmul.f32 v50, v0  }
0x395: {  	v56 =	vld [tilespmem:$0xB640];
	v2 =	vadd.f32 v51, v2  }
0x396: {  	v0 =	vadd.f32 v52, v0;
	v12 =	vadd.f32 v54, v53  }
0x397: {  	v58 =	vld [tilespmem:$0xB940];
	[tilespmem:s30+$0x9050] =	vst v2  }
0x398: {  	v57 =	vld [tilespmem:s31+$0x8850];
	[tilespmem:s31+$0x8840] =	vst v0;
	v0 =	vsub.f32 v12, v55  }
0x399: {  	v14 =	vld [tilespmem:$0xB460]  }
0x39a: {  	v13 =	vld [tilespmem:$0xB860];
	v0 =	vmul.f32 v56, v0  }
0x39b: {  	v12 =	vld [tilespmem:$0xBE60]  }
0x39c: {  	v59 =	vld [tilespmem:$0xB250];
	v0 =	vadd.f32 v58, v0  }
0x39d: {  	v60 =	vld [tilespmem:$0xBD50]  }
0x39e: {  	v61 =	vld [tilespmem:$0xB750];
	[tilespmem:s0+$0x8040] =	vst v0  }
0x39f: {  	v0 =	vld [tilespmem:s0+$0x8050]  }
0x3a0: {  	v2 =	vld [tilespmem:$0xB050];
	_ =	sdelay $0x1  }
0x3a1: {  	v62 =	vld [tilespmem:$0xBC50];
	_ =	sdelay $0x1  }
0x3a2: {  	v63 =	vld [tilespmem:$0xB650]  }
0x3a3: {  	v0 =	vadd.f32 v2, v0  }
0x3a4: {  	v2 =	vld [tilespmem:$0xB950]  }
0x3a5: {  	v0 =	vsub.f32 v0, v62;
	_ =	sdelay $0x1  }
0x3a6: {  	v0 =	vmul.f32 v63, v0;
	_ =	sdelay $0x1  }
0x3a7: {  	v0 =	vadd.f32 v2, v0;
	_ =	sdelay $0x1  }
0x3a8: {  	[tilespmem:s0+$0x8050] =	vst v0;
	v0 =	vld [tilespmem:s0+$0x8060]  }
0x3a9: {  	v2 =	vld [tilespmem:$0xB060];
	_ =	sdelay $0x1  }
0x3aa: {  	v24 =	vld [tilespmem:$0xBC60];
	_ =	sdelay $0x1  }
0x3ab: {  	v25 =	vld [tilespmem:$0xB660]  }
0x3ac: {  	v0 =	vadd.f32 v2, v0  }
0x3ad: {  	v2 =	vld [tilespmem:$0xB960]  }
0x3ae: {  	v0 =	vsub.f32 v0, v24;
	_ =	sdelay $0x1  }
0x3af: {  	v0 =	vmul.f32 v25, v0;
	_ =	sdelay $0x1  }
0x3b0: {  	v0 =	vadd.f32 v2, v0;
	_ =	sdelay $0x1  }
0x3b1: {  	[tilespmem:s0+$0x8060] =	vst v0;
	v0 =	vld [tilespmem:s0+$0x8070]  }
0x3b2: {  	v2 =	vld [tilespmem:$0xB070];
	_ =	sdelay $0x1  }
0x3b3: {  	v26 =	vld [tilespmem:$0xBC70];
	_ =	sdelay $0x1  }
0x3b4: {  	v27 =	vld [tilespmem:$0xB670]  }
0x3b5: {  	v0 =	vadd.f32 v2, v0  }
0x3b6: {  	v2 =	vld [tilespmem:$0xB970]  }
0x3b7: {  	v0 =	vsub.f32 v0, v26;
	_ =	sdelay $0x1  }
0x3b8: {  	v0 =	vmul.f32 v27, v0;
	_ =	sdelay $0x1  }
0x3b9: {  	v0 =	vadd.f32 v2, v0;
	_ =	sdelay $0x1  }
0x3ba: {  	[tilespmem:s0+$0x8070] =	vst v0;
	v0 =	vld [tilespmem:s0+$0x8400]  }
0x3bb: {  	v2 =	vld [tilespmem:$0xB100];
	_ =	sdelay $0x1  }
0x3bc: {  	v28 =	vld [tilespmem:$0xBC80];
	_ =	sdelay $0x1  }
0x3bd: {  	v29 =	vld [tilespmem:$0xB680]  }
0x3be: {  	v0 =	vadd.f32 v2, v0  }
0x3bf: {  	v2 =	vld [tilespmem:$0xB980]  }
0x3c0: {  	v0 =	vsub.f32 v0, v28;
	_ =	sdelay $0x1  }
0x3c1: {  	v0 =	vmul.f32 v29, v0;
	_ =	sdelay $0x1  }
0x3c2: {  	v0 =	vadd.f32 v2, v0;
	_ =	sdelay $0x1  }
0x3c3: {  	[tilespmem:s0+$0x8400] =	vst v0;
	v0 =	vld [tilespmem:s0+$0x8410]  }
0x3c4: {  	v2 =	vld [tilespmem:$0xB110];
	_ =	sdelay $0x1  }
0x3c5: {  	v30 =	vld [tilespmem:$0xBC90];
	_ =	sdelay $0x1  }
0x3c6: {  	v31 =	vld [tilespmem:$0xB690]  }
0x3c7: {  	v0 =	vadd.f32 v2, v0  }
0x3c8: {  	v2 =	vld [tilespmem:$0xB990]  }
0x3c9: {  	v0 =	vsub.f32 v0, v30;
	_ =	sdelay $0x1  }
0x3ca: {  	v0 =	vmul.f32 v31, v0;
	_ =	sdelay $0x1  }
0x3cb: {  	v0 =	vadd.f32 v2, v0;
	_ =	sdelay $0x1  }
0x3cc: {  	[tilespmem:s0+$0x8410] =	vst v0;
	v0 =	vld [tilespmem:s0+$0x8420]  }
0x3cd: {  	v2 =	vld [tilespmem:$0xB120];
	_ =	sdelay $0x1  }
0x3ce: {  	v32 =	vld [tilespmem:$0xBCA0];
	_ =	sdelay $0x1  }
0x3cf: {  	v33 =	vld [tilespmem:$0xB6A0]  }
0x3d0: {  	v0 =	vadd.f32 v2, v0  }
0x3d1: {  	v2 =	vld [tilespmem:$0xB9A0]  }
0x3d2: {  	v0 =	vsub.f32 v0, v32;
	_ =	sdelay $0x1  }
0x3d3: {  	v0 =	vmul.f32 v33, v0;
	_ =	sdelay $0x1  }
0x3d4: {  	v0 =	vadd.f32 v2, v0;
	_ =	sdelay $0x1  }
0x3d5: {  	[tilespmem:s0+$0x8420] =	vst v0;
	v0 =	vld [tilespmem:s0+$0x8430]  }
0x3d6: {  	v2 =	vld [tilespmem:$0xB130];
	_ =	sdelay $0x1  }
0x3d7: {  	v34 =	vld [tilespmem:$0xBCB0];
	_ =	sdelay $0x1  }
0x3d8: {  	v35 =	vld [tilespmem:$0xB6B0]  }
0x3d9: {  	v0 =	vadd.f32 v2, v0  }
0x3da: {  	v2 =	vld [tilespmem:$0xB9B0]  }
0x3db: {  	v0 =	vsub.f32 v0, v34;
	_ =	sdelay $0x1  }
0x3dc: {  	v0 =	vmul.f32 v35, v0;
	_ =	sdelay $0x1  }
0x3dd: {  	v0 =	vadd.f32 v2, v0;
	_ =	sdelay $0x1  }
0x3de: {  	[tilespmem:s0+$0x8430] =	vst v0;
	v0 =	vld [tilespmem:s0+$0x8440]  }
0x3df: {  	v2 =	vld [tilespmem:$0xB140];
	_ =	sdelay $0x1  }
0x3e0: {  	v36 =	vld [tilespmem:$0xBCC0];
	_ =	sdelay $0x1  }
0x3e1: {  	v37 =	vld [tilespmem:$0xB6C0]  }
0x3e2: {  	v0 =	vadd.f32 v2, v0  }
0x3e3: {  	v2 =	vld [tilespmem:$0xB9C0]  }
0x3e4: {  	v0 =	vsub.f32 v0, v36;
	_ =	sdelay $0x1  }
0x3e5: {  	v0 =	vmul.f32 v37, v0;
	_ =	sdelay $0x1  }
0x3e6: {  	v0 =	vadd.f32 v2, v0;
	_ =	sdelay $0x1  }
0x3e7: {  	[tilespmem:s0+$0x8440] =	vst v0;
	v0 =	vld [tilespmem:s0+$0x8450]  }
0x3e8: {  	v2 =	vld [tilespmem:$0xB150];
	_ =	sdelay $0x1  }
0x3e9: {  	v38 =	vld [tilespmem:$0xBCD0];
	_ =	sdelay $0x1  }
0x3ea: {  	v39 =	vld [tilespmem:$0xB6D0]  }
0x3eb: {  	v0 =	vadd.f32 v2, v0  }
0x3ec: {  	v2 =	vld [tilespmem:$0xB9D0]  }
0x3ed: {  	v0 =	vsub.f32 v0, v38;
	_ =	sdelay $0x1  }
0x3ee: {  	v0 =	vmul.f32 v39, v0;
	_ =	sdelay $0x1  }
0x3ef: {  	v0 =	vadd.f32 v2, v0;
	_ =	sdelay $0x1  }
0x3f0: {  	v2 =	vld [tilespmem:s0+$0x8460];
	[tilespmem:s0+$0x8450] =	vst v0  }
0x3f1: {  	v0 =	vld [tilespmem:$0xB160];
	_ =	sdelay $0x1  }
0x3f2: {  	v40 =	vld [tilespmem:$0xBCE0];
	_ =	sdelay $0x1  }
0x3f3: {  	v41 =	vld [tilespmem:$0xB6E0]  }
0x3f4: {  	v0 =	vadd.f32 v0, v2  }
0x3f5: {  	v2 =	vld [tilespmem:$0xB9E0]  }
0x3f6: {  	v0 =	vsub.f32 v0, v40;
	_ =	sdelay $0x1  }
0x3f7: {  	v0 =	vmul.f32 v41, v0;
	_ =	sdelay $0x1  }
0x3f8: {  	v0 =	vadd.f32 v2, v0;
	_ =	sdelay $0x1  }
0x3f9: {  	v2 =	vld [tilespmem:s0+$0x8470];
	[tilespmem:s0+$0x8460] =	vst v0  }
0x3fa: {  	v0 =	vld [tilespmem:$0xB170];
	_ =	sdelay $0x1  }
0x3fb: {  	v42 =	vld [tilespmem:$0xBCF0];
	_ =	sdelay $0x1  }
0x3fc: {  	v43 =	vld [tilespmem:$0xB6F0]  }
0x3fd: {  	v0 =	vadd.f32 v0, v2  }
0x3fe: {  	v2 =	vld [tilespmem:$0xB9F0]  }
0x3ff: {  	v0 =	vsub.f32 v0, v42;
	_ =	sdelay $0x1  }
0x400: {  	v0 =	vmul.f32 v43, v0;
	_ =	sdelay $0x1  }
0x401: {  	v0 =	vadd.f32 v2, v0;
	_ =	sdelay $0x1  }
0x402: {  	v2 =	vld [tilespmem:s0+$0x8800];
	[tilespmem:s0+$0x8470] =	vst v0  }
0x403: {  	v0 =	vld [tilespmem:$0xB200];
	_ =	sdelay $0x1  }
0x404: {  	v44 =	vld [tilespmem:$0xBD00];
	_ =	sdelay $0x1  }
0x405: {  	v45 =	vld [tilespmem:$0xB700]  }
0x406: {  	v0 =	vadd.f32 v0, v2  }
0x407: {  	v2 =	vld [tilespmem:$0xBA00]  }
0x408: {  	v0 =	vsub.f32 v0, v44;
	_ =	sdelay $0x1  }
0x409: {  	v0 =	vmul.f32 v45, v0;
	_ =	sdelay $0x1  }
0x40a: {  	v0 =	vadd.f32 v2, v0;
	_ =	sdelay $0x1  }
0x40b: {  	v2 =	vld [tilespmem:s0+$0x8810];
	[tilespmem:s0+$0x8800] =	vst v0  }
0x40c: {  	v0 =	vld [tilespmem:$0xB210];
	_ =	sdelay $0x1  }
0x40d: {  	v46 =	vld [tilespmem:$0xBD10];
	_ =	sdelay $0x1  }
0x40e: {  	v47 =	vld [tilespmem:$0xB710]  }
0x40f: {  	v0 =	vadd.f32 v0, v2  }
0x410: {  	v2 =	vld [tilespmem:$0xBA10]  }
0x411: {  	v0 =	vsub.f32 v0, v46;
	_ =	sdelay $0x1  }
0x412: {  	v0 =	vmul.f32 v47, v0;
	_ =	sdelay $0x1  }
0x413: {  	v0 =	vadd.f32 v2, v0;
	_ =	sdelay $0x1  }
0x414: {  	v2 =	vld [tilespmem:s0+$0x8820];
	[tilespmem:s0+$0x8810] =	vst v0  }
0x415: {  	v0 =	vld [tilespmem:$0xB220];
	_ =	sdelay $0x1  }
0x416: {  	v48 =	vld [tilespmem:$0xBD20];
	_ =	sdelay $0x1  }
0x417: {  	v49 =	vld [tilespmem:$0xB720]  }
0x418: {  	v0 =	vadd.f32 v0, v2  }
0x419: {  	v2 =	vld [tilespmem:$0xBA20]  }
0x41a: {  	v0 =	vsub.f32 v0, v48;
	_ =	sdelay $0x1  }
0x41b: {  	v0 =	vmul.f32 v49, v0;
	_ =	sdelay $0x1  }
0x41c: {  	v0 =	vadd.f32 v2, v0;
	_ =	sdelay $0x1  }
0x41d: {  	v2 =	vld [tilespmem:s0+$0x8830];
	[tilespmem:s0+$0x8820] =	vst v0  }
0x41e: {  	v0 =	vld [tilespmem:$0xB230];
	_ =	sdelay $0x1  }
0x41f: {  	v50 =	vld [tilespmem:$0xBD30];
	_ =	sdelay $0x1  }
0x420: {  	v51 =	vld [tilespmem:$0xB730]  }
0x421: {  	v0 =	vadd.f32 v0, v2  }
0x422: {  	v2 =	vld [tilespmem:$0xBA30]  }
0x423: {  	v0 =	vsub.f32 v0, v50;
	_ =	sdelay $0x1  }
0x424: {  	v0 =	vmul.f32 v51, v0;
	_ =	sdelay $0x1  }
0x425: {  	v0 =	vadd.f32 v2, v0;
	_ =	sdelay $0x1  }
0x426: {  	v2 =	vld [tilespmem:s0+$0x8840];
	[tilespmem:s0+$0x8830] =	vst v0  }
0x427: {  	v52 =	vld [tilespmem:$0xB240]  }
0x428: {  	v53 =	vld [tilespmem:$0xBA50];
	v0 =	vadd.f32 v59, v57  }
0x429: {  	v54 =	vld [tilespmem:$0xBD40]  }
0x42a: {  	v0 =	vsub.f32 v0, v60  }
0x42b: {  	v55 =	vld [tilespmem:$0xB740]  }
0x42c: {  	v0 =	vmul.f32 v61, v0;
	v2 =	vadd.f32 v52, v2  }
0x42d: {  	v56 =	vld [tilespmem:$0xBA40]  }
0x42e: {  	v0 =	vadd.f32 v53, v0;
	v2 =	vsub.f32 v2, v54;
	_ =	sdelay $0x1  }
0x42f: {  	v57 =	vld [tilespmem:s31+$0x8860];
	[tilespmem:s31+$0x8850] =	vst v0;
	v2 =	vmul.f32 v55, v2  }
0x430: {  	v0 =	vld [tilespmem:$0xB260]  }
0x431: {  	v59 =	vld [tilespmem:s0+$0x8850];
	v2 =	vadd.f32 v56, v2  }
0x432: {  	v58 =	vld [tilespmem:$0xBD60]  }
0x433: {  	v60 =	vld [tilespmem:$0xB760];
	[tilespmem:s0+$0x8840] =	vst v2  }
0x434: {  	v2 =	vld [tilespmem:$0xB250]  }
0x435: {  	v61 =	vld [tilespmem:$0xBA60];
	v0 =	vadd.f32 v0, v57  }
0x436: {  	v62 =	vld [tilespmem:$0xBD50]  }
0x437: {  	v0 =	vsub.f32 v0, v58  }
0x438: {  	v63 =	vld [tilespmem:$0xB750]  }
0x439: {  	v0 =	vmul.f32 v60, v0;
	v2 =	vadd.f32 v2, v59  }
0x43a: {  	v20 =	vld [tilespmem:$0xBA50]  }
0x43b: {  	v0 =	vadd.f32 v61, v0;
	v2 =	vsub.f32 v2, v62;
	_ =	sdelay $0x1  }
0x43c: {  	v21 =	vld [tilespmem:s31+$0x8870];
	[tilespmem:s31+$0x8860] =	vst v0;
	v2 =	vmul.f32 v63, v2  }
0x43d: {  	v0 =	vld [tilespmem:$0xB270]  }
0x43e: {  	v23 =	vld [tilespmem:s0+$0x8860];
	v2 =	vadd.f32 v20, v2  }
0x43f: {  	v22 =	vld [tilespmem:$0xBD70]  }
0x440: {  	v24 =	vld [tilespmem:$0xB770];
	[tilespmem:s0+$0x8850] =	vst v2  }
0x441: {  	v2 =	vld [tilespmem:$0xB260]  }
0x442: {  	v25 =	vld [tilespmem:$0xBA70];
	v0 =	vadd.f32 v0, v21  }
0x443: {  	v26 =	vld [tilespmem:$0xBD60]  }
0x444: {  	v0 =	vsub.f32 v0, v22  }
0x445: {  	v27 =	vld [tilespmem:$0xB760]  }
0x446: {  	v0 =	vmul.f32 v24, v0;
	v2 =	vadd.f32 v2, v23  }
0x447: {  	v28 =	vld [tilespmem:$0xBA60]  }
0x448: {  	v0 =	vadd.f32 v25, v0;
	v2 =	vsub.f32 v2, v26;
	_ =	sdelay $0x1  }
0x449: {  	v29 =	vld [tilespmem:s31+$0x8C00];
	[tilespmem:s31+$0x8870] =	vst v0;
	v2 =	vmul.f32 v27, v2  }
0x44a: {  	v0 =	vld [tilespmem:$0xB300]  }
0x44b: {  	v31 =	vld [tilespmem:s0+$0x8870];
	v2 =	vadd.f32 v28, v2  }
0x44c: {  	v30 =	vld [tilespmem:$0xBD80]  }
0x44d: {  	v32 =	vld [tilespmem:$0xB780];
	[tilespmem:s0+$0x8860] =	vst v2  }
0x44e: {  	v2 =	vld [tilespmem:$0xB270]  }
0x44f: {  	v33 =	vld [tilespmem:$0xBA80];
	v0 =	vadd.f32 v0, v29  }
0x450: {  	v34 =	vld [tilespmem:$0xBD70]  }
0x451: {  	v0 =	vsub.f32 v0, v30  }
0x452: {  	v35 =	vld [tilespmem:$0xB770]  }
0x453: {  	v0 =	vmul.f32 v32, v0;
	v2 =	vadd.f32 v2, v31  }
0x454: {  	v36 =	vld [tilespmem:$0xBA70]  }
0x455: {  	v0 =	vadd.f32 v33, v0;
	v2 =	vsub.f32 v2, v34;
	_ =	sdelay $0x1  }
0x456: {  	v37 =	vld [tilespmem:s31+$0x8C10];
	[tilespmem:s31+$0x8C00] =	vst v0;
	v2 =	vmul.f32 v35, v2  }
0x457: {  	v0 =	vld [tilespmem:$0xB310]  }
0x458: {  	v39 =	vld [tilespmem:s0+$0x8C00];
	v2 =	vadd.f32 v36, v2  }
0x459: {  	v38 =	vld [tilespmem:$0xBD90]  }
0x45a: {  	v40 =	vld [tilespmem:$0xB790];
	[tilespmem:s0+$0x8870] =	vst v2  }
0x45b: {  	v2 =	vld [tilespmem:$0xB300]  }
0x45c: {  	v41 =	vld [tilespmem:$0xBA90];
	v0 =	vadd.f32 v0, v37  }
0x45d: {  	v42 =	vld [tilespmem:$0xBD80]  }
0x45e: {  	v0 =	vsub.f32 v0, v38  }
0x45f: {  	v43 =	vld [tilespmem:$0xB780]  }
0x460: {  	v0 =	vmul.f32 v40, v0;
	v2 =	vadd.f32 v2, v39  }
0x461: {  	v44 =	vld [tilespmem:$0xBA80]  }
0x462: {  	v0 =	vadd.f32 v41, v0;
	v2 =	vsub.f32 v2, v42;
	_ =	sdelay $0x1  }
0x463: {  	v45 =	vld [tilespmem:s31+$0x8C20];
	[tilespmem:s31+$0x8C10] =	vst v0;
	v2 =	vmul.f32 v43, v2  }
0x464: {  	v0 =	vld [tilespmem:$0xB320]  }
0x465: {  	v47 =	vld [tilespmem:s0+$0x8C10];
	v2 =	vadd.f32 v44, v2  }
0x466: {  	v46 =	vld [tilespmem:$0xBDA0]  }
0x467: {  	v48 =	vld [tilespmem:$0xB7A0];
	[tilespmem:s0+$0x8C00] =	vst v2  }
0x468: {  	v2 =	vld [tilespmem:$0xB310]  }
0x469: {  	v49 =	vld [tilespmem:$0xBAA0];
	v0 =	vadd.f32 v0, v45  }
0x46a: {  	v50 =	vld [tilespmem:$0xBD90]  }
0x46b: {  	v0 =	vsub.f32 v0, v46  }
0x46c: {  	v51 =	vld [tilespmem:$0xB790]  }
0x46d: {  	v0 =	vmul.f32 v48, v0;
	v2 =	vadd.f32 v2, v47  }
0x46e: {  	v52 =	vld [tilespmem:$0xBA90]  }
0x46f: {  	v0 =	vadd.f32 v49, v0;
	v2 =	vsub.f32 v2, v50;
	_ =	sdelay $0x1  }
0x470: {  	v53 =	vld [tilespmem:s31+$0x8C30];
	[tilespmem:s31+$0x8C20] =	vst v0;
	v2 =	vmul.f32 v51, v2  }
0x471: {  	v0 =	vld [tilespmem:$0xB330]  }
0x472: {  	v55 =	vld [tilespmem:s0+$0x8C20];
	v2 =	vadd.f32 v52, v2  }
0x473: {  	v54 =	vld [tilespmem:$0xBDB0]  }
0x474: {  	v56 =	vld [tilespmem:$0xB7B0];
	[tilespmem:s0+$0x8C10] =	vst v2  }
0x475: {  	v2 =	vld [tilespmem:$0xB320]  }
0x476: {  	v57 =	vld [tilespmem:$0xBAB0];
	v0 =	vadd.f32 v0, v53  }
0x477: {  	v58 =	vld [tilespmem:$0xBDA0]  }
0x478: {  	v0 =	vsub.f32 v0, v54  }
0x479: {  	v59 =	vld [tilespmem:$0xB7A0]  }
0x47a: {  	v0 =	vmul.f32 v56, v0;
	v2 =	vadd.f32 v2, v55  }
0x47b: {  	v60 =	vld [tilespmem:$0xBAA0]  }
0x47c: {  	v0 =	vadd.f32 v57, v0;
	v2 =	vsub.f32 v2, v58;
	_ =	sdelay $0x1  }
0x47d: {  	v61 =	vld [tilespmem:s31+$0x8C40];
	[tilespmem:s31+$0x8C30] =	vst v0;
	v2 =	vmul.f32 v59, v2  }
0x47e: {  	v0 =	vld [tilespmem:$0xB340]  }
0x47f: {  	v63 =	vld [tilespmem:s0+$0x8C30];
	v2 =	vadd.f32 v60, v2  }
0x480: {  	v62 =	vld [tilespmem:$0xBDC0]  }
0x481: {  	v21 =	vld [tilespmem:$0xB7C0];
	[tilespmem:s0+$0x8C20] =	vst v2  }
0x482: {  	v2 =	vld [tilespmem:$0xB330]  }
0x483: {  	v22 =	vld [tilespmem:$0xBAC0];
	v0 =	vadd.f32 v0, v61  }
0x484: {  	v23 =	vld [tilespmem:$0xBDB0]  }
0x485: {  	v0 =	vsub.f32 v0, v62  }
0x486: {  	v24 =	vld [tilespmem:$0xB7B0]  }
0x487: {  	v0 =	vmul.f32 v21, v0;
	v2 =	vadd.f32 v2, v63  }
0x488: {  	v25 =	vld [tilespmem:$0xBAB0]  }
0x489: {  	v0 =	vadd.f32 v22, v0;
	v2 =	vsub.f32 v2, v23;
	_ =	sdelay $0x1  }
0x48a: {  	v26 =	vld [tilespmem:s31+$0x8C50];
	[tilespmem:s31+$0x8C40] =	vst v0;
	v2 =	vmul.f32 v24, v2  }
0x48b: {  	v0 =	vld [tilespmem:$0xB350]  }
0x48c: {  	v28 =	vld [tilespmem:s0+$0x8C40];
	v2 =	vadd.f32 v25, v2  }
0x48d: {  	v27 =	vld [tilespmem:$0xBDD0]  }
0x48e: {  	v29 =	vld [tilespmem:$0xB7D0];
	[tilespmem:s0+$0x8C30] =	vst v2  }
0x48f: {  	v2 =	vld [tilespmem:$0xB340]  }
0x490: {  	v30 =	vld [tilespmem:$0xBAD0];
	v0 =	vadd.f32 v0, v26  }
0x491: {  	v31 =	vld [tilespmem:$0xBDC0]  }
0x492: {  	v0 =	vsub.f32 v0, v27  }
0x493: {  	v32 =	vld [tilespmem:$0xB7C0]  }
0x494: {  	v0 =	vmul.f32 v29, v0;
	v2 =	vadd.f32 v2, v28  }
0x495: {  	v33 =	vld [tilespmem:$0xBAC0]  }
0x496: {  	v0 =	vadd.f32 v30, v0;
	v2 =	vsub.f32 v2, v31;
	_ =	sdelay $0x1  }
0x497: {  	v34 =	vld [tilespmem:s31+$0x8C60];
	[tilespmem:s31+$0x8C50] =	vst v0;
	v2 =	vmul.f32 v32, v2  }
0x498: {  	v0 =	vld [tilespmem:$0xB360]  }
0x499: {  	v36 =	vld [tilespmem:s0+$0x8C50];
	v2 =	vadd.f32 v33, v2  }
0x49a: {  	v35 =	vld [tilespmem:$0xBDE0]  }
0x49b: {  	v37 =	vld [tilespmem:$0xB7E0];
	[tilespmem:s0+$0x8C40] =	vst v2  }
0x49c: {  	v2 =	vld [tilespmem:$0xB350]  }
0x49d: {  	v38 =	vld [tilespmem:$0xBAE0];
	v0 =	vadd.f32 v0, v34  }
0x49e: {  	v39 =	vld [tilespmem:$0xBDD0]  }
0x49f: {  	v0 =	vsub.f32 v0, v35  }
0x4a0: {  	v40 =	vld [tilespmem:$0xB7D0]  }
0x4a1: {  	v0 =	vmul.f32 v37, v0;
	v2 =	vadd.f32 v2, v36  }
0x4a2: {  	v41 =	vld [tilespmem:$0xBAD0]  }
0x4a3: {  	v0 =	vadd.f32 v38, v0;
	v2 =	vsub.f32 v2, v39;
	_ =	sdelay $0x1  }
0x4a4: {  	v42 =	vld [tilespmem:s31+$0x8C70];
	[tilespmem:s31+$0x8C60] =	vst v0;
	v2 =	vmul.f32 v40, v2  }
0x4a5: {  	v0 =	vld [tilespmem:$0xB370]  }
0x4a6: {  	v45 =	vld [tilespmem:s0+$0x8C60];
	v2 =	vadd.f32 v41, v2  }
0x4a7: {  	v43 =	vld [tilespmem:$0xBDF0]  }
0x4a8: {  	v44 =	vld [tilespmem:$0xB7F0];
	[tilespmem:s0+$0x8C50] =	vst v2  }
0x4a9: {  	v2 =	vld [tilespmem:$0xB360]  }
0x4aa: {  	v46 =	vld [tilespmem:$0xBAF0];
	v0 =	vadd.f32 v0, v42  }
0x4ab: {  	v47 =	vld [tilespmem:$0xBDE0]  }
0x4ac: {  	v0 =	vsub.f32 v0, v43  }
0x4ad: {  	v24 =	vld [tilespmem:$0xB7E0]  }
0x4ae: {  	v0 =	vmul.f32 v44, v0;
	v2 =	vadd.f32 v2, v45  }
0x4af: {  	v48 =	vld [tilespmem:$0xBAE0]  }
0x4b0: {  	v0 =	vadd.f32 v46, v0;
	v2 =	vsub.f32 v2, v47;
	_ =	sdelay $0x1  }
0x4b1: {  	[tilespmem:s31+$0x8C70] =	vst v0;
	v0 =	vmul.f32 v24, v2;
	_ =	sdelay $0x1  }
0x4b2: {  	v0 =	vadd.f32 v48, v0;
	_ =	sdelay $0x1  }
0x4b3: {  	v50 =	vld [tilespmem:s0+$0x8C70];
	[tilespmem:s0+$0x8C60] =	vst v0  }
0x4b4: {  	v0 =	vld [tilespmem:$0xB370];
	_ =	sdelay $0x1  }
0x4b5: {  	v51 =	vld [tilespmem:$0xBDF0]  }
0x4b6: {  	v49 =	vld [tilespmem:s31+$0x9000]  }
0x4b7: {  	v52 =	vld [tilespmem:$0xB7F0]  }
0x4b8: {  	v2 =	vld [tilespmem:$0xB400];
	v0 =	vadd.f32 v0, v50  }
0x4b9: {  	v29 =	vld [tilespmem:$0xBAF0]  }
0x4ba: {  	v26 =	vld [tilespmem:$0xBE00];
	v0 =	vsub.f32 v0, v51;
	_ =	sdelay $0x1  }
0x4bb: {  	v28 =	vld [tilespmem:$0xB800];
	v0 =	vmul.f32 v52, v0  }
0x4bc: {  	v2 =	vadd.f32 v2, v49  }
0x4bd: {  	v30 =	vld [tilespmem:$0xBB00];
	v0 =	vadd.f32 v29, v0  }
0x4be: {  	v2 =	vsub.f32 v2, v26  }
0x4bf: {  	v53 =	vld [tilespmem:s0+$0x9000];
	[tilespmem:s0+$0x8C70] =	vst v0  }
0x4c0: {  	v0 =	vmul.f32 v28, v2;
	v2 =	vld [tilespmem:$0xB400];
	_ =	sdelay $0x1  }
0x4c1: {  	v54 =	vld [tilespmem:$0xBE00];
	v0 =	vadd.f32 v30, v0;
	_ =	sdelay $0x1  }
0x4c2: {  	[tilespmem:s31+$0x9000] =	vst v0;
	v0 =	vld [tilespmem:$0xB800]  }
0x4c3: {  	v2 =	vadd.f32 v2, v53  }
0x4c4: {  	v34 =	vld [tilespmem:$0xBB00]  }
0x4c5: {  	v2 =	vsub.f32 v2, v54;
	_ =	sdelay $0x1  }
0x4c6: {  	v0 =	vmul.f32 v0, v2;
	_ =	sdelay $0x1  }
0x4c7: {  	v55 =	vld [tilespmem:s0+$0x9010];
	v0 =	vadd.f32 v34, v0  }
0x4c8: {  	v32 =	vld [tilespmem:s31+$0x9010]  }
0x4c9: {  	v33 =	vld [tilespmem:$0xB410];
	[tilespmem:s0+$0x9000] =	vst v0  }
0x4ca: {  	v0 =	vld [tilespmem:$0xB410]  }
0x4cb: {  	v35 =	vld [tilespmem:$0xBE10]  }
0x4cc: {  	v38 =	vld [tilespmem:$0xBE10]  }
0x4cd: {  	v36 =	vld [tilespmem:$0xB810]  }
0x4ce: {  	v32 =	vadd.f32 v33, v32;
	v56 =	vld [tilespmem:$0xB810]  }
0x4cf: {  	v37 =	vld [tilespmem:$0xBB10];
	v0 =	vadd.f32 v0, v55  }
0x4d0: {  	v32 =	vsub.f32 v32, v35;
	v57 =	vld [tilespmem:$0xBB10]  }
0x4d1: {  	v0 =	vsub.f32 v0, v38  }
0x4d2: {  	v32 =	vmul.f32 v36, v32  }
0x4d3: {  	v0 =	vmul.f32 v56, v0  }
0x4d4: {  	v32 =	vadd.f32 v37, v32  }
0x4d5: {  	v59 =	vld [tilespmem:s31+$0x9020];
	v0 =	vadd.f32 v57, v0  }
0x4d6: {  	v62 =	vld [tilespmem:s0+$0x9020];
	[tilespmem:s31+$0x9010] =	vst v32  }
0x4d7: {  	v63 =	vld [tilespmem:$0xB420];
	[tilespmem:s0+$0x9010] =	vst v0  }
0x4d8: {  	v0 =	vld [tilespmem:$0xB420]  }
0x4d9: {  	v41 =	vld [tilespmem:$0xBE20]  }
0x4da: {  	v42 =	vld [tilespmem:$0xBE20]  }
0x4db: {  	v43 =	vld [tilespmem:$0xB820]  }
0x4dc: {  	v36 =	vadd.f32 v63, v59;
	v44 =	vld [tilespmem:$0xB820]  }
0x4dd: {  	v45 =	vld [tilespmem:$0xBB20];
	v0 =	vadd.f32 v0, v62  }
0x4de: {  	v36 =	vsub.f32 v36, v41;
	v46 =	vld [tilespmem:$0xBB20]  }
0x4df: {  	v0 =	vsub.f32 v0, v42  }
0x4e0: {  	v36 =	vmul.f32 v43, v36  }
0x4e1: {  	v0 =	vmul.f32 v44, v0  }
0x4e2: {  	v32 =	vadd.f32 v45, v36  }
0x4e3: {  	v58 =	vld [tilespmem:s31+$0x9030];
	v0 =	vadd.f32 v46, v0  }
0x4e4: {  	v61 =	vld [tilespmem:s0+$0x9030];
	[tilespmem:s31+$0x9020] =	vst v32  }
0x4e5: {  	v32 =	vld [tilespmem:$0xB430];
	[tilespmem:s0+$0x9020] =	vst v0  }
0x4e6: {  	v0 =	vld [tilespmem:$0xB430]  }
0x4e7: {  	v47 =	vld [tilespmem:$0xBE30]  }
0x4e8: {  	v48 =	vld [tilespmem:$0xBE30]  }
0x4e9: {  	v49 =	vld [tilespmem:$0xB830]  }
0x4ea: {  	v32 =	vadd.f32 v32, v58;
	v50 =	vld [tilespmem:$0xB830]  }
0x4eb: {  	v51 =	vld [tilespmem:$0xBB30];
	v0 =	vadd.f32 v0, v61  }
0x4ec: {  	v32 =	vsub.f32 v32, v47;
	v52 =	vld [tilespmem:$0xBB30]  }
0x4ed: {  	v0 =	vsub.f32 v0, v48  }
0x4ee: {  	v32 =	vmul.f32 v49, v32  }
0x4ef: {  	v0 =	vmul.f32 v50, v0  }
0x4f0: {  	v32 =	vadd.f32 v51, v32  }
0x4f1: {  	v60 =	vld [tilespmem:s0+$0x9040];
	v0 =	vadd.f32 v52, v0  }
0x4f2: {  	v40 =	vld [tilespmem:s31+$0x9040];
	[tilespmem:s31+$0x9030] =	vst v32  }
0x4f3: {  	v32 =	vld [tilespmem:$0xB440];
	[tilespmem:s0+$0x9030] =	vst v0  }
0x4f4: {  	v0 =	vld [tilespmem:$0xB440]  }
0x4f5: {  	v53 =	vld [tilespmem:$0xBE40]  }
0x4f6: {  	v54 =	vld [tilespmem:$0xBE40]  }
0x4f7: {  	v55 =	vld [tilespmem:$0xB840]  }
0x4f8: {  	v32 =	vadd.f32 v32, v40;
	v56 =	vld [tilespmem:$0xB840]  }
0x4f9: {  	v57 =	vld [tilespmem:$0xBB40];
	v0 =	vadd.f32 v0, v60  }
0x4fa: {  	v32 =	vsub.f32 v32, v53;
	v58 =	vld [tilespmem:$0xBB40]  }
0x4fb: {  	v0 =	vsub.f32 v0, v54  }
0x4fc: {  	v15 =	vld [tilespmem:s31+$0x9460];
	v32 =	vmul.f32 v55, v32  }
0x4fd: {  	v17 =	vld [tilespmem:s31+$0x9450];
	v0 =	vmul.f32 v56, v0  }
0x4fe: {  	v19 =	vld [tilespmem:s31+$0x9440];
	v32 =	vadd.f32 v57, v32  }
0x4ff: {  	v39 =	vld [tilespmem:s31+$0x9050];
	v0 =	vadd.f32 v58, v0  }
0x500: {  	v38 =	vld [tilespmem:s0+$0x9050];
	[tilespmem:s31+$0x9040] =	vst v32  }
0x501: {  	v32 =	vld [tilespmem:$0xB450];
	[tilespmem:s0+$0x9040] =	vst v0  }
0x502: {  	v0 =	vld [tilespmem:$0xB450]  }
0x503: {  	v59 =	vld [tilespmem:$0xBE50]  }
0x504: {  	v60 =	vld [tilespmem:$0xBE50]  }
0x505: {  	v61 =	vld [tilespmem:$0xB850]  }
0x506: {  	v32 =	vadd.f32 v32, v39;
	v62 =	vld [tilespmem:$0xB850]  }
0x507: {  	v63 =	vld [tilespmem:$0xBB50];
	v0 =	vadd.f32 v0, v38  }
0x508: {  	v32 =	vsub.f32 v32, v59;
	v39 =	vld [tilespmem:$0xBB50]  }
0x509: {  	v16 =	vld [tilespmem:s0+$0x9460];
	v0 =	vsub.f32 v0, v60  }
0x50a: {  	v18 =	vld [tilespmem:s0+$0x9450];
	v32 =	vmul.f32 v61, v32  }
0x50b: {  	v21 =	vld [tilespmem:s31+$0x9430];
	v0 =	vmul.f32 v62, v0  }
0x50c: {  	v31 =	vld [tilespmem:s31+$0x9060];
	v32 =	vadd.f32 v63, v32  }
0x50d: {  	v2 =	vld [tilespmem:s0+$0x9060];
	v0 =	vadd.f32 v39, v0  }
0x50e: {  	v11 =	vadd.f32 v14, v11;
	v40 =	vld [tilespmem:$0xBB60];
	[tilespmem:s31+$0x9050] =	vst v32  }
0x50f: {  	v32 =	vld [tilespmem:$0xB460];
	[tilespmem:s0+$0x9050] =	vst v0  }
0x510: {  	v0 =	vsub.f32 v11, v12;
	v41 =	vld [tilespmem:$0xB460]  }
0x511: {  	v42 =	vld [tilespmem:$0xBE60]  }
0x512: {  	v43 =	vld [tilespmem:$0xBE60];
	v0 =	vmul.f32 v13, v0  }
0x513: {  	v44 =	vld [tilespmem:$0xB860]  }
0x514: {  	v45 =	vadd.f32 v32, v31;
	v46 =	vld [tilespmem:$0xB860];
	v0 =	vadd.f32 v40, v0  }
0x515: {  	v47 =	vld [tilespmem:$0xBB60];
	v2 =	vadd.f32 v41, v2  }
0x516: {  	v48 =	vld [tilespmem:$0xBB60];
	[tilespmem:s30+$0x9060] =	vst v0;
	v0 =	vsub.f32 v45, v42  }
0x517: {  	v49 =	vld [tilespmem:$0xB470];
	v2 =	vsub.f32 v2, v43  }
0x518: {  	v29 =	vld [tilespmem:s31+$0x9070];
	v0 =	vmul.f32 v44, v0  }
0x519: {  	v50 =	vld [tilespmem:$0xBE70];
	v2 =	vmul.f32 v46, v2  }
0x51a: {  	v30 =	vld [tilespmem:s0+$0x9070];
	v0 =	vadd.f32 v47, v0  }
0x51b: {  	v51 =	vld [tilespmem:$0xB870];
	v2 =	vadd.f32 v48, v2  }
0x51c: {  	v52 =	vld [tilespmem:$0xBB70];
	v10 =	vadd.f32 v49, v10;
	[tilespmem:s31+$0x9060] =	vst v0  }
0x51d: {  	v0 =	vld [tilespmem:$0xB470];
	[tilespmem:s0+$0x9060] =	vst v2  }
0x51e: {  	v2 =	vsub.f32 v10, v50;
	v53 =	vld [tilespmem:$0xB470]  }
0x51f: {  	v54 =	vld [tilespmem:$0xBE70]  }
0x520: {  	v55 =	vld [tilespmem:$0xBE70];
	v2 =	vmul.f32 v51, v2  }
0x521: {  	v56 =	vld [tilespmem:$0xB870]  }
0x522: {  	v57 =	vld [tilespmem:$0xB870];
	v2 =	vadd.f32 v52, v2;
	v0 =	vadd.f32 v0, v29  }
0x523: {  	v58 =	vld [tilespmem:$0xBB70];
	v10 =	vadd.f32 v53, v30  }
0x524: {  	[tilespmem:s30+$0x9070] =	vst v2;
	v0 =	vsub.f32 v0, v54;
	v2 =	vld [tilespmem:$0xBB70]  }
0x525: {  	v59 =	vld [tilespmem:$0xB500];
	v10 =	vsub.f32 v10, v55  }
0x526: {  	v27 =	vld [tilespmem:s31+$0x9400];
	v0 =	vmul.f32 v56, v0  }
0x527: {  	v60 =	vld [tilespmem:$0xBE80];
	v10 =	vmul.f32 v57, v10  }
0x528: {  	v28 =	vld [tilespmem:s0+$0x9400];
	v0 =	vadd.f32 v58, v0  }
0x529: {  	v61 =	vld [tilespmem:$0xB880];
	v2 =	vadd.f32 v2, v10  }
0x52a: {  	v62 =	vld [tilespmem:$0xBB80];
	v9 =	vadd.f32 v59, v9;
	[tilespmem:s31+$0x9070] =	vst v0  }
0x52b: {  	v0 =	vld [tilespmem:$0xB500];
	[tilespmem:s0+$0x9070] =	vst v2  }
0x52c: {  	v2 =	vsub.f32 v9, v60;
	v63 =	vld [tilespmem:$0xB500]  }
0x52d: {  	v29 =	vld [tilespmem:$0xBE80]  }
0x52e: {  	v30 =	vld [tilespmem:$0xBE80];
	v2 =	vmul.f32 v61, v2  }
0x52f: {  	v31 =	vld [tilespmem:$0xB880]  }
0x530: {  	v32 =	vld [tilespmem:$0xB880];
	v2 =	vadd.f32 v62, v2;
	v0 =	vadd.f32 v0, v27  }
0x531: {  	v33 =	vld [tilespmem:$0xBB80];
	v9 =	vadd.f32 v63, v28  }
0x532: {  	[tilespmem:s30+$0x9400] =	vst v2;
	v0 =	vsub.f32 v0, v29;
	v2 =	vld [tilespmem:$0xBB80]  }
0x533: {  	v34 =	vld [tilespmem:$0xB510];
	v9 =	vsub.f32 v9, v30  }
0x534: {  	v25 =	vld [tilespmem:s31+$0x9410];
	v0 =	vmul.f32 v31, v0  }
0x535: {  	v35 =	vld [tilespmem:$0xBE90];
	v9 =	vmul.f32 v32, v9  }
0x536: {  	v26 =	vld [tilespmem:s0+$0x9410];
	v0 =	vadd.f32 v33, v0  }
0x537: {  	v36 =	vld [tilespmem:$0xB890];
	v2 =	vadd.f32 v2, v9  }
0x538: {  	v37 =	vld [tilespmem:$0xBB90];
	v8 =	vadd.f32 v34, v8;
	[tilespmem:s31+$0x9400] =	vst v0  }
0x539: {  	v0 =	vld [tilespmem:$0xB510];
	[tilespmem:s0+$0x9400] =	vst v2  }
0x53a: {  	v2 =	vsub.f32 v8, v35;
	v8 =	vld [tilespmem:$0xB510]  }
0x53b: {  	v38 =	vld [tilespmem:$0xBE90]  }
0x53c: {  	v39 =	vld [tilespmem:$0xBE90];
	v2 =	vmul.f32 v36, v2  }
0x53d: {  	v40 =	vld [tilespmem:$0xB890]  }
0x53e: {  	v41 =	vld [tilespmem:$0xB890];
	v2 =	vadd.f32 v37, v2;
	v0 =	vadd.f32 v0, v25  }
0x53f: {  	v42 =	vld [tilespmem:$0xBB90];
	v8 =	vadd.f32 v8, v26  }
0x540: {  	[tilespmem:s30+$0x9410] =	vst v2;
	v0 =	vsub.f32 v0, v38;
	v2 =	vld [tilespmem:$0xBB90]  }
0x541: {  	v43 =	vld [tilespmem:$0xB520];
	v8 =	vsub.f32 v8, v39  }
0x542: {  	v23 =	vld [tilespmem:s31+$0x9420];
	v0 =	vmul.f32 v40, v0  }
0x543: {  	v44 =	vld [tilespmem:$0xBEA0];
	v8 =	vmul.f32 v41, v8  }
0x544: {  	v24 =	vld [tilespmem:s0+$0x9420];
	v0 =	vadd.f32 v42, v0  }
0x545: {  	v45 =	vld [tilespmem:$0xB8A0];
	v2 =	vadd.f32 v2, v8  }
0x546: {  	v7 =	vadd.f32 v43, v7;
	v8 =	vld [tilespmem:$0xBBA0];
	[tilespmem:s31+$0x9410] =	vst v0  }
0x547: {  	v0 =	vld [tilespmem:$0xB520];
	[tilespmem:s0+$0x9410] =	vst v2  }
0x548: {  	v2 =	vsub.f32 v7, v44;
	v7 =	vld [tilespmem:$0xB520]  }
0x549: {  	v46 =	vld [tilespmem:$0xBEA0]  }
0x54a: {  	v47 =	vld [tilespmem:$0xBEA0];
	v2 =	vmul.f32 v45, v2  }
0x54b: {  	v48 =	vld [tilespmem:$0xB8A0]  }
0x54c: {  	v2 =	vadd.f32 v8, v2;
	v0 =	vadd.f32 v0, v23;
	v8 =	vld [tilespmem:$0xB8A0]  }
0x54d: {  	v49 =	vld [tilespmem:$0xBBA0];
	v7 =	vadd.f32 v7, v24  }
0x54e: {  	[tilespmem:s30+$0x9420] =	vst v2;
	v0 =	vsub.f32 v0, v46;
	v2 =	vld [tilespmem:$0xBBA0]  }
0x54f: {  	v50 =	vld [tilespmem:$0xB530];
	v7 =	vsub.f32 v7, v47  }
0x550: {  	v20 =	vld [tilespmem:s0+$0x9440];
	v0 =	vmul.f32 v48, v0  }
0x551: {  	v51 =	vld [tilespmem:$0xBEB0];
	v7 =	vmul.f32 v8, v7  }
0x552: {  	v22 =	vld [tilespmem:s0+$0x9430];
	v0 =	vadd.f32 v49, v0  }
0x553: {  	v8 =	vld [tilespmem:$0xB8B0];
	v2 =	vadd.f32 v2, v7  }
0x554: {  	v6 =	vadd.f32 v50, v6;
	v7 =	vld [tilespmem:$0xBBB0];
	[tilespmem:s31+$0x9420] =	vst v0  }
0x555: {  	v0 =	vld [tilespmem:$0xB530];
	[tilespmem:s0+$0x9420] =	vst v2  }
0x556: {  	v2 =	vsub.f32 v6, v51;
	v6 =	vld [tilespmem:$0xB530]  }
0x557: {  	v52 =	vld [tilespmem:$0xBEB0]  }
0x558: {  	v2 =	vmul.f32 v8, v2;
	v8 =	vld [tilespmem:$0xBEB0]  }
0x559: {  	v53 =	vld [tilespmem:$0xB8B0]  }
0x55a: {  	v2 =	vadd.f32 v7, v2;
	v0 =	vadd.f32 v0, v21;
	v7 =	vld [tilespmem:$0xB8B0]  }
0x55b: {  	v54 =	vld [tilespmem:$0xBBB0];
	v6 =	vadd.f32 v6, v22  }
0x55c: {  	[tilespmem:s30+$0x9430] =	vst v2;
	v0 =	vsub.f32 v0, v52;
	v2 =	vld [tilespmem:$0xBBB0]  }
0x55d: {  	v55 =	vld [tilespmem:$0xB540];
	v6 =	vsub.f32 v6, v8  }
0x55e: {  	v0 =	vmul.f32 v53, v0  }
0x55f: {  	v8 =	vld [tilespmem:$0xBEC0];
	v6 =	vmul.f32 v7, v6  }
0x560: {  	v0 =	vadd.f32 v54, v0  }
0x561: {  	v7 =	vld [tilespmem:$0xB8C0];
	v2 =	vadd.f32 v2, v6  }
0x562: {  	v5 =	vadd.f32 v55, v5;
	v6 =	vld [tilespmem:$0xBBC0];
	[tilespmem:s31+$0x9430] =	vst v0  }
0x563: {  	v0 =	vld [tilespmem:$0xB540];
	[tilespmem:s0+$0x9430] =	vst v2  }
0x564: {  	v2 =	vsub.f32 v5, v8;
	v5 =	vld [tilespmem:$0xB540]  }
0x565: {  	v8 =	vld [tilespmem:$0xBEC0]  }
0x566: {  	v2 =	vmul.f32 v7, v2;
	v7 =	vld [tilespmem:$0xBEC0]  }
0x567: {  	v56 =	vld [tilespmem:$0xB8C0]  }
0x568: {  	v2 =	vadd.f32 v6, v2;
	v0 =	vadd.f32 v0, v19;
	v6 =	vld [tilespmem:$0xB8C0]  }
0x569: {  	v57 =	vld [tilespmem:$0xBBC0];
	v5 =	vadd.f32 v5, v20  }
0x56a: {  	[tilespmem:s30+$0x9440] =	vst v2;
	v0 =	vsub.f32 v0, v8;
	v2 =	vld [tilespmem:$0xBBC0]  }
0x56b: {  	v8 =	vld [tilespmem:$0xB550];
	v5 =	vsub.f32 v5, v7  }
0x56c: {  	v0 =	vmul.f32 v56, v0  }
0x56d: {  	v7 =	vld [tilespmem:$0xBED0];
	v5 =	vmul.f32 v6, v5  }
0x56e: {  	v0 =	vadd.f32 v57, v0  }
0x56f: {  	v6 =	vld [tilespmem:$0xB8D0];
	v2 =	vadd.f32 v2, v5  }
0x570: {  	v4 =	vadd.f32 v8, v4;
	v5 =	vld [tilespmem:$0xBBD0];
	[tilespmem:s31+$0x9440] =	vst v0  }
0x571: {  	v0 =	vld [tilespmem:$0xB550];
	[tilespmem:s0+$0x9440] =	vst v2  }
0x572: {  	v2 =	vsub.f32 v4, v7;
	v4 =	vld [tilespmem:$0xB550]  }
0x573: {  	v7 =	vld [tilespmem:$0xBED0]  }
0x574: {  	v2 =	vmul.f32 v6, v2;
	v6 =	vld [tilespmem:$0xBED0]  }
0x575: {  	v8 =	vld [tilespmem:$0xB8D0]  }
0x576: {  	v2 =	vadd.f32 v5, v2;
	v0 =	vadd.f32 v0, v17;
	v5 =	vld [tilespmem:$0xB8D0]  }
0x577: {  	v58 =	vld [tilespmem:$0xBBD0];
	v4 =	vadd.f32 v4, v18  }
0x578: {  	[tilespmem:s30+$0x9450] =	vst v2;
	v0 =	vsub.f32 v0, v7;
	v2 =	vld [tilespmem:$0xBBD0]  }
0x579: {  	v7 =	vld [tilespmem:$0xB560];
	v4 =	vsub.f32 v4, v6  }
0x57a: {  	v0 =	vmul.f32 v8, v0  }
0x57b: {  	v6 =	vld [tilespmem:$0xBEE0];
	v4 =	vmul.f32 v5, v4  }
0x57c: {  	v60 =	vld [tilespmem:s31+$0x9470];
	v0 =	vadd.f32 v58, v0  }
0x57d: {  	v5 =	vld [tilespmem:$0xB8E0];
	v2 =	vadd.f32 v2, v4  }
0x57e: {  	v8 =	vld [tilespmem:$0xBBE0];
	v3 =	vadd.f32 v7, v3;
	[tilespmem:s31+$0x9450] =	vst v0  }
0x57f: {  	v0 =	vld [tilespmem:$0xB560];
	[tilespmem:s0+$0x9450] =	vst v2  }
0x580: {  	v2 =	vsub.f32 v3, v6;
	v3 =	vld [tilespmem:$0xB560]  }
0x581: {  	v6 =	vld [tilespmem:$0xBEE0]  }
0x582: {  	v2 =	vmul.f32 v5, v2;
	v5 =	vld [tilespmem:$0xBEE0]  }
0x583: {  	v7 =	vld [tilespmem:$0xB8E0]  }
0x584: {  	v2 =	vadd.f32 v8, v2;
	v0 =	vadd.f32 v0, v15;
	v8 =	vld [tilespmem:$0xB8E0]  }
0x585: {  	v59 =	vld [tilespmem:$0xBBE0];
	v3 =	vadd.f32 v3, v16  }
0x586: {  	[tilespmem:s30+$0x9460] =	vst v2;
	v0 =	vsub.f32 v0, v6;
	v2 =	vld [tilespmem:$0xBBE0]  }
0x587: {  	v4 =	vld [tilespmem:s30+$0x9470];
	v3 =	vsub.f32 v3, v5  }
0x588: {  	v6 =	vld [tilespmem:$0xB570];
	v0 =	vmul.f32 v7, v0  }
0x589: {  	v5 =	vld [tilespmem:$0xBEF0];
	v3 =	vmul.f32 v8, v3  }
0x58a: {  	v7 =	vld [tilespmem:$0xB8F0];
	v0 =	vadd.f32 v59, v0  }
0x58b: {  	v8 =	vld [tilespmem:$0xBBF0];
	v2 =	vadd.f32 v2, v3  }
0x58c: {  	[tilespmem:s31+$0x9460] =	vst v0;
	v0 =	vld [tilespmem:s0+$0x9470]  }
0x58d: {  	v3 =	vld [tilespmem:$0xB570];
	[tilespmem:s0+$0x9460] =	vst v2  }
0x58e: {  	v2 =	vld [tilespmem:$0xB570]  }
0x58f: {  	v61 =	vld [tilespmem:$0xBEF0]  }
0x590: {  	v62 =	vld [tilespmem:$0xBEF0]  }
0x591: {  	v4 =	vadd.f32 v6, v4;
	v6 =	vld [tilespmem:$0xB8F0]  }
0x592: {  	v63 =	vld [tilespmem:$0xB8F0];
	v3 =	vadd.f32 v3, v60  }
0x593: {  	v4 =	vsub.f32 v4, v5;
	v5 =	vld [tilespmem:$0xBBF0];
	v0 =	vadd.f32 v2, v0  }
0x594: {  	v2 =	vsub.f32 v3, v61;
	v3 =	vld [tilespmem:$0xBBF0]  }
0x595: {  	v4 =	vmul.f32 v7, v4;
	v0 =	vsub.f32 v0, v62  }
0x596: {  	v2 =	vmul.f32 v6, v2  }
0x597: {  	v4 =	vadd.f32 v8, v4;
	v0 =	vmul.f32 v63, v0  }
0x598: {  	v2 =	vadd.f32 v5, v2  }
0x599: {  	[tilespmem:s30+$0x9470] =	vst v4;
	v0 =	vadd.f32 v3, v0  }
0x59a: {  	[tilespmem:s31+$0x9470] =	vst v2  }
0x59b: {  	[tilespmem:s0+$0x9470] =	vst v0  }
0x59c: {  	v0 =	vld [tilespmem:$0x0];
	_ =	sdelay $0x3  }
0x59d: {  	v5 =	vld [tilespmem:$0x1FFE0]  }
0x59e: {  	v2 =	vshrl.u32 v0, $0x3  }
0x59f: {  	v2 =	vmul.u32 $0x30, v2  }
0x5a0: {  	v0 =	vand.u32 $0x7, v0  }
0x5a1: {  	v0 =	vor.u32 v0, v2  }
0x5a2: {  	v2 =	vperm.xlane v0, v5  }
0x5a3: {  	v6 =	vld [tilespmem:$0x1FFF0]  }
0x5a4: {  	v2 =	vadd.s32 v1, v2;
	_ =	sdelay $0x3  }
0x5a5: {  	s8 =	simm.s32 $0xBF00;
	s0 =	simm.s32 $0x0;
	v0 =	vperm.xlane v0, v6  }
0x5a6: {  	[tilespmem:s8], [sflag:$0x1] =	stream.indirect_vreg.gather [hbm4b:s1+s0], $0x80, v2, vm0, $0xb8;
	[tilespmem:$0x17F00] =	vst v63  }
0x5a7: {  	s9 =	simm.s32 $0xC700;
	v0 =	vadd.s32 v1, v0  }
0x5a8: {  	[tilespmem:s9], [sflag:$0x1] =	stream.indirect_vreg.gather [hbm4b:s12+s0], $0x80, v2, vm0, $0xb8;
	[tilespmem:$0x17F00] =	vst v63  }
0x5a9: {  	s10 =	simm.s32 $0xCF00  }
0x5aa: {  	[tilespmem:s10], [sflag:$0x1] =	stream.indirect_vreg.gather [hbm4b:s13+s0], $0x80, v2, vm0, $0xb8;
	[tilespmem:$0x17F00] =	vst v63  }
0x5ab: {  	s30 =	simm.s32 $0xD700  }
0x5ac: {  	[tilespmem:s30], [sflag:$0x1] =	stream.indirect_vreg.gather [hbm4b:s1+s0], $0x80, v0, vm0, $0xb8;
	[tilespmem:$0x17F00] =	vst v63  }
0x5ad: {  	s31 =	simm.s32 $0xDF00  }
0x5ae: {  	[tilespmem:s31], [sflag:$0x1] =	stream.indirect_vreg.gather [hbm4b:s12+s0], $0x80, v0, vm0, $0xb8;
	[tilespmem:$0x17F00] =	vst v63  }
0x5af: {  	_ = 	snop  }
0x5b0: {  	[tilespmem:s11], [sflag:$0x1] =	stream.indirect_vreg.gather [hbm4b:s13+s0], $0x80, v0, vm0, $0xb8;
	[tilespmem:$0x17F00] =	vst v63  }
0x5b1: {  	v0 =	vld [tilespmem:$0x80];
	_ =	sdelay $0x4  }
0x5b2: {  	v2 =	vshrl.u32 v0, $0x3  }
0x5b3: {  	v2 =	vmul.u32 $0x30, v2  }
0x5b4: {  	v0 =	vand.u32 $0x7, v0  }
0x5b5: {  	v0 =	vor.u32 v0, v2  }
0x5b6: {  	v2 =	vperm.xlane v0, v5;
	_ =	sdelay $0x1  }
0x5b7: {  	v2 =	vadd.s32 v1, v2;
	_ =	sdelay $0x3  }
0x5b8: {  	v0 =	vperm.xlane v0, v6  }
0x5b9: {  	[tilespmem:s5], [sflag:$0x2] =	stream.indirect_vreg.gather [hbm4b:s1+s0], $0x80, v2, vm0, $0xb8;
	[tilespmem:$0x17F00] =	vst v63  }
0x5ba: {  	v0 =	vadd.s32 v1, v0  }
0x5bb: {  	[tilespmem:s2], [sflag:$0x2] =	stream.indirect_vreg.gather [hbm4b:s12+s0], $0x80, v2, vm0, $0xb8;
	[tilespmem:$0x17F00] =	vst v63  }
0x5bc: {  	_ = 	snop  }
0x5bd: {  	[tilespmem:s3], [sflag:$0x2] =	stream.indirect_vreg.gather [hbm4b:s13+s0], $0x80, v2, vm0, $0xb8;
	[tilespmem:$0x17F00] =	vst v63  }
0x5be: {  	_ = 	snop  }
0x5bf: {  	[tilespmem:s4], [sflag:$0x2] =	stream.indirect_vreg.gather [hbm4b:s1+s0], $0x80, v0, vm0, $0xb8;
	[tilespmem:$0x17F00] =	vst v63  }
0x5c0: {  	_ = 	snop  }
0x5c1: {  	[tilespmem:s20], [sflag:$0x2] =	stream.indirect_vreg.gather [hbm4b:s12+s0], $0x80, v0, vm0, $0xb8;
	[tilespmem:$0x17F00] =	vst v63  }
0x5c2: {  	_ = 	snop  }
0x5c3: {  	[tilespmem:s21], [sflag:$0x2] =	stream.indirect_vreg.gather [hbm4b:s13+s0], $0x80, v0, vm0, $0xb8;
	[tilespmem:$0x17F00] =	vst v63  }
0x5c4: {  	_ =	swait.ge [sflag:s22], $0x3000  }
0x5c5: {  	[sflag:s22] =	ssyncset.done $0x0  }
0x5c6: {  	[sflag:s22] =	ssyncadd.s32 $0xFFFFD000  }
0x5c7: {  	[hbm4b:s15+s0] =	stream.linear.scatter [tilespmem:s23], [sflag:$0x3], $0x3000, $0x38;
	[tilespmem:$0x17F00] =	vst v63  }
0x5c8: {  	v0 =	vld [tilespmem:$0x100];
	_ =	sdelay $0x4  }
0x5c9: {  	v2 =	vshrl.u32 v0, $0x3  }
0x5ca: {  	v2 =	vmul.u32 $0x30, v2  }
0x5cb: {  	v0 =	vand.u32 $0x7, v0  }
0x5cc: {  	v0 =	vor.u32 v0, v2  }
0x5cd: {  	v2 =	vperm.xlane v0, v5;
	_ =	sdelay $0x1  }
0x5ce: {  	v2 =	vadd.s32 v1, v2;
	_ =	sdelay $0x3  }
0x5cf: {  	v0 =	vperm.xlane v0, v6  }
0x5d0: {  	[tilespmem:s8], [sflag:$0x1] =	stream.indirect_vreg.gather [hbm4b:s1+s0], $0x80, v2, vm0, $0xb8;
	[tilespmem:$0x17F00] =	vst v63  }
0x5d1: {  	v0 =	vadd.s32 v1, v0  }
0x5d2: {  	[tilespmem:s9], [sflag:$0x1] =	stream.indirect_vreg.gather [hbm4b:s12+s0], $0x80, v2, vm0, $0xb8;
	[tilespmem:$0x17F00] =	vst v63  }
0x5d3: {  	_ = 	snop  }
0x5d4: {  	[tilespmem:s10], [sflag:$0x1] =	stream.indirect_vreg.gather [hbm4b:s13+s0], $0x80, v2, vm0, $0xb8;
	[tilespmem:$0x17F00] =	vst v63  }
0x5d5: {  	_ = 	snop  }
0x5d6: {  	[tilespmem:s30], [sflag:$0x1] =	stream.indirect_vreg.gather [hbm4b:s1+s0], $0x80, v0, vm0, $0xb8;
	[tilespmem:$0x17F00] =	vst v63  }
0x5d7: {  	_ = 	snop  }
0x5d8: {  	[tilespmem:s31], [sflag:$0x1] =	stream.indirect_vreg.gather [hbm4b:s12+s0], $0x80, v0, vm0, $0xb8;
	[tilespmem:$0x17F00] =	vst v63  }
0x5d9: {  	_ = 	snop  }
0x5da: {  	[tilespmem:s11], [sflag:$0x1] =	stream.indirect_vreg.gather [hbm4b:s13+s0], $0x80, v0, vm0, $0xb8;
	[tilespmem:$0x17F00] =	vst v63  }
0x5db: {  	_ =	swait.ge [sflag:s24], $0x3000  }
0x5dc: {  	[sflag:s24] =	ssyncset.done $0x0  }
0x5dd: {  	[sflag:s24] =	ssyncadd.s32 $0xFFFFD000  }
0x5de: {  	[hbm4b:s16+s0] =	stream.linear.scatter [tilespmem:s25], [sflag:$0x4], $0x3000, $0x38;
	[tilespmem:$0x17F00] =	vst v63  }
0x5df: {  	v0 =	vld [tilespmem:$0x180];
	_ =	sdelay $0x4  }
0x5e0: {  	v2 =	vshrl.u32 v0, $0x3  }
0x5e1: {  	v2 =	vmul.u32 $0x30, v2  }
0x5e2: {  	v0 =	vand.u32 $0x7, v0  }
0x5e3: {  	v0 =	vor.u32 v0, v2  }
0x5e4: {  	v2 =	vperm.xlane v0, v5;
	_ =	sdelay $0x1  }
0x5e5: {  	v2 =	vadd.s32 v1, v2;
	_ =	sdelay $0x3  }
0x5e6: {  	v0 =	vperm.xlane v0, v6  }
0x5e7: {  	[tilespmem:s5], [sflag:$0x2] =	stream.indirect_vreg.gather [hbm4b:s1+s0], $0x80, v2, vm0, $0xb8;
	[tilespmem:$0x17F00] =	vst v63  }
0x5e8: {  	v0 =	vadd.s32 v1, v0  }
0x5e9: {  	[tilespmem:s2], [sflag:$0x2] =	stream.indirect_vreg.gather [hbm4b:s12+s0], $0x80, v2, vm0, $0xb8;
	[tilespmem:$0x17F00] =	vst v63  }
0x5ea: {  	_ = 	snop  }
0x5eb: {  	[tilespmem:s3], [sflag:$0x2] =	stream.indirect_vreg.gather [hbm4b:s13+s0], $0x80, v2, vm0, $0xb8;
	[tilespmem:$0x17F00] =	vst v63  }
0x5ec: {  	_ = 	snop  }
0x5ed: {  	[tilespmem:s4], [sflag:$0x2] =	stream.indirect_vreg.gather [hbm4b:s1+s0], $0x80, v0, vm0, $0xb8;
	[tilespmem:$0x17F00] =	vst v63  }
0x5ee: {  	_ = 	snop  }
0x5ef: {  	[tilespmem:s20], [sflag:$0x2] =	stream.indirect_vreg.gather [hbm4b:s12+s0], $0x80, v0, vm0, $0xb8;
	[tilespmem:$0x17F00] =	vst v63  }
0x5f0: {  	_ = 	snop  }
0x5f1: {  	[tilespmem:s21], [sflag:$0x2] =	stream.indirect_vreg.gather [hbm4b:s13+s0], $0x80, v0, vm0, $0xb8;
	[tilespmem:$0x17F00] =	vst v63  }
.LBB2_4:
0x5f2: {  	_ =	swait.ge [sflag:s22], $0x3000  }
0x5f3: {  	s8 =	sadd.s32 s0, s18;
	[sflag:s22] =	ssyncset.done $0x0  }
0x5f4: {  	s8 =	sshrl.u32 s8, $0x3;
	[sflag:s22] =	ssyncadd.s32 $0xFFFFD000  }
0x5f5: {  	s8 =	smul.u32 $0x300, s8;
	_ =	swait.ge [sflag:s26], $0x3000  }
0x5f6: {  	[sflag:s26] =	ssyncset.done $0x0  }
0x5f7: {  	p0 =	seq.s32 s0, $0xF800;
	s9 =	sadd.s32 s6, s8;
	[sflag:s26] =	ssyncadd.s32 $0xFFFFD000  }
0x5f8: {  	[hbm4b:s9+s7] =	stream.linear.scatter [tilespmem:s23], [sflag:$0x3], $0x3000, $0x38;
	[tilespmem:$0x17F00] =	vst v63  }
0x5f9: {  	s9 =	sshra.s32 @!p0 s0, $0x2  }
0x5fa: {  	v0 =	vld @!p0 [tilespmem:s9+$0x200];
	_ =	sdelay $0x4  }
0x5fb: {  	v2 =	vshrl.u32 @!p0 v0, $0x3  }
0x5fc: {  	v2 =	vmul.u32 @!p0 $0x30, v2  }
0x5fd: {  	v3 =	vlaneseq.u32 @!p0;
	v0 =	vand.u32 @!p0 $0x7, v0  }
0x5fe: {  	v4 =	vshrl.u32 @!p0 v3, $0x3;
	v0 =	vor.u32 @!p0 v0, v2;
	v2 =	vand.u32 @!p0 $0x7, v3  }
0x5ff: {  	v4 =	vmul.u32 @!p0 $0x8, v4;
	v2 =	vperm.xlane @!p0 v0, v2;
	_ =	sdelay $0x1  }
0x600: {  	v2 =	vadd.s32 @!p0 v4, v2;
	_ =	sdelay $0x2  }
0x601: {  	v3 =	vor.u32 @!p0 $0x8, v3  }
0x602: {  	vm1 =	vmmov @!p0 $0xffff;
	s10 =	simm.s32 @!p0 $0xBF00;
	s9 =	simm.s32 @!p0 $0x0;
	v0 =	vperm.xlane @!p0 v0, v3  }
0x603: {  	[tilespmem:s10], [sflag:$0x1] =	stream.indirect_vreg.gather @!p0 [hbm4b:s1+s9], $0x80, v2, vm1, $0xb8;
	[tilespmem:$0x17F00] =	vst v63  }
0x604: {  	v0 =	vadd.s32 @!p0 v4, v0;
	s10 =	simm.s32 @!p0 $0xC700  }
0x605: {  	[tilespmem:s10], [sflag:$0x1] =	stream.indirect_vreg.gather @!p0 [hbm4b:s12+s9], $0x80, v2, vm1, $0xb8;
	[tilespmem:$0x17F00] =	vst v63  }
0x606: {  	s10 =	simm.s32 @!p0 $0xCF00  }
0x607: {  	[tilespmem:s10], [sflag:$0x1] =	stream.indirect_vreg.gather @!p0 [hbm4b:s13+s9], $0x80, v2, vm1, $0xb8;
	[tilespmem:$0x17F00] =	vst v63  }
0x608: {  	s10 =	simm.s32 @!p0 $0xD700  }
0x609: {  	[tilespmem:s10], [sflag:$0x1] =	stream.indirect_vreg.gather @!p0 [hbm4b:s1+s9], $0x80, v0, vm1, $0xb8;
	[tilespmem:$0x17F00] =	vst v63  }
0x60a: {  	s10 =	simm.s32 @!p0 $0xDF00  }
0x60b: {  	[tilespmem:s10], [sflag:$0x1] =	stream.indirect_vreg.gather @!p0 [hbm4b:s12+s9], $0x80, v0, vm1, $0xb8;
	[tilespmem:$0x17F00] =	vst v63  }
0x60c: {  	s10 =	simm.s32 @!p0 $0xE700  }
0x60d: {  	[tilespmem:s10], [sflag:$0x1] =	stream.indirect_vreg.gather @!p0 [hbm4b:s13+s9], $0x80, v0, vm1, $0xb8;
	[tilespmem:$0x17F00] =	vst v63  }
0x60e: {  	_ =	swait.ge [sflag:s24], $0x3000  }
0x60f: {  	[sflag:s24] =	ssyncset.done $0x0  }
.Ltmp3:
0x610: {  	[sflag:s24] =	ssyncadd.s32 $0xFFFFD000;
	(pc) =	sbr.rel @p0 .LBB2_6-.Ltmp3, $4  }
0x611: {  	_ =	swait.ge [sflag:s28], $0x3000  }
0x612: {  	[sflag:s28] =	ssyncset.done $0x0  }
0x613: {  	s8 =	sadd.s32 s17, s8;
	[sflag:s28] =	ssyncadd.s32 $0xFFFFD000  }
0x614: {  	[hbm4b:s8+s7] =	stream.linear.scatter [tilespmem:s25], [sflag:$0x4], $0x3000, $0x38;
	[tilespmem:$0x17F00] =	vst v63  }
0x615: {  	s8 =	sshra.s32 s0, $0x2  }
0x616: {  	v0 =	vld [tilespmem:s8+$0x280];
	_ =	sdelay $0x4  }
0x617: {  	v2 =	vshrl.u32 v0, $0x3  }
0x618: {  	v2 =	vmul.u32 $0x30, v2  }
0x619: {  	v0 =	vand.u32 $0x7, v0  }
0x61a: {  	v0 =	vor.u32 v0, v2  }
0x61b: {  	v2 =	vperm.xlane v0, v5;
	_ =	sdelay $0x1  }
0x61c: {  	v2 =	vadd.s32 v1, v2;
	_ =	sdelay $0x3  }
0x61d: {  	v0 =	vperm.xlane v0, v6  }
0x61e: {  	[tilespmem:s5], [sflag:$0x2] =	stream.indirect_vreg.gather [hbm4b:s1+s7], $0x80, v2, vm0, $0xb8;
	[tilespmem:$0x17F00] =	vst v63  }
0x61f: {  	v0 =	vadd.s32 v1, v0  }
0x620: {  	[tilespmem:s2], [sflag:$0x2] =	stream.indirect_vreg.gather [hbm4b:s12+s7], $0x80, v2, vm0, $0xb8;
	[tilespmem:$0x17F00] =	vst v63  }
0x621: {  	_ = 	snop  }
0x622: {  	[tilespmem:s3], [sflag:$0x2] =	stream.indirect_vreg.gather [hbm4b:s13+s7], $0x80, v2, vm0, $0xb8;
	[tilespmem:$0x17F00] =	vst v63  }
0x623: {  	_ = 	snop  }
0x624: {  	[tilespmem:s4], [sflag:$0x2] =	stream.indirect_vreg.gather [hbm4b:s1+s7], $0x80, v0, vm0, $0xb8;
	[tilespmem:$0x17F00] =	vst v63  }
.Ltmp4:
0x625: {  	_ = 	snop;
	(pc) =	sbr.rel .LBB2_4-.Ltmp4, $4  }
0x626: {  	_ = 	snop  }
0x627: {  	[tilespmem:s20], [sflag:$0x2] =	stream.indirect_vreg.gather [hbm4b:s12+s7], $0x80, v0, vm0, $0xb8;
	[tilespmem:$0x17F00] =	vst v63  }
0x628: {  	s0 =	sadd.s32 $0x400, s0  }
0x629: {  	[tilespmem:s21], [sflag:$0x2] =	stream.indirect_vreg.gather [hbm4b:s13+s7], $0x80, v0, vm0, $0xb8;
	[tilespmem:$0x17F00] =	vst v63  }
.LBB2_7:
0x62a: {  	_ =	sfence.sel $0x180000  }
0x62b: {  	[bflag:$0x0] =	sbarrier.arrive $0xFFFF  }
0x62c: {  	_ =	strace $0x90000047  }
0x62d: {  	s0 =	stileid.u32;
	[bflag:$0x2] =	sbarrier.arrive $0xFFFF  }
0x62e: {  	p0 =	sne.s32 s0, $0x0;
	s0 =	rddreg [dreg:$0x7]  }
0x62f: {  	s0 =	sadd.s32 @!p0 $0x100000, s0  }
0x630: {  	[sflag:s0] =	ssyncadd.tile.s32 @!p0 $0x1;
	_ =	shalt  }
.Lfunc_end2:
_tile_overlayer_lowered:
.L_overlay_start_2:
0x631: {  	(tag) =	ssettag $0x2  }
0x632: {  	s0 =	rddreg [dreg:$0x0];
	s2 =	stileid.u32  }
0x633: {  	s1 =	rddreg [dreg:$0x1];
	p0 =	sne.s32 s2, $0x0  }
0x634: {  	s3 =	rddreg [dreg:$0x2];
	[bflag:$0x3] =	sbarrier.arrive $0xFFFF;
	s2 =	simm.s32 @!p0 $0x1C05  }
0x635: {  	[timem:s3], [sflag:s2] =	dma.local @!p0 [hbm:s0], s1  }
0x636: {  	s0 =	simm.s32 @!p0 $0x5  }
0x637: {  	_ =	swait.ge @!p0 [sflag:s0], s1  }
0x638: {  	s1 =	ssub.s32 @!p0 $0x0, s1;
	[sflag:s0] =	ssyncset.done @!p0 $0x0  }
0x639: {  	[sflag:s0] =	ssyncadd.s32 @!p0 s1  }
0x63a: {  	[bflag:$0x3] =	sbarrier.arrive $0xFFFF  }
0x63b: {  	_ =	shalt  }

</sc_bundles>
